<compile_context>
chip_gen: v7x
topology: tpu7x:2x2x1
jax: 0.10.2.dev20260603
libtpu: 0.0.44.dev20260713+nightly
codegen_flags: <defaults>
</compile_context>

<pallas_src>
import functools

import jax
import jax.numpy as jnp
import numpy as np
from jax import lax
from jax.experimental import pallas as pl
from jax.experimental.pallas import tpu as pltpu
from jax.experimental.pallas import tpu_sc as plsc

N = 10000
E = 320000
IN = 128
OUT = 128
H = 8
D = 16

CH = 32
NW = 32
NC2 = 157
NCHP = NC2 * 2 * NW
EP = NCHP * CH
NP = N + 80
DOFF = NP
DROWS = N // 8 + 11
R = 11360
ZROWS = 40
NZB = R // ZROWS
EB = E // 10


def _front_body(x_ref, wq_ref, bq_ref, wk_ref, bk_ref, wv_ref, bv_ref,
                src_ref, et_ref, q_ref, k_ref, v_ref, kv_ref):
    xb = x_ref[...]
    dot = functools.partial(jnp.dot, precision=lax.Precision.HIGHEST,
                            preferred_element_type=jnp.float32)
    q_ref[...] = dot(xb, wq_ref[...]) + bq_ref[...]
    for r in range(2):
        k_ref[r] = dot(xb, wk_ref[r]) + bk_ref[r]
        v_ref[r] = dot(xb, wv_ref[r]) + bv_ref[r]
    s = src_ref[...]
    kv_ref[...] = jnp.where(et_ref[...] == 1, s, s + N)


def _front(x, Wq, bq, Wk2, bk2, Wv2, bv2, src2, et2):
    B = 1000
    nb = N // B
    return pl.pallas_call(
        _front_body,
        grid=(nb,),
        in_specs=[
            pl.BlockSpec((B, IN), lambda i: (i, 0)),
            pl.BlockSpec((IN, OUT), lambda i: (0, 0)),
            pl.BlockSpec((1, OUT), lambda i: (0, 0)),
            pl.BlockSpec((2, IN, OUT), lambda i: (0, 0, 0)),
            pl.BlockSpec((2, 1, OUT), lambda i: (0, 0, 0)),
            pl.BlockSpec((2, IN, OUT), lambda i: (0, 0, 0)),
            pl.BlockSpec((2, 1, OUT), lambda i: (0, 0, 0)),
            pl.BlockSpec((1, 1, EB), lambda i: (i, 0, 0)),
            pl.BlockSpec((1, 1, EB), lambda i: (i, 0, 0)),
        ],
        out_specs=[
            pl.BlockSpec((B, OUT), lambda i: (i, 0)),
            pl.BlockSpec((2, B, OUT), lambda i: (0, i, 0)),
            pl.BlockSpec((2, B, OUT), lambda i: (0, i, 0)),
            pl.BlockSpec((1, 1, EB), lambda i: (i, 0, 0)),
        ],
        out_shape=[
            jax.ShapeDtypeStruct((N, OUT), jnp.float32),
            jax.ShapeDtypeStruct((2, N, OUT), jnp.float32),
            jax.ShapeDtypeStruct((2, N, OUT), jnp.float32),
            jax.ShapeDtypeStruct((10, 1, EB), jnp.int32),
        ],
    )(x, Wq, bq, Wk2, bk2, Wv2, bv2, src2, et2)


def _sc_body(qt, kt, vt, dst, kvi, z32, oacc,
             qb0, kb0, vb0, qb1, kb1, vb1, wb,
             dstb0, kvb0, dib0, dstb1, kvb1, dib1, acc_sh,
             sq0, sk0, sv0, sa0, sb0, sq1, sk1, sv1, sa1, sb1):
    cid = lax.axis_index("c")
    sid = lax.axis_index("s")
    wid = cid * 16 + sid
    i16 = lax.iota(jnp.int32, 16)
    zeros16 = jnp.zeros((16,), jnp.float32)

    sets = [
        (qb0, kb0, vb0, dstb0, kvb0, dib0, sq0, sk0, sv0, sa0, sb0),
        (qb1, kb1, vb1, dstb1, kvb1, dib1, sq1, sk1, sv1, sa1, sb1),
    ]

    def _zero_rows(i, _):
        for j in range(OUT // 16):
            vb0[i, pl.ds(j * 16, 16)] = zeros16
        return 0
    lax.fori_loop(0, CH, _zero_rows, 0)

    nz = jnp.where(sid < (NZB % 16), NZB // 16 + 1, NZB // 16)

    def _zstripe(i, _):
        r0 = (sid + i * 16) * ZROWS
        pltpu.sync_copy(vb0.at[pl.ds(0, CH)], acc_sh.at[pl.ds(r0, CH)])
        pltpu.sync_copy(vb0.at[pl.ds(0, ZROWS - CH)],
                        acc_sh.at[pl.ds(r0 + CH, ZROWS - CH)])
        return 0
    lax.fori_loop(0, nz, _zstripe, 0)
    plsc.subcore_barrier()

    def _idx_load(S, e):
        base = (wid + e * NW) * CH
        pltpu.sync_copy(dst.at[pl.ds(base, CH)], S[3])
        pltpu.sync_copy(kvi.at[pl.ds(base, CH)], S[4])

    def _gathers_start(S):
        return (pltpu.async_copy(qt.at[S[3]], S[0], S[6]),
                pltpu.async_copy(kt.at[S[4]], S[1], S[7]),
                pltpu.async_copy(vt.at[S[4]], S[2], S[8]))

    def _scatters_start(S):
        return (pltpu.async_copy(S[2], acc_sh.at[S[3]], S[9], add=True),
                pltpu.async_copy(S[0], acc_sh.at[S[5]], S[10], add=True))

    def _compute(S, g3):
        qb, kb, vb, dstb, kvb, dib = S[:6]
        g3[0].wait()
        g3[1].wait()

        def _alpha(g, _):
            rows = g * 16 + i16
            for h in range(H):
                parts = []
                for p in range(4):
                    acc = zeros16
                    for d in range(p * 4, p * 4 + 4):
                        col = jnp.broadcast_to(h * D + d,
                                               (16,)).astype(jnp.int32)
                        qv = plsc.load_gather(qb, [rows, col])
                        kv = plsc.load_gather(kb, [rows, col])
                        acc = acc + qv * kv
                    parts.append(acc)
                w16 = jnp.exp((parts[0] + parts[1]) + (parts[2] + parts[3]))
                plsc.store_scatter(wb, [rows * 16 + h], w16)
            return 0
        lax.fori_loop(0, CH // 16, _alpha, 0)

        pltpu.sync_copy(z32, qb)

        def _den(g, _):
            rows = g * 16 + i16
            dst16 = dstb[pl.ds(g * 16, 16)]
            dib[pl.ds(g * 16, 16)] = DOFF + (dst16 >> 3)
            cbase = (dst16 & 7) * 16
            for h in range(H):
                w16 = plsc.load_gather(wb, [rows * 16 + h])
                plsc.store_scatter(qb, [rows, cbase + h], w16)
            return 0
        lax.fori_loop(0, CH // 16, _den, 0)

        g3[2].wait()

        def _msg(e2, _):
            for sub in range(2):
                e = e2 * 2 + sub
                for h in range(H):
                    wspl = plsc.load_gather(wb, [jnp.broadcast_to(
                        e * 16 + h, (16,)).astype(jnp.int32)])
                    v16 = vb[e, pl.ds(h * D, 16)]
                    vb[e, pl.ds(h * D, 16)] = v16 * wspl
            return 0
        lax.fori_loop(0, CH // 2, _msg, 0)

    A, B = sets

    def _iter(c2, _):
        e0 = 2 * c2
        e1 = 2 * c2 + 1
        _idx_load(A, e0)
        ga = _gathers_start(A)
        _idx_load(B, e1)
        gb = _gathers_start(B)
        _compute(A, ga)
        sa = _scatters_start(A)
        _compute(B, gb)
        sa[0].wait()
        sa[1].wait()
        sb = _scatters_start(B)
        sb[0].wait()
        sb[1].wait()
        return 0

    lax.fori_loop(0, NC2, _iter, 0)
    plsc.subcore_barrier()

    def _fstripe(i, _):
        r0 = (sid + i * 16) * ZROWS
        pltpu.sync_copy(acc_sh.at[pl.ds(r0, ZROWS)],
                        oacc.at[cid, pl.ds(r0, ZROWS)])
        return 0
    lax.fori_loop(0, nz, _fstripe, 0)


@functools.partial(
    pl.kernel,
    out_type=jax.ShapeDtypeStruct((2, R, OUT), jnp.float32),
    mesh=plsc.VectorSubcoreMesh(core_axis_name="c", subcore_axis_name="s",
                                num_cores=2, num_subcores=16),
    compiler_params=pltpu.CompilerParams(needs_layout_passes=False),
    scratch_types=[
        pltpu.VMEM((CH, OUT), jnp.float32),
        pltpu.VMEM((CH, OUT), jnp.float32),
        pltpu.VMEM((CH, OUT), jnp.float32),
        pltpu.VMEM((CH, OUT), jnp.float32),
        pltpu.VMEM((CH, OUT), jnp.float32),
        pltpu.VMEM((CH, OUT), jnp.float32),
        pltpu.VMEM((CH * 16,), jnp.float32),
        pltpu.VMEM((CH,), jnp.int32),
        pltpu.VMEM((CH,), jnp.int32),
        pltpu.VMEM((CH,), jnp.int32),
        pltpu.VMEM((CH,), jnp.int32),
        pltpu.VMEM((CH,), jnp.int32),
        pltpu.VMEM((CH,), jnp.int32),
        pltpu.VMEM_SHARED((R, OUT), jnp.float32),
        pltpu.SemaphoreType.DMA,
        pltpu.SemaphoreType.DMA,
        pltpu.SemaphoreType.DMA,
        pltpu.SemaphoreType.DMA,
        pltpu.SemaphoreType.DMA,
        pltpu.SemaphoreType.DMA,
        pltpu.SemaphoreType.DMA,
        pltpu.SemaphoreType.DMA,
        pltpu.SemaphoreType.DMA,
        pltpu.SemaphoreType.DMA,
    ],
)
def _sc_edges(qt, kt, vt, dst, kvi, z32, oacc, *scratch):
    _sc_body(qt, kt, vt, dst, kvi, z32, oacc, *scratch)


def _back_body(n_ref, d_ref, x_ref, wo_ref, bo_ref, sk_ref, o_ref):
    num = n_ref[0] + n_ref[1]
    den = d_ref[0] + d_ref[1]
    rr = lax.broadcasted_iota(jnp.int32, (16, OUT), 0)
    cc = lax.broadcasted_iota(jnp.int32, (16, OUT), 1)
    expand = (cc // D == rr).astype(jnp.float32)
    den128 = jnp.dot(den, expand, precision=lax.Precision.HIGHEST,
                     preferred_element_type=jnp.float32)
    agg = num / (den128 + 1e-16)
    act = jax.nn.gelu(agg)
    out = jnp.dot(act, wo_ref[...], precision=lax.Precision.HIGHEST,
                  preferred_element_type=jnp.float32) + bo_ref[...]
    beta = jax.nn.sigmoid(sk_ref[0, 0])
    o_ref[...] = beta * out + (1.0 - beta) * x_ref[...]


def _back(onum, oden, x, Wo, bo, skip2):
    B = 1000
    nb = N // B
    return pl.pallas_call(
        _back_body,
        grid=(nb,),
        in_specs=[
            pl.BlockSpec((2, B, OUT), lambda i: (0, i, 0)),
            pl.BlockSpec((2, B, 16), lambda i: (0, i, 0)),
            pl.BlockSpec((B, IN), lambda i: (i, 0)),
            pl.BlockSpec((OUT, OUT), lambda i: (0, 0)),
            pl.BlockSpec((1, OUT), lambda i: (0, 0)),
            pl.BlockSpec((1, 1), lambda i: (0, 0)),
        ],
        out_specs=pl.BlockSpec((B, OUT), lambda i: (i, 0)),
        out_shape=jax.ShapeDtypeStruct((N, OUT), jnp.float32),
    )(onum, oden, x, Wo, bo, skip2)


def kernel(x, edge_index, edge_type, Wk, bk, Wq, bq, Wv, bv,
           a_rel, m_rel, p_rel, Wo, bo, skip):
    scale = (p_rel * (1.0 / np.sqrt(D))).astype(jnp.float32)
    Wk2 = jnp.einsum("ihd,rhdf->rihf", Wk.reshape(IN, H, D), a_rel)
    Wk2 = (Wk2 * scale[:, None, :, None]).reshape(2, IN, OUT)
    bk2 = jnp.einsum("hd,rhdf->rhf", bk.reshape(H, D), a_rel)
    bk2 = (bk2 * scale[:, :, None]).reshape(2, 1, OUT)
    Wv2 = jnp.einsum("ihd,rhdf->rihf", Wv.reshape(IN, H, D),
                     m_rel).reshape(2, IN, OUT)
    bv2 = jnp.einsum("hd,rhdf->rhf", bv.reshape(H, D),
                     m_rel).reshape(2, 1, OUT)

    src2 = edge_index[0].reshape(10, 1, EB)
    et2 = edge_type.reshape(10, 1, EB)
    qt, kcat, vcat, kvi2 = _front(x, Wq, bq.reshape(1, OUT), Wk2, bk2,
                                  Wv2, bv2, src2, et2)
    kt = kcat.reshape(2 * N, OUT)
    vt = vcat.reshape(2 * N, OUT)

    qtp = jnp.concatenate(
        [qt, jnp.zeros((NP - N, OUT), jnp.float32)], axis=0)
    dstp = jnp.concatenate(
        [edge_index[1], jnp.full((EP - E,), N, jnp.int32)])
    kvip = jnp.concatenate(
        [kvi2.reshape(E), jnp.zeros((EP - E,), jnp.int32)])
    z32 = jnp.zeros((CH, OUT), jnp.float32)

    oacc = _sc_edges(qtp, kt, vt, dstp, kvip, z32)
    onum = oacc[:, :N, :]
    oden = oacc[:, DOFF:DOFF + N // 8, :].reshape(2, N, 16)
    return _back(onum, oden, x, Wo, bo.reshape(1, OUT), skip.reshape(1, 1))

# --- scband reference (transcript-rebuilt; emitter-appended) ---
"""Pipeline reference for scband-hgtlayer-47562467835950 (READ-ONLY COPY).

The authoritative reference and input builder live on the scoring server;
editing this copy changes nothing except your own understanding.
"""

import jax, jax.numpy as jnp
import numpy as np

N = 10000
E = 320000
IN = 128
OUT = 128
H = 8
D = OUT // H


def setup_inputs(seed: int = 0) -> dict:
    key = jax.random.key(seed)
    ks = jax.random.split(key, 12)
    s = 1.0 / np.sqrt(IN)
    sd = 1.0 / np.sqrt(D)
    so = 1.0 / np.sqrt(OUT)
    return {
        "x": jax.random.normal(ks[0], (N, IN), dtype=jnp.float32),
        "edge_index": jax.random.randint(ks[1], (2, E), 0, N, dtype=jnp.int32),
        "edge_type": jax.random.randint(ks[2], (E,), 0, 2, dtype=jnp.int32),
        "Wk": jax.random.normal(ks[3], (IN, OUT), dtype=jnp.float32) * s,
        "bk": jnp.zeros((OUT,), dtype=jnp.float32),
        "Wq": jax.random.normal(ks[4], (IN, OUT), dtype=jnp.float32) * s,
        "bq": jnp.zeros((OUT,), dtype=jnp.float32),
        "Wv": jax.random.normal(ks[5], (IN, OUT), dtype=jnp.float32) * s,
        "bv": jnp.zeros((OUT,), dtype=jnp.float32),
        "a_rel": jax.random.normal(ks[6], (2, H, D, D), dtype=jnp.float32) * sd,
        "m_rel": jax.random.normal(ks[7], (2, H, D, D), dtype=jnp.float32) * sd,
        "p_rel": jnp.ones((2, H), dtype=jnp.float32),
        "Wo": jax.random.normal(ks[8], (OUT, OUT), dtype=jnp.float32) * so,
        "bo": jnp.zeros((OUT,), dtype=jnp.float32),
        "skip": jnp.ones((1,), dtype=jnp.float32),
    }


def _segment_softmax(alpha, dst, num_segments):
    amax = jax.ops.segment_max(alpha, dst, num_segments=num_segments)
    amax = jnp.where(jnp.isfinite(amax), amax, 0.0)
    a = jnp.exp(alpha - amax[dst])
    denom = jax.ops.segment_sum(a, dst, num_segments=num_segments)
    return a / (denom[dst] + 1e-16)


def reference(x, edge_index, edge_type, Wk, bk, Wq, bq, Wv, bv, a_rel, m_rel, p_rel, Wo, bo, skip):
    n = x.shape[0]
    k = (x @ Wk + bk).reshape(n, H, D)
    q = (x @ Wq + bq).reshape(n, H, D)
    v = (x @ Wv + bv).reshape(n, H, D)

    # HGTLayer.forward: split edges by relation.
    # edge_type == 1 -> ('user','follower','user') = relation 0
    # edge_type == 0 -> ('user','following','user') = relation 1
    rel = jnp.where(edge_type == 1, 0, 1).astype(jnp.int32)
    perm = jnp.argsort(rel, stable=True)
    rel_p = rel[perm]
    src = edge_index[0][perm]
    dst = edge_index[1][perm]

    # Per-relation source key/value transforms (HGTConv k_rel / v_rel)
    k0 = jnp.einsum('nhd,hdf->nhf', k, a_rel[0])
    v0 = jnp.einsum('nhd,hdf->nhf', v, m_rel[0])
    k1 = jnp.einsum('nhd,hdf->nhf', k, a_rel[1])
    v1 = jnp.einsum('nhd,hdf->nhf', v, m_rel[1])

    is_r0 = (rel_p == 0)[:, None, None]
    k_t = jnp.where(is_r0, k0[src], k1[src])
    v_t = jnp.where(is_r0, v0[src], v1[src])
    q_t = q[dst]
    p_e = p_rel[rel_p]

    alpha = (q_t * k_t).sum(-1) * p_e / float(np.sqrt(D))  # [E, H]
    w = _segment_softmax(alpha, dst, n)
    msg = (v_t * w[:, :, None]).reshape(-1, H * D)
    agg = jax.ops.segment_sum(msg, dst, num_segments=n)

    out = jax.nn.gelu(agg) @ Wo + bo
    beta = jax.nn.sigmoid(skip)
    out = beta * out + (1.0 - beta) * x
    return out

if __name__ == "__main__":
    import jax
    _d = setup_inputs()
    print(jax.jit(kernel)(*tuple(_d.values())))

</pallas_src>

<mosaic_0001>
#map = affine_map<(d0, d1) -> (0, 0)>
#map1 = affine_map<(d0, d1) -> (0)>
#map2 = affine_map<(d0, d1) -> (0, 0, 0)>
module attributes {stable_mosaic.version = 14 : i64} {
  func.func @_sc_edges(%arg0: i32, %arg1: i32, %arg2: memref<10080x128xf32, #tpu.memory_space<hbm>>, %arg3: memref<20000x128xf32, #tpu.memory_space<hbm>>, %arg4: memref<20000x128xf32, #tpu.memory_space<hbm>>, %arg5: memref<321536xi32, #tpu.memory_space<hbm>>, %arg6: memref<321536xi32, #tpu.memory_space<hbm>>, %arg7: memref<32x128xf32, #tpu.memory_space<hbm>>, %arg8: memref<2x11360x128xf32, #tpu.memory_space<hbm>>, %arg9: memref<32x128xf32, #tpu.memory_space<vmem>>, %arg10: memref<32x128xf32, #tpu.memory_space<vmem>>, %arg11: memref<32x128xf32, #tpu.memory_space<vmem>>, %arg12: memref<32x128xf32, #tpu.memory_space<vmem>>, %arg13: memref<32x128xf32, #tpu.memory_space<vmem>>, %arg14: memref<32x128xf32, #tpu.memory_space<vmem>>, %arg15: memref<512xf32, #tpu.memory_space<vmem>>, %arg16: memref<32xi32, #tpu.memory_space<vmem>>, %arg17: memref<32xi32, #tpu.memory_space<vmem>>, %arg18: memref<32xi32, #tpu.memory_space<vmem>>, %arg19: memref<32xi32, #tpu.memory_space<vmem>>, %arg20: memref<32xi32, #tpu.memory_space<vmem>>, %arg21: memref<32xi32, #tpu.memory_space<vmem>>, %arg22: memref<11360x128xf32, #tpu.memory_space<vmem_shared>>, %arg23: memref<!tpu.dma_semaphore, #tpu.memory_space<semaphore_mem>>, %arg24: memref<!tpu.dma_semaphore, #tpu.memory_space<semaphore_mem>>, %arg25: memref<!tpu.dma_semaphore, #tpu.memory_space<semaphore_mem>>, %arg26: memref<!tpu.dma_semaphore, #tpu.memory_space<semaphore_mem>>, %arg27: memref<!tpu.dma_semaphore, #tpu.memory_space<semaphore_mem>>, %arg28: memref<!tpu.dma_semaphore, #tpu.memory_space<semaphore_mem>>, %arg29: memref<!tpu.dma_semaphore, #tpu.memory_space<semaphore_mem>>, %arg30: memref<!tpu.dma_semaphore, #tpu.memory_space<semaphore_mem>>, %arg31: memref<!tpu.dma_semaphore, #tpu.memory_space<semaphore_mem>>, %arg32: memref<!tpu.dma_semaphore, #tpu.memory_space<semaphore_mem>>) attributes {dimension_semantics = [#tpu.dimension_semantics<core_parallel>, #tpu.dimension_semantics<subcore_parallel>], iteration_bounds = array<i64: 2, 16>, scalar_prefetch = 0 : i64, scratch_operands = 24 : i64, tpu.core_type = #tpu.core_type<sc_vector_subcore>, window_params = [{transform_indices = #map}, {transform_indices = #map}, {transform_indices = #map}, {transform_indices = #map1}, {transform_indices = #map1}, {transform_indices = #map}, {transform_indices = #map2}]} {
    %mul3A = arith.constant 16 : i32
    %mul3A_0 = arith.muli %arg0, %mul3A : i32
    %add3A = arith.addi %mul3A_0, %arg1 : i32
    %iota3A = tpu.iota {dimensions = array<i32: 0>} : vector<16xi32>
    %broadcast_in_dim3A = arith.constant 0.000000e+00 : f32
    %broadcast_in_dim3A_1 = vector.broadcast %broadcast_in_dim3A : f32 to vector<16xf32>
    %scan3A = arith.constant 0 : i32
    %scan3A_2 = arith.constant 0 : i32
    %scan3A_3 = arith.constant 32 : i32
    %scan3A_4 = arith.addi %scan3A_2, %scan3A_3 : i32
    %scan3A_5 = arith.constant 1 : i32
    %scan3A_6 = scf.for %scan3A_41 = %scan3A_2 to %scan3A_4 step %scan3A_5 iter_args(%scan3A_42 = %scan3A) -> (i32)  : i32 {
      %swap3A = arith.index_cast %scan3A_41 : i32 to index
      %swap3A_43 = arith.constant 0 : index
      %swap3A_44 = tpu.vector_load %arg11[%swap3A, %swap3A_43] {strides = array<i32>} : memref<32x128xf32, #tpu.memory_space<vmem>>, vector<16xf32>,
      tpu.vector_store %arg11[%swap3A, %swap3A_43], %broadcast_in_dim3A_1 {strides = array<i32>} : memref<32x128xf32, #tpu.memory_space<vmem>>, vector<16xf32>,
      %swap3A_45 = arith.index_cast %scan3A_41 : i32 to index
      %swap3A_46 = arith.constant 16 : index
      %swap3A_47 = tpu.vector_load %arg11[%swap3A_45, %swap3A_46] {strides = array<i32>} : memref<32x128xf32, #tpu.memory_space<vmem>>, vector<16xf32>,
      tpu.vector_store %arg11[%swap3A_45, %swap3A_46], %broadcast_in_dim3A_1 {strides = array<i32>} : memref<32x128xf32, #tpu.memory_space<vmem>>, vector<16xf32>,
      %swap3A_48 = arith.index_cast %scan3A_41 : i32 to index
      %swap3A_49 = arith.constant 32 : index
      %swap3A_50 = tpu.vector_load %arg11[%swap3A_48, %swap3A_49] {strides = array<i32>} : memref<32x128xf32, #tpu.memory_space<vmem>>, vector<16xf32>,
      tpu.vector_store %arg11[%swap3A_48, %swap3A_49], %broadcast_in_dim3A_1 {strides = array<i32>} : memref<32x128xf32, #tpu.memory_space<vmem>>, vector<16xf32>,
      %swap3A_51 = arith.index_cast %scan3A_41 : i32 to index
      %swap3A_52 = arith.constant 48 : index
      %swap3A_53 = tpu.vector_load %arg11[%swap3A_51, %swap3A_52] {strides = array<i32>} : memref<32x128xf32, #tpu.memory_space<vmem>>, vector<16xf32>,
      tpu.vector_store %arg11[%swap3A_51, %swap3A_52], %broadcast_in_dim3A_1 {strides = array<i32>} : memref<32x128xf32, #tpu.memory_space<vmem>>, vector<16xf32>,
      %swap3A_54 = arith.index_cast %scan3A_41 : i32 to index
      %swap3A_55 = arith.constant 64 : index
      %swap3A_56 = tpu.vector_load %arg11[%swap3A_54, %swap3A_55] {strides = array<i32>} : memref<32x128xf32, #tpu.memory_space<vmem>>, vector<16xf32>,
      tpu.vector_store %arg11[%swap3A_54, %swap3A_55], %broadcast_in_dim3A_1 {strides = array<i32>} : memref<32x128xf32, #tpu.memory_space<vmem>>, vector<16xf32>,
      %swap3A_57 = arith.index_cast %scan3A_41 : i32 to index
      %swap3A_58 = arith.constant 80 : index
      %swap3A_59 = tpu.vector_load %arg11[%swap3A_57, %swap3A_58] {strides = array<i32>} : memref<32x128xf32, #tpu.memory_space<vmem>>, vector<16xf32>,
      tpu.vector_store %arg11[%swap3A_57, %swap3A_58], %broadcast_in_dim3A_1 {strides = array<i32>} : memref<32x128xf32, #tpu.memory_space<vmem>>, vector<16xf32>,
      %swap3A_60 = arith.index_cast %scan3A_41 : i32 to index
      %swap3A_61 = arith.constant 96 : index
      %swap3A_62 = tpu.vector_load %arg11[%swap3A_60, %swap3A_61] {strides = array<i32>} : memref<32x128xf32, #tpu.memory_space<vmem>>, vector<16xf32>,
      tpu.vector_store %arg11[%swap3A_60, %swap3A_61], %broadcast_in_dim3A_1 {strides = array<i32>} : memref<32x128xf32, #tpu.memory_space<vmem>>, vector<16xf32>,
      %swap3A_63 = arith.index_cast %scan3A_41 : i32 to index
      %swap3A_64 = arith.constant 112 : index
      %swap3A_65 = tpu.vector_load %arg11[%swap3A_63, %swap3A_64] {strides = array<i32>} : memref<32x128xf32, #tpu.memory_space<vmem>>, vector<16xf32>,
      tpu.vector_store %arg11[%swap3A_63, %swap3A_64], %broadcast_in_dim3A_1 {strides = array<i32>} : memref<32x128xf32, #tpu.memory_space<vmem>>, vector<16xf32>,
      %scan3A_66 = arith.constant 0 : i32
      scf.yield %scan3A_66 : i32
    }
    %scan3A_7 = arith.constant 32 : i32
    %lt3A = arith.constant 12 : i32
    %lt3A_8 = arith.cmpi slt, %arg1, %lt3A : i32
    %jit3A = arith.constant 18 : i32
    %jit3A_9 = arith.constant 17 : i32
    %select_n3A = arith.select %lt3A_8, %jit3A, %jit3A_9 : i32
    %while3A = arith.constant 0 : i32
    %while3A_10 = arith.constant 0 : i32
    %while3A_11 = arith.subi %select_n3A, %while3A : i32
    %while3A_12 = arith.addi %while3A, %while3A_11 : i32
    %while3A_13 = arith.constant 1 : i32
    %while3A_14 = arith.divsi %while3A_11, %while3A_13 : i32
    %while3A_15 = arith.muli %while3A_14, %while3A_13 : i32
    %while3A_16 = arith.addi %while3A, %while3A_15 : i32
    %while3A_17 = arith.constant 1 : i32
    %while3A_18 = scf.for %while3A_41 = %while3A to %while3A_16 step %while3A_17 iter_args(%while3A_42 = %while3A_10) -> (i32)  : i32 {
      %mul3A_43 = arith.constant 16 : i32
      %mul3A_44 = arith.muli %while3A_41, %mul3A_43 : i32
      %add3A_45 = arith.addi %arg1, %mul3A_44 : i32
      %mul3A_46 = arith.constant 40 : i32
      %mul3A_47 = arith.muli %add3A_45, %mul3A_46 : i32
      "tpu.region"() ({
        %run_scoped3A = tpu.sem_alloc : memref<!tpu.dma_semaphore, #tpu.memory_space<semaphore_mem>>
        %dma_start3A = arith.constant 0 : i32
        %dma_start3A_51 = arith.constant 0 : i32
        %dma_start3A_52 = tpu.memref_slice %arg11[%dma_start3A, %dma_start3A_51] : memref<32x128xf32, #tpu.memory_space<vmem>> -> memref<32x128xf32, #tpu.memory_space<vmem>>
        %dma_start3A_53 = arith.constant 0 : i32
        %dma_start3A_54 = tpu.memref_slice %arg22[%mul3A_47, %dma_start3A_53] : memref<11360x128xf32, #tpu.memory_space<vmem_shared>> -> memref<32x128xf32, #tpu.memory_space<vmem_shared>>
        %dma_start3A_55 = arith.constant 0 : i32
        %dma_start3A_56 = tpu.memref_slice %arg22[%mul3A_47, %dma_start3A_55] : memref<11360x128xf32, #tpu.memory_space<vmem_shared>> -> memref<32x128xf32, #tpu.memory_space<vmem_shared>>
        %dma_start3A_57 = arith.constant 0 : i32
        %dma_start3A_58 = arith.constant 0 : i32
        %dma_start3A_59 = tpu.memref_slice %arg11[%dma_start3A_57, %dma_start3A_58] : memref<32x128xf32, #tpu.memory_space<vmem>> -> memref<32x128xf32, #tpu.memory_space<vmem>>
        tpu.enqueue_dma source(%dma_start3A_59 : memref<32x128xf32, #tpu.memory_space<vmem>>) target(%dma_start3A_56 : memref<32x128xf32, #tpu.memory_space<vmem_shared>>) target_semaphore(%run_scoped3A : memref<!tpu.dma_semaphore, #tpu.memory_space<semaphore_mem>>)
        %dma_wait3A = arith.constant 0 : i32
        %dma_wait3A_60 = arith.constant 0 : i32
        %dma_wait3A_61 = tpu.memref_slice %arg11[%dma_wait3A, %dma_wait3A_60] : memref<32x128xf32, #tpu.memory_space<vmem>> -> memref<32x128xf32, #tpu.memory_space<vmem>>
        %dma_wait3A_62 = arith.constant 0 : i32
        %dma_wait3A_63 = tpu.memref_slice %arg22[%mul3A_47, %dma_wait3A_62] : memref<11360x128xf32, #tpu.memory_space<vmem_shared>> -> memref<32x128xf32, #tpu.memory_space<vmem_shared>>
        %dma_wait3A_64 = arith.constant 0 : i32
        %dma_wait3A_65 = tpu.memref_slice %arg22[%mul3A_47, %dma_wait3A_64] : memref<11360x128xf32, #tpu.memory_space<vmem_shared>> -> memref<32x128xf32, #tpu.memory_space<vmem_shared>>
        %dma_wait3A_66 = arith.constant 0 : i32
        %dma_wait3A_67 = arith.constant 0 : i32
        %dma_wait3A_68 = tpu.memref_slice %arg11[%dma_wait3A_66, %dma_wait3A_67] : memref<32x128xf32, #tpu.memory_space<vmem>> -> memref<32x128xf32, #tpu.memory_space<vmem>>
        tpu.wait_dma2 semaphore(%run_scoped3A : memref<!tpu.dma_semaphore, #tpu.memory_space<semaphore_mem>>) src(%dma_wait3A_68 : memref<32x128xf32, #tpu.memory_space<vmem>>) dst(%dma_wait3A_65 : memref<32x128xf32, #tpu.memory_space<vmem_shared>>)
        tpu.yield
      }) : () -> ()
      %add3A_48 = arith.constant 32 : i32
      %add3A_49 = arith.addi %mul3A_47, %add3A_48 : i32
      "tpu.region"() ({
        %run_scoped3A = tpu.sem_alloc : memref<!tpu.dma_semaphore, #tpu.memory_space<semaphore_mem>>
        %dma_start3A = arith.constant 0 : i32
        %dma_start3A_51 = arith.constant 0 : i32
        %dma_start3A_52 = tpu.memref_slice %arg11[%dma_start3A, %dma_start3A_51] : memref<32x128xf32, #tpu.memory_space<vmem>> -> memref<8x128xf32, #tpu.memory_space<vmem>>
        %dma_start3A_53 = arith.constant 0 : i32
        %dma_start3A_54 = tpu.memref_slice %arg22[%add3A_49, %dma_start3A_53] : memref<11360x128xf32, #tpu.memory_space<vmem_shared>> -> memref<8x128xf32, #tpu.memory_space<vmem_shared>>
        %dma_start3A_55 = arith.constant 0 : i32
        %dma_start3A_56 = tpu.memref_slice %arg22[%add3A_49, %dma_start3A_55] : memref<11360x128xf32, #tpu.memory_space<vmem_shared>> -> memref<8x128xf32, #tpu.memory_space<vmem_shared>>
        %dma_start3A_57 = arith.constant 0 : i32
        %dma_start3A_58 = arith.constant 0 : i32
        %dma_start3A_59 = tpu.memref_slice %arg11[%dma_start3A_57, %dma_start3A_58] : memref<32x128xf32, #tpu.memory_space<vmem>> -> memref<8x128xf32, #tpu.memory_space<vmem>>
        tpu.enqueue_dma source(%dma_start3A_59 : memref<8x128xf32, #tpu.memory_space<vmem>>) target(%dma_start3A_56 : memref<8x128xf32, #tpu.memory_space<vmem_shared>>) target_semaphore(%run_scoped3A : memref<!tpu.dma_semaphore, #tpu.memory_space<semaphore_mem>>)
        %dma_wait3A = arith.constant 0 : i32
        %dma_wait3A_60 = arith.constant 0 : i32
        %dma_wait3A_61 = tpu.memref_slice %arg11[%dma_wait3A, %dma_wait3A_60] : memref<32x128xf32, #tpu.memory_space<vmem>> -> memref<8x128xf32, #tpu.memory_space<vmem>>
        %dma_wait3A_62 = arith.constant 0 : i32
        %dma_wait3A_63 = tpu.memref_slice %arg22[%add3A_49, %dma_wait3A_62] : memref<11360x128xf32, #tpu.memory_space<vmem_shared>> -> memref<8x128xf32, #tpu.memory_space<vmem_shared>>
        %dma_wait3A_64 = arith.constant 0 : i32
        %dma_wait3A_65 = tpu.memref_slice %arg22[%add3A_49, %dma_wait3A_64] : memref<11360x128xf32, #tpu.memory_space<vmem_shared>> -> memref<8x128xf32, #tpu.memory_space<vmem_shared>>
        %dma_wait3A_66 = arith.constant 0 : i32
        %dma_wait3A_67 = arith.constant 0 : i32
        %dma_wait3A_68 = tpu.memref_slice %arg11[%dma_wait3A_66, %dma_wait3A_67] : memref<32x128xf32, #tpu.memory_space<vmem>> -> memref<8x128xf32, #tpu.memory_space<vmem>>
        tpu.wait_dma2 semaphore(%run_scoped3A : memref<!tpu.dma_semaphore, #tpu.memory_space<semaphore_mem>>) src(%dma_wait3A_68 : memref<8x128xf32, #tpu.memory_space<vmem>>) dst(%dma_wait3A_65 : memref<8x128xf32, #tpu.memory_space<vmem_shared>>)
        tpu.yield
      }) : () -> ()
      %while3A_50 = arith.constant 0 : i32
      scf.yield %while3A_50 : i32
    }
    %while3A_19 = arith.constant 1 : i32
    %while3A_20 = scf.for %while3A_41 = %while3A_16 to %while3A_12 step %while3A_19 iter_args(%while3A_42 = %while3A_18) -> (i32)  : i32 {
      %mul3A_43 = arith.constant 16 : i32
      %mul3A_44 = arith.muli %while3A_41, %mul3A_43 : i32
      %add3A_45 = arith.addi %arg1, %mul3A_44 : i32
      %mul3A_46 = arith.constant 40 : i32
      %mul3A_47 = arith.muli %add3A_45, %mul3A_46 : i32
      "tpu.region"() ({
        %run_scoped3A = tpu.sem_alloc : memref<!tpu.dma_semaphore, #tpu.memory_space<semaphore_mem>>
        %dma_start3A = arith.constant 0 : i32
        %dma_start3A_51 = arith.constant 0 : i32
        %dma_start3A_52 = tpu.memref_slice %arg11[%dma_start3A, %dma_start3A_51] : memref<32x128xf32, #tpu.memory_space<vmem>> -> memref<32x128xf32, #tpu.memory_space<vmem>>
        %dma_start3A_53 = arith.constant 0 : i32
        %dma_start3A_54 = tpu.memref_slice %arg22[%mul3A_47, %dma_start3A_53] : memref<11360x128xf32, #tpu.memory_space<vmem_shared>> -> memref<32x128xf32, #tpu.memory_space<vmem_shared>>
        %dma_start3A_55 = arith.constant 0 : i32
        %dma_start3A_56 = tpu.memref_slice %arg22[%mul3A_47, %dma_start3A_55] : memref<11360x128xf32, #tpu.memory_space<vmem_shared>> -> memref<32x128xf32, #tpu.memory_space<vmem_shared>>
        %dma_start3A_57 = arith.constant 0 : i32
        %dma_start3A_58 = arith.constant 0 : i32
        %dma_start3A_59 = tpu.memref_slice %arg11[%dma_start3A_57, %dma_start3A_58] : memref<32x128xf32, #tpu.memory_space<vmem>> -> memref<32x128xf32, #tpu.memory_space<vmem>>
        tpu.enqueue_dma source(%dma_start3A_59 : memref<32x128xf32, #tpu.memory_space<vmem>>) target(%dma_start3A_56 : memref<32x128xf32, #tpu.memory_space<vmem_shared>>) target_semaphore(%run_scoped3A : memref<!tpu.dma_semaphore, #tpu.memory_space<semaphore_mem>>)
        %dma_wait3A = arith.constant 0 : i32
        %dma_wait3A_60 = arith.constant 0 : i32
        %dma_wait3A_61 = tpu.memref_slice %arg11[%dma_wait3A, %dma_wait3A_60] : memref<32x128xf32, #tpu.memory_space<vmem>> -> memref<32x128xf32, #tpu.memory_space<vmem>>
        %dma_wait3A_62 = arith.constant 0 : i32
        %dma_wait3A_63 = tpu.memref_slice %arg22[%mul3A_47, %dma_wait3A_62] : memref<11360x128xf32, #tpu.memory_space<vmem_shared>> -> memref<32x128xf32, #tpu.memory_space<vmem_shared>>
        %dma_wait3A_64 = arith.constant 0 : i32
        %dma_wait3A_65 = tpu.memref_slice %arg22[%mul3A_47, %dma_wait3A_64] : memref<11360x128xf32, #tpu.memory_space<vmem_shared>> -> memref<32x128xf32, #tpu.memory_space<vmem_shared>>
        %dma_wait3A_66 = arith.constant 0 : i32
        %dma_wait3A_67 = arith.constant 0 : i32
        %dma_wait3A_68 = tpu.memref_slice %arg11[%dma_wait3A_66, %dma_wait3A_67] : memref<32x128xf32, #tpu.memory_space<vmem>> -> memref<32x128xf32, #tpu.memory_space<vmem>>
        tpu.wait_dma2 semaphore(%run_scoped3A : memref<!tpu.dma_semaphore, #tpu.memory_space<semaphore_mem>>) src(%dma_wait3A_68 : memref<32x128xf32, #tpu.memory_space<vmem>>) dst(%dma_wait3A_65 : memref<32x128xf32, #tpu.memory_space<vmem_shared>>)
        tpu.yield
      }) : () -> ()
      %add3A_48 = arith.constant 32 : i32
      %add3A_49 = arith.addi %mul3A_47, %add3A_48 : i32
      "tpu.region"() ({
        %run_scoped3A = tpu.sem_alloc : memref<!tpu.dma_semaphore, #tpu.memory_space<semaphore_mem>>
        %dma_start3A = arith.constant 0 : i32
        %dma_start3A_51 = arith.constant 0 : i32
        %dma_start3A_52 = tpu.memref_slice %arg11[%dma_start3A, %dma_start3A_51] : memref<32x128xf32, #tpu.memory_space<vmem>> -> memref<8x128xf32, #tpu.memory_space<vmem>>
        %dma_start3A_53 = arith.constant 0 : i32
        %dma_start3A_54 = tpu.memref_slice %arg22[%add3A_49, %dma_start3A_53] : memref<11360x128xf32, #tpu.memory_space<vmem_shared>> -> memref<8x128xf32, #tpu.memory_space<vmem_shared>>
        %dma_start3A_55 = arith.constant 0 : i32
        %dma_start3A_56 = tpu.memref_slice %arg22[%add3A_49, %dma_start3A_55] : memref<11360x128xf32, #tpu.memory_space<vmem_shared>> -> memref<8x128xf32, #tpu.memory_space<vmem_shared>>
        %dma_start3A_57 = arith.constant 0 : i32
        %dma_start3A_58 = arith.constant 0 : i32
        %dma_start3A_59 = tpu.memref_slice %arg11[%dma_start3A_57, %dma_start3A_58] : memref<32x128xf32, #tpu.memory_space<vmem>> -> memref<8x128xf32, #tpu.memory_space<vmem>>
        tpu.enqueue_dma source(%dma_start3A_59 : memref<8x128xf32, #tpu.memory_space<vmem>>) target(%dma_start3A_56 : memref<8x128xf32, #tpu.memory_space<vmem_shared>>) target_semaphore(%run_scoped3A : memref<!tpu.dma_semaphore, #tpu.memory_space<semaphore_mem>>)
        %dma_wait3A = arith.constant 0 : i32
        %dma_wait3A_60 = arith.constant 0 : i32
        %dma_wait3A_61 = tpu.memref_slice %arg11[%dma_wait3A, %dma_wait3A_60] : memref<32x128xf32, #tpu.memory_space<vmem>> -> memref<8x128xf32, #tpu.memory_space<vmem>>
        %dma_wait3A_62 = arith.constant 0 : i32
        %dma_wait3A_63 = tpu.memref_slice %arg22[%add3A_49, %dma_wait3A_62] : memref<11360x128xf32, #tpu.memory_space<vmem_shared>> -> memref<8x128xf32, #tpu.memory_space<vmem_shared>>
        %dma_wait3A_64 = arith.constant 0 : i32
        %dma_wait3A_65 = tpu.memref_slice %arg22[%add3A_49, %dma_wait3A_64] : memref<11360x128xf32, #tpu.memory_space<vmem_shared>> -> memref<8x128xf32, #tpu.memory_space<vmem_shared>>
        %dma_wait3A_66 = arith.constant 0 : i32
        %dma_wait3A_67 = arith.constant 0 : i32
        %dma_wait3A_68 = tpu.memref_slice %arg11[%dma_wait3A_66, %dma_wait3A_67] : memref<32x128xf32, #tpu.memory_space<vmem>> -> memref<8x128xf32, #tpu.memory_space<vmem>>
        tpu.wait_dma2 semaphore(%run_scoped3A : memref<!tpu.dma_semaphore, #tpu.memory_space<semaphore_mem>>) src(%dma_wait3A_68 : memref<8x128xf32, #tpu.memory_space<vmem>>) dst(%dma_wait3A_65 : memref<8x128xf32, #tpu.memory_space<vmem_shared>>)
        tpu.yield
      }) : () -> ()
      %while3A_50 = arith.constant 0 : i32
      scf.yield %while3A_50 : i32
    }
    %barrier3A = arith.constant 0 : index
    tpu.barrier barrier_id(%barrier3A)
    %scan3A_21 = arith.constant 0 : i32
    %scan3A_22 = arith.constant 0 : i32
    %scan3A_23 = arith.constant 157 : i32
    %scan3A_24 = arith.addi %scan3A_22, %scan3A_23 : i32
    %scan3A_25 = arith.constant 1 : i32
    %scan3A_26 = scf.for %scan3A_41 = %scan3A_22 to %scan3A_24 step %scan3A_25 iter_args(%scan3A_42 = %scan3A_21) -> (i32)  : i32 {
      %mul3A_43 = arith.constant 2 : i32
      %mul3A_44 = arith.muli %mul3A_43, %scan3A_41 : i32
      %mul3A_45 = arith.constant 2 : i32
      %mul3A_46 = arith.muli %mul3A_45, %scan3A_41 : i32
      %add3A_47 = arith.constant 1 : i32
      %add3A_48 = arith.addi %mul3A_46, %add3A_47 : i32
      %mul3A_49 = arith.constant 32 : i32
      %mul3A_50 = arith.muli %mul3A_44, %mul3A_49 : i32
      %add3A_51 = arith.addi %add3A, %mul3A_50 : i32
      %mul3A_52 = arith.constant 32 : i32
      %mul3A_53 = arith.muli %add3A_51, %mul3A_52 : i32
      "tpu.region"() ({
        %run_scoped3A = tpu.sem_alloc : memref<!tpu.dma_semaphore, #tpu.memory_space<semaphore_mem>>
        %dma_start3A_160 = tpu.memref_slice %arg5[%mul3A_53] : memref<321536xi32, #tpu.memory_space<hbm>> -> memref<32xi32, #tpu.memory_space<hbm>>
        %dma_start3A_161 = tpu.memref_slice %arg5[%mul3A_53] : memref<321536xi32, #tpu.memory_space<hbm>> -> memref<32xi32, #tpu.memory_space<hbm>>
        tpu.enqueue_dma source(%dma_start3A_161 : memref<32xi32, #tpu.memory_space<hbm>>) target(%arg16 : memref<32xi32, #tpu.memory_space<vmem>>) target_semaphore(%run_scoped3A : memref<!tpu.dma_semaphore, #tpu.memory_space<semaphore_mem>>)
        %dma_wait3A_162 = tpu.memref_slice %arg5[%mul3A_53] : memref<321536xi32, #tpu.memory_space<hbm>> -> memref<32xi32, #tpu.memory_space<hbm>>
        %dma_wait3A_163 = tpu.memref_slice %arg5[%mul3A_53] : memref<321536xi32, #tpu.memory_space<hbm>> -> memref<32xi32, #tpu.memory_space<hbm>>
        tpu.wait_dma2 semaphore(%run_scoped3A : memref<!tpu.dma_semaphore, #tpu.memory_space<semaphore_mem>>) src(%dma_wait3A_163 : memref<32xi32, #tpu.memory_space<hbm>>) dst(%arg16 : memref<32xi32, #tpu.memory_space<vmem>>)
        tpu.yield
      }) : () -> ()
      "tpu.region"() ({
        %run_scoped3A = tpu.sem_alloc : memref<!tpu.dma_semaphore, #tpu.memory_space<semaphore_mem>>
        %dma_start3A_160 = tpu.memref_slice %arg6[%mul3A_53] : memref<321536xi32, #tpu.memory_space<hbm>> -> memref<32xi32, #tpu.memory_space<hbm>>
        %dma_start3A_161 = tpu.memref_slice %arg6[%mul3A_53] : memref<321536xi32, #tpu.memory_space<hbm>> -> memref<32xi32, #tpu.memory_space<hbm>>
        tpu.enqueue_dma source(%dma_start3A_161 : memref<32xi32, #tpu.memory_space<hbm>>) target(%arg17 : memref<32xi32, #tpu.memory_space<vmem>>) target_semaphore(%run_scoped3A : memref<!tpu.dma_semaphore, #tpu.memory_space<semaphore_mem>>)
        %dma_wait3A_162 = tpu.memref_slice %arg6[%mul3A_53] : memref<321536xi32, #tpu.memory_space<hbm>> -> memref<32xi32, #tpu.memory_space<hbm>>
        %dma_wait3A_163 = tpu.memref_slice %arg6[%mul3A_53] : memref<321536xi32, #tpu.memory_space<hbm>> -> memref<32xi32, #tpu.memory_space<hbm>>
        tpu.wait_dma2 semaphore(%run_scoped3A : memref<!tpu.dma_semaphore, #tpu.memory_space<semaphore_mem>>) src(%dma_wait3A_163 : memref<32xi32, #tpu.memory_space<hbm>>) dst(%arg17 : memref<32xi32, #tpu.memory_space<vmem>>)
        tpu.yield
      }) : () -> ()
      %dma_start3A = arith.constant 0 : i32
      %dma_start3A_54 = arith.constant 0 : i32
      %dma_start3A_55 = tpu.memref_slice %arg2[%dma_start3A, %dma_start3A_54] : memref<10080x128xf32, #tpu.memory_space<hbm>> -> memref<10080x128xf32, #tpu.memory_space<hbm>>
      tpu.enqueue_indirect_dma source(%dma_start3A_55 : memref<10080x128xf32, #tpu.memory_space<hbm>>) target(%arg9 : memref<32x128xf32, #tpu.memory_space<vmem>>) offsets(%arg16 : memref<32xi32, #tpu.memory_space<vmem>>) semaphore(%arg23 : memref<!tpu.dma_semaphore, #tpu.memory_space<semaphore_mem>>)
      %dma_start3A_56 = arith.constant 0 : i32
      %dma_start3A_57 = arith.constant 0 : i32
      %dma_start3A_58 = tpu.memref_slice %arg3[%dma_start3A_56, %dma_start3A_57] : memref<20000x128xf32, #tpu.memory_space<hbm>> -> memref<20000x128xf32, #tpu.memory_space<hbm>>
      tpu.enqueue_indirect_dma source(%dma_start3A_58 : memref<20000x128xf32, #tpu.memory_space<hbm>>) target(%arg10 : memref<32x128xf32, #tpu.memory_space<vmem>>) offsets(%arg17 : memref<32xi32, #tpu.memory_space<vmem>>) semaphore(%arg24 : memref<!tpu.dma_semaphore, #tpu.memory_space<semaphore_mem>>)
      %dma_start3A_59 = arith.constant 0 : i32
      %dma_start3A_60 = arith.constant 0 : i32
      %dma_start3A_61 = tpu.memref_slice %arg4[%dma_start3A_59, %dma_start3A_60] : memref<20000x128xf32, #tpu.memory_space<hbm>> -> memref<20000x128xf32, #tpu.memory_space<hbm>>
      tpu.enqueue_indirect_dma source(%dma_start3A_61 : memref<20000x128xf32, #tpu.memory_space<hbm>>) target(%arg11 : memref<32x128xf32, #tpu.memory_space<vmem>>) offsets(%arg17 : memref<32xi32, #tpu.memory_space<vmem>>) semaphore(%arg25 : memref<!tpu.dma_semaphore, #tpu.memory_space<semaphore_mem>>)
      %mul3A_62 = arith.constant 32 : i32
      %mul3A_63 = arith.muli %add3A_48, %mul3A_62 : i32
      %add3A_64 = arith.addi %add3A, %mul3A_63 : i32
      %mul3A_65 = arith.constant 32 : i32
      %mul3A_66 = arith.muli %add3A_64, %mul3A_65 : i32
      "tpu.region"() ({
        %run_scoped3A = tpu.sem_alloc : memref<!tpu.dma_semaphore, #tpu.memory_space<semaphore_mem>>
        %dma_start3A_160 = tpu.memref_slice %arg5[%mul3A_66] : memref<321536xi32, #tpu.memory_space<hbm>> -> memref<32xi32, #tpu.memory_space<hbm>>
        %dma_start3A_161 = tpu.memref_slice %arg5[%mul3A_66] : memref<321536xi32, #tpu.memory_space<hbm>> -> memref<32xi32, #tpu.memory_space<hbm>>
        tpu.enqueue_dma source(%dma_start3A_161 : memref<32xi32, #tpu.memory_space<hbm>>) target(%arg19 : memref<32xi32, #tpu.memory_space<vmem>>) target_semaphore(%run_scoped3A : memref<!tpu.dma_semaphore, #tpu.memory_space<semaphore_mem>>)
        %dma_wait3A_162 = tpu.memref_slice %arg5[%mul3A_66] : memref<321536xi32, #tpu.memory_space<hbm>> -> memref<32xi32, #tpu.memory_space<hbm>>
        %dma_wait3A_163 = tpu.memref_slice %arg5[%mul3A_66] : memref<321536xi32, #tpu.memory_space<hbm>> -> memref<32xi32, #tpu.memory_space<hbm>>
        tpu.wait_dma2 semaphore(%run_scoped3A : memref<!tpu.dma_semaphore, #tpu.memory_space<semaphore_mem>>) src(%dma_wait3A_163 : memref<32xi32, #tpu.memory_space<hbm>>) dst(%arg19 : memref<32xi32, #tpu.memory_space<vmem>>)
        tpu.yield
      }) : () -> ()
      "tpu.region"() ({
        %run_scoped3A = tpu.sem_alloc : memref<!tpu.dma_semaphore, #tpu.memory_space<semaphore_mem>>
        %dma_start3A_160 = tpu.memref_slice %arg6[%mul3A_66] : memref<321536xi32, #tpu.memory_space<hbm>> -> memref<32xi32, #tpu.memory_space<hbm>>
        %dma_start3A_161 = tpu.memref_slice %arg6[%mul3A_66] : memref<321536xi32, #tpu.memory_space<hbm>> -> memref<32xi32, #tpu.memory_space<hbm>>
        tpu.enqueue_dma source(%dma_start3A_161 : memref<32xi32, #tpu.memory_space<hbm>>) target(%arg20 : memref<32xi32, #tpu.memory_space<vmem>>) target_semaphore(%run_scoped3A : memref<!tpu.dma_semaphore, #tpu.memory_space<semaphore_mem>>)
        %dma_wait3A_162 = tpu.memref_slice %arg6[%mul3A_66] : memref<321536xi32, #tpu.memory_space<hbm>> -> memref<32xi32, #tpu.memory_space<hbm>>
        %dma_wait3A_163 = tpu.memref_slice %arg6[%mul3A_66] : memref<321536xi32, #tpu.memory_space<hbm>> -> memref<32xi32, #tpu.memory_space<hbm>>
        tpu.wait_dma2 semaphore(%run_scoped3A : memref<!tpu.dma_semaphore, #tpu.memory_space<semaphore_mem>>) src(%dma_wait3A_163 : memref<32xi32, #tpu.memory_space<hbm>>) dst(%arg20 : memref<32xi32, #tpu.memory_space<vmem>>)
        tpu.yield
      }) : () -> ()
      %dma_start3A_67 = arith.constant 0 : i32
      %dma_start3A_68 = arith.constant 0 : i32
      %dma_start3A_69 = tpu.memref_slice %arg2[%dma_start3A_67, %dma_start3A_68] : memref<10080x128xf32, #tpu.memory_space<hbm>> -> memref<10080x128xf32, #tpu.memory_space<hbm>>
      tpu.enqueue_indirect_dma source(%dma_start3A_69 : memref<10080x128xf32, #tpu.memory_space<hbm>>) target(%arg12 : memref<32x128xf32, #tpu.memory_space<vmem>>) offsets(%arg19 : memref<32xi32, #tpu.memory_space<vmem>>) semaphore(%arg28 : memref<!tpu.dma_semaphore, #tpu.memory_space<semaphore_mem>>)
      %dma_start3A_70 = arith.constant 0 : i32
      %dma_start3A_71 = arith.constant 0 : i32
      %dma_start3A_72 = tpu.memref_slice %arg3[%dma_start3A_70, %dma_start3A_71] : memref<20000x128xf32, #tpu.memory_space<hbm>> -> memref<20000x128xf32, #tpu.memory_space<hbm>>
      tpu.enqueue_indirect_dma source(%dma_start3A_72 : memref<20000x128xf32, #tpu.memory_space<hbm>>) target(%arg13 : memref<32x128xf32, #tpu.memory_space<vmem>>) offsets(%arg20 : memref<32xi32, #tpu.memory_space<vmem>>) semaphore(%arg29 : memref<!tpu.dma_semaphore, #tpu.memory_space<semaphore_mem>>)
      %dma_start3A_73 = arith.constant 0 : i32
      %dma_start3A_74 = arith.constant 0 : i32
      %dma_start3A_75 = tpu.memref_slice %arg4[%dma_start3A_73, %dma_start3A_74] : memref<20000x128xf32, #tpu.memory_space<hbm>> -> memref<20000x128xf32, #tpu.memory_space<hbm>>
      tpu.enqueue_indirect_dma source(%dma_start3A_75 : memref<20000x128xf32, #tpu.memory_space<hbm>>) target(%arg14 : memref<32x128xf32, #tpu.memory_space<vmem>>) offsets(%arg20 : memref<32xi32, #tpu.memory_space<vmem>>) semaphore(%arg30 : memref<!tpu.dma_semaphore, #tpu.memory_space<semaphore_mem>>)
      %dma_wait3A = arith.constant 0 : i32
      %dma_wait3A_76 = arith.constant 0 : i32
      %dma_wait3A_77 = tpu.memref_slice %arg2[%dma_wait3A, %dma_wait3A_76] : memref<10080x128xf32, #tpu.memory_space<hbm>> -> memref<10080x128xf32, #tpu.memory_space<hbm>>
      tpu.wait_indirect_dma semaphore(%arg23 : memref<!tpu.dma_semaphore, #tpu.memory_space<semaphore_mem>>) src(%dma_wait3A_77 : memref<10080x128xf32, #tpu.memory_space<hbm>>) dst(%arg9 : memref<32x128xf32, #tpu.memory_space<vmem>>)
      %dma_wait3A_78 = arith.constant 0 : i32
      %dma_wait3A_79 = arith.constant 0 : i32
      %dma_wait3A_80 = tpu.memref_slice %arg3[%dma_wait3A_78, %dma_wait3A_79] : memref<20000x128xf32, #tpu.memory_space<hbm>> -> memref<20000x128xf32, #tpu.memory_space<hbm>>
      tpu.wait_indirect_dma semaphore(%arg24 : memref<!tpu.dma_semaphore, #tpu.memory_space<semaphore_mem>>) src(%dma_wait3A_80 : memref<20000x128xf32, #tpu.memory_space<hbm>>) dst(%arg10 : memref<32x128xf32, #tpu.memory_space<vmem>>)
      %scan3A_81 = arith.constant 0 : i32
      %scan3A_82 = arith.constant 0 : i32
      %scan3A_83 = arith.constant 2 : i32
      %scan3A_84 = arith.addi %scan3A_82, %scan3A_83 : i32
      %scan3A_85 = arith.constant 1 : i32
      %scan3A_86 = scf.for %scan3A_160 = %scan3A_82 to %scan3A_84 step %scan3A_85 iter_args(%scan3A_161 = %scan3A_81) -> (i32)  : i32 {
        %mul3A_162 = arith.constant 16 : i32
        %mul3A_163 = arith.muli %scan3A_160, %mul3A_162 : i32
        %add3A_164 = vector.broadcast %mul3A_163 : i32 to vector<16xi32>
        %add3A_165 = arith.addi %add3A_164, %iota3A : vector<16xi32>
        %broadcast_in_dim3A_166 = arith.constant 0 : i32
        %broadcast_in_dim3A_167 = vector.broadcast %broadcast_in_dim3A_166 : i32 to vector<16xi32>
        %gather3A = tpu.vector_load_idx %arg9[%add3A_165, %broadcast_in_dim3A_167] : memref<32x128xf32, #tpu.memory_space<vmem>>[vector<16xi32>, vector<16xi32>], vector<16xf32>,
        %gather3A_168 = tpu.vector_load_idx %arg10[%add3A_165, %broadcast_in_dim3A_167] : memref<32x128xf32, #tpu.memory_space<vmem>>[vector<16xi32>, vector<16xi32>], vector<16xf32>,
        %mul3A_169 = arith.mulf %gather3A, %gather3A_168 : vector<16xf32>
        %add3A_170 = arith.addf %broadcast_in_dim3A_1, %mul3A_169 : vector<16xf32>
        %broadcast_in_dim3A_171 = arith.constant 1 : i32
        %broadcast_in_dim3A_172 = vector.broadcast %broadcast_in_dim3A_171 : i32 to vector<16xi32>
        %gather3A_173 = tpu.vector_load_idx %arg9[%add3A_165, %broadcast_in_dim3A_172] : memref<32x128xf32, #tpu.memory_space<vmem>>[vector<16xi32>, vector<16xi32>], vector<16xf32>,
        %gather3A_174 = tpu.vector_load_idx %arg10[%add3A_165, %broadcast_in_dim3A_172] : memref<32x128xf32, #tpu.memory_space<vmem>>[vector<16xi32>, vector<16xi32>], vector<16xf32>,
        %mul3A_175 = arith.mulf %gather3A_173, %gather3A_174 : vector<16xf32>
        %add3A_176 = arith.addf %add3A_170, %mul3A_175 : vector<16xf32>
        %broadcast_in_dim3A_177 = arith.constant 2 : i32
        %broadcast_in_dim3A_178 = vector.broadcast %broadcast_in_dim3A_177 : i32 to vector<16xi32>
        %gather3A_179 = tpu.vector_load_idx %arg9[%add3A_165, %broadcast_in_dim3A_178] : memref<32x128xf32, #tpu.memory_space<vmem>>[vector<16xi32>, vector<16xi32>], vector<16xf32>,
        %gather3A_180 = tpu.vector_load_idx %arg10[%add3A_165, %broadcast_in_dim3A_178] : memref<32x128xf32, #tpu.memory_space<vmem>>[vector<16xi32>, vector<16xi32>], vector<16xf32>,
        %mul3A_181 = arith.mulf %gather3A_179, %gather3A_180 : vector<16xf32>
        %add3A_182 = arith.addf %add3A_176, %mul3A_181 : vector<16xf32>
        %broadcast_in_dim3A_183 = arith.constant 3 : i32
        %broadcast_in_dim3A_184 = vector.broadcast %broadcast_in_dim3A_183 : i32 to vector<16xi32>
        %gather3A_185 = tpu.vector_load_idx %arg9[%add3A_165, %broadcast_in_dim3A_184] : memref<32x128xf32, #tpu.memory_space<vmem>>[vector<16xi32>, vector<16xi32>], vector<16xf32>,
        %gather3A_186 = tpu.vector_load_idx %arg10[%add3A_165, %broadcast_in_dim3A_184] : memref<32x128xf32, #tpu.memory_space<vmem>>[vector<16xi32>, vector<16xi32>], vector<16xf32>,
        %mul3A_187 = arith.mulf %gather3A_185, %gather3A_186 : vector<16xf32>
        %add3A_188 = arith.addf %add3A_182, %mul3A_187 : vector<16xf32>
        %broadcast_in_dim3A_189 = arith.constant 4 : i32
        %broadcast_in_dim3A_190 = vector.broadcast %broadcast_in_dim3A_189 : i32 to vector<16xi32>
        %gather3A_191 = tpu.vector_load_idx %arg9[%add3A_165, %broadcast_in_dim3A_190] : memref<32x128xf32, #tpu.memory_space<vmem>>[vector<16xi32>, vector<16xi32>], vector<16xf32>,
        %gather3A_192 = tpu.vector_load_idx %arg10[%add3A_165, %broadcast_in_dim3A_190] : memref<32x128xf32, #tpu.memory_space<vmem>>[vector<16xi32>, vector<16xi32>], vector<16xf32>,
        %mul3A_193 = arith.mulf %gather3A_191, %gather3A_192 : vector<16xf32>
        %add3A_194 = arith.addf %broadcast_in_dim3A_1, %mul3A_193 : vector<16xf32>
        %broadcast_in_dim3A_195 = arith.constant 5 : i32
        %broadcast_in_dim3A_196 = vector.broadcast %broadcast_in_dim3A_195 : i32 to vector<16xi32>
        %gather3A_197 = tpu.vector_load_idx %arg9[%add3A_165, %broadcast_in_dim3A_196] : memref<32x128xf32, #tpu.memory_space<vmem>>[vector<16xi32>, vector<16xi32>], vector<16xf32>,
        %gather3A_198 = tpu.vector_load_idx %arg10[%add3A_165, %broadcast_in_dim3A_196] : memref<32x128xf32, #tpu.memory_space<vmem>>[vector<16xi32>, vector<16xi32>], vector<16xf32>,
        %mul3A_199 = arith.mulf %gather3A_197, %gather3A_198 : vector<16xf32>
        %add3A_200 = arith.addf %add3A_194, %mul3A_199 : vector<16xf32>
        %broadcast_in_dim3A_201 = arith.constant 6 : i32
        %broadcast_in_dim3A_202 = vector.broadcast %broadcast_in_dim3A_201 : i32 to vector<16xi32>
        %gather3A_203 = tpu.vector_load_idx %arg9[%add3A_165, %broadcast_in_dim3A_202] : memref<32x128xf32, #tpu.memory_space<vmem>>[vector<16xi32>, vector<16xi32>], vector<16xf32>,
        %gather3A_204 = tpu.vector_load_idx %arg10[%add3A_165, %broadcast_in_dim3A_202] : memref<32x128xf32, #tpu.memory_space<vmem>>[vector<16xi32>, vector<16xi32>], vector<16xf32>,
        %mul3A_205 = arith.mulf %gather3A_203, %gather3A_204 : vector<16xf32>
        %add3A_206 = arith.addf %add3A_200, %mul3A_205 : vector<16xf32>
        %broadcast_in_dim3A_207 = arith.constant 7 : i32
        %broadcast_in_dim3A_208 = vector.broadcast %broadcast_in_dim3A_207 : i32 to vector<16xi32>
        %gather3A_209 = tpu.vector_load_idx %arg9[%add3A_165, %broadcast_in_dim3A_208] : memref<32x128xf32, #tpu.memory_space<vmem>>[vector<16xi32>, vector<16xi32>], vector<16xf32>,
        %gather3A_210 = tpu.vector_load_idx %arg10[%add3A_165, %broadcast_in_dim3A_208] : memref<32x128xf32, #tpu.memory_space<vmem>>[vector<16xi32>, vector<16xi32>], vector<16xf32>,
        %mul3A_211 = arith.mulf %gather3A_209, %gather3A_210 : vector<16xf32>
        %add3A_212 = arith.addf %add3A_206, %mul3A_211 : vector<16xf32>
        %broadcast_in_dim3A_213 = arith.constant 8 : i32
        %broadcast_in_dim3A_214 = vector.broadcast %broadcast_in_dim3A_213 : i32 to vector<16xi32>
        %gather3A_215 = tpu.vector_load_idx %arg9[%add3A_165, %broadcast_in_dim3A_214] : memref<32x128xf32, #tpu.memory_space<vmem>>[vector<16xi32>, vector<16xi32>], vector<16xf32>,
        %gather3A_216 = tpu.vector_load_idx %arg10[%add3A_165, %broadcast_in_dim3A_214] : memref<32x128xf32, #tpu.memory_space<vmem>>[vector<16xi32>, vector<16xi32>], vector<16xf32>,
        %mul3A_217 = arith.mulf %gather3A_215, %gather3A_216 : vector<16xf32>
        %add3A_218 = arith.addf %broadcast_in_dim3A_1, %mul3A_217 : vector<16xf32>
        %broadcast_in_dim3A_219 = arith.constant 9 : i32
        %broadcast_in_dim3A_220 = vector.broadcast %broadcast_in_dim3A_219 : i32 to vector<16xi32>
        %gather3A_221 = tpu.vector_load_idx %arg9[%add3A_165, %broadcast_in_dim3A_220] : memref<32x128xf32, #tpu.memory_space<vmem>>[vector<16xi32>, vector<16xi32>], vector<16xf32>,
        %gather3A_222 = tpu.vector_load_idx %arg10[%add3A_165, %broadcast_in_dim3A_220] : memref<32x128xf32, #tpu.memory_space<vmem>>[vector<16xi32>, vector<16xi32>], vector<16xf32>,
        %mul3A_223 = arith.mulf %gather3A_221, %gather3A_222 : vector<16xf32>
        %add3A_224 = arith.addf %add3A_218, %mul3A_223 : vector<16xf32>
        %broadcast_in_dim3A_225 = arith.constant 10 : i32
        %broadcast_in_dim3A_226 = vector.broadcast %broadcast_in_dim3A_225 : i32 to vector<16xi32>
        %gather3A_227 = tpu.vector_load_idx %arg9[%add3A_165, %broadcast_in_dim3A_226] : memref<32x128xf32, #tpu.memory_space<vmem>>[vector<16xi32>, vector<16xi32>], vector<16xf32>,
        %gather3A_228 = tpu.vector_load_idx %arg10[%add3A_165, %broadcast_in_dim3A_226] : memref<32x128xf32, #tpu.memory_space<vmem>>[vector<16xi32>, vector<16xi32>], vector<16xf32>,
        %mul3A_229 = arith.mulf %gather3A_227, %gather3A_228 : vector<16xf32>
        %add3A_230 = arith.addf %add3A_224, %mul3A_229 : vector<16xf32>
        %broadcast_in_dim3A_231 = arith.constant 11 : i32
        %broadcast_in_dim3A_232 = vector.broadcast %broadcast_in_dim3A_231 : i32 to vector<16xi32>
        %gather3A_233 = tpu.vector_load_idx %arg9[%add3A_165, %broadcast_in_dim3A_232] : memref<32x128xf32, #tpu.memory_space<vmem>>[vector<16xi32>, vector<16xi32>], vector<16xf32>,
        %gather3A_234 = tpu.vector_load_idx %arg10[%add3A_165, %broadcast_in_dim3A_232] : memref<32x128xf32, #tpu.memory_space<vmem>>[vector<16xi32>, vector<16xi32>], vector<16xf32>,
        %mul3A_235 = arith.mulf %gather3A_233, %gather3A_234 : vector<16xf32>
        %add3A_236 = arith.addf %add3A_230, %mul3A_235 : vector<16xf32>
        %broadcast_in_dim3A_237 = arith.constant 12 : i32
        %broadcast_in_dim3A_238 = vector.broadcast %broadcast_in_dim3A_237 : i32 to vector<16xi32>
        %gather3A_239 = tpu.vector_load_idx %arg9[%add3A_165, %broadcast_in_dim3A_238] : memref<32x128xf32, #tpu.memory_space<vmem>>[vector<16xi32>, vector<16xi32>], vector<16xf32>,
        %gather3A_240 = tpu.vector_load_idx %arg10[%add3A_165, %broadcast_in_dim3A_238] : memref<32x128xf32, #tpu.memory_space<vmem>>[vector<16xi32>, vector<16xi32>], vector<16xf32>,
        %mul3A_241 = arith.mulf %gather3A_239, %gather3A_240 : vector<16xf32>
        %add3A_242 = arith.addf %broadcast_in_dim3A_1, %mul3A_241 : vector<16xf32>
        %broadcast_in_dim3A_243 = arith.constant 13 : i32
        %broadcast_in_dim3A_244 = vector.broadcast %broadcast_in_dim3A_243 : i32 to vector<16xi32>
        %gather3A_245 = tpu.vector_load_idx %arg9[%add3A_165, %broadcast_in_dim3A_244] : memref<32x128xf32, #tpu.memory_space<vmem>>[vector<16xi32>, vector<16xi32>], vector<16xf32>,
        %gather3A_246 = tpu.vector_load_idx %arg10[%add3A_165, %broadcast_in_dim3A_244] : memref<32x128xf32, #tpu.memory_space<vmem>>[vector<16xi32>, vector<16xi32>], vector<16xf32>,
        %mul3A_247 = arith.mulf %gather3A_245, %gather3A_246 : vector<16xf32>
        %add3A_248 = arith.addf %add3A_242, %mul3A_247 : vector<16xf32>
        %broadcast_in_dim3A_249 = arith.constant 14 : i32
        %broadcast_in_dim3A_250 = vector.broadcast %broadcast_in_dim3A_249 : i32 to vector<16xi32>
        %gather3A_251 = tpu.vector_load_idx %arg9[%add3A_165, %broadcast_in_dim3A_250] : memref<32x128xf32, #tpu.memory_space<vmem>>[vector<16xi32>, vector<16xi32>], vector<16xf32>,
        %gather3A_252 = tpu.vector_load_idx %arg10[%add3A_165, %broadcast_in_dim3A_250] : memref<32x128xf32, #tpu.memory_space<vmem>>[vector<16xi32>, vector<16xi32>], vector<16xf32>,
        %mul3A_253 = arith.mulf %gather3A_251, %gather3A_252 : vector<16xf32>
        %add3A_254 = arith.addf %add3A_248, %mul3A_253 : vector<16xf32>
        %broadcast_in_dim3A_255 = arith.constant 15 : i32
        %broadcast_in_dim3A_256 = vector.broadcast %broadcast_in_dim3A_255 : i32 to vector<16xi32>
        %gather3A_257 = tpu.vector_load_idx %arg9[%add3A_165, %broadcast_in_dim3A_256] : memref<32x128xf32, #tpu.memory_space<vmem>>[vector<16xi32>, vector<16xi32>], vector<16xf32>,
        %gather3A_258 = tpu.vector_load_idx %arg10[%add3A_165, %broadcast_in_dim3A_256] : memref<32x128xf32, #tpu.memory_space<vmem>>[vector<16xi32>, vector<16xi32>], vector<16xf32>,
        %mul3A_259 = arith.mulf %gather3A_257, %gather3A_258 : vector<16xf32>
        %add3A_260 = arith.addf %add3A_254, %mul3A_259 : vector<16xf32>
        %add3A_261 = arith.addf %add3A_188, %add3A_212 : vector<16xf32>
        %add3A_262 = arith.addf %add3A_236, %add3A_260 : vector<16xf32>
        %add3A_263 = arith.addf %add3A_261, %add3A_262 : vector<16xf32>
        %exp3A = math.exp %add3A_263 : vector<16xf32>
        %mul3A_264 = arith.constant 16 : i32
        %mul3A_265 = vector.broadcast %mul3A_264 : i32 to vector<16xi32>
        %mul3A_266 = arith.muli %add3A_165, %mul3A_265 : vector<16xi32>
        %add3A_267 = arith.constant 0 : i32
        %add3A_268 = vector.broadcast %add3A_267 : i32 to vector<16xi32>
        %add3A_269 = arith.addi %mul3A_266, %add3A_268 : vector<16xi32>
        tpu.vector_store_idx %arg15[%add3A_269], %exp3A : memref<512xf32, #tpu.memory_space<vmem>>[vector<16xi32>], vector<16xf32>,
        %broadcast_in_dim3A_270 = arith.constant 16 : i32
        %broadcast_in_dim3A_271 = vector.broadcast %broadcast_in_dim3A_270 : i32 to vector<16xi32>
        %gather3A_272 = tpu.vector_load_idx %arg9[%add3A_165, %broadcast_in_dim3A_271] : memref<32x128xf32, #tpu.memory_space<vmem>>[vector<16xi32>, vector<16xi32>], vector<16xf32>,
        %gather3A_273 = tpu.vector_load_idx %arg10[%add3A_165, %broadcast_in_dim3A_271] : memref<32x128xf32, #tpu.memory_space<vmem>>[vector<16xi32>, vector<16xi32>], vector<16xf32>,
        %mul3A_274 = arith.mulf %gather3A_272, %gather3A_273 : vector<16xf32>
        %add3A_275 = arith.addf %broadcast_in_dim3A_1, %mul3A_274 : vector<16xf32>
        %broadcast_in_dim3A_276 = arith.constant 17 : i32
        %broadcast_in_dim3A_277 = vector.broadcast %broadcast_in_dim3A_276 : i32 to vector<16xi32>
        %gather3A_278 = tpu.vector_load_idx %arg9[%add3A_165, %broadcast_in_dim3A_277] : memref<32x128xf32, #tpu.memory_space<vmem>>[vector<16xi32>, vector<16xi32>], vector<16xf32>,
        %gather3A_279 = tpu.vector_load_idx %arg10[%add3A_165, %broadcast_in_dim3A_277] : memref<32x128xf32, #tpu.memory_space<vmem>>[vector<16xi32>, vector<16xi32>], vector<16xf32>,
        %mul3A_280 = arith.mulf %gather3A_278, %gather3A_279 : vector<16xf32>
        %add3A_281 = arith.addf %add3A_275, %mul3A_280 : vector<16xf32>
        %broadcast_in_dim3A_282 = arith.constant 18 : i32
        %broadcast_in_dim3A_283 = vector.broadcast %broadcast_in_dim3A_282 : i32 to vector<16xi32>
        %gather3A_284 = tpu.vector_load_idx %arg9[%add3A_165, %broadcast_in_dim3A_283] : memref<32x128xf32, #tpu.memory_space<vmem>>[vector<16xi32>, vector<16xi32>], vector<16xf32>,
        %gather3A_285 = tpu.vector_load_idx %arg10[%add3A_165, %broadcast_in_dim3A_283] : memref<32x128xf32, #tpu.memory_space<vmem>>[vector<16xi32>, vector<16xi32>], vector<16xf32>,
        %mul3A_286 = arith.mulf %gather3A_284, %gather3A_285 : vector<16xf32>
        %add3A_287 = arith.addf %add3A_281, %mul3A_286 : vector<16xf32>
        %broadcast_in_dim3A_288 = arith.constant 19 : i32
        %broadcast_in_dim3A_289 = vector.broadcast %broadcast_in_dim3A_288 : i32 to vector<16xi32>
        %gather3A_290 = tpu.vector_load_idx %arg9[%add3A_165, %broadcast_in_dim3A_289] : memref<32x128xf32, #tpu.memory_space<vmem>>[vector<16xi32>, vector<16xi32>], vector<16xf32>,
        %gather3A_291 = tpu.vector_load_idx %arg10[%add3A_165, %broadcast_in_dim3A_289] : memref<32x128xf32, #tpu.memory_space<vmem>>[vector<16xi32>, vector<16xi32>], vector<16xf32>,
        %mul3A_292 = arith.mulf %gather3A_290, %gather3A_291 : vector<16xf32>
        %add3A_293 = arith.addf %add3A_287, %mul3A_292 : vector<16xf32>
        %broadcast_in_dim3A_294 = arith.constant 20 : i32
        %broadcast_in_dim3A_295 = vector.broadcast %broadcast_in_dim3A_294 : i32 to vector<16xi32>
        %gather3A_296 = tpu.vector_load_idx %arg9[%add3A_165, %broadcast_in_dim3A_295] : memref<32x128xf32, #tpu.memory_space<vmem>>[vector<16xi32>, vector<16xi32>], vector<16xf32>,
        %gather3A_297 = tpu.vector_load_idx %arg10[%add3A_165, %broadcast_in_dim3A_295] : memref<32x128xf32, #tpu.memory_space<vmem>>[vector<16xi32>, vector<16xi32>], vector<16xf32>,
        %mul3A_298 = arith.mulf %gather3A_296, %gather3A_297 : vector<16xf32>
        %add3A_299 = arith.addf %broadcast_in_dim3A_1, %mul3A_298 : vector<16xf32>
        %broadcast_in_dim3A_300 = arith.constant 21 : i32
        %broadcast_in_dim3A_301 = vector.broadcast %broadcast_in_dim3A_300 : i32 to vector<16xi32>
        %gather3A_302 = tpu.vector_load_idx %arg9[%add3A_165, %broadcast_in_dim3A_301] : memref<32x128xf32, #tpu.memory_space<vmem>>[vector<16xi32>, vector<16xi32>], vector<16xf32>,
        %gather3A_303 = tpu.vector_load_idx %arg10[%add3A_165, %broadcast_in_dim3A_301] : memref<32x128xf32, #tpu.memory_space<vmem>>[vector<16xi32>, vector<16xi32>], vector<16xf32>,
        %mul3A_304 = arith.mulf %gather3A_302, %gather3A_303 : vector<16xf32>
        %add3A_305 = arith.addf %add3A_299, %mul3A_304 : vector<16xf32>
        %broadcast_in_dim3A_306 = arith.constant 22 : i32
        %broadcast_in_dim3A_307 = vector.broadcast %broadcast_in_dim3A_306 : i32 to vector<16xi32>
        %gather3A_308 = tpu.vector_load_idx %arg9[%add3A_165, %broadcast_in_dim3A_307] : memref<32x128xf32, #tpu.memory_space<vmem>>[vector<16xi32>, vector<16xi32>], vector<16xf32>,
        %gather3A_309 = tpu.vector_load_idx %arg10[%add3A_165, %broadcast_in_dim3A_307] : memref<32x128xf32, #tpu.memory_space<vmem>>[vector<16xi32>, vector<16xi32>], vector<16xf32>,
        %mul3A_310 = arith.mulf %gather3A_308, %gather3A_309 : vector<16xf32>
        %add3A_311 = arith.addf %add3A_305, %mul3A_310 : vector<16xf32>
        %broadcast_in_dim3A_312 = arith.constant 23 : i32
        %broadcast_in_dim3A_313 = vector.broadcast %broadcast_in_dim3A_312 : i32 to vector<16xi32>
        %gather3A_314 = tpu.vector_load_idx %arg9[%add3A_165, %broadcast_in_dim3A_313] : memref<32x128xf32, #tpu.memory_space<vmem>>[vector<16xi32>, vector<16xi32>], vector<16xf32>,
        %gather3A_315 = tpu.vector_load_idx %arg10[%add3A_165, %broadcast_in_dim3A_313] : memref<32x128xf32, #tpu.memory_space<vmem>>[vector<16xi32>, vector<16xi32>], vector<16xf32>,
        %mul3A_316 = arith.mulf %gather3A_314, %gather3A_315 : vector<16xf32>
        %add3A_317 = arith.addf %add3A_311, %mul3A_316 : vector<16xf32>
        %broadcast_in_dim3A_318 = arith.constant 24 : i32
        %broadcast_in_dim3A_319 = vector.broadcast %broadcast_in_dim3A_318 : i32 to vector<16xi32>
        %gather3A_320 = tpu.vector_load_idx %arg9[%add3A_165, %broadcast_in_dim3A_319] : memref<32x128xf32, #tpu.memory_space<vmem>>[vector<16xi32>, vector<16xi32>], vector<16xf32>,
        %gather3A_321 = tpu.vector_load_idx %arg10[%add3A_165, %broadcast_in_dim3A_319] : memref<32x128xf32, #tpu.memory_space<vmem>>[vector<16xi32>, vector<16xi32>], vector<16xf32>,
        %mul3A_322 = arith.mulf %gather3A_320, %gather3A_321 : vector<16xf32>
        %add3A_323 = arith.addf %broadcast_in_dim3A_1, %mul3A_322 : vector<16xf32>
        %broadcast_in_dim3A_324 = arith.constant 25 : i32
        %broadcast_in_dim3A_325 = vector.broadcast %broadcast_in_dim3A_324 : i32 to vector<16xi32>
        %gather3A_326 = tpu.vector_load_idx %arg9[%add3A_165, %broadcast_in_dim3A_325] : memref<32x128xf32, #tpu.memory_space<vmem>>[vector<16xi32>, vector<16xi32>], vector<16xf32>,
        %gather3A_327 = tpu.vector_load_idx %arg10[%add3A_165, %broadcast_in_dim3A_325] : memref<32x128xf32, #tpu.memory_space<vmem>>[vector<16xi32>, vector<16xi32>], vector<16xf32>,
        %mul3A_328 = arith.mulf %gather3A_326, %gather3A_327 : vector<16xf32>
        %add3A_329 = arith.addf %add3A_323, %mul3A_328 : vector<16xf32>
        %broadcast_in_dim3A_330 = arith.constant 26 : i32
        %broadcast_in_dim3A_331 = vector.broadcast %broadcast_in_dim3A_330 : i32 to vector<16xi32>
        %gather3A_332 = tpu.vector_load_idx %arg9[%add3A_165, %broadcast_in_dim3A_331] : memref<32x128xf32, #tpu.memory_space<vmem>>[vector<16xi32>, vector<16xi32>], vector<16xf32>,
        %gather3A_333 = tpu.vector_load_idx %arg10[%add3A_165, %broadcast_in_dim3A_331] : memref<32x128xf32, #tpu.memory_space<vmem>>[vector<16xi32>, vector<16xi32>], vector<16xf32>,
        %mul3A_334 = arith.mulf %gather3A_332, %gather3A_333 : vector<16xf32>
        %add3A_335 = arith.addf %add3A_329, %mul3A_334 : vector<16xf32>
        %broadcast_in_dim3A_336 = arith.constant 27 : i32
        %broadcast_in_dim3A_337 = vector.broadcast %broadcast_in_dim3A_336 : i32 to vector<16xi32>
        %gather3A_338 = tpu.vector_load_idx %arg9[%add3A_165, %broadcast_in_dim3A_337] : memref<32x128xf32, #tpu.memory_space<vmem>>[vector<16xi32>, vector<16xi32>], vector<16xf32>,
        %gather3A_339 = tpu.vector_load_idx %arg10[%add3A_165, %broadcast_in_dim3A_337] : memref<32x128xf32, #tpu.memory_space<vmem>>[vector<16xi32>, vector<16xi32>], vector<16xf32>,
        %mul3A_340 = arith.mulf %gather3A_338, %gather3A_339 : vector<16xf32>
        %add3A_341 = arith.addf %add3A_335, %mul3A_340 : vector<16xf32>
        %broadcast_in_dim3A_342 = arith.constant 28 : i32
        %broadcast_in_dim3A_343 = vector.broadcast %broadcast_in_dim3A_342 : i32 to vector<16xi32>
        %gather3A_344 = tpu.vector_load_idx %arg9[%add3A_165, %broadcast_in_dim3A_343] : memref<32x128xf32, #tpu.memory_space<vmem>>[vector<16xi32>, vector<16xi32>], vector<16xf32>,
        %gather3A_345 = tpu.vector_load_idx %arg10[%add3A_165, %broadcast_in_dim3A_343] : memref<32x128xf32, #tpu.memory_space<vmem>>[vector<16xi32>, vector<16xi32>], vector<16xf32>,
        %mul3A_346 = arith.mulf %gather3A_344, %gather3A_345 : vector<16xf32>
        %add3A_347 = arith.addf %broadcast_in_dim3A_1, %mul3A_346 : vector<16xf32>
        %broadcast_in_dim3A_348 = arith.constant 29 : i32
        %broadcast_in_dim3A_349 = vector.broadcast %broadcast_in_dim3A_348 : i32 to vector<16xi32>
        %gather3A_350 = tpu.vector_load_idx %arg9[%add3A_165, %broadcast_in_dim3A_349] : memref<32x128xf32, #tpu.memory_space<vmem>>[vector<16xi32>, vector<16xi32>], vector<16xf32>,
        %gather3A_351 = tpu.vector_load_idx %arg10[%add3A_165, %broadcast_in_dim3A_349] : memref<32x128xf32, #tpu.memory_space<vmem>>[vector<16xi32>, vector<16xi32>], vector<16xf32>,
        %mul3A_352 = arith.mulf %gather3A_350, %gather3A_351 : vector<16xf32>
        %add3A_353 = arith.addf %add3A_347, %mul3A_352 : vector<16xf32>
        %broadcast_in_dim3A_354 = arith.constant 30 : i32
        %broadcast_in_dim3A_355 = vector.broadcast %broadcast_in_dim3A_354 : i32 to vector<16xi32>
        %gather3A_356 = tpu.vector_load_idx %arg9[%add3A_165, %broadcast_in_dim3A_355] : memref<32x128xf32, #tpu.memory_space<vmem>>[vector<16xi32>, vector<16xi32>], vector<16xf32>,
        %gather3A_357 = tpu.vector_load_idx %arg10[%add3A_165, %broadcast_in_dim3A_355] : memref<32x128xf32, #tpu.memory_space<vmem>>[vector<16xi32>, vector<16xi32>], vector<16xf32>,
        %mul3A_358 = arith.mulf %gather3A_356, %gather3A_357 : vector<16xf32>
        %add3A_359 = arith.addf %add3A_353, %mul3A_358 : vector<16xf32>
        %broadcast_in_dim3A_360 = arith.constant 31 : i32
        %broadcast_in_dim3A_361 = vector.broadcast %broadcast_in_dim3A_360 : i32 to vector<16xi32>
        %gather3A_362 = tpu.vector_load_idx %arg9[%add3A_165, %broadcast_in_dim3A_361] : memref<32x128xf32, #tpu.memory_space<vmem>>[vector<16xi32>, vector<16xi32>], vector<16xf32>,
        %gather3A_363 = tpu.vector_load_idx %arg10[%add3A_165, %broadcast_in_dim3A_361] : memref<32x128xf32, #tpu.memory_space<vmem>>[vector<16xi32>, vector<16xi32>], vector<16xf32>,
        %mul3A_364 = arith.mulf %gather3A_362, %gather3A_363 : vector<16xf32>
        %add3A_365 = arith.addf %add3A_359, %mul3A_364 : vector<16xf32>
        %add3A_366 = arith.addf %add3A_293, %add3A_317 : vector<16xf32>
        %add3A_367 = arith.addf %add3A_341, %add3A_365 : vector<16xf32>
        %add3A_368 = arith.addf %add3A_366, %add3A_367 : vector<16xf32>
        %exp3A_369 = math.exp %add3A_368 : vector<16xf32>
        %mul3A_370 = arith.constant 16 : i32
        %mul3A_371 = vector.broadcast %mul3A_370 : i32 to vector<16xi32>
        %mul3A_372 = arith.muli %add3A_165, %mul3A_371 : vector<16xi32>
        %add3A_373 = arith.constant 1 : i32
        %add3A_374 = vector.broadcast %add3A_373 : i32 to vector<16xi32>
        %add3A_375 = arith.addi %mul3A_372, %add3A_374 : vector<16xi32>
        tpu.vector_store_idx %arg15[%add3A_375], %exp3A_369 : memref<512xf32, #tpu.memory_space<vmem>>[vector<16xi32>], vector<16xf32>,
        %broadcast_in_dim3A_376 = arith.constant 32 : i32
        %broadcast_in_dim3A_377 = vector.broadcast %broadcast_in_dim3A_376 : i32 to vector<16xi32>
        %gather3A_378 = tpu.vector_load_idx %arg9[%add3A_165, %broadcast_in_dim3A_377] : memref<32x128xf32, #tpu.memory_space<vmem>>[vector<16xi32>, vector<16xi32>], vector<16xf32>,
        %gather3A_379 = tpu.vector_load_idx %arg10[%add3A_165, %broadcast_in_dim3A_377] : memref<32x128xf32, #tpu.memory_space<vmem>>[vector<16xi32>, vector<16xi32>], vector<16xf32>,
        %mul3A_380 = arith.mulf %gather3A_378, %gather3A_379 : vector<16xf32>
        %add3A_381 = arith.addf %broadcast_in_dim3A_1, %mul3A_380 : vector<16xf32>
        %broadcast_in_dim3A_382 = arith.constant 33 : i32
        %broadcast_in_dim3A_383 = vector.broadcast %broadcast_in_dim3A_382 : i32 to vector<16xi32>
        %gather3A_384 = tpu.vector_load_idx %arg9[%add3A_165, %broadcast_in_dim3A_383] : memref<32x128xf32, #tpu.memory_space<vmem>>[vector<16xi32>, vector<16xi32>], vector<16xf32>,
        %gather3A_385 = tpu.vector_load_idx %arg10[%add3A_165, %broadcast_in_dim3A_383] : memref<32x128xf32, #tpu.memory_space<vmem>>[vector<16xi32>, vector<16xi32>], vector<16xf32>,
        %mul3A_386 = arith.mulf %gather3A_384, %gather3A_385 : vector<16xf32>
        %add3A_387 = arith.addf %add3A_381, %mul3A_386 : vector<16xf32>
        %broadcast_in_dim3A_388 = arith.constant 34 : i32
        %broadcast_in_dim3A_389 = vector.broadcast %broadcast_in_dim3A_388 : i32 to vector<16xi32>
        %gather3A_390 = tpu.vector_load_idx %arg9[%add3A_165, %broadcast_in_dim3A_389] : memref<32x128xf32, #tpu.memory_space<vmem>>[vector<16xi32>, vector<16xi32>], vector<16xf32>,
        %gather3A_391 = tpu.vector_load_idx %arg10[%add3A_165, %broadcast_in_dim3A_389] : memref<32x128xf32, #tpu.memory_space<vmem>>[vector<16xi32>, vector<16xi32>], vector<16xf32>,
        %mul3A_392 = arith.mulf %gather3A_390, %gather3A_391 : vector<16xf32>
        %add3A_393 = arith.addf %add3A_387, %mul3A_392 : vector<16xf32>
        %broadcast_in_dim3A_394 = arith.constant 35 : i32
        %broadcast_in_dim3A_395 = vector.broadcast %broadcast_in_dim3A_394 : i32 to vector<16xi32>
        %gather3A_396 = tpu.vector_load_idx %arg9[%add3A_165, %broadcast_in_dim3A_395] : memref<32x128xf32, #tpu.memory_space<vmem>>[vector<16xi32>, vector<16xi32>], vector<16xf32>,
        %gather3A_397 = tpu.vector_load_idx %arg10[%add3A_165, %broadcast_in_dim3A_395] : memref<32x128xf32, #tpu.memory_space<vmem>>[vector<16xi32>, vector<16xi32>], vector<16xf32>,
        %mul3A_398 = arith.mulf %gather3A_396, %gather3A_397 : vector<16xf32>
        %add3A_399 = arith.addf %add3A_393, %mul3A_398 : vector<16xf32>
        %broadcast_in_dim3A_400 = arith.constant 36 : i32
        %broadcast_in_dim3A_401 = vector.broadcast %broadcast_in_dim3A_400 : i32 to vector<16xi32>
        %gather3A_402 = tpu.vector_load_idx %arg9[%add3A_165, %broadcast_in_dim3A_401] : memref<32x128xf32, #tpu.memory_space<vmem>>[vector<16xi32>, vector<16xi32>], vector<16xf32>,
        %gather3A_403 = tpu.vector_load_idx %arg10[%add3A_165, %broadcast_in_dim3A_401] : memref<32x128xf32, #tpu.memory_space<vmem>>[vector<16xi32>, vector<16xi32>], vector<16xf32>,
        %mul3A_404 = arith.mulf %gather3A_402, %gather3A_403 : vector<16xf32>
        %add3A_405 = arith.addf %broadcast_in_dim3A_1, %mul3A_404 : vector<16xf32>
        %broadcast_in_dim3A_406 = arith.constant 37 : i32
        %broadcast_in_dim3A_407 = vector.broadcast %broadcast_in_dim3A_406 : i32 to vector<16xi32>
        %gather3A_408 = tpu.vector_load_idx %arg9[%add3A_165, %broadcast_in_dim3A_407] : memref<32x128xf32, #tpu.memory_space<vmem>>[vector<16xi32>, vector<16xi32>], vector<16xf32>,
        %gather3A_409 = tpu.vector_load_idx %arg10[%add3A_165, %broadcast_in_dim3A_407] : memref<32x128xf32, #tpu.memory_space<vmem>>[vector<16xi32>, vector<16xi32>], vector<16xf32>,
        %mul3A_410 = arith.mulf %gather3A_408, %gather3A_409 : vector<16xf32>
        %add3A_411 = arith.addf %add3A_405, %mul3A_410 : vector<16xf32>
        %broadcast_in_dim3A_412 = arith.constant 38 : i32
        %broadcast_in_dim3A_413 = vector.broadcast %broadcast_in_dim3A_412 : i32 to vector<16xi32>
        %gather3A_414 = tpu.vector_load_idx %arg9[%add3A_165, %broadcast_in_dim3A_413] : memref<32x128xf32, #tpu.memory_space<vmem>>[vector<16xi32>, vector<16xi32>], vector<16xf32>,
        %gather3A_415 = tpu.vector_load_idx %arg10[%add3A_165, %broadcast_in_dim3A_413] : memref<32x128xf32, #tpu.memory_space<vmem>>[vector<16xi32>, vector<16xi32>], vector<16xf32>,
        %mul3A_416 = arith.mulf %gather3A_414, %gather3A_415 : vector<16xf32>
        %add3A_417 = arith.addf %add3A_411, %mul3A_416 : vector<16xf32>
        %broadcast_in_dim3A_418 = arith.constant 39 : i32
        %broadcast_in_dim3A_419 = vector.broadcast %broadcast_in_dim3A_418 : i32 to vector<16xi32>
        %gather3A_420 = tpu.vector_load_idx %arg9[%add3A_165, %broadcast_in_dim3A_419] : memref<32x128xf32, #tpu.memory_space<vmem>>[vector<16xi32>, vector<16xi32>], vector<16xf32>,
        %gather3A_421 = tpu.vector_load_idx %arg10[%add3A_165, %broadcast_in_dim3A_419] : memref<32x128xf32, #tpu.memory_space<vmem>>[vector<16xi32>, vector<16xi32>], vector<16xf32>,
        %mul3A_422 = arith.mulf %gather3A_420, %gather3A_421 : vector<16xf32>
        %add3A_423 = arith.addf %add3A_417, %mul3A_422 : vector<16xf32>
        %broadcast_in_dim3A_424 = arith.constant 40 : i32
        %broadcast_in_dim3A_425 = vector.broadcast %broadcast_in_dim3A_424 : i32 to vector<16xi32>
        %gather3A_426 = tpu.vector_load_idx %arg9[%add3A_165, %broadcast_in_dim3A_425] : memref<32x128xf32, #tpu.memory_space<vmem>>[vector<16xi32>, vector<16xi32>], vector<16xf32>,
        %gather3A_427 = tpu.vector_load_idx %arg10[%add3A_165, %broadcast_in_dim3A_425] : memref<32x128xf32, #tpu.memory_space<vmem>>[vector<16xi32>, vector<16xi32>], vector<16xf32>,
        %mul3A_428 = arith.mulf %gather3A_426, %gather3A_427 : vector<16xf32>
        %add3A_429 = arith.addf %broadcast_in_dim3A_1, %mul3A_428 : vector<16xf32>
        %broadcast_in_dim3A_430 = arith.constant 41 : i32
        %broadcast_in_dim3A_431 = vector.broadcast %broadcast_in_dim3A_430 : i32 to vector<16xi32>
        %gather3A_432 = tpu.vector_load_idx %arg9[%add3A_165, %broadcast_in_dim3A_431] : memref<32x128xf32, #tpu.memory_space<vmem>>[vector<16xi32>, vector<16xi32>], vector<16xf32>,
        %gather3A_433 = tpu.vector_load_idx %arg10[%add3A_165, %broadcast_in_dim3A_431] : memref<32x128xf32, #tpu.memory_space<vmem>>[vector<16xi32>, vector<16xi32>], vector<16xf32>,
        %mul3A_434 = arith.mulf %gather3A_432, %gather3A_433 : vector<16xf32>
        %add3A_435 = arith.addf %add3A_429, %mul3A_434 : vector<16xf32>
        %broadcast_in_dim3A_436 = arith.constant 42 : i32
        %broadcast_in_dim3A_437 = vector.broadcast %broadcast_in_dim3A_436 : i32 to vector<16xi32>
        %gather3A_438 = tpu.vector_load_idx %arg9[%add3A_165, %broadcast_in_dim3A_437] : memref<32x128xf32, #tpu.memory_space<vmem>>[vector<16xi32>, vector<16xi32>], vector<16xf32>,
        %gather3A_439 = tpu.vector_load_idx %arg10[%add3A_165, %broadcast_in_dim3A_437] : memref<32x128xf32, #tpu.memory_space<vmem>>[vector<16xi32>, vector<16xi32>], vector<16xf32>,
        %mul3A_440 = arith.mulf %gather3A_438, %gather3A_439 : vector<16xf32>
        %add3A_441 = arith.addf %add3A_435, %mul3A_440 : vector<16xf32>
        %broadcast_in_dim3A_442 = arith.constant 43 : i32
        %broadcast_in_dim3A_443 = vector.broadcast %broadcast_in_dim3A_442 : i32 to vector<16xi32>
        %gather3A_444 = tpu.vector_load_idx %arg9[%add3A_165, %broadcast_in_dim3A_443] : memref<32x128xf32, #tpu.memory_space<vmem>>[vector<16xi32>, vector<16xi32>], vector<16xf32>,
        %gather3A_445 = tpu.vector_load_idx %arg10[%add3A_165, %broadcast_in_dim3A_443] : memref<32x128xf32, #tpu.memory_space<vmem>>[vector<16xi32>, vector<16xi32>], vector<16xf32>,
        %mul3A_446 = arith.mulf %gather3A_444, %gather3A_445 : vector<16xf32>
        %add3A_447 = arith.addf %add3A_441, %mul3A_446 : vector<16xf32>
        %broadcast_in_dim3A_448 = arith.constant 44 : i32
        %broadcast_in_dim3A_449 = vector.broadcast %broadcast_in_dim3A_448 : i32 to vector<16xi32>
        %gather3A_450 = tpu.vector_load_idx %arg9[%add3A_165, %broadcast_in_dim3A_449] : memref<32x128xf32, #tpu.memory_space<vmem>>[vector<16xi32>, vector<16xi32>], vector<16xf32>,
        %gather3A_451 = tpu.vector_load_idx %arg10[%add3A_165, %broadcast_in_dim3A_449] : memref<32x128xf32, #tpu.memory_space<vmem>>[vector<16xi32>, vector<16xi32>], vector<16xf32>,
        %mul3A_452 = arith.mulf %gather3A_450, %gather3A_451 : vector<16xf32>
        %add3A_453 = arith.addf %broadcast_in_dim3A_1, %mul3A_452 : vector<16xf32>
        %broadcast_in_dim3A_454 = arith.constant 45 : i32
        %broadcast_in_dim3A_455 = vector.broadcast %broadcast_in_dim3A_454 : i32 to vector<16xi32>
        %gather3A_456 = tpu.vector_load_idx %arg9[%add3A_165, %broadcast_in_dim3A_455] : memref<32x128xf32, #tpu.memory_space<vmem>>[vector<16xi32>, vector<16xi32>], vector<16xf32>,
        %gather3A_457 = tpu.vector_load_idx %arg10[%add3A_165, %broadcast_in_dim3A_455] : memref<32x128xf32, #tpu.memory_space<vmem>>[vector<16xi32>, vector<16xi32>], vector<16xf32>,
        %mul3A_458 = arith.mulf %gather3A_456, %gather3A_457 : vector<16xf32>
        %add3A_459 = arith.addf %add3A_453, %mul3A_458 : vector<16xf32>
        %broadcast_in_dim3A_460 = arith.constant 46 : i32
        %broadcast_in_dim3A_461 = vector.broadcast %broadcast_in_dim3A_460 : i32 to vector<16xi32>
        %gather3A_462 = tpu.vector_load_idx %arg9[%add3A_165, %broadcast_in_dim3A_461] : memref<32x128xf32, #tpu.memory_space<vmem>>[vector<16xi32>, vector<16xi32>], vector<16xf32>,
        %gather3A_463 = tpu.vector_load_idx %arg10[%add3A_165, %broadcast_in_dim3A_461] : memref<32x128xf32, #tpu.memory_space<vmem>>[vector<16xi32>, vector<16xi32>], vector<16xf32>,
        %mul3A_464 = arith.mulf %gather3A_462, %gather3A_463 : vector<16xf32>
        %add3A_465 = arith.addf %add3A_459, %mul3A_464 : vector<16xf32>
        %broadcast_in_dim3A_466 = arith.constant 47 : i32
        %broadcast_in_dim3A_467 = vector.broadcast %broadcast_in_dim3A_466 : i32 to vector<16xi32>
        %gather3A_468 = tpu.vector_load_idx %arg9[%add3A_165, %broadcast_in_dim3A_467] : memref<32x128xf32, #tpu.memory_space<vmem>>[vector<16xi32>, vector<16xi32>], vector<16xf32>,
        %gather3A_469 = tpu.vector_load_idx %arg10[%add3A_165, %broadcast_in_dim3A_467] : memref<32x128xf32, #tpu.memory_space<vmem>>[vector<16xi32>, vector<16xi32>], vector<16xf32>,
        %mul3A_470 = arith.mulf %gather3A_468, %gather3A_469 : vector<16xf32>
        %add3A_471 = arith.addf %add3A_465, %mul3A_470 : vector<16xf32>
        %add3A_472 = arith.addf %add3A_399, %add3A_423 : vector<16xf32>
        %add3A_473 = arith.addf %add3A_447, %add3A_471 : vector<16xf32>
        %add3A_474 = arith.addf %add3A_472, %add3A_473 : vector<16xf32>
        %exp3A_475 = math.exp %add3A_474 : vector<16xf32>
        %mul3A_476 = arith.constant 16 : i32
        %mul3A_477 = vector.broadcast %mul3A_476 : i32 to vector<16xi32>
        %mul3A_478 = arith.muli %add3A_165, %mul3A_477 : vector<16xi32>
        %add3A_479 = arith.constant 2 : i32
        %add3A_480 = vector.broadcast %add3A_479 : i32 to vector<16xi32>
        %add3A_481 = arith.addi %mul3A_478, %add3A_480 : vector<16xi32>
        tpu.vector_store_idx %arg15[%add3A_481], %exp3A_475 : memref<512xf32, #tpu.memory_space<vmem>>[vector<16xi32>], vector<16xf32>,
        %broadcast_in_dim3A_482 = arith.constant 48 : i32
        %broadcast_in_dim3A_483 = vector.broadcast %broadcast_in_dim3A_482 : i32 to vector<16xi32>
        %gather3A_484 = tpu.vector_load_idx %arg9[%add3A_165, %broadcast_in_dim3A_483] : memref<32x128xf32, #tpu.memory_space<vmem>>[vector<16xi32>, vector<16xi32>], vector<16xf32>,
        %gather3A_485 = tpu.vector_load_idx %arg10[%add3A_165, %broadcast_in_dim3A_483] : memref<32x128xf32, #tpu.memory_space<vmem>>[vector<16xi32>, vector<16xi32>], vector<16xf32>,
        %mul3A_486 = arith.mulf %gather3A_484, %gather3A_485 : vector<16xf32>
        %add3A_487 = arith.addf %broadcast_in_dim3A_1, %mul3A_486 : vector<16xf32>
        %broadcast_in_dim3A_488 = arith.constant 49 : i32
        %broadcast_in_dim3A_489 = vector.broadcast %broadcast_in_dim3A_488 : i32 to vector<16xi32>
        %gather3A_490 = tpu.vector_load_idx %arg9[%add3A_165, %broadcast_in_dim3A_489] : memref<32x128xf32, #tpu.memory_space<vmem>>[vector<16xi32>, vector<16xi32>], vector<16xf32>,
        %gather3A_491 = tpu.vector_load_idx %arg10[%add3A_165, %broadcast_in_dim3A_489] : memref<32x128xf32, #tpu.memory_space<vmem>>[vector<16xi32>, vector<16xi32>], vector<16xf32>,
        %mul3A_492 = arith.mulf %gather3A_490, %gather3A_491 : vector<16xf32>
        %add3A_493 = arith.addf %add3A_487, %mul3A_492 : vector<16xf32>
        %broadcast_in_dim3A_494 = arith.constant 50 : i32
        %broadcast_in_dim3A_495 = vector.broadcast %broadcast_in_dim3A_494 : i32 to vector<16xi32>
        %gather3A_496 = tpu.vector_load_idx %arg9[%add3A_165, %broadcast_in_dim3A_495] : memref<32x128xf32, #tpu.memory_space<vmem>>[vector<16xi32>, vector<16xi32>], vector<16xf32>,
        %gather3A_497 = tpu.vector_load_idx %arg10[%add3A_165, %broadcast_in_dim3A_495] : memref<32x128xf32, #tpu.memory_space<vmem>>[vector<16xi32>, vector<16xi32>], vector<16xf32>,
        %mul3A_498 = arith.mulf %gather3A_496, %gather3A_497 : vector<16xf32>
        %add3A_499 = arith.addf %add3A_493, %mul3A_498 : vector<16xf32>
        %broadcast_in_dim3A_500 = arith.constant 51 : i32
        %broadcast_in_dim3A_501 = vector.broadcast %broadcast_in_dim3A_500 : i32 to vector<16xi32>
        %gather3A_502 = tpu.vector_load_idx %arg9[%add3A_165, %broadcast_in_dim3A_501] : memref<32x128xf32, #tpu.memory_space<vmem>>[vector<16xi32>, vector<16xi32>], vector<16xf32>,
        %gather3A_503 = tpu.vector_load_idx %arg10[%add3A_165, %broadcast_in_dim3A_501] : memref<32x128xf32, #tpu.memory_space<vmem>>[vector<16xi32>, vector<16xi32>], vector<16xf32>,
        %mul3A_504 = arith.mulf %gather3A_502, %gather3A_503 : vector<16xf32>
        %add3A_505 = arith.addf %add3A_499, %mul3A_504 : vector<16xf32>
        %broadcast_in_dim3A_506 = arith.constant 52 : i32
        %broadcast_in_dim3A_507 = vector.broadcast %broadcast_in_dim3A_506 : i32 to vector<16xi32>
        %gather3A_508 = tpu.vector_load_idx %arg9[%add3A_165, %broadcast_in_dim3A_507] : memref<32x128xf32, #tpu.memory_space<vmem>>[vector<16xi32>, vector<16xi32>], vector<16xf32>,
        %gather3A_509 = tpu.vector_load_idx %arg10[%add3A_165, %broadcast_in_dim3A_507] : memref<32x128xf32, #tpu.memory_space<vmem>>[vector<16xi32>, vector<16xi32>], vector<16xf32>,
        %mul3A_510 = arith.mulf %gather3A_508, %gather3A_509 : vector<16xf32>
        %add3A_511 = arith.addf %broadcast_in_dim3A_1, %mul3A_510 : vector<16xf32>
        %broadcast_in_dim3A_512 = arith.constant 53 : i32
        %broadcast_in_dim3A_513 = vector.broadcast %broadcast_in_dim3A_512 : i32 to vector<16xi32>
        %gather3A_514 = tpu.vector_load_idx %arg9[%add3A_165, %broadcast_in_dim3A_513] : memref<32x128xf32, #tpu.memory_space<vmem>>[vector<16xi32>, vector<16xi32>], vector<16xf32>,
        %gather3A_515 = tpu.vector_load_idx %arg10[%add3A_165, %broadcast_in_dim3A_513] : memref<32x128xf32, #tpu.memory_space<vmem>>[vector<16xi32>, vector<16xi32>], vector<16xf32>,
        %mul3A_516 = arith.mulf %gather3A_514, %gather3A_515 : vector<16xf32>
        %add3A_517 = arith.addf %add3A_511, %mul3A_516 : vector<16xf32>
        %broadcast_in_dim3A_518 = arith.constant 54 : i32
        %broadcast_in_dim3A_519 = vector.broadcast %broadcast_in_dim3A_518 : i32 to vector<16xi32>
        %gather3A_520 = tpu.vector_load_idx %arg9[%add3A_165, %broadcast_in_dim3A_519] : memref<32x128xf32, #tpu.memory_space<vmem>>[vector<16xi32>, vector<16xi32>], vector<16xf32>,
        %gather3A_521 = tpu.vector_load_idx %arg10[%add3A_165, %broadcast_in_dim3A_519] : memref<32x128xf32, #tpu.memory_space<vmem>>[vector<16xi32>, vector<16xi32>], vector<16xf32>,
        %mul3A_522 = arith.mulf %gather3A_520, %gather3A_521 : vector<16xf32>
        %add3A_523 = arith.addf %add3A_517, %mul3A_522 : vector<16xf32>
        %broadcast_in_dim3A_524 = arith.constant 55 : i32
        %broadcast_in_dim3A_525 = vector.broadcast %broadcast_in_dim3A_524 : i32 to vector<16xi32>
        %gather3A_526 = tpu.vector_load_idx %arg9[%add3A_165, %broadcast_in_dim3A_525] : memref<32x128xf32, #tpu.memory_space<vmem>>[vector<16xi32>, vector<16xi32>], vector<16xf32>,
        %gather3A_527 = tpu.vector_load_idx %arg10[%add3A_165, %broadcast_in_dim3A_525] : memref<32x128xf32, #tpu.memory_space<vmem>>[vector<16xi32>, vector<16xi32>], vector<16xf32>,
        %mul3A_528 = arith.mulf %gather3A_526, %gather3A_527 : vector<16xf32>
        %add3A_529 = arith.addf %add3A_523, %mul3A_528 : vector<16xf32>
        %broadcast_in_dim3A_530 = arith.constant 56 : i32
        %broadcast_in_dim3A_531 = vector.broadcast %broadcast_in_dim3A_530 : i32 to vector<16xi32>
        %gather3A_532 = tpu.vector_load_idx %arg9[%add3A_165, %broadcast_in_dim3A_531] : memref<32x128xf32, #tpu.memory_space<vmem>>[vector<16xi32>, vector<16xi32>], vector<16xf32>,
        %gather3A_533 = tpu.vector_load_idx %arg10[%add3A_165, %broadcast_in_dim3A_531] : memref<32x128xf32, #tpu.memory_space<vmem>>[vector<16xi32>, vector<16xi32>], vector<16xf32>,
        %mul3A_534 = arith.mulf %gather3A_532, %gather3A_533 : vector<16xf32>
        %add3A_535 = arith.addf %broadcast_in_dim3A_1, %mul3A_534 : vector<16xf32>
        %broadcast_in_dim3A_536 = arith.constant 57 : i32
        %broadcast_in_dim3A_537 = vector.broadcast %broadcast_in_dim3A_536 : i32 to vector<16xi32>
        %gather3A_538 = tpu.vector_load_idx %arg9[%add3A_165, %broadcast_in_dim3A_537] : memref<32x128xf32, #tpu.memory_space<vmem>>[vector<16xi32>, vector<16xi32>], vector<16xf32>,
        %gather3A_539 = tpu.vector_load_idx %arg10[%add3A_165, %broadcast_in_dim3A_537] : memref<32x128xf32, #tpu.memory_space<vmem>>[vector<16xi32>, vector<16xi32>], vector<16xf32>,
        %mul3A_540 = arith.mulf %gather3A_538, %gather3A_539 : vector<16xf32>
        %add3A_541 = arith.addf %add3A_535, %mul3A_540 : vector<16xf32>
        %broadcast_in_dim3A_542 = arith.constant 58 : i32
        %broadcast_in_dim3A_543 = vector.broadcast %broadcast_in_dim3A_542 : i32 to vector<16xi32>
        %gather3A_544 = tpu.vector_load_idx %arg9[%add3A_165, %broadcast_in_dim3A_543] : memref<32x128xf32, #tpu.memory_space<vmem>>[vector<16xi32>, vector<16xi32>], vector<16xf32>,
        %gather3A_545 = tpu.vector_load_idx %arg10[%add3A_165, %broadcast_in_dim3A_543] : memref<32x128xf32, #tpu.memory_space<vmem>>[vector<16xi32>, vector<16xi32>], vector<16xf32>,
        %mul3A_546 = arith.mulf %gather3A_544, %gather3A_545 : vector<16xf32>
        %add3A_547 = arith.addf %add3A_541, %mul3A_546 : vector<16xf32>
        %broadcast_in_dim3A_548 = arith.constant 59 : i32
        %broadcast_in_dim3A_549 = vector.broadcast %broadcast_in_dim3A_548 : i32 to vector<16xi32>
        %gather3A_550 = tpu.vector_load_idx %arg9[%add3A_165, %broadcast_in_dim3A_549] : memref<32x128xf32, #tpu.memory_space<vmem>>[vector<16xi32>, vector<16xi32>], vector<16xf32>,
        %gather3A_551 = tpu.vector_load_idx %arg10[%add3A_165, %broadcast_in_dim3A_549] : memref<32x128xf32, #tpu.memory_space<vmem>>[vector<16xi32>, vector<16xi32>], vector<16xf32>,
        %mul3A_552 = arith.mulf %gather3A_550, %gather3A_551 : vector<16xf32>
        %add3A_553 = arith.addf %add3A_547, %mul3A_552 : vector<16xf32>
        %broadcast_in_dim3A_554 = arith.constant 60 : i32
        %broadcast_in_dim3A_555 = vector.broadcast %broadcast_in_dim3A_554 : i32 to vector<16xi32>
        %gather3A_556 = tpu.vector_load_idx %arg9[%add3A_165, %broadcast_in_dim3A_555] : memref<32x128xf32, #tpu.memory_space<vmem>>[vector<16xi32>, vector<16xi32>], vector<16xf32>,
        %gather3A_557 = tpu.vector_load_idx %arg10[%add3A_165, %broadcast_in_dim3A_555] : memref<32x128xf32, #tpu.memory_space<vmem>>[vector<16xi32>, vector<16xi32>], vector<16xf32>,
        %mul3A_558 = arith.mulf %gather3A_556, %gather3A_557 : vector<16xf32>
        %add3A_559 = arith.addf %broadcast_in_dim3A_1, %mul3A_558 : vector<16xf32>
        %broadcast_in_dim3A_560 = arith.constant 61 : i32
        %broadcast_in_dim3A_561 = vector.broadcast %broadcast_in_dim3A_560 : i32 to vector<16xi32>
        %gather3A_562 = tpu.vector_load_idx %arg9[%add3A_165, %broadcast_in_dim3A_561] : memref<32x128xf32, #tpu.memory_space<vmem>>[vector<16xi32>, vector<16xi32>], vector<16xf32>,
        %gather3A_563 = tpu.vector_load_idx %arg10[%add3A_165, %broadcast_in_dim3A_561] : memref<32x128xf32, #tpu.memory_space<vmem>>[vector<16xi32>, vector<16xi32>], vector<16xf32>,
        %mul3A_564 = arith.mulf %gather3A_562, %gather3A_563 : vector<16xf32>
        %add3A_565 = arith.addf %add3A_559, %mul3A_564 : vector<16xf32>
        %broadcast_in_dim3A_566 = arith.constant 62 : i32
        %broadcast_in_dim3A_567 = vector.broadcast %broadcast_in_dim3A_566 : i32 to vector<16xi32>
        %gather3A_568 = tpu.vector_load_idx %arg9[%add3A_165, %broadcast_in_dim3A_567] : memref<32x128xf32, #tpu.memory_space<vmem>>[vector<16xi32>, vector<16xi32>], vector<16xf32>,
        %gather3A_569 = tpu.vector_load_idx %arg10[%add3A_165, %broadcast_in_dim3A_567] : memref<32x128xf32, #tpu.memory_space<vmem>>[vector<16xi32>, vector<16xi32>], vector<16xf32>,
        %mul3A_570 = arith.mulf %gather3A_568, %gather3A_569 : vector<16xf32>
        %add3A_571 = arith.addf %add3A_565, %mul3A_570 : vector<16xf32>
        %broadcast_in_dim3A_572 = arith.constant 63 : i32
        %broadcast_in_dim3A_573 = vector.broadcast %broadcast_in_dim3A_572 : i32 to vector<16xi32>
        %gather3A_574 = tpu.vector_load_idx %arg9[%add3A_165, %broadcast_in_dim3A_573] : memref<32x128xf32, #tpu.memory_space<vmem>>[vector<16xi32>, vector<16xi32>], vector<16xf32>,
        %gather3A_575 = tpu.vector_load_idx %arg10[%add3A_165, %broadcast_in_dim3A_573] : memref<32x128xf32, #tpu.memory_space<vmem>>[vector<16xi32>, vector<16xi32>], vector<16xf32>,
        %mul3A_576 = arith.mulf %gather3A_574, %gather3A_575 : vector<16xf32>
        %add3A_577 = arith.addf %add3A_571, %mul3A_576 : vector<16xf32>
        %add3A_578 = arith.addf %add3A_505, %add3A_529 : vector<16xf32>
        %add3A_579 = arith.addf %add3A_553, %add3A_577 : vector<16xf32>
        %add3A_580 = arith.addf %add3A_578, %add3A_579 : vector<16xf32>
        %exp3A_581 = math.exp %add3A_580 : vector<16xf32>
        %mul3A_582 = arith.constant 16 : i32
        %mul3A_583 = vector.broadcast %mul3A_582 : i32 to vector<16xi32>
        %mul3A_584 = arith.muli %add3A_165, %mul3A_583 : vector<16xi32>
        %add3A_585 = arith.constant 3 : i32
        %add3A_586 = vector.broadcast %add3A_585 : i32 to vector<16xi32>
        %add3A_587 = arith.addi %mul3A_584, %add3A_586 : vector<16xi32>
        tpu.vector_store_idx %arg15[%add3A_587], %exp3A_581 : memref<512xf32, #tpu.memory_space<vmem>>[vector<16xi32>], vector<16xf32>,
        %broadcast_in_dim3A_588 = arith.constant 64 : i32
        %broadcast_in_dim3A_589 = vector.broadcast %broadcast_in_dim3A_588 : i32 to vector<16xi32>
        %gather3A_590 = tpu.vector_load_idx %arg9[%add3A_165, %broadcast_in_dim3A_589] : memref<32x128xf32, #tpu.memory_space<vmem>>[vector<16xi32>, vector<16xi32>], vector<16xf32>,
        %gather3A_591 = tpu.vector_load_idx %arg10[%add3A_165, %broadcast_in_dim3A_589] : memref<32x128xf32, #tpu.memory_space<vmem>>[vector<16xi32>, vector<16xi32>], vector<16xf32>,
        %mul3A_592 = arith.mulf %gather3A_590, %gather3A_591 : vector<16xf32>
        %add3A_593 = arith.addf %broadcast_in_dim3A_1, %mul3A_592 : vector<16xf32>
        %broadcast_in_dim3A_594 = arith.constant 65 : i32
        %broadcast_in_dim3A_595 = vector.broadcast %broadcast_in_dim3A_594 : i32 to vector<16xi32>
        %gather3A_596 = tpu.vector_load_idx %arg9[%add3A_165, %broadcast_in_dim3A_595] : memref<32x128xf32, #tpu.memory_space<vmem>>[vector<16xi32>, vector<16xi32>], vector<16xf32>,
        %gather3A_597 = tpu.vector_load_idx %arg10[%add3A_165, %broadcast_in_dim3A_595] : memref<32x128xf32, #tpu.memory_space<vmem>>[vector<16xi32>, vector<16xi32>], vector<16xf32>,
        %mul3A_598 = arith.mulf %gather3A_596, %gather3A_597 : vector<16xf32>
        %add3A_599 = arith.addf %add3A_593, %mul3A_598 : vector<16xf32>
        %broadcast_in_dim3A_600 = arith.constant 66 : i32
        %broadcast_in_dim3A_601 = vector.broadcast %broadcast_in_dim3A_600 : i32 to vector<16xi32>
        %gather3A_602 = tpu.vector_load_idx %arg9[%add3A_165, %broadcast_in_dim3A_601] : memref<32x128xf32, #tpu.memory_space<vmem>>[vector<16xi32>, vector<16xi32>], vector<16xf32>,
        %gather3A_603 = tpu.vector_load_idx %arg10[%add3A_165, %broadcast_in_dim3A_601] : memref<32x128xf32, #tpu.memory_space<vmem>>[vector<16xi32>, vector<16xi32>], vector<16xf32>,
        %mul3A_604 = arith.mulf %gather3A_602, %gather3A_603 : vector<16xf32>
        %add3A_605 = arith.addf %add3A_599, %mul3A_604 : vector<16xf32>
        %broadcast_in_dim3A_606 = arith.constant 67 : i32
        %broadcast_in_dim3A_607 = vector.broadcast %broadcast_in_dim3A_606 : i32 to vector<16xi32>
        %gather3A_608 = tpu.vector_load_idx %arg9[%add3A_165, %broadcast_in_dim3A_607] : memref<32x128xf32, #tpu.memory_space<vmem>>[vector<16xi32>, vector<16xi32>], vector<16xf32>,
        %gather3A_609 = tpu.vector_load_idx %arg10[%add3A_165, %broadcast_in_dim3A_607] : memref<32x128xf32, #tpu.memory_space<vmem>>[vector<16xi32>, vector<16xi32>], vector<16xf32>,
        %mul3A_610 = arith.mulf %gather3A_608, %gather3A_609 : vector<16xf32>
        %add3A_611 = arith.addf %add3A_605, %mul3A_610 : vector<16xf32>
        %broadcast_in_dim3A_612 = arith.constant 68 : i32
        %broadcast_in_dim3A_613 = vector.broadcast %broadcast_in_dim3A_612 : i32 to vector<16xi32>
        %gather3A_614 = tpu.vector_load_idx %arg9[%add3A_165, %broadcast_in_dim3A_613] : memref<32x128xf32, #tpu.memory_space<vmem>>[vector<16xi32>, vector<16xi32>], vector<16xf32>,
        %gather3A_615 = tpu.vector_load_idx %arg10[%add3A_165, %broadcast_in_dim3A_613] : memref<32x128xf32, #tpu.memory_space<vmem>>[vector<16xi32>, vector<16xi32>], vector<16xf32>,
        %mul3A_616 = arith.mulf %gather3A_614, %gather3A_615 : vector<16xf32>
        %add3A_617 = arith.addf %broadcast_in_dim3A_1, %mul3A_616 : vector<16xf32>
        %broadcast_in_dim3A_618 = arith.constant 69 : i32
        %broadcast_in_dim3A_619 = vector.broadcast %broadcast_in_dim3A_618 : i32 to vector<16xi32>
        %gather3A_620 = tpu.vector_load_idx %arg9[%add3A_165, %broadcast_in_dim3A_619] : memref<32x128xf32, #tpu.memory_space<vmem>>[vector<16xi32>, vector<16xi32>], vector<16xf32>,
        %gather3A_621 = tpu.vector_load_idx %arg10[%add3A_165, %broadcast_in_dim3A_619] : memref<32x128xf32, #tpu.memory_space<vmem>>[vector<16xi32>, vector<16xi32>], vector<16xf32>,
        %mul3A_622 = arith.mulf %gather3A_620, %gather3A_621 : vector<16xf32>
        %add3A_623 = arith.addf %add3A_617, %mul3A_622 : vector<16xf32>
        %broadcast_in_dim3A_624 = arith.constant 70 : i32
        %broadcast_in_dim3A_625 = vector.broadcast %broadcast_in_dim3A_624 : i32 to vector<16xi32>
        %gather3A_626 = tpu.vector_load_idx %arg9[%add3A_165, %broadcast_in_dim3A_625] : memref<32x128xf32, #tpu.memory_space<vmem>>[vector<16xi32>, vector<16xi32>], vector<16xf32>,
        %gather3A_627 = tpu.vector_load_idx %arg10[%add3A_165, %broadcast_in_dim3A_625] : memref<32x128xf32, #tpu.memory_space<vmem>>[vector<16xi32>, vector<16xi32>], vector<16xf32>,
        %mul3A_628 = arith.mulf %gather3A_626, %gather3A_627 : vector<16xf32>
        %add3A_629 = arith.addf %add3A_623, %mul3A_628 : vector<16xf32>
        %broadcast_in_dim3A_630 = arith.constant 71 : i32
        %broadcast_in_dim3A_631 = vector.broadcast %broadcast_in_dim3A_630 : i32 to vector<16xi32>
        %gather3A_632 = tpu.vector_load_idx %arg9[%add3A_165, %broadcast_in_dim3A_631] : memref<32x128xf32, #tpu.memory_space<vmem>>[vector<16xi32>, vector<16xi32>], vector<16xf32>,
        %gather3A_633 = tpu.vector_load_idx %arg10[%add3A_165, %broadcast_in_dim3A_631] : memref<32x128xf32, #tpu.memory_space<vmem>>[vector<16xi32>, vector<16xi32>], vector<16xf32>,
        %mul3A_634 = arith.mulf %gather3A_632, %gather3A_633 : vector<16xf32>
        %add3A_635 = arith.addf %add3A_629, %mul3A_634 : vector<16xf32>
        %broadcast_in_dim3A_636 = arith.constant 72 : i32
        %broadcast_in_dim3A_637 = vector.broadcast %broadcast_in_dim3A_636 : i32 to vector<16xi32>
        %gather3A_638 = tpu.vector_load_idx %arg9[%add3A_165, %broadcast_in_dim3A_637] : memref<32x128xf32, #tpu.memory_space<vmem>>[vector<16xi32>, vector<16xi32>], vector<16xf32>,
        %gather3A_639 = tpu.vector_load_idx %arg10[%add3A_165, %broadcast_in_dim3A_637] : memref<32x128xf32, #tpu.memory_space<vmem>>[vector<16xi32>, vector<16xi32>], vector<16xf32>,
        %mul3A_640 = arith.mulf %gather3A_638, %gather3A_639 : vector<16xf32>
        %add3A_641 = arith.addf %broadcast_in_dim3A_1, %mul3A_640 : vector<16xf32>
        %broadcast_in_dim3A_642 = arith.constant 73 : i32
        %broadcast_in_dim3A_643 = vector.broadcast %broadcast_in_dim3A_642 : i32 to vector<16xi32>
        %gather3A_644 = tpu.vector_load_idx %arg9[%add3A_165, %broadcast_in_dim3A_643] : memref<32x128xf32, #tpu.memory_space<vmem>>[vector<16xi32>, vector<16xi32>], vector<16xf32>,
        %gather3A_645 = tpu.vector_load_idx %arg10[%add3A_165, %broadcast_in_dim3A_643] : memref<32x128xf32, #tpu.memory_space<vmem>>[vector<16xi32>, vector<16xi32>], vector<16xf32>,
        %mul3A_646 = arith.mulf %gather3A_644, %gather3A_645 : vector<16xf32>
        %add3A_647 = arith.addf %add3A_641, %mul3A_646 : vector<16xf32>
        %broadcast_in_dim3A_648 = arith.constant 74 : i32
        %broadcast_in_dim3A_649 = vector.broadcast %broadcast_in_dim3A_648 : i32 to vector<16xi32>
        %gather3A_650 = tpu.vector_load_idx %arg9[%add3A_165, %broadcast_in_dim3A_649] : memref<32x128xf32, #tpu.memory_space<vmem>>[vector<16xi32>, vector<16xi32>], vector<16xf32>,
        %gather3A_651 = tpu.vector_load_idx %arg10[%add3A_165, %broadcast_in_dim3A_649] : memref<32x128xf32, #tpu.memory_space<vmem>>[vector<16xi32>, vector<16xi32>], vector<16xf32>,
        %mul3A_652 = arith.mulf %gather3A_650, %gather3A_651 : vector<16xf32>
        %add3A_653 = arith.addf %add3A_647, %mul3A_652 : vector<16xf32>
        %broadcast_in_dim3A_654 = arith.constant 75 : i32
        %broadcast_in_dim3A_655 = vector.broadcast %broadcast_in_dim3A_654 : i32 to vector<16xi32>
        %gather3A_656 = tpu.vector_load_idx %arg9[%add3A_165, %broadcast_in_dim3A_655] : memref<32x128xf32, #tpu.memory_space<vmem>>[vector<16xi32>, vector<16xi32>], vector<16xf32>,
        %gather3A_657 = tpu.vector_load_idx %arg10[%add3A_165, %broadcast_in_dim3A_655] : memref<32x128xf32, #tpu.memory_space<vmem>>[vector<16xi32>, vector<16xi32>], vector<16xf32>,
        %mul3A_658 = arith.mulf %gather3A_656, %gather3A_657 : vector<16xf32>
        %add3A_659 = arith.addf %add3A_653, %mul3A_658 : vector<16xf32>
        %broadcast_in_dim3A_660 = arith.constant 76 : i32
        %broadcast_in_dim3A_661 = vector.broadcast %broadcast_in_dim3A_660 : i32 to vector<16xi32>
        %gather3A_662 = tpu.vector_load_idx %arg9[%add3A_165, %broadcast_in_dim3A_661] : memref<32x128xf32, #tpu.memory_space<vmem>>[vector<16xi32>, vector<16xi32>], vector<16xf32>,
        %gather3A_663 = tpu.vector_load_idx %arg10[%add3A_165, %broadcast_in_dim3A_661] : memref<32x128xf32, #tpu.memory_space<vmem>>[vector<16xi32>, vector<16xi32>], vector<16xf32>,
        %mul3A_664 = arith.mulf %gather3A_662, %gather3A_663 : vector<16xf32>
        %add3A_665 = arith.addf %broadcast_in_dim3A_1, %mul3A_664 : vector<16xf32>
        %broadcast_in_dim3A_666 = arith.constant 77 : i32
        %broadcast_in_dim3A_667 = vector.broadcast %broadcast_in_dim3A_666 : i32 to vector<16xi32>
        %gather3A_668 = tpu.vector_load_idx %arg9[%add3A_165, %broadcast_in_dim3A_667] : memref<32x128xf32, #tpu.memory_space<vmem>>[vector<16xi32>, vector<16xi32>], vector<16xf32>,
        %gather3A_669 = tpu.vector_load_idx %arg10[%add3A_165, %broadcast_in_dim3A_667] : memref<32x128xf32, #tpu.memory_space<vmem>>[vector<16xi32>, vector<16xi32>], vector<16xf32>,
        %mul3A_670 = arith.mulf %gather3A_668, %gather3A_669 : vector<16xf32>
        %add3A_671 = arith.addf %add3A_665, %mul3A_670 : vector<16xf32>
        %broadcast_in_dim3A_672 = arith.constant 78 : i32
        %broadcast_in_dim3A_673 = vector.broadcast %broadcast_in_dim3A_672 : i32 to vector<16xi32>
        %gather3A_674 = tpu.vector_load_idx %arg9[%add3A_165, %broadcast_in_dim3A_673] : memref<32x128xf32, #tpu.memory_space<vmem>>[vector<16xi32>, vector<16xi32>], vector<16xf32>,
        %gather3A_675 = tpu.vector_load_idx %arg10[%add3A_165, %broadcast_in_dim3A_673] : memref<32x128xf32, #tpu.memory_space<vmem>>[vector<16xi32>, vector<16xi32>], vector<16xf32>,
        %mul3A_676 = arith.mulf %gather3A_674, %gather3A_675 : vector<16xf32>
        %add3A_677 = arith.addf %add3A_671, %mul3A_676 : vector<16xf32>
        %broadcast_in_dim3A_678 = arith.constant 79 : i32
        %broadcast_in_dim3A_679 = vector.broadcast %broadcast_in_dim3A_678 : i32 to vector<16xi32>
        %gather3A_680 = tpu.vector_load_idx %arg9[%add3A_165, %broadcast_in_dim3A_679] : memref<32x128xf32, #tpu.memory_space<vmem>>[vector<16xi32>, vector<16xi32>], vector<16xf32>,
        %gather3A_681 = tpu.vector_load_idx %arg10[%add3A_165, %broadcast_in_dim3A_679] : memref<32x128xf32, #tpu.memory_space<vmem>>[vector<16xi32>, vector<16xi32>], vector<16xf32>,
        %mul3A_682 = arith.mulf %gather3A_680, %gather3A_681 : vector<16xf32>
        %add3A_683 = arith.addf %add3A_677, %mul3A_682 : vector<16xf32>
        %add3A_684 = arith.addf %add3A_611, %add3A_635 : vector<16xf32>
        %add3A_685 = arith.addf %add3A_659, %add3A_683 : vector<16xf32>
        %add3A_686 = arith.addf %add3A_684, %add3A_685 : vector<16xf32>
        %exp3A_687 = math.exp %add3A_686 : vector<16xf32>
        %mul3A_688 = arith.constant 16 : i32
        %mul3A_689 = vector.broadcast %mul3A_688 : i32 to vector<16xi32>
        %mul3A_690 = arith.muli %add3A_165, %mul3A_689 : vector<16xi32>
        %add3A_691 = arith.constant 4 : i32
        %add3A_692 = vector.broadcast %add3A_691 : i32 to vector<16xi32>
        %add3A_693 = arith.addi %mul3A_690, %add3A_692 : vector<16xi32>
        tpu.vector_store_idx %arg15[%add3A_693], %exp3A_687 : memref<512xf32, #tpu.memory_space<vmem>>[vector<16xi32>], vector<16xf32>,
        %broadcast_in_dim3A_694 = arith.constant 80 : i32
        %broadcast_in_dim3A_695 = vector.broadcast %broadcast_in_dim3A_694 : i32 to vector<16xi32>
        %gather3A_696 = tpu.vector_load_idx %arg9[%add3A_165, %broadcast_in_dim3A_695] : memref<32x128xf32, #tpu.memory_space<vmem>>[vector<16xi32>, vector<16xi32>], vector<16xf32>,
        %gather3A_697 = tpu.vector_load_idx %arg10[%add3A_165, %broadcast_in_dim3A_695] : memref<32x128xf32, #tpu.memory_space<vmem>>[vector<16xi32>, vector<16xi32>], vector<16xf32>,
        %mul3A_698 = arith.mulf %gather3A_696, %gather3A_697 : vector<16xf32>
        %add3A_699 = arith.addf %broadcast_in_dim3A_1, %mul3A_698 : vector<16xf32>
        %broadcast_in_dim3A_700 = arith.constant 81 : i32
        %broadcast_in_dim3A_701 = vector.broadcast %broadcast_in_dim3A_700 : i32 to vector<16xi32>
        %gather3A_702 = tpu.vector_load_idx %arg9[%add3A_165, %broadcast_in_dim3A_701] : memref<32x128xf32, #tpu.memory_space<vmem>>[vector<16xi32>, vector<16xi32>], vector<16xf32>,
        %gather3A_703 = tpu.vector_load_idx %arg10[%add3A_165, %broadcast_in_dim3A_701] : memref<32x128xf32, #tpu.memory_space<vmem>>[vector<16xi32>, vector<16xi32>], vector<16xf32>,
        %mul3A_704 = arith.mulf %gather3A_702, %gather3A_703 : vector<16xf32>
        %add3A_705 = arith.addf %add3A_699, %mul3A_704 : vector<16xf32>
        %broadcast_in_dim3A_706 = arith.constant 82 : i32
        %broadcast_in_dim3A_707 = vector.broadcast %broadcast_in_dim3A_706 : i32 to vector<16xi32>
        %gather3A_708 = tpu.vector_load_idx %arg9[%add3A_165, %broadcast_in_dim3A_707] : memref<32x128xf32, #tpu.memory_space<vmem>>[vector<16xi32>, vector<16xi32>], vector<16xf32>,
        %gather3A_709 = tpu.vector_load_idx %arg10[%add3A_165, %broadcast_in_dim3A_707] : memref<32x128xf32, #tpu.memory_space<vmem>>[vector<16xi32>, vector<16xi32>], vector<16xf32>,
        %mul3A_710 = arith.mulf %gather3A_708, %gather3A_709 : vector<16xf32>
        %add3A_711 = arith.addf %add3A_705, %mul3A_710 : vector<16xf32>
        %broadcast_in_dim3A_712 = arith.constant 83 : i32
        %broadcast_in_dim3A_713 = vector.broadcast %broadcast_in_dim3A_712 : i32 to vector<16xi32>
        %gather3A_714 = tpu.vector_load_idx %arg9[%add3A_165, %broadcast_in_dim3A_713] : memref<32x128xf32, #tpu.memory_space<vmem>>[vector<16xi32>, vector<16xi32>], vector<16xf32>,
        %gather3A_715 = tpu.vector_load_idx %arg10[%add3A_165, %broadcast_in_dim3A_713] : memref<32x128xf32, #tpu.memory_space<vmem>>[vector<16xi32>, vector<16xi32>], vector<16xf32>,
        %mul3A_716 = arith.mulf %gather3A_714, %gather3A_715 : vector<16xf32>
        %add3A_717 = arith.addf %add3A_711, %mul3A_716 : vector<16xf32>
        %broadcast_in_dim3A_718 = arith.constant 84 : i32
        %broadcast_in_dim3A_719 = vector.broadcast %broadcast_in_dim3A_718 : i32 to vector<16xi32>
        %gather3A_720 = tpu.vector_load_idx %arg9[%add3A_165, %broadcast_in_dim3A_719] : memref<32x128xf32, #tpu.memory_space<vmem>>[vector<16xi32>, vector<16xi32>], vector<16xf32>,
        %gather3A_721 = tpu.vector_load_idx %arg10[%add3A_165, %broadcast_in_dim3A_719] : memref<32x128xf32, #tpu.memory_space<vmem>>[vector<16xi32>, vector<16xi32>], vector<16xf32>,
        %mul3A_722 = arith.mulf %gather3A_720, %gather3A_721 : vector<16xf32>
        %add3A_723 = arith.addf %broadcast_in_dim3A_1, %mul3A_722 : vector<16xf32>
        %broadcast_in_dim3A_724 = arith.constant 85 : i32
        %broadcast_in_dim3A_725 = vector.broadcast %broadcast_in_dim3A_724 : i32 to vector<16xi32>
        %gather3A_726 = tpu.vector_load_idx %arg9[%add3A_165, %broadcast_in_dim3A_725] : memref<32x128xf32, #tpu.memory_space<vmem>>[vector<16xi32>, vector<16xi32>], vector<16xf32>,
        %gather3A_727 = tpu.vector_load_idx %arg10[%add3A_165, %broadcast_in_dim3A_725] : memref<32x128xf32, #tpu.memory_space<vmem>>[vector<16xi32>, vector<16xi32>], vector<16xf32>,
        %mul3A_728 = arith.mulf %gather3A_726, %gather3A_727 : vector<16xf32>
        %add3A_729 = arith.addf %add3A_723, %mul3A_728 : vector<16xf32>
        %broadcast_in_dim3A_730 = arith.constant 86 : i32
        %broadcast_in_dim3A_731 = vector.broadcast %broadcast_in_dim3A_730 : i32 to vector<16xi32>
        %gather3A_732 = tpu.vector_load_idx %arg9[%add3A_165, %broadcast_in_dim3A_731] : memref<32x128xf32, #tpu.memory_space<vmem>>[vector<16xi32>, vector<16xi32>], vector<16xf32>,
        %gather3A_733 = tpu.vector_load_idx %arg10[%add3A_165, %broadcast_in_dim3A_731] : memref<32x128xf32, #tpu.memory_space<vmem>>[vector<16xi32>, vector<16xi32>], vector<16xf32>,
        %mul3A_734 = arith.mulf %gather3A_732, %gather3A_733 : vector<16xf32>
        %add3A_735 = arith.addf %add3A_729, %mul3A_734 : vector<16xf32>
        %broadcast_in_dim3A_736 = arith.constant 87 : i32
        %broadcast_in_dim3A_737 = vector.broadcast %broadcast_in_dim3A_736 : i32 to vector<16xi32>
        %gather3A_738 = tpu.vector_load_idx %arg9[%add3A_165, %broadcast_in_dim3A_737] : memref<32x128xf32, #tpu.memory_space<vmem>>[vector<16xi32>, vector<16xi32>], vector<16xf32>,
        %gather3A_739 = tpu.vector_load_idx %arg10[%add3A_165, %broadcast_in_dim3A_737] : memref<32x128xf32, #tpu.memory_space<vmem>>[vector<16xi32>, vector<16xi32>], vector<16xf32>,
        %mul3A_740 = arith.mulf %gather3A_738, %gather3A_739 : vector<16xf32>
        %add3A_741 = arith.addf %add3A_735, %mul3A_740 : vector<16xf32>
        %broadcast_in_dim3A_742 = arith.constant 88 : i32
        %broadcast_in_dim3A_743 = vector.broadcast %broadcast_in_dim3A_742 : i32 to vector<16xi32>
        %gather3A_744 = tpu.vector_load_idx %arg9[%add3A_165, %broadcast_in_dim3A_743] : memref<32x128xf32, #tpu.memory_space<vmem>>[vector<16xi32>, vector<16xi32>], vector<16xf32>,
        %gather3A_745 = tpu.vector_load_idx %arg10[%add3A_165, %broadcast_in_dim3A_743] : memref<32x128xf32, #tpu.memory_space<vmem>>[vector<16xi32>, vector<16xi32>], vector<16xf32>,
        %mul3A_746 = arith.mulf %gather3A_744, %gather3A_745 : vector<16xf32>
        %add3A_747 = arith.addf %broadcast_in_dim3A_1, %mul3A_746 : vector<16xf32>
        %broadcast_in_dim3A_748 = arith.constant 89 : i32
        %broadcast_in_dim3A_749 = vector.broadcast %broadcast_in_dim3A_748 : i32 to vector<16xi32>
        %gather3A_750 = tpu.vector_load_idx %arg9[%add3A_165, %broadcast_in_dim3A_749] : memref<32x128xf32, #tpu.memory_space<vmem>>[vector<16xi32>, vector<16xi32>], vector<16xf32>,
        %gather3A_751 = tpu.vector_load_idx %arg10[%add3A_165, %broadcast_in_dim3A_749] : memref<32x128xf32, #tpu.memory_space<vmem>>[vector<16xi32>, vector<16xi32>], vector<16xf32>,
        %mul3A_752 = arith.mulf %gather3A_750, %gather3A_751 : vector<16xf32>
        %add3A_753 = arith.addf %add3A_747, %mul3A_752 : vector<16xf32>
        %broadcast_in_dim3A_754 = arith.constant 90 : i32
        %broadcast_in_dim3A_755 = vector.broadcast %broadcast_in_dim3A_754 : i32 to vector<16xi32>
        %gather3A_756 = tpu.vector_load_idx %arg9[%add3A_165, %broadcast_in_dim3A_755] : memref<32x128xf32, #tpu.memory_space<vmem>>[vector<16xi32>, vector<16xi32>], vector<16xf32>,
        %gather3A_757 = tpu.vector_load_idx %arg10[%add3A_165, %broadcast_in_dim3A_755] : memref<32x128xf32, #tpu.memory_space<vmem>>[vector<16xi32>, vector<16xi32>], vector<16xf32>,
        %mul3A_758 = arith.mulf %gather3A_756, %gather3A_757 : vector<16xf32>
        %add3A_759 = arith.addf %add3A_753, %mul3A_758 : vector<16xf32>
        %broadcast_in_dim3A_760 = arith.constant 91 : i32
        %broadcast_in_dim3A_761 = vector.broadcast %broadcast_in_dim3A_760 : i32 to vector<16xi32>
        %gather3A_762 = tpu.vector_load_idx %arg9[%add3A_165, %broadcast_in_dim3A_761] : memref<32x128xf32, #tpu.memory_space<vmem>>[vector<16xi32>, vector<16xi32>], vector<16xf32>,
        %gather3A_763 = tpu.vector_load_idx %arg10[%add3A_165, %broadcast_in_dim3A_761] : memref<32x128xf32, #tpu.memory_space<vmem>>[vector<16xi32>, vector<16xi32>], vector<16xf32>,
        %mul3A_764 = arith.mulf %gather3A_762, %gather3A_763 : vector<16xf32>
        %add3A_765 = arith.addf %add3A_759, %mul3A_764 : vector<16xf32>
        %broadcast_in_dim3A_766 = arith.constant 92 : i32
        %broadcast_in_dim3A_767 = vector.broadcast %broadcast_in_dim3A_766 : i32 to vector<16xi32>
        %gather3A_768 = tpu.vector_load_idx %arg9[%add3A_165, %broadcast_in_dim3A_767] : memref<32x128xf32, #tpu.memory_space<vmem>>[vector<16xi32>, vector<16xi32>], vector<16xf32>,
        %gather3A_769 = tpu.vector_load_idx %arg10[%add3A_165, %broadcast_in_dim3A_767] : memref<32x128xf32, #tpu.memory_space<vmem>>[vector<16xi32>, vector<16xi32>], vector<16xf32>,
        %mul3A_770 = arith.mulf %gather3A_768, %gather3A_769 : vector<16xf32>
        %add3A_771 = arith.addf %broadcast_in_dim3A_1, %mul3A_770 : vector<16xf32>
        %broadcast_in_dim3A_772 = arith.constant 93 : i32
        %broadcast_in_dim3A_773 = vector.broadcast %broadcast_in_dim3A_772 : i32 to vector<16xi32>
        %gather3A_774 = tpu.vector_load_idx %arg9[%add3A_165, %broadcast_in_dim3A_773] : memref<32x128xf32, #tpu.memory_space<vmem>>[vector<16xi32>, vector<16xi32>], vector<16xf32>,
        %gather3A_775 = tpu.vector_load_idx %arg10[%add3A_165, %broadcast_in_dim3A_773] : memref<32x128xf32, #tpu.memory_space<vmem>>[vector<16xi32>, vector<16xi32>], vector<16xf32>,
        %mul3A_776 = arith.mulf %gather3A_774, %gather3A_775 : vector<16xf32>
        %add3A_777 = arith.addf %add3A_771, %mul3A_776 : vector<16xf32>
        %broadcast_in_dim3A_778 = arith.constant 94 : i32
        %broadcast_in_dim3A_779 = vector.broadcast %broadcast_in_dim3A_778 : i32 to vector<16xi32>
        %gather3A_780 = tpu.vector_load_idx %arg9[%add3A_165, %broadcast_in_dim3A_779] : memref<32x128xf32, #tpu.memory_space<vmem>>[vector<16xi32>, vector<16xi32>], vector<16xf32>,
        %gather3A_781 = tpu.vector_load_idx %arg10[%add3A_165, %broadcast_in_dim3A_779] : memref<32x128xf32, #tpu.memory_space<vmem>>[vector<16xi32>, vector<16xi32>], vector<16xf32>,
        %mul3A_782 = arith.mulf %gather3A_780, %gather3A_781 : vector<16xf32>
        %add3A_783 = arith.addf %add3A_777, %mul3A_782 : vector<16xf32>
        %broadcast_in_dim3A_784 = arith.constant 95 : i32
        %broadcast_in_dim3A_785 = vector.broadcast %broadcast_in_dim3A_784 : i32 to vector<16xi32>
        %gather3A_786 = tpu.vector_load_idx %arg9[%add3A_165, %broadcast_in_dim3A_785] : memref<32x128xf32, #tpu.memory_space<vmem>>[vector<16xi32>, vector<16xi32>], vector<16xf32>,
        %gather3A_787 = tpu.vector_load_idx %arg10[%add3A_165, %broadcast_in_dim3A_785] : memref<32x128xf32, #tpu.memory_space<vmem>>[vector<16xi32>, vector<16xi32>], vector<16xf32>,
        %mul3A_788 = arith.mulf %gather3A_786, %gather3A_787 : vector<16xf32>
        %add3A_789 = arith.addf %add3A_783, %mul3A_788 : vector<16xf32>
        %add3A_790 = arith.addf %add3A_717, %add3A_741 : vector<16xf32>
        %add3A_791 = arith.addf %add3A_765, %add3A_789 : vector<16xf32>
        %add3A_792 = arith.addf %add3A_790, %add3A_791 : vector<16xf32>
        %exp3A_793 = math.exp %add3A_792 : vector<16xf32>
        %mul3A_794 = arith.constant 16 : i32
        %mul3A_795 = vector.broadcast %mul3A_794 : i32 to vector<16xi32>
        %mul3A_796 = arith.muli %add3A_165, %mul3A_795 : vector<16xi32>
        %add3A_797 = arith.constant 5 : i32
        %add3A_798 = vector.broadcast %add3A_797 : i32 to vector<16xi32>
        %add3A_799 = arith.addi %mul3A_796, %add3A_798 : vector<16xi32>
        tpu.vector_store_idx %arg15[%add3A_799], %exp3A_793 : memref<512xf32, #tpu.memory_space<vmem>>[vector<16xi32>], vector<16xf32>,
        %broadcast_in_dim3A_800 = arith.constant 96 : i32
        %broadcast_in_dim3A_801 = vector.broadcast %broadcast_in_dim3A_800 : i32 to vector<16xi32>
        %gather3A_802 = tpu.vector_load_idx %arg9[%add3A_165, %broadcast_in_dim3A_801] : memref<32x128xf32, #tpu.memory_space<vmem>>[vector<16xi32>, vector<16xi32>], vector<16xf32>,
        %gather3A_803 = tpu.vector_load_idx %arg10[%add3A_165, %broadcast_in_dim3A_801] : memref<32x128xf32, #tpu.memory_space<vmem>>[vector<16xi32>, vector<16xi32>], vector<16xf32>,
        %mul3A_804 = arith.mulf %gather3A_802, %gather3A_803 : vector<16xf32>
        %add3A_805 = arith.addf %broadcast_in_dim3A_1, %mul3A_804 : vector<16xf32>
        %broadcast_in_dim3A_806 = arith.constant 97 : i32
        %broadcast_in_dim3A_807 = vector.broadcast %broadcast_in_dim3A_806 : i32 to vector<16xi32>
        %gather3A_808 = tpu.vector_load_idx %arg9[%add3A_165, %broadcast_in_dim3A_807] : memref<32x128xf32, #tpu.memory_space<vmem>>[vector<16xi32>, vector<16xi32>], vector<16xf32>,
        %gather3A_809 = tpu.vector_load_idx %arg10[%add3A_165, %broadcast_in_dim3A_807] : memref<32x128xf32, #tpu.memory_space<vmem>>[vector<16xi32>, vector<16xi32>], vector<16xf32>,
        %mul3A_810 = arith.mulf %gather3A_808, %gather3A_809 : vector<16xf32>
        %add3A_811 = arith.addf %add3A_805, %mul3A_810 : vector<16xf32>
        %broadcast_in_dim3A_812 = arith.constant 98 : i32
        %broadcast_in_dim3A_813 = vector.broadcast %broadcast_in_dim3A_812 : i32 to vector<16xi32>
        %gather3A_814 = tpu.vector_load_idx %arg9[%add3A_165, %broadcast_in_dim3A_813] : memref<32x128xf32, #tpu.memory_space<vmem>>[vector<16xi32>, vector<16xi32>], vector<16xf32>,
        %gather3A_815 = tpu.vector_load_idx %arg10[%add3A_165, %broadcast_in_dim3A_813] : memref<32x128xf32, #tpu.memory_space<vmem>>[vector<16xi32>, vector<16xi32>], vector<16xf32>,
        %mul3A_816 = arith.mulf %gather3A_814, %gather3A_815 : vector<16xf32>
        %add3A_817 = arith.addf %add3A_811, %mul3A_816 : vector<16xf32>
        %broadcast_in_dim3A_818 = arith.constant 99 : i32
        %broadcast_in_dim3A_819 = vector.broadcast %broadcast_in_dim3A_818 : i32 to vector<16xi32>
        %gather3A_820 = tpu.vector_load_idx %arg9[%add3A_165, %broadcast_in_dim3A_819] : memref<32x128xf32, #tpu.memory_space<vmem>>[vector<16xi32>, vector<16xi32>], vector<16xf32>,
        %gather3A_821 = tpu.vector_load_idx %arg10[%add3A_165, %broadcast_in_dim3A_819] : memref<32x128xf32, #tpu.memory_space<vmem>>[vector<16xi32>, vector<16xi32>], vector<16xf32>,
        %mul3A_822 = arith.mulf %gather3A_820, %gather3A_821 : vector<16xf32>
        %add3A_823 = arith.addf %add3A_817, %mul3A_822 : vector<16xf32>
        %broadcast_in_dim3A_824 = arith.constant 100 : i32
        %broadcast_in_dim3A_825 = vector.broadcast %broadcast_in_dim3A_824 : i32 to vector<16xi32>
        %gather3A_826 = tpu.vector_load_idx %arg9[%add3A_165, %broadcast_in_dim3A_825] : memref<32x128xf32, #tpu.memory_space<vmem>>[vector<16xi32>, vector<16xi32>], vector<16xf32>,
        %gather3A_827 = tpu.vector_load_idx %arg10[%add3A_165, %broadcast_in_dim3A_825] : memref<32x128xf32, #tpu.memory_space<vmem>>[vector<16xi32>, vector<16xi32>], vector<16xf32>,
        %mul3A_828 = arith.mulf %gather3A_826, %gather3A_827 : vector<16xf32>
        %add3A_829 = arith.addf %broadcast_in_dim3A_1, %mul3A_828 : vector<16xf32>
        %broadcast_in_dim3A_830 = arith.constant 101 : i32
        %broadcast_in_dim3A_831 = vector.broadcast %broadcast_in_dim3A_830 : i32 to vector<16xi32>
        %gather3A_832 = tpu.vector_load_idx %arg9[%add3A_165, %broadcast_in_dim3A_831] : memref<32x128xf32, #tpu.memory_space<vmem>>[vector<16xi32>, vector<16xi32>], vector<16xf32>,
        %gather3A_833 = tpu.vector_load_idx %arg10[%add3A_165, %broadcast_in_dim3A_831] : memref<32x128xf32, #tpu.memory_space<vmem>>[vector<16xi32>, vector<16xi32>], vector<16xf32>,
        %mul3A_834 = arith.mulf %gather3A_832, %gather3A_833 : vector<16xf32>
        %add3A_835 = arith.addf %add3A_829, %mul3A_834 : vector<16xf32>
        %broadcast_in_dim3A_836 = arith.constant 102 : i32
        %broadcast_in_dim3A_837 = vector.broadcast %broadcast_in_dim3A_836 : i32 to vector<16xi32>
        %gather3A_838 = tpu.vector_load_idx %arg9[%add3A_165, %broadcast_in_dim3A_837] : memref<32x128xf32, #tpu.memory_space<vmem>>[vector<16xi32>, vector<16xi32>], vector<16xf32>,
        %gather3A_839 = tpu.vector_load_idx %arg10[%add3A_165, %broadcast_in_dim3A_837] : memref<32x128xf32, #tpu.memory_space<vmem>>[vector<16xi32>, vector<16xi32>], vector<16xf32>,
        %mul3A_840 = arith.mulf %gather3A_838, %gather3A_839 : vector<16xf32>
        %add3A_841 = arith.addf %add3A_835, %mul3A_840 : vector<16xf32>
        %broadcast_in_dim3A_842 = arith.constant 103 : i32
        %broadcast_in_dim3A_843 = vector.broadcast %broadcast_in_dim3A_842 : i32 to vector<16xi32>
        %gather3A_844 = tpu.vector_load_idx %arg9[%add3A_165, %broadcast_in_dim3A_843] : memref<32x128xf32, #tpu.memory_space<vmem>>[vector<16xi32>, vector<16xi32>], vector<16xf32>,
        %gather3A_845 = tpu.vector_load_idx %arg10[%add3A_165, %broadcast_in_dim3A_843] : memref<32x128xf32, #tpu.memory_space<vmem>>[vector<16xi32>, vector<16xi32>], vector<16xf32>,
        %mul3A_846 = arith.mulf %gather3A_844, %gather3A_845 : vector<16xf32>
        %add3A_847 = arith.addf %add3A_841, %mul3A_846 : vector<16xf32>
        %broadcast_in_dim3A_848 = arith.constant 104 : i32
        %broadcast_in_dim3A_849 = vector.broadcast %broadcast_in_dim3A_848 : i32 to vector<16xi32>
        %gather3A_850 = tpu.vector_load_idx %arg9[%add3A_165, %broadcast_in_dim3A_849] : memref<32x128xf32, #tpu.memory_space<vmem>>[vector<16xi32>, vector<16xi32>], vector<16xf32>,
        %gather3A_851 = tpu.vector_load_idx %arg10[%add3A_165, %broadcast_in_dim3A_849] : memref<32x128xf32, #tpu.memory_space<vmem>>[vector<16xi32>, vector<16xi32>], vector<16xf32>,
        %mul3A_852 = arith.mulf %gather3A_850, %gather3A_851 : vector<16xf32>
        %add3A_853 = arith.addf %broadcast_in_dim3A_1, %mul3A_852 : vector<16xf32>
        %broadcast_in_dim3A_854 = arith.constant 105 : i32
        %broadcast_in_dim3A_855 = vector.broadcast %broadcast_in_dim3A_854 : i32 to vector<16xi32>
        %gather3A_856 = tpu.vector_load_idx %arg9[%add3A_165, %broadcast_in_dim3A_855] : memref<32x128xf32, #tpu.memory_space<vmem>>[vector<16xi32>, vector<16xi32>], vector<16xf32>,
        %gather3A_857 = tpu.vector_load_idx %arg10[%add3A_165, %broadcast_in_dim3A_855] : memref<32x128xf32, #tpu.memory_space<vmem>>[vector<16xi32>, vector<16xi32>], vector<16xf32>,
        %mul3A_858 = arith.mulf %gather3A_856, %gather3A_857 : vector<16xf32>
        %add3A_859 = arith.addf %add3A_853, %mul3A_858 : vector<16xf32>
        %broadcast_in_dim3A_860 = arith.constant 106 : i32
        %broadcast_in_dim3A_861 = vector.broadcast %broadcast_in_dim3A_860 : i32 to vector<16xi32>
        %gather3A_862 = tpu.vector_load_idx %arg9[%add3A_165, %broadcast_in_dim3A_861] : memref<32x128xf32, #tpu.memory_space<vmem>>[vector<16xi32>, vector<16xi32>], vector<16xf32>,
        %gather3A_863 = tpu.vector_load_idx %arg10[%add3A_165, %broadcast_in_dim3A_861] : memref<32x128xf32, #tpu.memory_space<vmem>>[vector<16xi32>, vector<16xi32>], vector<16xf32>,
        %mul3A_864 = arith.mulf %gather3A_862, %gather3A_863 : vector<16xf32>
        %add3A_865 = arith.addf %add3A_859, %mul3A_864 : vector<16xf32>
        %broadcast_in_dim3A_866 = arith.constant 107 : i32
        %broadcast_in_dim3A_867 = vector.broadcast %broadcast_in_dim3A_866 : i32 to vector<16xi32>
        %gather3A_868 = tpu.vector_load_idx %arg9[%add3A_165, %broadcast_in_dim3A_867] : memref<32x128xf32, #tpu.memory_space<vmem>>[vector<16xi32>, vector<16xi32>], vector<16xf32>,
        %gather3A_869 = tpu.vector_load_idx %arg10[%add3A_165, %broadcast_in_dim3A_867] : memref<32x128xf32, #tpu.memory_space<vmem>>[vector<16xi32>, vector<16xi32>], vector<16xf32>,
        %mul3A_870 = arith.mulf %gather3A_868, %gather3A_869 : vector<16xf32>
        %add3A_871 = arith.addf %add3A_865, %mul3A_870 : vector<16xf32>
        %broadcast_in_dim3A_872 = arith.constant 108 : i32
        %broadcast_in_dim3A_873 = vector.broadcast %broadcast_in_dim3A_872 : i32 to vector<16xi32>
        %gather3A_874 = tpu.vector_load_idx %arg9[%add3A_165, %broadcast_in_dim3A_873] : memref<32x128xf32, #tpu.memory_space<vmem>>[vector<16xi32>, vector<16xi32>], vector<16xf32>,
        %gather3A_875 = tpu.vector_load_idx %arg10[%add3A_165, %broadcast_in_dim3A_873] : memref<32x128xf32, #tpu.memory_space<vmem>>[vector<16xi32>, vector<16xi32>], vector<16xf32>,
        %mul3A_876 = arith.mulf %gather3A_874, %gather3A_875 : vector<16xf32>
        %add3A_877 = arith.addf %broadcast_in_dim3A_1, %mul3A_876 : vector<16xf32>
        %broadcast_in_dim3A_878 = arith.constant 109 : i32
        %broadcast_in_dim3A_879 = vector.broadcast %broadcast_in_dim3A_878 : i32 to vector<16xi32>
        %gather3A_880 = tpu.vector_load_idx %arg9[%add3A_165, %broadcast_in_dim3A_879] : memref<32x128xf32, #tpu.memory_space<vmem>>[vector<16xi32>, vector<16xi32>], vector<16xf32>,
        %gather3A_881 = tpu.vector_load_idx %arg10[%add3A_165, %broadcast_in_dim3A_879] : memref<32x128xf32, #tpu.memory_space<vmem>>[vector<16xi32>, vector<16xi32>], vector<16xf32>,
        %mul3A_882 = arith.mulf %gather3A_880, %gather3A_881 : vector<16xf32>
        %add3A_883 = arith.addf %add3A_877, %mul3A_882 : vector<16xf32>
        %broadcast_in_dim3A_884 = arith.constant 110 : i32
        %broadcast_in_dim3A_885 = vector.broadcast %broadcast_in_dim3A_884 : i32 to vector<16xi32>
        %gather3A_886 = tpu.vector_load_idx %arg9[%add3A_165, %broadcast_in_dim3A_885] : memref<32x128xf32, #tpu.memory_space<vmem>>[vector<16xi32>, vector<16xi32>], vector<16xf32>,
        %gather3A_887 = tpu.vector_load_idx %arg10[%add3A_165, %broadcast_in_dim3A_885] : memref<32x128xf32, #tpu.memory_space<vmem>>[vector<16xi32>, vector<16xi32>], vector<16xf32>,
        %mul3A_888 = arith.mulf %gather3A_886, %gather3A_887 : vector<16xf32>
        %add3A_889 = arith.addf %add3A_883, %mul3A_888 : vector<16xf32>
        %broadcast_in_dim3A_890 = arith.constant 111 : i32
        %broadcast_in_dim3A_891 = vector.broadcast %broadcast_in_dim3A_890 : i32 to vector<16xi32>
        %gather3A_892 = tpu.vector_load_idx %arg9[%add3A_165, %broadcast_in_dim3A_891] : memref<32x128xf32, #tpu.memory_space<vmem>>[vector<16xi32>, vector<16xi32>], vector<16xf32>,
        %gather3A_893 = tpu.vector_load_idx %arg10[%add3A_165, %broadcast_in_dim3A_891] : memref<32x128xf32, #tpu.memory_space<vmem>>[vector<16xi32>, vector<16xi32>], vector<16xf32>,
        %mul3A_894 = arith.mulf %gather3A_892, %gather3A_893 : vector<16xf32>
        %add3A_895 = arith.addf %add3A_889, %mul3A_894 : vector<16xf32>
        %add3A_896 = arith.addf %add3A_823, %add3A_847 : vector<16xf32>
        %add3A_897 = arith.addf %add3A_871, %add3A_895 : vector<16xf32>
        %add3A_898 = arith.addf %add3A_896, %add3A_897 : vector<16xf32>
        %exp3A_899 = math.exp %add3A_898 : vector<16xf32>
        %mul3A_900 = arith.constant 16 : i32
        %mul3A_901 = vector.broadcast %mul3A_900 : i32 to vector<16xi32>
        %mul3A_902 = arith.muli %add3A_165, %mul3A_901 : vector<16xi32>
        %add3A_903 = arith.constant 6 : i32
        %add3A_904 = vector.broadcast %add3A_903 : i32 to vector<16xi32>
        %add3A_905 = arith.addi %mul3A_902, %add3A_904 : vector<16xi32>
        tpu.vector_store_idx %arg15[%add3A_905], %exp3A_899 : memref<512xf32, #tpu.memory_space<vmem>>[vector<16xi32>], vector<16xf32>,
        %broadcast_in_dim3A_906 = arith.constant 112 : i32
        %broadcast_in_dim3A_907 = vector.broadcast %broadcast_in_dim3A_906 : i32 to vector<16xi32>
        %gather3A_908 = tpu.vector_load_idx %arg9[%add3A_165, %broadcast_in_dim3A_907] : memref<32x128xf32, #tpu.memory_space<vmem>>[vector<16xi32>, vector<16xi32>], vector<16xf32>,
        %gather3A_909 = tpu.vector_load_idx %arg10[%add3A_165, %broadcast_in_dim3A_907] : memref<32x128xf32, #tpu.memory_space<vmem>>[vector<16xi32>, vector<16xi32>], vector<16xf32>,
        %mul3A_910 = arith.mulf %gather3A_908, %gather3A_909 : vector<16xf32>
        %add3A_911 = arith.addf %broadcast_in_dim3A_1, %mul3A_910 : vector<16xf32>
        %broadcast_in_dim3A_912 = arith.constant 113 : i32
        %broadcast_in_dim3A_913 = vector.broadcast %broadcast_in_dim3A_912 : i32 to vector<16xi32>
        %gather3A_914 = tpu.vector_load_idx %arg9[%add3A_165, %broadcast_in_dim3A_913] : memref<32x128xf32, #tpu.memory_space<vmem>>[vector<16xi32>, vector<16xi32>], vector<16xf32>,
        %gather3A_915 = tpu.vector_load_idx %arg10[%add3A_165, %broadcast_in_dim3A_913] : memref<32x128xf32, #tpu.memory_space<vmem>>[vector<16xi32>, vector<16xi32>], vector<16xf32>,
        %mul3A_916 = arith.mulf %gather3A_914, %gather3A_915 : vector<16xf32>
        %add3A_917 = arith.addf %add3A_911, %mul3A_916 : vector<16xf32>
        %broadcast_in_dim3A_918 = arith.constant 114 : i32
        %broadcast_in_dim3A_919 = vector.broadcast %broadcast_in_dim3A_918 : i32 to vector<16xi32>
        %gather3A_920 = tpu.vector_load_idx %arg9[%add3A_165, %broadcast_in_dim3A_919] : memref<32x128xf32, #tpu.memory_space<vmem>>[vector<16xi32>, vector<16xi32>], vector<16xf32>,
        %gather3A_921 = tpu.vector_load_idx %arg10[%add3A_165, %broadcast_in_dim3A_919] : memref<32x128xf32, #tpu.memory_space<vmem>>[vector<16xi32>, vector<16xi32>], vector<16xf32>,
        %mul3A_922 = arith.mulf %gather3A_920, %gather3A_921 : vector<16xf32>
        %add3A_923 = arith.addf %add3A_917, %mul3A_922 : vector<16xf32>
        %broadcast_in_dim3A_924 = arith.constant 115 : i32
        %broadcast_in_dim3A_925 = vector.broadcast %broadcast_in_dim3A_924 : i32 to vector<16xi32>
        %gather3A_926 = tpu.vector_load_idx %arg9[%add3A_165, %broadcast_in_dim3A_925] : memref<32x128xf32, #tpu.memory_space<vmem>>[vector<16xi32>, vector<16xi32>], vector<16xf32>,
        %gather3A_927 = tpu.vector_load_idx %arg10[%add3A_165, %broadcast_in_dim3A_925] : memref<32x128xf32, #tpu.memory_space<vmem>>[vector<16xi32>, vector<16xi32>], vector<16xf32>,
        %mul3A_928 = arith.mulf %gather3A_926, %gather3A_927 : vector<16xf32>
        %add3A_929 = arith.addf %add3A_923, %mul3A_928 : vector<16xf32>
        %broadcast_in_dim3A_930 = arith.constant 116 : i32
        %broadcast_in_dim3A_931 = vector.broadcast %broadcast_in_dim3A_930 : i32 to vector<16xi32>
        %gather3A_932 = tpu.vector_load_idx %arg9[%add3A_165, %broadcast_in_dim3A_931] : memref<32x128xf32, #tpu.memory_space<vmem>>[vector<16xi32>, vector<16xi32>], vector<16xf32>,
        %gather3A_933 = tpu.vector_load_idx %arg10[%add3A_165, %broadcast_in_dim3A_931] : memref<32x128xf32, #tpu.memory_space<vmem>>[vector<16xi32>, vector<16xi32>], vector<16xf32>,
        %mul3A_934 = arith.mulf %gather3A_932, %gather3A_933 : vector<16xf32>
        %add3A_935 = arith.addf %broadcast_in_dim3A_1, %mul3A_934 : vector<16xf32>
        %broadcast_in_dim3A_936 = arith.constant 117 : i32
        %broadcast_in_dim3A_937 = vector.broadcast %broadcast_in_dim3A_936 : i32 to vector<16xi32>
        %gather3A_938 = tpu.vector_load_idx %arg9[%add3A_165, %broadcast_in_dim3A_937] : memref<32x128xf32, #tpu.memory_space<vmem>>[vector<16xi32>, vector<16xi32>], vector<16xf32>,
        %gather3A_939 = tpu.vector_load_idx %arg10[%add3A_165, %broadcast_in_dim3A_937] : memref<32x128xf32, #tpu.memory_space<vmem>>[vector<16xi32>, vector<16xi32>], vector<16xf32>,
        %mul3A_940 = arith.mulf %gather3A_938, %gather3A_939 : vector<16xf32>
        %add3A_941 = arith.addf %add3A_935, %mul3A_940 : vector<16xf32>
        %broadcast_in_dim3A_942 = arith.constant 118 : i32
        %broadcast_in_dim3A_943 = vector.broadcast %broadcast_in_dim3A_942 : i32 to vector<16xi32>
        %gather3A_944 = tpu.vector_load_idx %arg9[%add3A_165, %broadcast_in_dim3A_943] : memref<32x128xf32, #tpu.memory_space<vmem>>[vector<16xi32>, vector<16xi32>], vector<16xf32>,
        %gather3A_945 = tpu.vector_load_idx %arg10[%add3A_165, %broadcast_in_dim3A_943] : memref<32x128xf32, #tpu.memory_space<vmem>>[vector<16xi32>, vector<16xi32>], vector<16xf32>,
        %mul3A_946 = arith.mulf %gather3A_944, %gather3A_945 : vector<16xf32>
        %add3A_947 = arith.addf %add3A_941, %mul3A_946 : vector<16xf32>
        %broadcast_in_dim3A_948 = arith.constant 119 : i32
        %broadcast_in_dim3A_949 = vector.broadcast %broadcast_in_dim3A_948 : i32 to vector<16xi32>
        %gather3A_950 = tpu.vector_load_idx %arg9[%add3A_165, %broadcast_in_dim3A_949] : memref<32x128xf32, #tpu.memory_space<vmem>>[vector<16xi32>, vector<16xi32>], vector<16xf32>,
        %gather3A_951 = tpu.vector_load_idx %arg10[%add3A_165, %broadcast_in_dim3A_949] : memref<32x128xf32, #tpu.memory_space<vmem>>[vector<16xi32>, vector<16xi32>], vector<16xf32>,
        %mul3A_952 = arith.mulf %gather3A_950, %gather3A_951 : vector<16xf32>
        %add3A_953 = arith.addf %add3A_947, %mul3A_952 : vector<16xf32>
        %broadcast_in_dim3A_954 = arith.constant 120 : i32
        %broadcast_in_dim3A_955 = vector.broadcast %broadcast_in_dim3A_954 : i32 to vector<16xi32>
        %gather3A_956 = tpu.vector_load_idx %arg9[%add3A_165, %broadcast_in_dim3A_955] : memref<32x128xf32, #tpu.memory_space<vmem>>[vector<16xi32>, vector<16xi32>], vector<16xf32>,
        %gather3A_957 = tpu.vector_load_idx %arg10[%add3A_165, %broadcast_in_dim3A_955] : memref<32x128xf32, #tpu.memory_space<vmem>>[vector<16xi32>, vector<16xi32>], vector<16xf32>,
        %mul3A_958 = arith.mulf %gather3A_956, %gather3A_957 : vector<16xf32>
        %add3A_959 = arith.addf %broadcast_in_dim3A_1, %mul3A_958 : vector<16xf32>
        %broadcast_in_dim3A_960 = arith.constant 121 : i32
        %broadcast_in_dim3A_961 = vector.broadcast %broadcast_in_dim3A_960 : i32 to vector<16xi32>
        %gather3A_962 = tpu.vector_load_idx %arg9[%add3A_165, %broadcast_in_dim3A_961] : memref<32x128xf32, #tpu.memory_space<vmem>>[vector<16xi32>, vector<16xi32>], vector<16xf32>,
        %gather3A_963 = tpu.vector_load_idx %arg10[%add3A_165, %broadcast_in_dim3A_961] : memref<32x128xf32, #tpu.memory_space<vmem>>[vector<16xi32>, vector<16xi32>], vector<16xf32>,
        %mul3A_964 = arith.mulf %gather3A_962, %gather3A_963 : vector<16xf32>
        %add3A_965 = arith.addf %add3A_959, %mul3A_964 : vector<16xf32>
        %broadcast_in_dim3A_966 = arith.constant 122 : i32
        %broadcast_in_dim3A_967 = vector.broadcast %broadcast_in_dim3A_966 : i32 to vector<16xi32>
        %gather3A_968 = tpu.vector_load_idx %arg9[%add3A_165, %broadcast_in_dim3A_967] : memref<32x128xf32, #tpu.memory_space<vmem>>[vector<16xi32>, vector<16xi32>], vector<16xf32>,
        %gather3A_969 = tpu.vector_load_idx %arg10[%add3A_165, %broadcast_in_dim3A_967] : memref<32x128xf32, #tpu.memory_space<vmem>>[vector<16xi32>, vector<16xi32>], vector<16xf32>,
        %mul3A_970 = arith.mulf %gather3A_968, %gather3A_969 : vector<16xf32>
        %add3A_971 = arith.addf %add3A_965, %mul3A_970 : vector<16xf32>
        %broadcast_in_dim3A_972 = arith.constant 123 : i32
        %broadcast_in_dim3A_973 = vector.broadcast %broadcast_in_dim3A_972 : i32 to vector<16xi32>
        %gather3A_974 = tpu.vector_load_idx %arg9[%add3A_165, %broadcast_in_dim3A_973] : memref<32x128xf32, #tpu.memory_space<vmem>>[vector<16xi32>, vector<16xi32>], vector<16xf32>,
        %gather3A_975 = tpu.vector_load_idx %arg10[%add3A_165, %broadcast_in_dim3A_973] : memref<32x128xf32, #tpu.memory_space<vmem>>[vector<16xi32>, vector<16xi32>], vector<16xf32>,
        %mul3A_976 = arith.mulf %gather3A_974, %gather3A_975 : vector<16xf32>
        %add3A_977 = arith.addf %add3A_971, %mul3A_976 : vector<16xf32>
        %broadcast_in_dim3A_978 = arith.constant 124 : i32
        %broadcast_in_dim3A_979 = vector.broadcast %broadcast_in_dim3A_978 : i32 to vector<16xi32>
        %gather3A_980 = tpu.vector_load_idx %arg9[%add3A_165, %broadcast_in_dim3A_979] : memref<32x128xf32, #tpu.memory_space<vmem>>[vector<16xi32>, vector<16xi32>], vector<16xf32>,
        %gather3A_981 = tpu.vector_load_idx %arg10[%add3A_165, %broadcast_in_dim3A_979] : memref<32x128xf32, #tpu.memory_space<vmem>>[vector<16xi32>, vector<16xi32>], vector<16xf32>,
        %mul3A_982 = arith.mulf %gather3A_980, %gather3A_981 : vector<16xf32>
        %add3A_983 = arith.addf %broadcast_in_dim3A_1, %mul3A_982 : vector<16xf32>
        %broadcast_in_dim3A_984 = arith.constant 125 : i32
        %broadcast_in_dim3A_985 = vector.broadcast %broadcast_in_dim3A_984 : i32 to vector<16xi32>
        %gather3A_986 = tpu.vector_load_idx %arg9[%add3A_165, %broadcast_in_dim3A_985] : memref<32x128xf32, #tpu.memory_space<vmem>>[vector<16xi32>, vector<16xi32>], vector<16xf32>,
        %gather3A_987 = tpu.vector_load_idx %arg10[%add3A_165, %broadcast_in_dim3A_985] : memref<32x128xf32, #tpu.memory_space<vmem>>[vector<16xi32>, vector<16xi32>], vector<16xf32>,
        %mul3A_988 = arith.mulf %gather3A_986, %gather3A_987 : vector<16xf32>
        %add3A_989 = arith.addf %add3A_983, %mul3A_988 : vector<16xf32>
        %broadcast_in_dim3A_990 = arith.constant 126 : i32
        %broadcast_in_dim3A_991 = vector.broadcast %broadcast_in_dim3A_990 : i32 to vector<16xi32>
        %gather3A_992 = tpu.vector_load_idx %arg9[%add3A_165, %broadcast_in_dim3A_991] : memref<32x128xf32, #tpu.memory_space<vmem>>[vector<16xi32>, vector<16xi32>], vector<16xf32>,
        %gather3A_993 = tpu.vector_load_idx %arg10[%add3A_165, %broadcast_in_dim3A_991] : memref<32x128xf32, #tpu.memory_space<vmem>>[vector<16xi32>, vector<16xi32>], vector<16xf32>,
        %mul3A_994 = arith.mulf %gather3A_992, %gather3A_993 : vector<16xf32>
        %add3A_995 = arith.addf %add3A_989, %mul3A_994 : vector<16xf32>
        %broadcast_in_dim3A_996 = arith.constant 127 : i32
        %broadcast_in_dim3A_997 = vector.broadcast %broadcast_in_dim3A_996 : i32 to vector<16xi32>
        %gather3A_998 = tpu.vector_load_idx %arg9[%add3A_165, %broadcast_in_dim3A_997] : memref<32x128xf32, #tpu.memory_space<vmem>>[vector<16xi32>, vector<16xi32>], vector<16xf32>,
        %gather3A_999 = tpu.vector_load_idx %arg10[%add3A_165, %broadcast_in_dim3A_997] : memref<32x128xf32, #tpu.memory_space<vmem>>[vector<16xi32>, vector<16xi32>], vector<16xf32>,
        %mul3A_1000 = arith.mulf %gather3A_998, %gather3A_999 : vector<16xf32>
        %add3A_1001 = arith.addf %add3A_995, %mul3A_1000 : vector<16xf32>
        %add3A_1002 = arith.addf %add3A_929, %add3A_953 : vector<16xf32>
        %add3A_1003 = arith.addf %add3A_977, %add3A_1001 : vector<16xf32>
        %add3A_1004 = arith.addf %add3A_1002, %add3A_1003 : vector<16xf32>
        %exp3A_1005 = math.exp %add3A_1004 : vector<16xf32>
        %mul3A_1006 = arith.constant 16 : i32
        %mul3A_1007 = vector.broadcast %mul3A_1006 : i32 to vector<16xi32>
        %mul3A_1008 = arith.muli %add3A_165, %mul3A_1007 : vector<16xi32>
        %add3A_1009 = arith.constant 7 : i32
        %add3A_1010 = vector.broadcast %add3A_1009 : i32 to vector<16xi32>
        %add3A_1011 = arith.addi %mul3A_1008, %add3A_1010 : vector<16xi32>
        tpu.vector_store_idx %arg15[%add3A_1011], %exp3A_1005 : memref<512xf32, #tpu.memory_space<vmem>>[vector<16xi32>], vector<16xf32>,
        %scan3A_1012 = arith.constant 0 : i32
        scf.yield %scan3A_1012 : i32
      }
      %scan3A_87 = arith.constant 2 : i32
      "tpu.region"() ({
        %run_scoped3A = tpu.sem_alloc : memref<!tpu.dma_semaphore, #tpu.memory_space<semaphore_mem>>
        tpu.enqueue_dma source(%arg7 : memref<32x128xf32, #tpu.memory_space<hbm>>) target(%arg9 : memref<32x128xf32, #tpu.memory_space<vmem>>) target_semaphore(%run_scoped3A : memref<!tpu.dma_semaphore, #tpu.memory_space<semaphore_mem>>)
        tpu.wait_dma2 semaphore(%run_scoped3A : memref<!tpu.dma_semaphore, #tpu.memory_space<semaphore_mem>>) src(%arg7 : memref<32x128xf32, #tpu.memory_space<hbm>>) dst(%arg9 : memref<32x128xf32, #tpu.memory_space<vmem>>)
        tpu.yield
      }) : () -> ()
      %scan3A_88 = arith.constant 0 : i32
      %scan3A_89 = arith.constant 0 : i32
      %scan3A_90 = arith.constant 2 : i32
      %scan3A_91 = arith.addi %scan3A_89, %scan3A_90 : i32
      %scan3A_92 = arith.constant 1 : i32
      %scan3A_93 = scf.for %scan3A_160 = %scan3A_89 to %scan3A_91 step %scan3A_92 iter_args(%scan3A_161 = %scan3A_88) -> (i32)  : i32 {
        %mul3A_162 = arith.constant 16 : i32
        %mul3A_163 = arith.muli %scan3A_160, %mul3A_162 : i32
        %add3A_164 = vector.broadcast %mul3A_163 : i32 to vector<16xi32>
        %add3A_165 = arith.addi %add3A_164, %iota3A : vector<16xi32>
        %mul3A_166 = arith.constant 16 : i32
        %mul3A_167 = arith.muli %scan3A_160, %mul3A_166 : i32
        %get3A = arith.index_cast %mul3A_167 : i32 to index
        %get3A_168 = tpu.vector_load %arg16[%get3A] {strides = array<i32>} : memref<32xi32, #tpu.memory_space<vmem>>, vector<16xi32>,
        %shift_right_arithmetic3A = arith.constant 3 : i32
        %shift_right_arithmetic3A_169 = vector.broadcast %shift_right_arithmetic3A : i32 to vector<16xi32>
        %shift_right_arithmetic3A_170 = arith.shrsi %get3A_168, %shift_right_arithmetic3A_169 : vector<16xi32>
        %add3A_171 = arith.constant 10080 : i32
        %add3A_172 = vector.broadcast %add3A_171 : i32 to vector<16xi32>
        %add3A_173 = arith.addi %add3A_172, %shift_right_arithmetic3A_170 : vector<16xi32>
        %mul3A_174 = arith.constant 16 : i32
        %mul3A_175 = arith.muli %scan3A_160, %mul3A_174 : i32
        %swap3A = arith.index_cast %mul3A_175 : i32 to index
        %swap3A_176 = tpu.vector_load %arg18[%swap3A] {strides = array<i32>} : memref<32xi32, #tpu.memory_space<vmem>>, vector<16xi32>,
        tpu.vector_store %arg18[%swap3A], %add3A_173 {strides = array<i32>} : memref<32xi32, #tpu.memory_space<vmem>>, vector<16xi32>,
        %and3A = arith.constant 7 : i32
        %and3A_177 = vector.broadcast %and3A : i32 to vector<16xi32>
        %and3A_178 = arith.andi %get3A_168, %and3A_177 : vector<16xi32>
        %mul3A_179 = arith.constant 16 : i32
        %mul3A_180 = vector.broadcast %mul3A_179 : i32 to vector<16xi32>
        %mul3A_181 = arith.muli %and3A_178, %mul3A_180 : vector<16xi32>
        %mul3A_182 = arith.constant 16 : i32
        %mul3A_183 = vector.broadcast %mul3A_182 : i32 to vector<16xi32>
        %mul3A_184 = arith.muli %add3A_165, %mul3A_183 : vector<16xi32>
        %add3A_185 = arith.constant 0 : i32
        %add3A_186 = vector.broadcast %add3A_185 : i32 to vector<16xi32>
        %add3A_187 = arith.addi %mul3A_184, %add3A_186 : vector<16xi32>
        %gather3A = tpu.vector_load_idx %arg15[%add3A_187] : memref<512xf32, #tpu.memory_space<vmem>>[vector<16xi32>], vector<16xf32>,
        %add3A_188 = arith.constant 0 : i32
        %add3A_189 = vector.broadcast %add3A_188 : i32 to vector<16xi32>
        %add3A_190 = arith.addi %mul3A_181, %add3A_189 : vector<16xi32>
        tpu.vector_store_idx %arg9[%add3A_165, %add3A_190], %gather3A : memref<32x128xf32, #tpu.memory_space<vmem>>[vector<16xi32>, vector<16xi32>], vector<16xf32>,
        %mul3A_191 = arith.constant 16 : i32
        %mul3A_192 = vector.broadcast %mul3A_191 : i32 to vector<16xi32>
        %mul3A_193 = arith.muli %add3A_165, %mul3A_192 : vector<16xi32>
        %add3A_194 = arith.constant 1 : i32
        %add3A_195 = vector.broadcast %add3A_194 : i32 to vector<16xi32>
        %add3A_196 = arith.addi %mul3A_193, %add3A_195 : vector<16xi32>
        %gather3A_197 = tpu.vector_load_idx %arg15[%add3A_196] : memref<512xf32, #tpu.memory_space<vmem>>[vector<16xi32>], vector<16xf32>,
        %add3A_198 = arith.constant 1 : i32
        %add3A_199 = vector.broadcast %add3A_198 : i32 to vector<16xi32>
        %add3A_200 = arith.addi %mul3A_181, %add3A_199 : vector<16xi32>
        tpu.vector_store_idx %arg9[%add3A_165, %add3A_200], %gather3A_197 : memref<32x128xf32, #tpu.memory_space<vmem>>[vector<16xi32>, vector<16xi32>], vector<16xf32>,
        %mul3A_201 = arith.constant 16 : i32
        %mul3A_202 = vector.broadcast %mul3A_201 : i32 to vector<16xi32>
        %mul3A_203 = arith.muli %add3A_165, %mul3A_202 : vector<16xi32>
        %add3A_204 = arith.constant 2 : i32
        %add3A_205 = vector.broadcast %add3A_204 : i32 to vector<16xi32>
        %add3A_206 = arith.addi %mul3A_203, %add3A_205 : vector<16xi32>
        %gather3A_207 = tpu.vector_load_idx %arg15[%add3A_206] : memref<512xf32, #tpu.memory_space<vmem>>[vector<16xi32>], vector<16xf32>,
        %add3A_208 = arith.constant 2 : i32
        %add3A_209 = vector.broadcast %add3A_208 : i32 to vector<16xi32>
        %add3A_210 = arith.addi %mul3A_181, %add3A_209 : vector<16xi32>
        tpu.vector_store_idx %arg9[%add3A_165, %add3A_210], %gather3A_207 : memref<32x128xf32, #tpu.memory_space<vmem>>[vector<16xi32>, vector<16xi32>], vector<16xf32>,
        %mul3A_211 = arith.constant 16 : i32
        %mul3A_212 = vector.broadcast %mul3A_211 : i32 to vector<16xi32>
        %mul3A_213 = arith.muli %add3A_165, %mul3A_212 : vector<16xi32>
        %add3A_214 = arith.constant 3 : i32
        %add3A_215 = vector.broadcast %add3A_214 : i32 to vector<16xi32>
        %add3A_216 = arith.addi %mul3A_213, %add3A_215 : vector<16xi32>
        %gather3A_217 = tpu.vector_load_idx %arg15[%add3A_216] : memref<512xf32, #tpu.memory_space<vmem>>[vector<16xi32>], vector<16xf32>,
        %add3A_218 = arith.constant 3 : i32
        %add3A_219 = vector.broadcast %add3A_218 : i32 to vector<16xi32>
        %add3A_220 = arith.addi %mul3A_181, %add3A_219 : vector<16xi32>
        tpu.vector_store_idx %arg9[%add3A_165, %add3A_220], %gather3A_217 : memref<32x128xf32, #tpu.memory_space<vmem>>[vector<16xi32>, vector<16xi32>], vector<16xf32>,
        %mul3A_221 = arith.constant 16 : i32
        %mul3A_222 = vector.broadcast %mul3A_221 : i32 to vector<16xi32>
        %mul3A_223 = arith.muli %add3A_165, %mul3A_222 : vector<16xi32>
        %add3A_224 = arith.constant 4 : i32
        %add3A_225 = vector.broadcast %add3A_224 : i32 to vector<16xi32>
        %add3A_226 = arith.addi %mul3A_223, %add3A_225 : vector<16xi32>
        %gather3A_227 = tpu.vector_load_idx %arg15[%add3A_226] : memref<512xf32, #tpu.memory_space<vmem>>[vector<16xi32>], vector<16xf32>,
        %add3A_228 = arith.constant 4 : i32
        %add3A_229 = vector.broadcast %add3A_228 : i32 to vector<16xi32>
        %add3A_230 = arith.addi %mul3A_181, %add3A_229 : vector<16xi32>
        tpu.vector_store_idx %arg9[%add3A_165, %add3A_230], %gather3A_227 : memref<32x128xf32, #tpu.memory_space<vmem>>[vector<16xi32>, vector<16xi32>], vector<16xf32>,
        %mul3A_231 = arith.constant 16 : i32
        %mul3A_232 = vector.broadcast %mul3A_231 : i32 to vector<16xi32>
        %mul3A_233 = arith.muli %add3A_165, %mul3A_232 : vector<16xi32>
        %add3A_234 = arith.constant 5 : i32
        %add3A_235 = vector.broadcast %add3A_234 : i32 to vector<16xi32>
        %add3A_236 = arith.addi %mul3A_233, %add3A_235 : vector<16xi32>
        %gather3A_237 = tpu.vector_load_idx %arg15[%add3A_236] : memref<512xf32, #tpu.memory_space<vmem>>[vector<16xi32>], vector<16xf32>,
        %add3A_238 = arith.constant 5 : i32
        %add3A_239 = vector.broadcast %add3A_238 : i32 to vector<16xi32>
        %add3A_240 = arith.addi %mul3A_181, %add3A_239 : vector<16xi32>
        tpu.vector_store_idx %arg9[%add3A_165, %add3A_240], %gather3A_237 : memref<32x128xf32, #tpu.memory_space<vmem>>[vector<16xi32>, vector<16xi32>], vector<16xf32>,
        %mul3A_241 = arith.constant 16 : i32
        %mul3A_242 = vector.broadcast %mul3A_241 : i32 to vector<16xi32>
        %mul3A_243 = arith.muli %add3A_165, %mul3A_242 : vector<16xi32>
        %add3A_244 = arith.constant 6 : i32
        %add3A_245 = vector.broadcast %add3A_244 : i32 to vector<16xi32>
        %add3A_246 = arith.addi %mul3A_243, %add3A_245 : vector<16xi32>
        %gather3A_247 = tpu.vector_load_idx %arg15[%add3A_246] : memref<512xf32, #tpu.memory_space<vmem>>[vector<16xi32>], vector<16xf32>,
        %add3A_248 = arith.constant 6 : i32
        %add3A_249 = vector.broadcast %add3A_248 : i32 to vector<16xi32>
        %add3A_250 = arith.addi %mul3A_181, %add3A_249 : vector<16xi32>
        tpu.vector_store_idx %arg9[%add3A_165, %add3A_250], %gather3A_247 : memref<32x128xf32, #tpu.memory_space<vmem>>[vector<16xi32>, vector<16xi32>], vector<16xf32>,
        %mul3A_251 = arith.constant 16 : i32
        %mul3A_252 = vector.broadcast %mul3A_251 : i32 to vector<16xi32>
        %mul3A_253 = arith.muli %add3A_165, %mul3A_252 : vector<16xi32>
        %add3A_254 = arith.constant 7 : i32
        %add3A_255 = vector.broadcast %add3A_254 : i32 to vector<16xi32>
        %add3A_256 = arith.addi %mul3A_253, %add3A_255 : vector<16xi32>
        %gather3A_257 = tpu.vector_load_idx %arg15[%add3A_256] : memref<512xf32, #tpu.memory_space<vmem>>[vector<16xi32>], vector<16xf32>,
        %add3A_258 = arith.constant 7 : i32
        %add3A_259 = vector.broadcast %add3A_258 : i32 to vector<16xi32>
        %add3A_260 = arith.addi %mul3A_181, %add3A_259 : vector<16xi32>
        tpu.vector_store_idx %arg9[%add3A_165, %add3A_260], %gather3A_257 : memref<32x128xf32, #tpu.memory_space<vmem>>[vector<16xi32>, vector<16xi32>], vector<16xf32>,
        %scan3A_261 = arith.constant 0 : i32
        scf.yield %scan3A_261 : i32
      }
      %scan3A_94 = arith.constant 2 : i32
      %dma_wait3A_95 = arith.constant 0 : i32
      %dma_wait3A_96 = arith.constant 0 : i32
      %dma_wait3A_97 = tpu.memref_slice %arg4[%dma_wait3A_95, %dma_wait3A_96] : memref<20000x128xf32, #tpu.memory_space<hbm>> -> memref<20000x128xf32, #tpu.memory_space<hbm>>
      tpu.wait_indirect_dma semaphore(%arg25 : memref<!tpu.dma_semaphore, #tpu.memory_space<semaphore_mem>>) src(%dma_wait3A_97 : memref<20000x128xf32, #tpu.memory_space<hbm>>) dst(%arg11 : memref<32x128xf32, #tpu.memory_space<vmem>>)
      %scan3A_98 = arith.constant 0 : i32
      %scan3A_99 = arith.constant 0 : i32
      %scan3A_100 = arith.constant 16 : i32
      %scan3A_101 = arith.addi %scan3A_99, %scan3A_100 : i32
      %scan3A_102 = arith.constant 1 : i32
      %scan3A_103 = scf.for %scan3A_160 = %scan3A_99 to %scan3A_101 step %scan3A_102 iter_args(%scan3A_161 = %scan3A_98) -> (i32)  : i32 {
        %mul3A_162 = arith.constant 2 : i32
        %mul3A_163 = arith.muli %scan3A_160, %mul3A_162 : i32
        %add3A_164 = arith.constant 0 : i32
        %add3A_165 = arith.addi %mul3A_163, %add3A_164 : i32
        %mul3A_166 = arith.constant 16 : i32
        %mul3A_167 = arith.muli %add3A_165, %mul3A_166 : i32
        %add3A_168 = arith.constant 0 : i32
        %add3A_169 = arith.addi %mul3A_167, %add3A_168 : i32
        %broadcast_in_dim3A_170 = vector.broadcast %add3A_169 : i32 to vector<16xi32>
        %gather3A = tpu.vector_load_idx %arg15[%broadcast_in_dim3A_170] : memref<512xf32, #tpu.memory_space<vmem>>[vector<16xi32>], vector<16xf32>,
        %get3A = arith.index_cast %add3A_165 : i32 to index
        %get3A_171 = arith.constant 0 : index
        %get3A_172 = tpu.vector_load %arg11[%get3A, %get3A_171] {strides = array<i32>} : memref<32x128xf32, #tpu.memory_space<vmem>>, vector<16xf32>,
        %mul3A_173 = arith.mulf %get3A_172, %gather3A : vector<16xf32>
        %swap3A = arith.index_cast %add3A_165 : i32 to index
        %swap3A_174 = arith.constant 0 : index
        %swap3A_175 = tpu.vector_load %arg11[%swap3A, %swap3A_174] {strides = array<i32>} : memref<32x128xf32, #tpu.memory_space<vmem>>, vector<16xf32>,
        tpu.vector_store %arg11[%swap3A, %swap3A_174], %mul3A_173 {strides = array<i32>} : memref<32x128xf32, #tpu.memory_space<vmem>>, vector<16xf32>,
        %mul3A_176 = arith.constant 16 : i32
        %mul3A_177 = arith.muli %add3A_165, %mul3A_176 : i32
        %add3A_178 = arith.constant 1 : i32
        %add3A_179 = arith.addi %mul3A_177, %add3A_178 : i32
        %broadcast_in_dim3A_180 = vector.broadcast %add3A_179 : i32 to vector<16xi32>
        %gather3A_181 = tpu.vector_load_idx %arg15[%broadcast_in_dim3A_180] : memref<512xf32, #tpu.memory_space<vmem>>[vector<16xi32>], vector<16xf32>,
        %get3A_182 = arith.index_cast %add3A_165 : i32 to index
        %get3A_183 = arith.constant 16 : index
        %get3A_184 = tpu.vector_load %arg11[%get3A_182, %get3A_183] {strides = array<i32>} : memref<32x128xf32, #tpu.memory_space<vmem>>, vector<16xf32>,
        %mul3A_185 = arith.mulf %get3A_184, %gather3A_181 : vector<16xf32>
        %swap3A_186 = arith.index_cast %add3A_165 : i32 to index
        %swap3A_187 = arith.constant 16 : index
        %swap3A_188 = tpu.vector_load %arg11[%swap3A_186, %swap3A_187] {strides = array<i32>} : memref<32x128xf32, #tpu.memory_space<vmem>>, vector<16xf32>,
        tpu.vector_store %arg11[%swap3A_186, %swap3A_187], %mul3A_185 {strides = array<i32>} : memref<32x128xf32, #tpu.memory_space<vmem>>, vector<16xf32>,
        %mul3A_189 = arith.constant 16 : i32
        %mul3A_190 = arith.muli %add3A_165, %mul3A_189 : i32
        %add3A_191 = arith.constant 2 : i32
        %add3A_192 = arith.addi %mul3A_190, %add3A_191 : i32
        %broadcast_in_dim3A_193 = vector.broadcast %add3A_192 : i32 to vector<16xi32>
        %gather3A_194 = tpu.vector_load_idx %arg15[%broadcast_in_dim3A_193] : memref<512xf32, #tpu.memory_space<vmem>>[vector<16xi32>], vector<16xf32>,
        %get3A_195 = arith.index_cast %add3A_165 : i32 to index
        %get3A_196 = arith.constant 32 : index
        %get3A_197 = tpu.vector_load %arg11[%get3A_195, %get3A_196] {strides = array<i32>} : memref<32x128xf32, #tpu.memory_space<vmem>>, vector<16xf32>,
        %mul3A_198 = arith.mulf %get3A_197, %gather3A_194 : vector<16xf32>
        %swap3A_199 = arith.index_cast %add3A_165 : i32 to index
        %swap3A_200 = arith.constant 32 : index
        %swap3A_201 = tpu.vector_load %arg11[%swap3A_199, %swap3A_200] {strides = array<i32>} : memref<32x128xf32, #tpu.memory_space<vmem>>, vector<16xf32>,
        tpu.vector_store %arg11[%swap3A_199, %swap3A_200], %mul3A_198 {strides = array<i32>} : memref<32x128xf32, #tpu.memory_space<vmem>>, vector<16xf32>,
        %mul3A_202 = arith.constant 16 : i32
        %mul3A_203 = arith.muli %add3A_165, %mul3A_202 : i32
        %add3A_204 = arith.constant 3 : i32
        %add3A_205 = arith.addi %mul3A_203, %add3A_204 : i32
        %broadcast_in_dim3A_206 = vector.broadcast %add3A_205 : i32 to vector<16xi32>
        %gather3A_207 = tpu.vector_load_idx %arg15[%broadcast_in_dim3A_206] : memref<512xf32, #tpu.memory_space<vmem>>[vector<16xi32>], vector<16xf32>,
        %get3A_208 = arith.index_cast %add3A_165 : i32 to index
        %get3A_209 = arith.constant 48 : index
        %get3A_210 = tpu.vector_load %arg11[%get3A_208, %get3A_209] {strides = array<i32>} : memref<32x128xf32, #tpu.memory_space<vmem>>, vector<16xf32>,
        %mul3A_211 = arith.mulf %get3A_210, %gather3A_207 : vector<16xf32>
        %swap3A_212 = arith.index_cast %add3A_165 : i32 to index
        %swap3A_213 = arith.constant 48 : index
        %swap3A_214 = tpu.vector_load %arg11[%swap3A_212, %swap3A_213] {strides = array<i32>} : memref<32x128xf32, #tpu.memory_space<vmem>>, vector<16xf32>,
        tpu.vector_store %arg11[%swap3A_212, %swap3A_213], %mul3A_211 {strides = array<i32>} : memref<32x128xf32, #tpu.memory_space<vmem>>, vector<16xf32>,
        %mul3A_215 = arith.constant 16 : i32
        %mul3A_216 = arith.muli %add3A_165, %mul3A_215 : i32
        %add3A_217 = arith.constant 4 : i32
        %add3A_218 = arith.addi %mul3A_216, %add3A_217 : i32
        %broadcast_in_dim3A_219 = vector.broadcast %add3A_218 : i32 to vector<16xi32>
        %gather3A_220 = tpu.vector_load_idx %arg15[%broadcast_in_dim3A_219] : memref<512xf32, #tpu.memory_space<vmem>>[vector<16xi32>], vector<16xf32>,
        %get3A_221 = arith.index_cast %add3A_165 : i32 to index
        %get3A_222 = arith.constant 64 : index
        %get3A_223 = tpu.vector_load %arg11[%get3A_221, %get3A_222] {strides = array<i32>} : memref<32x128xf32, #tpu.memory_space<vmem>>, vector<16xf32>,
        %mul3A_224 = arith.mulf %get3A_223, %gather3A_220 : vector<16xf32>
        %swap3A_225 = arith.index_cast %add3A_165 : i32 to index
        %swap3A_226 = arith.constant 64 : index
        %swap3A_227 = tpu.vector_load %arg11[%swap3A_225, %swap3A_226] {strides = array<i32>} : memref<32x128xf32, #tpu.memory_space<vmem>>, vector<16xf32>,
        tpu.vector_store %arg11[%swap3A_225, %swap3A_226], %mul3A_224 {strides = array<i32>} : memref<32x128xf32, #tpu.memory_space<vmem>>, vector<16xf32>,
        %mul3A_228 = arith.constant 16 : i32
        %mul3A_229 = arith.muli %add3A_165, %mul3A_228 : i32
        %add3A_230 = arith.constant 5 : i32
        %add3A_231 = arith.addi %mul3A_229, %add3A_230 : i32
        %broadcast_in_dim3A_232 = vector.broadcast %add3A_231 : i32 to vector<16xi32>
        %gather3A_233 = tpu.vector_load_idx %arg15[%broadcast_in_dim3A_232] : memref<512xf32, #tpu.memory_space<vmem>>[vector<16xi32>], vector<16xf32>,
        %get3A_234 = arith.index_cast %add3A_165 : i32 to index
        %get3A_235 = arith.constant 80 : index
        %get3A_236 = tpu.vector_load %arg11[%get3A_234, %get3A_235] {strides = array<i32>} : memref<32x128xf32, #tpu.memory_space<vmem>>, vector<16xf32>,
        %mul3A_237 = arith.mulf %get3A_236, %gather3A_233 : vector<16xf32>
        %swap3A_238 = arith.index_cast %add3A_165 : i32 to index
        %swap3A_239 = arith.constant 80 : index
        %swap3A_240 = tpu.vector_load %arg11[%swap3A_238, %swap3A_239] {strides = array<i32>} : memref<32x128xf32, #tpu.memory_space<vmem>>, vector<16xf32>,
        tpu.vector_store %arg11[%swap3A_238, %swap3A_239], %mul3A_237 {strides = array<i32>} : memref<32x128xf32, #tpu.memory_space<vmem>>, vector<16xf32>,
        %mul3A_241 = arith.constant 16 : i32
        %mul3A_242 = arith.muli %add3A_165, %mul3A_241 : i32
        %add3A_243 = arith.constant 6 : i32
        %add3A_244 = arith.addi %mul3A_242, %add3A_243 : i32
        %broadcast_in_dim3A_245 = vector.broadcast %add3A_244 : i32 to vector<16xi32>
        %gather3A_246 = tpu.vector_load_idx %arg15[%broadcast_in_dim3A_245] : memref<512xf32, #tpu.memory_space<vmem>>[vector<16xi32>], vector<16xf32>,
        %get3A_247 = arith.index_cast %add3A_165 : i32 to index
        %get3A_248 = arith.constant 96 : index
        %get3A_249 = tpu.vector_load %arg11[%get3A_247, %get3A_248] {strides = array<i32>} : memref<32x128xf32, #tpu.memory_space<vmem>>, vector<16xf32>,
        %mul3A_250 = arith.mulf %get3A_249, %gather3A_246 : vector<16xf32>
        %swap3A_251 = arith.index_cast %add3A_165 : i32 to index
        %swap3A_252 = arith.constant 96 : index
        %swap3A_253 = tpu.vector_load %arg11[%swap3A_251, %swap3A_252] {strides = array<i32>} : memref<32x128xf32, #tpu.memory_space<vmem>>, vector<16xf32>,
        tpu.vector_store %arg11[%swap3A_251, %swap3A_252], %mul3A_250 {strides = array<i32>} : memref<32x128xf32, #tpu.memory_space<vmem>>, vector<16xf32>,
        %mul3A_254 = arith.constant 16 : i32
        %mul3A_255 = arith.muli %add3A_165, %mul3A_254 : i32
        %add3A_256 = arith.constant 7 : i32
        %add3A_257 = arith.addi %mul3A_255, %add3A_256 : i32
        %broadcast_in_dim3A_258 = vector.broadcast %add3A_257 : i32 to vector<16xi32>
        %gather3A_259 = tpu.vector_load_idx %arg15[%broadcast_in_dim3A_258] : memref<512xf32, #tpu.memory_space<vmem>>[vector<16xi32>], vector<16xf32>,
        %get3A_260 = arith.index_cast %add3A_165 : i32 to index
        %get3A_261 = arith.constant 112 : index
        %get3A_262 = tpu.vector_load %arg11[%get3A_260, %get3A_261] {strides = array<i32>} : memref<32x128xf32, #tpu.memory_space<vmem>>, vector<16xf32>,
        %mul3A_263 = arith.mulf %get3A_262, %gather3A_259 : vector<16xf32>
        %swap3A_264 = arith.index_cast %add3A_165 : i32 to index
        %swap3A_265 = arith.constant 112 : index
        %swap3A_266 = tpu.vector_load %arg11[%swap3A_264, %swap3A_265] {strides = array<i32>} : memref<32x128xf32, #tpu.memory_space<vmem>>, vector<16xf32>,
        tpu.vector_store %arg11[%swap3A_264, %swap3A_265], %mul3A_263 {strides = array<i32>} : memref<32x128xf32, #tpu.memory_space<vmem>>, vector<16xf32>,
        %mul3A_267 = arith.constant 2 : i32
        %mul3A_268 = arith.muli %scan3A_160, %mul3A_267 : i32
        %add3A_269 = arith.constant 1 : i32
        %add3A_270 = arith.addi %mul3A_268, %add3A_269 : i32
        %mul3A_271 = arith.constant 16 : i32
        %mul3A_272 = arith.muli %add3A_270, %mul3A_271 : i32
        %add3A_273 = arith.constant 0 : i32
        %add3A_274 = arith.addi %mul3A_272, %add3A_273 : i32
        %broadcast_in_dim3A_275 = vector.broadcast %add3A_274 : i32 to vector<16xi32>
        %gather3A_276 = tpu.vector_load_idx %arg15[%broadcast_in_dim3A_275] : memref<512xf32, #tpu.memory_space<vmem>>[vector<16xi32>], vector<16xf32>,
        %get3A_277 = arith.index_cast %add3A_270 : i32 to index
        %get3A_278 = arith.constant 0 : index
        %get3A_279 = tpu.vector_load %arg11[%get3A_277, %get3A_278] {strides = array<i32>} : memref<32x128xf32, #tpu.memory_space<vmem>>, vector<16xf32>,
        %mul3A_280 = arith.mulf %get3A_279, %gather3A_276 : vector<16xf32>
        %swap3A_281 = arith.index_cast %add3A_270 : i32 to index
        %swap3A_282 = arith.constant 0 : index
        %swap3A_283 = tpu.vector_load %arg11[%swap3A_281, %swap3A_282] {strides = array<i32>} : memref<32x128xf32, #tpu.memory_space<vmem>>, vector<16xf32>,
        tpu.vector_store %arg11[%swap3A_281, %swap3A_282], %mul3A_280 {strides = array<i32>} : memref<32x128xf32, #tpu.memory_space<vmem>>, vector<16xf32>,
        %mul3A_284 = arith.constant 16 : i32
        %mul3A_285 = arith.muli %add3A_270, %mul3A_284 : i32
        %add3A_286 = arith.constant 1 : i32
        %add3A_287 = arith.addi %mul3A_285, %add3A_286 : i32
        %broadcast_in_dim3A_288 = vector.broadcast %add3A_287 : i32 to vector<16xi32>
        %gather3A_289 = tpu.vector_load_idx %arg15[%broadcast_in_dim3A_288] : memref<512xf32, #tpu.memory_space<vmem>>[vector<16xi32>], vector<16xf32>,
        %get3A_290 = arith.index_cast %add3A_270 : i32 to index
        %get3A_291 = arith.constant 16 : index
        %get3A_292 = tpu.vector_load %arg11[%get3A_290, %get3A_291] {strides = array<i32>} : memref<32x128xf32, #tpu.memory_space<vmem>>, vector<16xf32>,
        %mul3A_293 = arith.mulf %get3A_292, %gather3A_289 : vector<16xf32>
        %swap3A_294 = arith.index_cast %add3A_270 : i32 to index
        %swap3A_295 = arith.constant 16 : index
        %swap3A_296 = tpu.vector_load %arg11[%swap3A_294, %swap3A_295] {strides = array<i32>} : memref<32x128xf32, #tpu.memory_space<vmem>>, vector<16xf32>,
        tpu.vector_store %arg11[%swap3A_294, %swap3A_295], %mul3A_293 {strides = array<i32>} : memref<32x128xf32, #tpu.memory_space<vmem>>, vector<16xf32>,
        %mul3A_297 = arith.constant 16 : i32
        %mul3A_298 = arith.muli %add3A_270, %mul3A_297 : i32
        %add3A_299 = arith.constant 2 : i32
        %add3A_300 = arith.addi %mul3A_298, %add3A_299 : i32
        %broadcast_in_dim3A_301 = vector.broadcast %add3A_300 : i32 to vector<16xi32>
        %gather3A_302 = tpu.vector_load_idx %arg15[%broadcast_in_dim3A_301] : memref<512xf32, #tpu.memory_space<vmem>>[vector<16xi32>], vector<16xf32>,
        %get3A_303 = arith.index_cast %add3A_270 : i32 to index
        %get3A_304 = arith.constant 32 : index
        %get3A_305 = tpu.vector_load %arg11[%get3A_303, %get3A_304] {strides = array<i32>} : memref<32x128xf32, #tpu.memory_space<vmem>>, vector<16xf32>,
        %mul3A_306 = arith.mulf %get3A_305, %gather3A_302 : vector<16xf32>
        %swap3A_307 = arith.index_cast %add3A_270 : i32 to index
        %swap3A_308 = arith.constant 32 : index
        %swap3A_309 = tpu.vector_load %arg11[%swap3A_307, %swap3A_308] {strides = array<i32>} : memref<32x128xf32, #tpu.memory_space<vmem>>, vector<16xf32>,
        tpu.vector_store %arg11[%swap3A_307, %swap3A_308], %mul3A_306 {strides = array<i32>} : memref<32x128xf32, #tpu.memory_space<vmem>>, vector<16xf32>,
        %mul3A_310 = arith.constant 16 : i32
        %mul3A_311 = arith.muli %add3A_270, %mul3A_310 : i32
        %add3A_312 = arith.constant 3 : i32
        %add3A_313 = arith.addi %mul3A_311, %add3A_312 : i32
        %broadcast_in_dim3A_314 = vector.broadcast %add3A_313 : i32 to vector<16xi32>
        %gather3A_315 = tpu.vector_load_idx %arg15[%broadcast_in_dim3A_314] : memref<512xf32, #tpu.memory_space<vmem>>[vector<16xi32>], vector<16xf32>,
        %get3A_316 = arith.index_cast %add3A_270 : i32 to index
        %get3A_317 = arith.constant 48 : index
        %get3A_318 = tpu.vector_load %arg11[%get3A_316, %get3A_317] {strides = array<i32>} : memref<32x128xf32, #tpu.memory_space<vmem>>, vector<16xf32>,
        %mul3A_319 = arith.mulf %get3A_318, %gather3A_315 : vector<16xf32>
        %swap3A_320 = arith.index_cast %add3A_270 : i32 to index
        %swap3A_321 = arith.constant 48 : index
        %swap3A_322 = tpu.vector_load %arg11[%swap3A_320, %swap3A_321] {strides = array<i32>} : memref<32x128xf32, #tpu.memory_space<vmem>>, vector<16xf32>,
        tpu.vector_store %arg11[%swap3A_320, %swap3A_321], %mul3A_319 {strides = array<i32>} : memref<32x128xf32, #tpu.memory_space<vmem>>, vector<16xf32>,
        %mul3A_323 = arith.constant 16 : i32
        %mul3A_324 = arith.muli %add3A_270, %mul3A_323 : i32
        %add3A_325 = arith.constant 4 : i32
        %add3A_326 = arith.addi %mul3A_324, %add3A_325 : i32
        %broadcast_in_dim3A_327 = vector.broadcast %add3A_326 : i32 to vector<16xi32>
        %gather3A_328 = tpu.vector_load_idx %arg15[%broadcast_in_dim3A_327] : memref<512xf32, #tpu.memory_space<vmem>>[vector<16xi32>], vector<16xf32>,
        %get3A_329 = arith.index_cast %add3A_270 : i32 to index
        %get3A_330 = arith.constant 64 : index
        %get3A_331 = tpu.vector_load %arg11[%get3A_329, %get3A_330] {strides = array<i32>} : memref<32x128xf32, #tpu.memory_space<vmem>>, vector<16xf32>,
        %mul3A_332 = arith.mulf %get3A_331, %gather3A_328 : vector<16xf32>
        %swap3A_333 = arith.index_cast %add3A_270 : i32 to index
        %swap3A_334 = arith.constant 64 : index
        %swap3A_335 = tpu.vector_load %arg11[%swap3A_333, %swap3A_334] {strides = array<i32>} : memref<32x128xf32, #tpu.memory_space<vmem>>, vector<16xf32>,
        tpu.vector_store %arg11[%swap3A_333, %swap3A_334], %mul3A_332 {strides = array<i32>} : memref<32x128xf32, #tpu.memory_space<vmem>>, vector<16xf32>,
        %mul3A_336 = arith.constant 16 : i32
        %mul3A_337 = arith.muli %add3A_270, %mul3A_336 : i32
        %add3A_338 = arith.constant 5 : i32
        %add3A_339 = arith.addi %mul3A_337, %add3A_338 : i32
        %broadcast_in_dim3A_340 = vector.broadcast %add3A_339 : i32 to vector<16xi32>
        %gather3A_341 = tpu.vector_load_idx %arg15[%broadcast_in_dim3A_340] : memref<512xf32, #tpu.memory_space<vmem>>[vector<16xi32>], vector<16xf32>,
        %get3A_342 = arith.index_cast %add3A_270 : i32 to index
        %get3A_343 = arith.constant 80 : index
        %get3A_344 = tpu.vector_load %arg11[%get3A_342, %get3A_343] {strides = array<i32>} : memref<32x128xf32, #tpu.memory_space<vmem>>, vector<16xf32>,
        %mul3A_345 = arith.mulf %get3A_344, %gather3A_341 : vector<16xf32>
        %swap3A_346 = arith.index_cast %add3A_270 : i32 to index
        %swap3A_347 = arith.constant 80 : index
        %swap3A_348 = tpu.vector_load %arg11[%swap3A_346, %swap3A_347] {strides = array<i32>} : memref<32x128xf32, #tpu.memory_space<vmem>>, vector<16xf32>,
        tpu.vector_store %arg11[%swap3A_346, %swap3A_347], %mul3A_345 {strides = array<i32>} : memref<32x128xf32, #tpu.memory_space<vmem>>, vector<16xf32>,
        %mul3A_349 = arith.constant 16 : i32
        %mul3A_350 = arith.muli %add3A_270, %mul3A_349 : i32
        %add3A_351 = arith.constant 6 : i32
        %add3A_352 = arith.addi %mul3A_350, %add3A_351 : i32
        %broadcast_in_dim3A_353 = vector.broadcast %add3A_352 : i32 to vector<16xi32>
        %gather3A_354 = tpu.vector_load_idx %arg15[%broadcast_in_dim3A_353] : memref<512xf32, #tpu.memory_space<vmem>>[vector<16xi32>], vector<16xf32>,
        %get3A_355 = arith.index_cast %add3A_270 : i32 to index
        %get3A_356 = arith.constant 96 : index
        %get3A_357 = tpu.vector_load %arg11[%get3A_355, %get3A_356] {strides = array<i32>} : memref<32x128xf32, #tpu.memory_space<vmem>>, vector<16xf32>,
        %mul3A_358 = arith.mulf %get3A_357, %gather3A_354 : vector<16xf32>
        %swap3A_359 = arith.index_cast %add3A_270 : i32 to index
        %swap3A_360 = arith.constant 96 : index
        %swap3A_361 = tpu.vector_load %arg11[%swap3A_359, %swap3A_360] {strides = array<i32>} : memref<32x128xf32, #tpu.memory_space<vmem>>, vector<16xf32>,
        tpu.vector_store %arg11[%swap3A_359, %swap3A_360], %mul3A_358 {strides = array<i32>} : memref<32x128xf32, #tpu.memory_space<vmem>>, vector<16xf32>,
        %mul3A_362 = arith.constant 16 : i32
        %mul3A_363 = arith.muli %add3A_270, %mul3A_362 : i32
        %add3A_364 = arith.constant 7 : i32
        %add3A_365 = arith.addi %mul3A_363, %add3A_364 : i32
        %broadcast_in_dim3A_366 = vector.broadcast %add3A_365 : i32 to vector<16xi32>
        %gather3A_367 = tpu.vector_load_idx %arg15[%broadcast_in_dim3A_366] : memref<512xf32, #tpu.memory_space<vmem>>[vector<16xi32>], vector<16xf32>,
        %get3A_368 = arith.index_cast %add3A_270 : i32 to index
        %get3A_369 = arith.constant 112 : index
        %get3A_370 = tpu.vector_load %arg11[%get3A_368, %get3A_369] {strides = array<i32>} : memref<32x128xf32, #tpu.memory_space<vmem>>, vector<16xf32>,
        %mul3A_371 = arith.mulf %get3A_370, %gather3A_367 : vector<16xf32>
        %swap3A_372 = arith.index_cast %add3A_270 : i32 to index
        %swap3A_373 = arith.constant 112 : index
        %swap3A_374 = tpu.vector_load %arg11[%swap3A_372, %swap3A_373] {strides = array<i32>} : memref<32x128xf32, #tpu.memory_space<vmem>>, vector<16xf32>,
        tpu.vector_store %arg11[%swap3A_372, %swap3A_373], %mul3A_371 {strides = array<i32>} : memref<32x128xf32, #tpu.memory_space<vmem>>, vector<16xf32>,
        %scan3A_375 = arith.constant 0 : i32
        scf.yield %scan3A_375 : i32
      }
      %scan3A_104 = arith.constant 16 : i32
      %dma_start3A_105 = arith.constant 0 : i32
      %dma_start3A_106 = arith.constant 0 : i32
      %dma_start3A_107 = tpu.memref_slice %arg22[%dma_start3A_105, %dma_start3A_106] : memref<11360x128xf32, #tpu.memory_space<vmem_shared>> -> memref<11360x128xf32, #tpu.memory_space<vmem_shared>>
      tpu.enqueue_indirect_dma source(%arg11 : memref<32x128xf32, #tpu.memory_space<vmem>>) target(%dma_start3A_107 : memref<11360x128xf32, #tpu.memory_space<vmem_shared>>) offsets(%arg16 : memref<32xi32, #tpu.memory_space<vmem>>) semaphore(%arg26 : memref<!tpu.dma_semaphore, #tpu.memory_space<semaphore_mem>>) {add = true}
      %dma_start3A_108 = arith.constant 0 : i32
      %dma_start3A_109 = arith.constant 0 : i32
      %dma_start3A_110 = tpu.memref_slice %arg22[%dma_start3A_108, %dma_start3A_109] : memref<11360x128xf32, #tpu.memory_space<vmem_shared>> -> memref<11360x128xf32, #tpu.memory_space<vmem_shared>>
      tpu.enqueue_indirect_dma source(%arg9 : memref<32x128xf32, #tpu.memory_space<vmem>>) target(%dma_start3A_110 : memref<11360x128xf32, #tpu.memory_space<vmem_shared>>) offsets(%arg18 : memref<32xi32, #tpu.memory_space<vmem>>) semaphore(%arg27 : memref<!tpu.dma_semaphore, #tpu.memory_space<semaphore_mem>>) {add = true}
      %dma_wait3A_111 = arith.constant 0 : i32
      %dma_wait3A_112 = arith.constant 0 : i32
      %dma_wait3A_113 = tpu.memref_slice %arg2[%dma_wait3A_111, %dma_wait3A_112] : memref<10080x128xf32, #tpu.memory_space<hbm>> -> memref<10080x128xf32, #tpu.memory_space<hbm>>
      tpu.wait_indirect_dma semaphore(%arg28 : memref<!tpu.dma_semaphore, #tpu.memory_space<semaphore_mem>>) src(%dma_wait3A_113 : memref<10080x128xf32, #tpu.memory_space<hbm>>) dst(%arg12 : memref<32x128xf32, #tpu.memory_space<vmem>>)
      %dma_wait3A_114 = arith.constant 0 : i32
      %dma_wait3A_115 = arith.constant 0 : i32
      %dma_wait3A_116 = tpu.memref_slice %arg3[%dma_wait3A_114, %dma_wait3A_115] : memref<20000x128xf32, #tpu.memory_space<hbm>> -> memref<20000x128xf32, #tpu.memory_space<hbm>>
      tpu.wait_indirect_dma semaphore(%arg29 : memref<!tpu.dma_semaphore, #tpu.memory_space<semaphore_mem>>) src(%dma_wait3A_116 : memref<20000x128xf32, #tpu.memory_space<hbm>>) dst(%arg13 : memref<32x128xf32, #tpu.memory_space<vmem>>)
      %scan3A_117 = arith.constant 0 : i32
      %scan3A_118 = arith.constant 0 : i32
      %scan3A_119 = arith.constant 2 : i32
      %scan3A_120 = arith.addi %scan3A_118, %scan3A_119 : i32
      %scan3A_121 = arith.constant 1 : i32
      %scan3A_122 = scf.for %scan3A_160 = %scan3A_118 to %scan3A_120 step %scan3A_121 iter_args(%scan3A_161 = %scan3A_117) -> (i32)  : i32 {
        %mul3A_162 = arith.constant 16 : i32
        %mul3A_163 = arith.muli %scan3A_160, %mul3A_162 : i32
        %add3A_164 = vector.broadcast %mul3A_163 : i32 to vector<16xi32>
        %add3A_165 = arith.addi %add3A_164, %iota3A : vector<16xi32>
        %broadcast_in_dim3A_166 = arith.constant 0 : i32
        %broadcast_in_dim3A_167 = vector.broadcast %broadcast_in_dim3A_166 : i32 to vector<16xi32>
        %gather3A = tpu.vector_load_idx %arg12[%add3A_165, %broadcast_in_dim3A_167] : memref<32x128xf32, #tpu.memory_space<vmem>>[vector<16xi32>, vector<16xi32>], vector<16xf32>,
        %gather3A_168 = tpu.vector_load_idx %arg13[%add3A_165, %broadcast_in_dim3A_167] : memref<32x128xf32, #tpu.memory_space<vmem>>[vector<16xi32>, vector<16xi32>], vector<16xf32>,
        %mul3A_169 = arith.mulf %gather3A, %gather3A_168 : vector<16xf32>
        %add3A_170 = arith.addf %broadcast_in_dim3A_1, %mul3A_169 : vector<16xf32>
        %broadcast_in_dim3A_171 = arith.constant 1 : i32
        %broadcast_in_dim3A_172 = vector.broadcast %broadcast_in_dim3A_171 : i32 to vector<16xi32>
        %gather3A_173 = tpu.vector_load_idx %arg12[%add3A_165, %broadcast_in_dim3A_172] : memref<32x128xf32, #tpu.memory_space<vmem>>[vector<16xi32>, vector<16xi32>], vector<16xf32>,
        %gather3A_174 = tpu.vector_load_idx %arg13[%add3A_165, %broadcast_in_dim3A_172] : memref<32x128xf32, #tpu.memory_space<vmem>>[vector<16xi32>, vector<16xi32>], vector<16xf32>,
        %mul3A_175 = arith.mulf %gather3A_173, %gather3A_174 : vector<16xf32>
        %add3A_176 = arith.addf %add3A_170, %mul3A_175 : vector<16xf32>
        %broadcast_in_dim3A_177 = arith.constant 2 : i32
        %broadcast_in_dim3A_178 = vector.broadcast %broadcast_in_dim3A_177 : i32 to vector<16xi32>
        %gather3A_179 = tpu.vector_load_idx %arg12[%add3A_165, %broadcast_in_dim3A_178] : memref<32x128xf32, #tpu.memory_space<vmem>>[vector<16xi32>, vector<16xi32>], vector<16xf32>,
        %gather3A_180 = tpu.vector_load_idx %arg13[%add3A_165, %broadcast_in_dim3A_178] : memref<32x128xf32, #tpu.memory_space<vmem>>[vector<16xi32>, vector<16xi32>], vector<16xf32>,
        %mul3A_181 = arith.mulf %gather3A_179, %gather3A_180 : vector<16xf32>
        %add3A_182 = arith.addf %add3A_176, %mul3A_181 : vector<16xf32>
        %broadcast_in_dim3A_183 = arith.constant 3 : i32
        %broadcast_in_dim3A_184 = vector.broadcast %broadcast_in_dim3A_183 : i32 to vector<16xi32>
        %gather3A_185 = tpu.vector_load_idx %arg12[%add3A_165, %broadcast_in_dim3A_184] : memref<32x128xf32, #tpu.memory_space<vmem>>[vector<16xi32>, vector<16xi32>], vector<16xf32>,
        %gather3A_186 = tpu.vector_load_idx %arg13[%add3A_165, %broadcast_in_dim3A_184] : memref<32x128xf32, #tpu.memory_space<vmem>>[vector<16xi32>, vector<16xi32>], vector<16xf32>,
        %mul3A_187 = arith.mulf %gather3A_185, %gather3A_186 : vector<16xf32>
        %add3A_188 = arith.addf %add3A_182, %mul3A_187 : vector<16xf32>
        %broadcast_in_dim3A_189 = arith.constant 4 : i32
        %broadcast_in_dim3A_190 = vector.broadcast %broadcast_in_dim3A_189 : i32 to vector<16xi32>
        %gather3A_191 = tpu.vector_load_idx %arg12[%add3A_165, %broadcast_in_dim3A_190] : memref<32x128xf32, #tpu.memory_space<vmem>>[vector<16xi32>, vector<16xi32>], vector<16xf32>,
        %gather3A_192 = tpu.vector_load_idx %arg13[%add3A_165, %broadcast_in_dim3A_190] : memref<32x128xf32, #tpu.memory_space<vmem>>[vector<16xi32>, vector<16xi32>], vector<16xf32>,
        %mul3A_193 = arith.mulf %gather3A_191, %gather3A_192 : vector<16xf32>
        %add3A_194 = arith.addf %broadcast_in_dim3A_1, %mul3A_193 : vector<16xf32>
        %broadcast_in_dim3A_195 = arith.constant 5 : i32
        %broadcast_in_dim3A_196 = vector.broadcast %broadcast_in_dim3A_195 : i32 to vector<16xi32>
        %gather3A_197 = tpu.vector_load_idx %arg12[%add3A_165, %broadcast_in_dim3A_196] : memref<32x128xf32, #tpu.memory_space<vmem>>[vector<16xi32>, vector<16xi32>], vector<16xf32>,
        %gather3A_198 = tpu.vector_load_idx %arg13[%add3A_165, %broadcast_in_dim3A_196] : memref<32x128xf32, #tpu.memory_space<vmem>>[vector<16xi32>, vector<16xi32>], vector<16xf32>,
        %mul3A_199 = arith.mulf %gather3A_197, %gather3A_198 : vector<16xf32>
        %add3A_200 = arith.addf %add3A_194, %mul3A_199 : vector<16xf32>
        %broadcast_in_dim3A_201 = arith.constant 6 : i32
        %broadcast_in_dim3A_202 = vector.broadcast %broadcast_in_dim3A_201 : i32 to vector<16xi32>
        %gather3A_203 = tpu.vector_load_idx %arg12[%add3A_165, %broadcast_in_dim3A_202] : memref<32x128xf32, #tpu.memory_space<vmem>>[vector<16xi32>, vector<16xi32>], vector<16xf32>,
        %gather3A_204 = tpu.vector_load_idx %arg13[%add3A_165, %broadcast_in_dim3A_202] : memref<32x128xf32, #tpu.memory_space<vmem>>[vector<16xi32>, vector<16xi32>], vector<16xf32>,
        %mul3A_205 = arith.mulf %gather3A_203, %gather3A_204 : vector<16xf32>
        %add3A_206 = arith.addf %add3A_200, %mul3A_205 : vector<16xf32>
        %broadcast_in_dim3A_207 = arith.constant 7 : i32
        %broadcast_in_dim3A_208 = vector.broadcast %broadcast_in_dim3A_207 : i32 to vector<16xi32>
        %gather3A_209 = tpu.vector_load_idx %arg12[%add3A_165, %broadcast_in_dim3A_208] : memref<32x128xf32, #tpu.memory_space<vmem>>[vector<16xi32>, vector<16xi32>], vector<16xf32>,
        %gather3A_210 = tpu.vector_load_idx %arg13[%add3A_165, %broadcast_in_dim3A_208] : memref<32x128xf32, #tpu.memory_space<vmem>>[vector<16xi32>, vector<16xi32>], vector<16xf32>,
        %mul3A_211 = arith.mulf %gather3A_209, %gather3A_210 : vector<16xf32>
        %add3A_212 = arith.addf %add3A_206, %mul3A_211 : vector<16xf32>
        %broadcast_in_dim3A_213 = arith.constant 8 : i32
        %broadcast_in_dim3A_214 = vector.broadcast %broadcast_in_dim3A_213 : i32 to vector<16xi32>
        %gather3A_215 = tpu.vector_load_idx %arg12[%add3A_165, %broadcast_in_dim3A_214] : memref<32x128xf32, #tpu.memory_space<vmem>>[vector<16xi32>, vector<16xi32>], vector<16xf32>,
        %gather3A_216 = tpu.vector_load_idx %arg13[%add3A_165, %broadcast_in_dim3A_214] : memref<32x128xf32, #tpu.memory_space<vmem>>[vector<16xi32>, vector<16xi32>], vector<16xf32>,
        %mul3A_217 = arith.mulf %gather3A_215, %gather3A_216 : vector<16xf32>
        %add3A_218 = arith.addf %broadcast_in_dim3A_1, %mul3A_217 : vector<16xf32>
        %broadcast_in_dim3A_219 = arith.constant 9 : i32
        %broadcast_in_dim3A_220 = vector.broadcast %broadcast_in_dim3A_219 : i32 to vector<16xi32>
        %gather3A_221 = tpu.vector_load_idx %arg12[%add3A_165, %broadcast_in_dim3A_220] : memref<32x128xf32, #tpu.memory_space<vmem>>[vector<16xi32>, vector<16xi32>], vector<16xf32>,
        %gather3A_222 = tpu.vector_load_idx %arg13[%add3A_165, %broadcast_in_dim3A_220] : memref<32x128xf32, #tpu.memory_space<vmem>>[vector<16xi32>, vector<16xi32>], vector<16xf32>,
        %mul3A_223 = arith.mulf %gather3A_221, %gather3A_222 : vector<16xf32>
        %add3A_224 = arith.addf %add3A_218, %mul3A_223 : vector<16xf32>
        %broadcast_in_dim3A_225 = arith.constant 10 : i32
        %broadcast_in_dim3A_226 = vector.broadcast %broadcast_in_dim3A_225 : i32 to vector<16xi32>
        %gather3A_227 = tpu.vector_load_idx %arg12[%add3A_165, %broadcast_in_dim3A_226] : memref<32x128xf32, #tpu.memory_space<vmem>>[vector<16xi32>, vector<16xi32>], vector<16xf32>,
        %gather3A_228 = tpu.vector_load_idx %arg13[%add3A_165, %broadcast_in_dim3A_226] : memref<32x128xf32, #tpu.memory_space<vmem>>[vector<16xi32>, vector<16xi32>], vector<16xf32>,
        %mul3A_229 = arith.mulf %gather3A_227, %gather3A_228 : vector<16xf32>
        %add3A_230 = arith.addf %add3A_224, %mul3A_229 : vector<16xf32>
        %broadcast_in_dim3A_231 = arith.constant 11 : i32
        %broadcast_in_dim3A_232 = vector.broadcast %broadcast_in_dim3A_231 : i32 to vector<16xi32>
        %gather3A_233 = tpu.vector_load_idx %arg12[%add3A_165, %broadcast_in_dim3A_232] : memref<32x128xf32, #tpu.memory_space<vmem>>[vector<16xi32>, vector<16xi32>], vector<16xf32>,
        %gather3A_234 = tpu.vector_load_idx %arg13[%add3A_165, %broadcast_in_dim3A_232] : memref<32x128xf32, #tpu.memory_space<vmem>>[vector<16xi32>, vector<16xi32>], vector<16xf32>,
        %mul3A_235 = arith.mulf %gather3A_233, %gather3A_234 : vector<16xf32>
        %add3A_236 = arith.addf %add3A_230, %mul3A_235 : vector<16xf32>
        %broadcast_in_dim3A_237 = arith.constant 12 : i32
        %broadcast_in_dim3A_238 = vector.broadcast %broadcast_in_dim3A_237 : i32 to vector<16xi32>
        %gather3A_239 = tpu.vector_load_idx %arg12[%add3A_165, %broadcast_in_dim3A_238] : memref<32x128xf32, #tpu.memory_space<vmem>>[vector<16xi32>, vector<16xi32>], vector<16xf32>,
        %gather3A_240 = tpu.vector_load_idx %arg13[%add3A_165, %broadcast_in_dim3A_238] : memref<32x128xf32, #tpu.memory_space<vmem>>[vector<16xi32>, vector<16xi32>], vector<16xf32>,
        %mul3A_241 = arith.mulf %gather3A_239, %gather3A_240 : vector<16xf32>
        %add3A_242 = arith.addf %broadcast_in_dim3A_1, %mul3A_241 : vector<16xf32>
        %broadcast_in_dim3A_243 = arith.constant 13 : i32
        %broadcast_in_dim3A_244 = vector.broadcast %broadcast_in_dim3A_243 : i32 to vector<16xi32>
        %gather3A_245 = tpu.vector_load_idx %arg12[%add3A_165, %broadcast_in_dim3A_244] : memref<32x128xf32, #tpu.memory_space<vmem>>[vector<16xi32>, vector<16xi32>], vector<16xf32>,
        %gather3A_246 = tpu.vector_load_idx %arg13[%add3A_165, %broadcast_in_dim3A_244] : memref<32x128xf32, #tpu.memory_space<vmem>>[vector<16xi32>, vector<16xi32>], vector<16xf32>,
        %mul3A_247 = arith.mulf %gather3A_245, %gather3A_246 : vector<16xf32>
        %add3A_248 = arith.addf %add3A_242, %mul3A_247 : vector<16xf32>
        %broadcast_in_dim3A_249 = arith.constant 14 : i32
        %broadcast_in_dim3A_250 = vector.broadcast %broadcast_in_dim3A_249 : i32 to vector<16xi32>
        %gather3A_251 = tpu.vector_load_idx %arg12[%add3A_165, %broadcast_in_dim3A_250] : memref<32x128xf32, #tpu.memory_space<vmem>>[vector<16xi32>, vector<16xi32>], vector<16xf32>,
        %gather3A_252 = tpu.vector_load_idx %arg13[%add3A_165, %broadcast_in_dim3A_250] : memref<32x128xf32, #tpu.memory_space<vmem>>[vector<16xi32>, vector<16xi32>], vector<16xf32>,
        %mul3A_253 = arith.mulf %gather3A_251, %gather3A_252 : vector<16xf32>
        %add3A_254 = arith.addf %add3A_248, %mul3A_253 : vector<16xf32>
        %broadcast_in_dim3A_255 = arith.constant 15 : i32
        %broadcast_in_dim3A_256 = vector.broadcast %broadcast_in_dim3A_255 : i32 to vector<16xi32>
        %gather3A_257 = tpu.vector_load_idx %arg12[%add3A_165, %broadcast_in_dim3A_256] : memref<32x128xf32, #tpu.memory_space<vmem>>[vector<16xi32>, vector<16xi32>], vector<16xf32>,
        %gather3A_258 = tpu.vector_load_idx %arg13[%add3A_165, %broadcast_in_dim3A_256] : memref<32x128xf32, #tpu.memory_space<vmem>>[vector<16xi32>, vector<16xi32>], vector<16xf32>,
        %mul3A_259 = arith.mulf %gather3A_257, %gather3A_258 : vector<16xf32>
        %add3A_260 = arith.addf %add3A_254, %mul3A_259 : vector<16xf32>
        %add3A_261 = arith.addf %add3A_188, %add3A_212 : vector<16xf32>
        %add3A_262 = arith.addf %add3A_236, %add3A_260 : vector<16xf32>
        %add3A_263 = arith.addf %add3A_261, %add3A_262 : vector<16xf32>
        %exp3A = math.exp %add3A_263 : vector<16xf32>
        %mul3A_264 = arith.constant 16 : i32
        %mul3A_265 = vector.broadcast %mul3A_264 : i32 to vector<16xi32>
        %mul3A_266 = arith.muli %add3A_165, %mul3A_265 : vector<16xi32>
        %add3A_267 = arith.constant 0 : i32
        %add3A_268 = vector.broadcast %add3A_267 : i32 to vector<16xi32>
        %add3A_269 = arith.addi %mul3A_266, %add3A_268 : vector<16xi32>
        tpu.vector_store_idx %arg15[%add3A_269], %exp3A : memref<512xf32, #tpu.memory_space<vmem>>[vector<16xi32>], vector<16xf32>,
        %broadcast_in_dim3A_270 = arith.constant 16 : i32
        %broadcast_in_dim3A_271 = vector.broadcast %broadcast_in_dim3A_270 : i32 to vector<16xi32>
        %gather3A_272 = tpu.vector_load_idx %arg12[%add3A_165, %broadcast_in_dim3A_271] : memref<32x128xf32, #tpu.memory_space<vmem>>[vector<16xi32>, vector<16xi32>], vector<16xf32>,
        %gather3A_273 = tpu.vector_load_idx %arg13[%add3A_165, %broadcast_in_dim3A_271] : memref<32x128xf32, #tpu.memory_space<vmem>>[vector<16xi32>, vector<16xi32>], vector<16xf32>,
        %mul3A_274 = arith.mulf %gather3A_272, %gather3A_273 : vector<16xf32>
        %add3A_275 = arith.addf %broadcast_in_dim3A_1, %mul3A_274 : vector<16xf32>
        %broadcast_in_dim3A_276 = arith.constant 17 : i32
        %broadcast_in_dim3A_277 = vector.broadcast %broadcast_in_dim3A_276 : i32 to vector<16xi32>
        %gather3A_278 = tpu.vector_load_idx %arg12[%add3A_165, %broadcast_in_dim3A_277] : memref<32x128xf32, #tpu.memory_space<vmem>>[vector<16xi32>, vector<16xi32>], vector<16xf32>,
        %gather3A_279 = tpu.vector_load_idx %arg13[%add3A_165, %broadcast_in_dim3A_277] : memref<32x128xf32, #tpu.memory_space<vmem>>[vector<16xi32>, vector<16xi32>], vector<16xf32>,
        %mul3A_280 = arith.mulf %gather3A_278, %gather3A_279 : vector<16xf32>
        %add3A_281 = arith.addf %add3A_275, %mul3A_280 : vector<16xf32>
        %broadcast_in_dim3A_282 = arith.constant 18 : i32
        %broadcast_in_dim3A_283 = vector.broadcast %broadcast_in_dim3A_282 : i32 to vector<16xi32>
        %gather3A_284 = tpu.vector_load_idx %arg12[%add3A_165, %broadcast_in_dim3A_283] : memref<32x128xf32, #tpu.memory_space<vmem>>[vector<16xi32>, vector<16xi32>], vector<16xf32>,
        %gather3A_285 = tpu.vector_load_idx %arg13[%add3A_165, %broadcast_in_dim3A_283] : memref<32x128xf32, #tpu.memory_space<vmem>>[vector<16xi32>, vector<16xi32>], vector<16xf32>,
        %mul3A_286 = arith.mulf %gather3A_284, %gather3A_285 : vector<16xf32>
        %add3A_287 = arith.addf %add3A_281, %mul3A_286 : vector<16xf32>
        %broadcast_in_dim3A_288 = arith.constant 19 : i32
        %broadcast_in_dim3A_289 = vector.broadcast %broadcast_in_dim3A_288 : i32 to vector<16xi32>
        %gather3A_290 = tpu.vector_load_idx %arg12[%add3A_165, %broadcast_in_dim3A_289] : memref<32x128xf32, #tpu.memory_space<vmem>>[vector<16xi32>, vector<16xi32>], vector<16xf32>,
        %gather3A_291 = tpu.vector_load_idx %arg13[%add3A_165, %broadcast_in_dim3A_289] : memref<32x128xf32, #tpu.memory_space<vmem>>[vector<16xi32>, vector<16xi32>], vector<16xf32>,
        %mul3A_292 = arith.mulf %gather3A_290, %gather3A_291 : vector<16xf32>
        %add3A_293 = arith.addf %add3A_287, %mul3A_292 : vector<16xf32>
        %broadcast_in_dim3A_294 = arith.constant 20 : i32
        %broadcast_in_dim3A_295 = vector.broadcast %broadcast_in_dim3A_294 : i32 to vector<16xi32>
        %gather3A_296 = tpu.vector_load_idx %arg12[%add3A_165, %broadcast_in_dim3A_295] : memref<32x128xf32, #tpu.memory_space<vmem>>[vector<16xi32>, vector<16xi32>], vector<16xf32>,
        %gather3A_297 = tpu.vector_load_idx %arg13[%add3A_165, %broadcast_in_dim3A_295] : memref<32x128xf32, #tpu.memory_space<vmem>>[vector<16xi32>, vector<16xi32>], vector<16xf32>,
        %mul3A_298 = arith.mulf %gather3A_296, %gather3A_297 : vector<16xf32>
        %add3A_299 = arith.addf %broadcast_in_dim3A_1, %mul3A_298 : vector<16xf32>
        %broadcast_in_dim3A_300 = arith.constant 21 : i32
        %broadcast_in_dim3A_301 = vector.broadcast %broadcast_in_dim3A_300 : i32 to vector<16xi32>
        %gather3A_302 = tpu.vector_load_idx %arg12[%add3A_165, %broadcast_in_dim3A_301] : memref<32x128xf32, #tpu.memory_space<vmem>>[vector<16xi32>, vector<16xi32>], vector<16xf32>,
        %gather3A_303 = tpu.vector_load_idx %arg13[%add3A_165, %broadcast_in_dim3A_301] : memref<32x128xf32, #tpu.memory_space<vmem>>[vector<16xi32>, vector<16xi32>], vector<16xf32>,
        %mul3A_304 = arith.mulf %gather3A_302, %gather3A_303 : vector<16xf32>
        %add3A_305 = arith.addf %add3A_299, %mul3A_304 : vector<16xf32>
        %broadcast_in_dim3A_306 = arith.constant 22 : i32
        %broadcast_in_dim3A_307 = vector.broadcast %broadcast_in_dim3A_306 : i32 to vector<16xi32>
        %gather3A_308 = tpu.vector_load_idx %arg12[%add3A_165, %broadcast_in_dim3A_307] : memref<32x128xf32, #tpu.memory_space<vmem>>[vector<16xi32>, vector<16xi32>], vector<16xf32>,
        %gather3A_309 = tpu.vector_load_idx %arg13[%add3A_165, %broadcast_in_dim3A_307] : memref<32x128xf32, #tpu.memory_space<vmem>>[vector<16xi32>, vector<16xi32>], vector<16xf32>,
        %mul3A_310 = arith.mulf %gather3A_308, %gather3A_309 : vector<16xf32>
        %add3A_311 = arith.addf %add3A_305, %mul3A_310 : vector<16xf32>
        %broadcast_in_dim3A_312 = arith.constant 23 : i32
        %broadcast_in_dim3A_313 = vector.broadcast %broadcast_in_dim3A_312 : i32 to vector<16xi32>
        %gather3A_314 = tpu.vector_load_idx %arg12[%add3A_165, %broadcast_in_dim3A_313] : memref<32x128xf32, #tpu.memory_space<vmem>>[vector<16xi32>, vector<16xi32>], vector<16xf32>,
        %gather3A_315 = tpu.vector_load_idx %arg13[%add3A_165, %broadcast_in_dim3A_313] : memref<32x128xf32, #tpu.memory_space<vmem>>[vector<16xi32>, vector<16xi32>], vector<16xf32>,
        %mul3A_316 = arith.mulf %gather3A_314, %gather3A_315 : vector<16xf32>
        %add3A_317 = arith.addf %add3A_311, %mul3A_316 : vector<16xf32>
        %broadcast_in_dim3A_318 = arith.constant 24 : i32
        %broadcast_in_dim3A_319 = vector.broadcast %broadcast_in_dim3A_318 : i32 to vector<16xi32>
        %gather3A_320 = tpu.vector_load_idx %arg12[%add3A_165, %broadcast_in_dim3A_319] : memref<32x128xf32, #tpu.memory_space<vmem>>[vector<16xi32>, vector<16xi32>], vector<16xf32>,
        %gather3A_321 = tpu.vector_load_idx %arg13[%add3A_165, %broadcast_in_dim3A_319] : memref<32x128xf32, #tpu.memory_space<vmem>>[vector<16xi32>, vector<16xi32>], vector<16xf32>,
        %mul3A_322 = arith.mulf %gather3A_320, %gather3A_321 : vector<16xf32>
        %add3A_323 = arith.addf %broadcast_in_dim3A_1, %mul3A_322 : vector<16xf32>
        %broadcast_in_dim3A_324 = arith.constant 25 : i32
        %broadcast_in_dim3A_325 = vector.broadcast %broadcast_in_dim3A_324 : i32 to vector<16xi32>
        %gather3A_326 = tpu.vector_load_idx %arg12[%add3A_165, %broadcast_in_dim3A_325] : memref<32x128xf32, #tpu.memory_space<vmem>>[vector<16xi32>, vector<16xi32>], vector<16xf32>,
        %gather3A_327 = tpu.vector_load_idx %arg13[%add3A_165, %broadcast_in_dim3A_325] : memref<32x128xf32, #tpu.memory_space<vmem>>[vector<16xi32>, vector<16xi32>], vector<16xf32>,
        %mul3A_328 = arith.mulf %gather3A_326, %gather3A_327 : vector<16xf32>
        %add3A_329 = arith.addf %add3A_323, %mul3A_328 : vector<16xf32>
        %broadcast_in_dim3A_330 = arith.constant 26 : i32
        %broadcast_in_dim3A_331 = vector.broadcast %broadcast_in_dim3A_330 : i32 to vector<16xi32>
        %gather3A_332 = tpu.vector_load_idx %arg12[%add3A_165, %broadcast_in_dim3A_331] : memref<32x128xf32, #tpu.memory_space<vmem>>[vector<16xi32>, vector<16xi32>], vector<16xf32>,
        %gather3A_333 = tpu.vector_load_idx %arg13[%add3A_165, %broadcast_in_dim3A_331] : memref<32x128xf32, #tpu.memory_space<vmem>>[vector<16xi32>, vector<16xi32>], vector<16xf32>,
        %mul3A_334 = arith.mulf %gather3A_332, %gather3A_333 : vector<16xf32>
        %add3A_335 = arith.addf %add3A_329, %mul3A_334 : vector<16xf32>
        %broadcast_in_dim3A_336 = arith.constant 27 : i32
        %broadcast_in_dim3A_337 = vector.broadcast %broadcast_in_dim3A_336 : i32 to vector<16xi32>
        %gather3A_338 = tpu.vector_load_idx %arg12[%add3A_165, %broadcast_in_dim3A_337] : memref<32x128xf32, #tpu.memory_space<vmem>>[vector<16xi32>, vector<16xi32>], vector<16xf32>,
        %gather3A_339 = tpu.vector_load_idx %arg13[%add3A_165, %broadcast_in_dim3A_337] : memref<32x128xf32, #tpu.memory_space<vmem>>[vector<16xi32>, vector<16xi32>], vector<16xf32>,
        %mul3A_340 = arith.mulf %gather3A_338, %gather3A_339 : vector<16xf32>
        %add3A_341 = arith.addf %add3A_335, %mul3A_340 : vector<16xf32>
        %broadcast_in_dim3A_342 = arith.constant 28 : i32
        %broadcast_in_dim3A_343 = vector.broadcast %broadcast_in_dim3A_342 : i32 to vector<16xi32>
        %gather3A_344 = tpu.vector_load_idx %arg12[%add3A_165, %broadcast_in_dim3A_343] : memref<32x128xf32, #tpu.memory_space<vmem>>[vector<16xi32>, vector<16xi32>], vector<16xf32>,
        %gather3A_345 = tpu.vector_load_idx %arg13[%add3A_165, %broadcast_in_dim3A_343] : memref<32x128xf32, #tpu.memory_space<vmem>>[vector<16xi32>, vector<16xi32>], vector<16xf32>,
        %mul3A_346 = arith.mulf %gather3A_344, %gather3A_345 : vector<16xf32>
        %add3A_347 = arith.addf %broadcast_in_dim3A_1, %mul3A_346 : vector<16xf32>
        %broadcast_in_dim3A_348 = arith.constant 29 : i32
        %broadcast_in_dim3A_349 = vector.broadcast %broadcast_in_dim3A_348 : i32 to vector<16xi32>
        %gather3A_350 = tpu.vector_load_idx %arg12[%add3A_165, %broadcast_in_dim3A_349] : memref<32x128xf32, #tpu.memory_space<vmem>>[vector<16xi32>, vector<16xi32>], vector<16xf32>,
        %gather3A_351 = tpu.vector_load_idx %arg13[%add3A_165, %broadcast_in_dim3A_349] : memref<32x128xf32, #tpu.memory_space<vmem>>[vector<16xi32>, vector<16xi32>], vector<16xf32>,
        %mul3A_352 = arith.mulf %gather3A_350, %gather3A_351 : vector<16xf32>
        %add3A_353 = arith.addf %add3A_347, %mul3A_352 : vector<16xf32>
        %broadcast_in_dim3A_354 = arith.constant 30 : i32
        %broadcast_in_dim3A_355 = vector.broadcast %broadcast_in_dim3A_354 : i32 to vector<16xi32>
        %gather3A_356 = tpu.vector_load_idx %arg12[%add3A_165, %broadcast_in_dim3A_355] : memref<32x128xf32, #tpu.memory_space<vmem>>[vector<16xi32>, vector<16xi32>], vector<16xf32>,
        %gather3A_357 = tpu.vector_load_idx %arg13[%add3A_165, %broadcast_in_dim3A_355] : memref<32x128xf32, #tpu.memory_space<vmem>>[vector<16xi32>, vector<16xi32>], vector<16xf32>,
        %mul3A_358 = arith.mulf %gather3A_356, %gather3A_357 : vector<16xf32>
        %add3A_359 = arith.addf %add3A_353, %mul3A_358 : vector<16xf32>
        %broadcast_in_dim3A_360 = arith.constant 31 : i32
        %broadcast_in_dim3A_361 = vector.broadcast %broadcast_in_dim3A_360 : i32 to vector<16xi32>
        %gather3A_362 = tpu.vector_load_idx %arg12[%add3A_165, %broadcast_in_dim3A_361] : memref<32x128xf32, #tpu.memory_space<vmem>>[vector<16xi32>, vector<16xi32>], vector<16xf32>,
        %gather3A_363 = tpu.vector_load_idx %arg13[%add3A_165, %broadcast_in_dim3A_361] : memref<32x128xf32, #tpu.memory_space<vmem>>[vector<16xi32>, vector<16xi32>], vector<16xf32>,
        %mul3A_364 = arith.mulf %gather3A_362, %gather3A_363 : vector<16xf32>
        %add3A_365 = arith.addf %add3A_359, %mul3A_364 : vector<16xf32>
        %add3A_366 = arith.addf %add3A_293, %add3A_317 : vector<16xf32>
        %add3A_367 = arith.addf %add3A_341, %add3A_365 : vector<16xf32>
        %add3A_368 = arith.addf %add3A_366, %add3A_367 : vector<16xf32>
        %exp3A_369 = math.exp %add3A_368 : vector<16xf32>
        %mul3A_370 = arith.constant 16 : i32
        %mul3A_371 = vector.broadcast %mul3A_370 : i32 to vector<16xi32>
        %mul3A_372 = arith.muli %add3A_165, %mul3A_371 : vector<16xi32>
        %add3A_373 = arith.constant 1 : i32
        %add3A_374 = vector.broadcast %add3A_373 : i32 to vector<16xi32>
        %add3A_375 = arith.addi %mul3A_372, %add3A_374 : vector<16xi32>
        tpu.vector_store_idx %arg15[%add3A_375], %exp3A_369 : memref<512xf32, #tpu.memory_space<vmem>>[vector<16xi32>], vector<16xf32>,
        %broadcast_in_dim3A_376 = arith.constant 32 : i32
        %broadcast_in_dim3A_377 = vector.broadcast %broadcast_in_dim3A_376 : i32 to vector<16xi32>
        %gather3A_378 = tpu.vector_load_idx %arg12[%add3A_165, %broadcast_in_dim3A_377] : memref<32x128xf32, #tpu.memory_space<vmem>>[vector<16xi32>, vector<16xi32>], vector<16xf32>,
        %gather3A_379 = tpu.vector_load_idx %arg13[%add3A_165, %broadcast_in_dim3A_377] : memref<32x128xf32, #tpu.memory_space<vmem>>[vector<16xi32>, vector<16xi32>], vector<16xf32>,
        %mul3A_380 = arith.mulf %gather3A_378, %gather3A_379 : vector<16xf32>
        %add3A_381 = arith.addf %broadcast_in_dim3A_1, %mul3A_380 : vector<16xf32>
        %broadcast_in_dim3A_382 = arith.constant 33 : i32
        %broadcast_in_dim3A_383 = vector.broadcast %broadcast_in_dim3A_382 : i32 to vector<16xi32>
        %gather3A_384 = tpu.vector_load_idx %arg12[%add3A_165, %broadcast_in_dim3A_383] : memref<32x128xf32, #tpu.memory_space<vmem>>[vector<16xi32>, vector<16xi32>], vector<16xf32>,
        %gather3A_385 = tpu.vector_load_idx %arg13[%add3A_165, %broadcast_in_dim3A_383] : memref<32x128xf32, #tpu.memory_space<vmem>>[vector<16xi32>, vector<16xi32>], vector<16xf32>,
        %mul3A_386 = arith.mulf %gather3A_384, %gather3A_385 : vector<16xf32>
        %add3A_387 = arith.addf %add3A_381, %mul3A_386 : vector<16xf32>
        %broadcast_in_dim3A_388 = arith.constant 34 : i32
        %broadcast_in_dim3A_389 = vector.broadcast %broadcast_in_dim3A_388 : i32 to vector<16xi32>
        %gather3A_390 = tpu.vector_load_idx %arg12[%add3A_165, %broadcast_in_dim3A_389] : memref<32x128xf32, #tpu.memory_space<vmem>>[vector<16xi32>, vector<16xi32>], vector<16xf32>,
        %gather3A_391 = tpu.vector_load_idx %arg13[%add3A_165, %broadcast_in_dim3A_389] : memref<32x128xf32, #tpu.memory_space<vmem>>[vector<16xi32>, vector<16xi32>], vector<16xf32>,
        %mul3A_392 = arith.mulf %gather3A_390, %gather3A_391 : vector<16xf32>
        %add3A_393 = arith.addf %add3A_387, %mul3A_392 : vector<16xf32>
        %broadcast_in_dim3A_394 = arith.constant 35 : i32
        %broadcast_in_dim3A_395 = vector.broadcast %broadcast_in_dim3A_394 : i32 to vector<16xi32>
        %gather3A_396 = tpu.vector_load_idx %arg12[%add3A_165, %broadcast_in_dim3A_395] : memref<32x128xf32, #tpu.memory_space<vmem>>[vector<16xi32>, vector<16xi32>], vector<16xf32>,
        %gather3A_397 = tpu.vector_load_idx %arg13[%add3A_165, %broadcast_in_dim3A_395] : memref<32x128xf32, #tpu.memory_space<vmem>>[vector<16xi32>, vector<16xi32>], vector<16xf32>,
        %mul3A_398 = arith.mulf %gather3A_396, %gather3A_397 : vector<16xf32>
        %add3A_399 = arith.addf %add3A_393, %mul3A_398 : vector<16xf32>
        %broadcast_in_dim3A_400 = arith.constant 36 : i32
        %broadcast_in_dim3A_401 = vector.broadcast %broadcast_in_dim3A_400 : i32 to vector<16xi32>
        %gather3A_402 = tpu.vector_load_idx %arg12[%add3A_165, %broadcast_in_dim3A_401] : memref<32x128xf32, #tpu.memory_space<vmem>>[vector<16xi32>, vector<16xi32>], vector<16xf32>,
        %gather3A_403 = tpu.vector_load_idx %arg13[%add3A_165, %broadcast_in_dim3A_401] : memref<32x128xf32, #tpu.memory_space<vmem>>[vector<16xi32>, vector<16xi32>], vector<16xf32>,
        %mul3A_404 = arith.mulf %gather3A_402, %gather3A_403 : vector<16xf32>
        %add3A_405 = arith.addf %broadcast_in_dim3A_1, %mul3A_404 : vector<16xf32>
        %broadcast_in_dim3A_406 = arith.constant 37 : i32
        %broadcast_in_dim3A_407 = vector.broadcast %broadcast_in_dim3A_406 : i32 to vector<16xi32>
        %gather3A_408 = tpu.vector_load_idx %arg12[%add3A_165, %broadcast_in_dim3A_407] : memref<32x128xf32, #tpu.memory_space<vmem>>[vector<16xi32>, vector<16xi32>], vector<16xf32>,
        %gather3A_409 = tpu.vector_load_idx %arg13[%add3A_165, %broadcast_in_dim3A_407] : memref<32x128xf32, #tpu.memory_space<vmem>>[vector<16xi32>, vector<16xi32>], vector<16xf32>,
        %mul3A_410 = arith.mulf %gather3A_408, %gather3A_409 : vector<16xf32>
        %add3A_411 = arith.addf %add3A_405, %mul3A_410 : vector<16xf32>
        %broadcast_in_dim3A_412 = arith.constant 38 : i32
        %broadcast_in_dim3A_413 = vector.broadcast %broadcast_in_dim3A_412 : i32 to vector<16xi32>
        %gather3A_414 = tpu.vector_load_idx %arg12[%add3A_165, %broadcast_in_dim3A_413] : memref<32x128xf32, #tpu.memory_space<vmem>>[vector<16xi32>, vector<16xi32>], vector<16xf32>,
        %gather3A_415 = tpu.vector_load_idx %arg13[%add3A_165, %broadcast_in_dim3A_413] : memref<32x128xf32, #tpu.memory_space<vmem>>[vector<16xi32>, vector<16xi32>], vector<16xf32>,
        %mul3A_416 = arith.mulf %gather3A_414, %gather3A_415 : vector<16xf32>
        %add3A_417 = arith.addf %add3A_411, %mul3A_416 : vector<16xf32>
        %broadcast_in_dim3A_418 = arith.constant 39 : i32
        %broadcast_in_dim3A_419 = vector.broadcast %broadcast_in_dim3A_418 : i32 to vector<16xi32>
        %gather3A_420 = tpu.vector_load_idx %arg12[%add3A_165, %broadcast_in_dim3A_419] : memref<32x128xf32, #tpu.memory_space<vmem>>[vector<16xi32>, vector<16xi32>], vector<16xf32>,
        %gather3A_421 = tpu.vector_load_idx %arg13[%add3A_165, %broadcast_in_dim3A_419] : memref<32x128xf32, #tpu.memory_space<vmem>>[vector<16xi32>, vector<16xi32>], vector<16xf32>,
        %mul3A_422 = arith.mulf %gather3A_420, %gather3A_421 : vector<16xf32>
        %add3A_423 = arith.addf %add3A_417, %mul3A_422 : vector<16xf32>
        %broadcast_in_dim3A_424 = arith.constant 40 : i32
        %broadcast_in_dim3A_425 = vector.broadcast %broadcast_in_dim3A_424 : i32 to vector<16xi32>
        %gather3A_426 = tpu.vector_load_idx %arg12[%add3A_165, %broadcast_in_dim3A_425] : memref<32x128xf32, #tpu.memory_space<vmem>>[vector<16xi32>, vector<16xi32>], vector<16xf32>,
        %gather3A_427 = tpu.vector_load_idx %arg13[%add3A_165, %broadcast_in_dim3A_425] : memref<32x128xf32, #tpu.memory_space<vmem>>[vector<16xi32>, vector<16xi32>], vector<16xf32>,
        %mul3A_428 = arith.mulf %gather3A_426, %gather3A_427 : vector<16xf32>
        %add3A_429 = arith.addf %broadcast_in_dim3A_1, %mul3A_428 : vector<16xf32>
        %broadcast_in_dim3A_430 = arith.constant 41 : i32
        %broadcast_in_dim3A_431 = vector.broadcast %broadcast_in_dim3A_430 : i32 to vector<16xi32>
        %gather3A_432 = tpu.vector_load_idx %arg12[%add3A_165, %broadcast_in_dim3A_431] : memref<32x128xf32, #tpu.memory_space<vmem>>[vector<16xi32>, vector<16xi32>], vector<16xf32>,
        %gather3A_433 = tpu.vector_load_idx %arg13[%add3A_165, %broadcast_in_dim3A_431] : memref<32x128xf32, #tpu.memory_space<vmem>>[vector<16xi32>, vector<16xi32>], vector<16xf32>,
        %mul3A_434 = arith.mulf %gather3A_432, %gather3A_433 : vector<16xf32>
        %add3A_435 = arith.addf %add3A_429, %mul3A_434 : vector<16xf32>
        %broadcast_in_dim3A_436 = arith.constant 42 : i32
        %broadcast_in_dim3A_437 = vector.broadcast %broadcast_in_dim3A_436 : i32 to vector<16xi32>
        %gather3A_438 = tpu.vector_load_idx %arg12[%add3A_165, %broadcast_in_dim3A_437] : memref<32x128xf32, #tpu.memory_space<vmem>>[vector<16xi32>, vector<16xi32>], vector<16xf32>,
        %gather3A_439 = tpu.vector_load_idx %arg13[%add3A_165, %broadcast_in_dim3A_437] : memref<32x128xf32, #tpu.memory_space<vmem>>[vector<16xi32>, vector<16xi32>], vector<16xf32>,
        %mul3A_440 = arith.mulf %gather3A_438, %gather3A_439 : vector<16xf32>
        %add3A_441 = arith.addf %add3A_435, %mul3A_440 : vector<16xf32>
        %broadcast_in_dim3A_442 = arith.constant 43 : i32
        %broadcast_in_dim3A_443 = vector.broadcast %broadcast_in_dim3A_442 : i32 to vector<16xi32>
        %gather3A_444 = tpu.vector_load_idx %arg12[%add3A_165, %broadcast_in_dim3A_443] : memref<32x128xf32, #tpu.memory_space<vmem>>[vector<16xi32>, vector<16xi32>], vector<16xf32>,
        %gather3A_445 = tpu.vector_load_idx %arg13[%add3A_165, %broadcast_in_dim3A_443] : memref<32x128xf32, #tpu.memory_space<vmem>>[vector<16xi32>, vector<16xi32>], vector<16xf32>,
        %mul3A_446 = arith.mulf %gather3A_444, %gather3A_445 : vector<16xf32>
        %add3A_447 = arith.addf %add3A_441, %mul3A_446 : vector<16xf32>
        %broadcast_in_dim3A_448 = arith.constant 44 : i32
        %broadcast_in_dim3A_449 = vector.broadcast %broadcast_in_dim3A_448 : i32 to vector<16xi32>
        %gather3A_450 = tpu.vector_load_idx %arg12[%add3A_165, %broadcast_in_dim3A_449] : memref<32x128xf32, #tpu.memory_space<vmem>>[vector<16xi32>, vector<16xi32>], vector<16xf32>,
        %gather3A_451 = tpu.vector_load_idx %arg13[%add3A_165, %broadcast_in_dim3A_449] : memref<32x128xf32, #tpu.memory_space<vmem>>[vector<16xi32>, vector<16xi32>], vector<16xf32>,
        %mul3A_452 = arith.mulf %gather3A_450, %gather3A_451 : vector<16xf32>
        %add3A_453 = arith.addf %broadcast_in_dim3A_1, %mul3A_452 : vector<16xf32>
        %broadcast_in_dim3A_454 = arith.constant 45 : i32
        %broadcast_in_dim3A_455 = vector.broadcast %broadcast_in_dim3A_454 : i32 to vector<16xi32>
        %gather3A_456 = tpu.vector_load_idx %arg12[%add3A_165, %broadcast_in_dim3A_455] : memref<32x128xf32, #tpu.memory_space<vmem>>[vector<16xi32>, vector<16xi32>], vector<16xf32>,
        %gather3A_457 = tpu.vector_load_idx %arg13[%add3A_165, %broadcast_in_dim3A_455] : memref<32x128xf32, #tpu.memory_space<vmem>>[vector<16xi32>, vector<16xi32>], vector<16xf32>,
        %mul3A_458 = arith.mulf %gather3A_456, %gather3A_457 : vector<16xf32>
        %add3A_459 = arith.addf %add3A_453, %mul3A_458 : vector<16xf32>
        %broadcast_in_dim3A_460 = arith.constant 46 : i32
        %broadcast_in_dim3A_461 = vector.broadcast %broadcast_in_dim3A_460 : i32 to vector<16xi32>
        %gather3A_462 = tpu.vector_load_idx %arg12[%add3A_165, %broadcast_in_dim3A_461] : memref<32x128xf32, #tpu.memory_space<vmem>>[vector<16xi32>, vector<16xi32>], vector<16xf32>,
        %gather3A_463 = tpu.vector_load_idx %arg13[%add3A_165, %broadcast_in_dim3A_461] : memref<32x128xf32, #tpu.memory_space<vmem>>[vector<16xi32>, vector<16xi32>], vector<16xf32>,
        %mul3A_464 = arith.mulf %gather3A_462, %gather3A_463 : vector<16xf32>
        %add3A_465 = arith.addf %add3A_459, %mul3A_464 : vector<16xf32>
        %broadcast_in_dim3A_466 = arith.constant 47 : i32
        %broadcast_in_dim3A_467 = vector.broadcast %broadcast_in_dim3A_466 : i32 to vector<16xi32>
        %gather3A_468 = tpu.vector_load_idx %arg12[%add3A_165, %broadcast_in_dim3A_467] : memref<32x128xf32, #tpu.memory_space<vmem>>[vector<16xi32>, vector<16xi32>], vector<16xf32>,
        %gather3A_469 = tpu.vector_load_idx %arg13[%add3A_165, %broadcast_in_dim3A_467] : memref<32x128xf32, #tpu.memory_space<vmem>>[vector<16xi32>, vector<16xi32>], vector<16xf32>,
        %mul3A_470 = arith.mulf %gather3A_468, %gather3A_469 : vector<16xf32>
        %add3A_471 = arith.addf %add3A_465, %mul3A_470 : vector<16xf32>
        %add3A_472 = arith.addf %add3A_399, %add3A_423 : vector<16xf32>
        %add3A_473 = arith.addf %add3A_447, %add3A_471 : vector<16xf32>
        %add3A_474 = arith.addf %add3A_472, %add3A_473 : vector<16xf32>
        %exp3A_475 = math.exp %add3A_474 : vector<16xf32>
        %mul3A_476 = arith.constant 16 : i32
        %mul3A_477 = vector.broadcast %mul3A_476 : i32 to vector<16xi32>
        %mul3A_478 = arith.muli %add3A_165, %mul3A_477 : vector<16xi32>
        %add3A_479 = arith.constant 2 : i32
        %add3A_480 = vector.broadcast %add3A_479 : i32 to vector<16xi32>
        %add3A_481 = arith.addi %mul3A_478, %add3A_480 : vector<16xi32>
        tpu.vector_store_idx %arg15[%add3A_481], %exp3A_475 : memref<512xf32, #tpu.memory_space<vmem>>[vector<16xi32>], vector<16xf32>,
        %broadcast_in_dim3A_482 = arith.constant 48 : i32
        %broadcast_in_dim3A_483 = vector.broadcast %broadcast_in_dim3A_482 : i32 to vector<16xi32>
        %gather3A_484 = tpu.vector_load_idx %arg12[%add3A_165, %broadcast_in_dim3A_483] : memref<32x128xf32, #tpu.memory_space<vmem>>[vector<16xi32>, vector<16xi32>], vector<16xf32>,
        %gather3A_485 = tpu.vector_load_idx %arg13[%add3A_165, %broadcast_in_dim3A_483] : memref<32x128xf32, #tpu.memory_space<vmem>>[vector<16xi32>, vector<16xi32>], vector<16xf32>,
        %mul3A_486 = arith.mulf %gather3A_484, %gather3A_485 : vector<16xf32>
        %add3A_487 = arith.addf %broadcast_in_dim3A_1, %mul3A_486 : vector<16xf32>
        %broadcast_in_dim3A_488 = arith.constant 49 : i32
        %broadcast_in_dim3A_489 = vector.broadcast %broadcast_in_dim3A_488 : i32 to vector<16xi32>
        %gather3A_490 = tpu.vector_load_idx %arg12[%add3A_165, %broadcast_in_dim3A_489] : memref<32x128xf32, #tpu.memory_space<vmem>>[vector<16xi32>, vector<16xi32>], vector<16xf32>,
        %gather3A_491 = tpu.vector_load_idx %arg13[%add3A_165, %broadcast_in_dim3A_489] : memref<32x128xf32, #tpu.memory_space<vmem>>[vector<16xi32>, vector<16xi32>], vector<16xf32>,
        %mul3A_492 = arith.mulf %gather3A_490, %gather3A_491 : vector<16xf32>
        %add3A_493 = arith.addf %add3A_487, %mul3A_492 : vector<16xf32>
        %broadcast_in_dim3A_494 = arith.constant 50 : i32
        %broadcast_in_dim3A_495 = vector.broadcast %broadcast_in_dim3A_494 : i32 to vector<16xi32>
        %gather3A_496 = tpu.vector_load_idx %arg12[%add3A_165, %broadcast_in_dim3A_495] : memref<32x128xf32, #tpu.memory_space<vmem>>[vector<16xi32>, vector<16xi32>], vector<16xf32>,
        %gather3A_497 = tpu.vector_load_idx %arg13[%add3A_165, %broadcast_in_dim3A_495] : memref<32x128xf32, #tpu.memory_space<vmem>>[vector<16xi32>, vector<16xi32>], vector<16xf32>,
        %mul3A_498 = arith.mulf %gather3A_496, %gather3A_497 : vector<16xf32>
        %add3A_499 = arith.addf %add3A_493, %mul3A_498 : vector<16xf32>
        %broadcast_in_dim3A_500 = arith.constant 51 : i32
        %broadcast_in_dim3A_501 = vector.broadcast %broadcast_in_dim3A_500 : i32 to vector<16xi32>
        %gather3A_502 = tpu.vector_load_idx %arg12[%add3A_165, %broadcast_in_dim3A_501] : memref<32x128xf32, #tpu.memory_space<vmem>>[vector<16xi32>, vector<16xi32>], vector<16xf32>,
        %gather3A_503 = tpu.vector_load_idx %arg13[%add3A_165, %broadcast_in_dim3A_501] : memref<32x128xf32, #tpu.memory_space<vmem>>[vector<16xi32>, vector<16xi32>], vector<16xf32>,
        %mul3A_504 = arith.mulf %gather3A_502, %gather3A_503 : vector<16xf32>
        %add3A_505 = arith.addf %add3A_499, %mul3A_504 : vector<16xf32>
        %broadcast_in_dim3A_506 = arith.constant 52 : i32
        %broadcast_in_dim3A_507 = vector.broadcast %broadcast_in_dim3A_506 : i32 to vector<16xi32>
        %gather3A_508 = tpu.vector_load_idx %arg12[%add3A_165, %broadcast_in_dim3A_507] : memref<32x128xf32, #tpu.memory_space<vmem>>[vector<16xi32>, vector<16xi32>], vector<16xf32>,
        %gather3A_509 = tpu.vector_load_idx %arg13[%add3A_165, %broadcast_in_dim3A_507] : memref<32x128xf32, #tpu.memory_space<vmem>>[vector<16xi32>, vector<16xi32>], vector<16xf32>,
        %mul3A_510 = arith.mulf %gather3A_508, %gather3A_509 : vector<16xf32>
        %add3A_511 = arith.addf %broadcast_in_dim3A_1, %mul3A_510 : vector<16xf32>
        %broadcast_in_dim3A_512 = arith.constant 53 : i32
        %broadcast_in_dim3A_513 = vector.broadcast %broadcast_in_dim3A_512 : i32 to vector<16xi32>
        %gather3A_514 = tpu.vector_load_idx %arg12[%add3A_165, %broadcast_in_dim3A_513] : memref<32x128xf32, #tpu.memory_space<vmem>>[vector<16xi32>, vector<16xi32>], vector<16xf32>,
        %gather3A_515 = tpu.vector_load_idx %arg13[%add3A_165, %broadcast_in_dim3A_513] : memref<32x128xf32, #tpu.memory_space<vmem>>[vector<16xi32>, vector<16xi32>], vector<16xf32>,
        %mul3A_516 = arith.mulf %gather3A_514, %gather3A_515 : vector<16xf32>
        %add3A_517 = arith.addf %add3A_511, %mul3A_516 : vector<16xf32>
        %broadcast_in_dim3A_518 = arith.constant 54 : i32
        %broadcast_in_dim3A_519 = vector.broadcast %broadcast_in_dim3A_518 : i32 to vector<16xi32>
        %gather3A_520 = tpu.vector_load_idx %arg12[%add3A_165, %broadcast_in_dim3A_519] : memref<32x128xf32, #tpu.memory_space<vmem>>[vector<16xi32>, vector<16xi32>], vector<16xf32>,
        %gather3A_521 = tpu.vector_load_idx %arg13[%add3A_165, %broadcast_in_dim3A_519] : memref<32x128xf32, #tpu.memory_space<vmem>>[vector<16xi32>, vector<16xi32>], vector<16xf32>,
        %mul3A_522 = arith.mulf %gather3A_520, %gather3A_521 : vector<16xf32>
        %add3A_523 = arith.addf %add3A_517, %mul3A_522 : vector<16xf32>
        %broadcast_in_dim3A_524 = arith.constant 55 : i32
        %broadcast_in_dim3A_525 = vector.broadcast %broadcast_in_dim3A_524 : i32 to vector<16xi32>
        %gather3A_526 = tpu.vector_load_idx %arg12[%add3A_165, %broadcast_in_dim3A_525] : memref<32x128xf32, #tpu.memory_space<vmem>>[vector<16xi32>, vector<16xi32>], vector<16xf32>,
        %gather3A_527 = tpu.vector_load_idx %arg13[%add3A_165, %broadcast_in_dim3A_525] : memref<32x128xf32, #tpu.memory_space<vmem>>[vector<16xi32>, vector<16xi32>], vector<16xf32>,
        %mul3A_528 = arith.mulf %gather3A_526, %gather3A_527 : vector<16xf32>
        %add3A_529 = arith.addf %add3A_523, %mul3A_528 : vector<16xf32>
        %broadcast_in_dim3A_530 = arith.constant 56 : i32
        %broadcast_in_dim3A_531 = vector.broadcast %broadcast_in_dim3A_530 : i32 to vector<16xi32>
        %gather3A_532 = tpu.vector_load_idx %arg12[%add3A_165, %broadcast_in_dim3A_531] : memref<32x128xf32, #tpu.memory_space<vmem>>[vector<16xi32>, vector<16xi32>], vector<16xf32>,
        %gather3A_533 = tpu.vector_load_idx %arg13[%add3A_165, %broadcast_in_dim3A_531] : memref<32x128xf32, #tpu.memory_space<vmem>>[vector<16xi32>, vector<16xi32>], vector<16xf32>,
        %mul3A_534 = arith.mulf %gather3A_532, %gather3A_533 : vector<16xf32>
        %add3A_535 = arith.addf %broadcast_in_dim3A_1, %mul3A_534 : vector<16xf32>
        %broadcast_in_dim3A_536 = arith.constant 57 : i32
        %broadcast_in_dim3A_537 = vector.broadcast %broadcast_in_dim3A_536 : i32 to vector<16xi32>
        %gather3A_538 = tpu.vector_load_idx %arg12[%add3A_165, %broadcast_in_dim3A_537] : memref<32x128xf32, #tpu.memory_space<vmem>>[vector<16xi32>, vector<16xi32>], vector<16xf32>,
        %gather3A_539 = tpu.vector_load_idx %arg13[%add3A_165, %broadcast_in_dim3A_537] : memref<32x128xf32, #tpu.memory_space<vmem>>[vector<16xi32>, vector<16xi32>], vector<16xf32>,
        %mul3A_540 = arith.mulf %gather3A_538, %gather3A_539 : vector<16xf32>
        %add3A_541 = arith.addf %add3A_535, %mul3A_540 : vector<16xf32>
        %broadcast_in_dim3A_542 = arith.constant 58 : i32
        %broadcast_in_dim3A_543 = vector.broadcast %broadcast_in_dim3A_542 : i32 to vector<16xi32>
        %gather3A_544 = tpu.vector_load_idx %arg12[%add3A_165, %broadcast_in_dim3A_543] : memref<32x128xf32, #tpu.memory_space<vmem>>[vector<16xi32>, vector<16xi32>], vector<16xf32>,
        %gather3A_545 = tpu.vector_load_idx %arg13[%add3A_165, %broadcast_in_dim3A_543] : memref<32x128xf32, #tpu.memory_space<vmem>>[vector<16xi32>, vector<16xi32>], vector<16xf32>,
        %mul3A_546 = arith.mulf %gather3A_544, %gather3A_545 : vector<16xf32>
        %add3A_547 = arith.addf %add3A_541, %mul3A_546 : vector<16xf32>
        %broadcast_in_dim3A_548 = arith.constant 59 : i32
        %broadcast_in_dim3A_549 = vector.broadcast %broadcast_in_dim3A_548 : i32 to vector<16xi32>
        %gather3A_550 = tpu.vector_load_idx %arg12[%add3A_165, %broadcast_in_dim3A_549] : memref<32x128xf32, #tpu.memory_space<vmem>>[vector<16xi32>, vector<16xi32>], vector<16xf32>,
        %gather3A_551 = tpu.vector_load_idx %arg13[%add3A_165, %broadcast_in_dim3A_549] : memref<32x128xf32, #tpu.memory_space<vmem>>[vector<16xi32>, vector<16xi32>], vector<16xf32>,
        %mul3A_552 = arith.mulf %gather3A_550, %gather3A_551 : vector<16xf32>
        %add3A_553 = arith.addf %add3A_547, %mul3A_552 : vector<16xf32>
        %broadcast_in_dim3A_554 = arith.constant 60 : i32
        %broadcast_in_dim3A_555 = vector.broadcast %broadcast_in_dim3A_554 : i32 to vector<16xi32>
        %gather3A_556 = tpu.vector_load_idx %arg12[%add3A_165, %broadcast_in_dim3A_555] : memref<32x128xf32, #tpu.memory_space<vmem>>[vector<16xi32>, vector<16xi32>], vector<16xf32>,
        %gather3A_557 = tpu.vector_load_idx %arg13[%add3A_165, %broadcast_in_dim3A_555] : memref<32x128xf32, #tpu.memory_space<vmem>>[vector<16xi32>, vector<16xi32>], vector<16xf32>,
        %mul3A_558 = arith.mulf %gather3A_556, %gather3A_557 : vector<16xf32>
        %add3A_559 = arith.addf %broadcast_in_dim3A_1, %mul3A_558 : vector<16xf32>
        %broadcast_in_dim3A_560 = arith.constant 61 : i32
        %broadcast_in_dim3A_561 = vector.broadcast %broadcast_in_dim3A_560 : i32 to vector<16xi32>
        %gather3A_562 = tpu.vector_load_idx %arg12[%add3A_165, %broadcast_in_dim3A_561] : memref<32x128xf32, #tpu.memory_space<vmem>>[vector<16xi32>, vector<16xi32>], vector<16xf32>,
        %gather3A_563 = tpu.vector_load_idx %arg13[%add3A_165, %broadcast_in_dim3A_561] : memref<32x128xf32, #tpu.memory_space<vmem>>[vector<16xi32>, vector<16xi32>], vector<16xf32>,
        %mul3A_564 = arith.mulf %gather3A_562, %gather3A_563 : vector<16xf32>
        %add3A_565 = arith.addf %add3A_559, %mul3A_564 : vector<16xf32>
        %broadcast_in_dim3A_566 = arith.constant 62 : i32
        %broadcast_in_dim3A_567 = vector.broadcast %broadcast_in_dim3A_566 : i32 to vector<16xi32>
        %gather3A_568 = tpu.vector_load_idx %arg12[%add3A_165, %broadcast_in_dim3A_567] : memref<32x128xf32, #tpu.memory_space<vmem>>[vector<16xi32>, vector<16xi32>], vector<16xf32>,
        %gather3A_569 = tpu.vector_load_idx %arg13[%add3A_165, %broadcast_in_dim3A_567] : memref<32x128xf32, #tpu.memory_space<vmem>>[vector<16xi32>, vector<16xi32>], vector<16xf32>,
        %mul3A_570 = arith.mulf %gather3A_568, %gather3A_569 : vector<16xf32>
        %add3A_571 = arith.addf %add3A_565, %mul3A_570 : vector<16xf32>
        %broadcast_in_dim3A_572 = arith.constant 63 : i32
        %broadcast_in_dim3A_573 = vector.broadcast %broadcast_in_dim3A_572 : i32 to vector<16xi32>
        %gather3A_574 = tpu.vector_load_idx %arg12[%add3A_165, %broadcast_in_dim3A_573] : memref<32x128xf32, #tpu.memory_space<vmem>>[vector<16xi32>, vector<16xi32>], vector<16xf32>,
        %gather3A_575 = tpu.vector_load_idx %arg13[%add3A_165, %broadcast_in_dim3A_573] : memref<32x128xf32, #tpu.memory_space<vmem>>[vector<16xi32>, vector<16xi32>], vector<16xf32>,
        %mul3A_576 = arith.mulf %gather3A_574, %gather3A_575 : vector<16xf32>
        %add3A_577 = arith.addf %add3A_571, %mul3A_576 : vector<16xf32>
        %add3A_578 = arith.addf %add3A_505, %add3A_529 : vector<16xf32>
        %add3A_579 = arith.addf %add3A_553, %add3A_577 : vector<16xf32>
        %add3A_580 = arith.addf %add3A_578, %add3A_579 : vector<16xf32>
        %exp3A_581 = math.exp %add3A_580 : vector<16xf32>
        %mul3A_582 = arith.constant 16 : i32
        %mul3A_583 = vector.broadcast %mul3A_582 : i32 to vector<16xi32>
        %mul3A_584 = arith.muli %add3A_165, %mul3A_583 : vector<16xi32>
        %add3A_585 = arith.constant 3 : i32
        %add3A_586 = vector.broadcast %add3A_585 : i32 to vector<16xi32>
        %add3A_587 = arith.addi %mul3A_584, %add3A_586 : vector<16xi32>
        tpu.vector_store_idx %arg15[%add3A_587], %exp3A_581 : memref<512xf32, #tpu.memory_space<vmem>>[vector<16xi32>], vector<16xf32>,
        %broadcast_in_dim3A_588 = arith.constant 64 : i32
        %broadcast_in_dim3A_589 = vector.broadcast %broadcast_in_dim3A_588 : i32 to vector<16xi32>
        %gather3A_590 = tpu.vector_load_idx %arg12[%add3A_165, %broadcast_in_dim3A_589] : memref<32x128xf32, #tpu.memory_space<vmem>>[vector<16xi32>, vector<16xi32>], vector<16xf32>,
        %gather3A_591 = tpu.vector_load_idx %arg13[%add3A_165, %broadcast_in_dim3A_589] : memref<32x128xf32, #tpu.memory_space<vmem>>[vector<16xi32>, vector<16xi32>], vector<16xf32>,
        %mul3A_592 = arith.mulf %gather3A_590, %gather3A_591 : vector<16xf32>
        %add3A_593 = arith.addf %broadcast_in_dim3A_1, %mul3A_592 : vector<16xf32>
        %broadcast_in_dim3A_594 = arith.constant 65 : i32
        %broadcast_in_dim3A_595 = vector.broadcast %broadcast_in_dim3A_594 : i32 to vector<16xi32>
        %gather3A_596 = tpu.vector_load_idx %arg12[%add3A_165, %broadcast_in_dim3A_595] : memref<32x128xf32, #tpu.memory_space<vmem>>[vector<16xi32>, vector<16xi32>], vector<16xf32>,
        %gather3A_597 = tpu.vector_load_idx %arg13[%add3A_165, %broadcast_in_dim3A_595] : memref<32x128xf32, #tpu.memory_space<vmem>>[vector<16xi32>, vector<16xi32>], vector<16xf32>,
        %mul3A_598 = arith.mulf %gather3A_596, %gather3A_597 : vector<16xf32>
        %add3A_599 = arith.addf %add3A_593, %mul3A_598 : vector<16xf32>
        %broadcast_in_dim3A_600 = arith.constant 66 : i32
        %broadcast_in_dim3A_601 = vector.broadcast %broadcast_in_dim3A_600 : i32 to vector<16xi32>
        %gather3A_602 = tpu.vector_load_idx %arg12[%add3A_165, %broadcast_in_dim3A_601] : memref<32x128xf32, #tpu.memory_space<vmem>>[vector<16xi32>, vector<16xi32>], vector<16xf32>,
        %gather3A_603 = tpu.vector_load_idx %arg13[%add3A_165, %broadcast_in_dim3A_601] : memref<32x128xf32, #tpu.memory_space<vmem>>[vector<16xi32>, vector<16xi32>], vector<16xf32>,
        %mul3A_604 = arith.mulf %gather3A_602, %gather3A_603 : vector<16xf32>
        %add3A_605 = arith.addf %add3A_599, %mul3A_604 : vector<16xf32>
        %broadcast_in_dim3A_606 = arith.constant 67 : i32
        %broadcast_in_dim3A_607 = vector.broadcast %broadcast_in_dim3A_606 : i32 to vector<16xi32>
        %gather3A_608 = tpu.vector_load_idx %arg12[%add3A_165, %broadcast_in_dim3A_607] : memref<32x128xf32, #tpu.memory_space<vmem>>[vector<16xi32>, vector<16xi32>], vector<16xf32>,
        %gather3A_609 = tpu.vector_load_idx %arg13[%add3A_165, %broadcast_in_dim3A_607] : memref<32x128xf32, #tpu.memory_space<vmem>>[vector<16xi32>, vector<16xi32>], vector<16xf32>,
        %mul3A_610 = arith.mulf %gather3A_608, %gather3A_609 : vector<16xf32>
        %add3A_611 = arith.addf %add3A_605, %mul3A_610 : vector<16xf32>
        %broadcast_in_dim3A_612 = arith.constant 68 : i32
        %broadcast_in_dim3A_613 = vector.broadcast %broadcast_in_dim3A_612 : i32 to vector<16xi32>
        %gather3A_614 = tpu.vector_load_idx %arg12[%add3A_165, %broadcast_in_dim3A_613] : memref<32x128xf32, #tpu.memory_space<vmem>>[vector<16xi32>, vector<16xi32>], vector<16xf32>,
        %gather3A_615 = tpu.vector_load_idx %arg13[%add3A_165, %broadcast_in_dim3A_613] : memref<32x128xf32, #tpu.memory_space<vmem>>[vector<16xi32>, vector<16xi32>], vector<16xf32>,
        %mul3A_616 = arith.mulf %gather3A_614, %gather3A_615 : vector<16xf32>
        %add3A_617 = arith.addf %broadcast_in_dim3A_1, %mul3A_616 : vector<16xf32>
        %broadcast_in_dim3A_618 = arith.constant 69 : i32
        %broadcast_in_dim3A_619 = vector.broadcast %broadcast_in_dim3A_618 : i32 to vector<16xi32>
        %gather3A_620 = tpu.vector_load_idx %arg12[%add3A_165, %broadcast_in_dim3A_619] : memref<32x128xf32, #tpu.memory_space<vmem>>[vector<16xi32>, vector<16xi32>], vector<16xf32>,
        %gather3A_621 = tpu.vector_load_idx %arg13[%add3A_165, %broadcast_in_dim3A_619] : memref<32x128xf32, #tpu.memory_space<vmem>>[vector<16xi32>, vector<16xi32>], vector<16xf32>,
        %mul3A_622 = arith.mulf %gather3A_620, %gather3A_621 : vector<16xf32>
        %add3A_623 = arith.addf %add3A_617, %mul3A_622 : vector<16xf32>
        %broadcast_in_dim3A_624 = arith.constant 70 : i32
        %broadcast_in_dim3A_625 = vector.broadcast %broadcast_in_dim3A_624 : i32 to vector<16xi32>
        %gather3A_626 = tpu.vector_load_idx %arg12[%add3A_165, %broadcast_in_dim3A_625] : memref<32x128xf32, #tpu.memory_space<vmem>>[vector<16xi32>, vector<16xi32>], vector<16xf32>,
        %gather3A_627 = tpu.vector_load_idx %arg13[%add3A_165, %broadcast_in_dim3A_625] : memref<32x128xf32, #tpu.memory_space<vmem>>[vector<16xi32>, vector<16xi32>], vector<16xf32>,
        %mul3A_628 = arith.mulf %gather3A_626, %gather3A_627 : vector<16xf32>
        %add3A_629 = arith.addf %add3A_623, %mul3A_628 : vector<16xf32>
        %broadcast_in_dim3A_630 = arith.constant 71 : i32
        %broadcast_in_dim3A_631 = vector.broadcast %broadcast_in_dim3A_630 : i32 to vector<16xi32>
        %gather3A_632 = tpu.vector_load_idx %arg12[%add3A_165, %broadcast_in_dim3A_631] : memref<32x128xf32, #tpu.memory_space<vmem>>[vector<16xi32>, vector<16xi32>], vector<16xf32>,
        %gather3A_633 = tpu.vector_load_idx %arg13[%add3A_165, %broadcast_in_dim3A_631] : memref<32x128xf32, #tpu.memory_space<vmem>>[vector<16xi32>, vector<16xi32>], vector<16xf32>,
        %mul3A_634 = arith.mulf %gather3A_632, %gather3A_633 : vector<16xf32>
        %add3A_635 = arith.addf %add3A_629, %mul3A_634 : vector<16xf32>
        %broadcast_in_dim3A_636 = arith.constant 72 : i32
        %broadcast_in_dim3A_637 = vector.broadcast %broadcast_in_dim3A_636 : i32 to vector<16xi32>
        %gather3A_638 = tpu.vector_load_idx %arg12[%add3A_165, %broadcast_in_dim3A_637] : memref<32x128xf32, #tpu.memory_space<vmem>>[vector<16xi32>, vector<16xi32>], vector<16xf32>,
        %gather3A_639 = tpu.vector_load_idx %arg13[%add3A_165, %broadcast_in_dim3A_637] : memref<32x128xf32, #tpu.memory_space<vmem>>[vector<16xi32>, vector<16xi32>], vector<16xf32>,
        %mul3A_640 = arith.mulf %gather3A_638, %gather3A_639 : vector<16xf32>
        %add3A_641 = arith.addf %broadcast_in_dim3A_1, %mul3A_640 : vector<16xf32>
        %broadcast_in_dim3A_642 = arith.constant 73 : i32
        %broadcast_in_dim3A_643 = vector.broadcast %broadcast_in_dim3A_642 : i32 to vector<16xi32>
        %gather3A_644 = tpu.vector_load_idx %arg12[%add3A_165, %broadcast_in_dim3A_643] : memref<32x128xf32, #tpu.memory_space<vmem>>[vector<16xi32>, vector<16xi32>], vector<16xf32>,
        %gather3A_645 = tpu.vector_load_idx %arg13[%add3A_165, %broadcast_in_dim3A_643] : memref<32x128xf32, #tpu.memory_space<vmem>>[vector<16xi32>, vector<16xi32>], vector<16xf32>,
        %mul3A_646 = arith.mulf %gather3A_644, %gather3A_645 : vector<16xf32>
        %add3A_647 = arith.addf %add3A_641, %mul3A_646 : vector<16xf32>
        %broadcast_in_dim3A_648 = arith.constant 74 : i32
        %broadcast_in_dim3A_649 = vector.broadcast %broadcast_in_dim3A_648 : i32 to vector<16xi32>
        %gather3A_650 = tpu.vector_load_idx %arg12[%add3A_165, %broadcast_in_dim3A_649] : memref<32x128xf32, #tpu.memory_space<vmem>>[vector<16xi32>, vector<16xi32>], vector<16xf32>,
        %gather3A_651 = tpu.vector_load_idx %arg13[%add3A_165, %broadcast_in_dim3A_649] : memref<32x128xf32, #tpu.memory_space<vmem>>[vector<16xi32>, vector<16xi32>], vector<16xf32>,
        %mul3A_652 = arith.mulf %gather3A_650, %gather3A_651 : vector<16xf32>
        %add3A_653 = arith.addf %add3A_647, %mul3A_652 : vector<16xf32>
        %broadcast_in_dim3A_654 = arith.constant 75 : i32
        %broadcast_in_dim3A_655 = vector.broadcast %broadcast_in_dim3A_654 : i32 to vector<16xi32>
        %gather3A_656 = tpu.vector_load_idx %arg12[%add3A_165, %broadcast_in_dim3A_655] : memref<32x128xf32, #tpu.memory_space<vmem>>[vector<16xi32>, vector<16xi32>], vector<16xf32>,
        %gather3A_657 = tpu.vector_load_idx %arg13[%add3A_165, %broadcast_in_dim3A_655] : memref<32x128xf32, #tpu.memory_space<vmem>>[vector<16xi32>, vector<16xi32>], vector<16xf32>,
        %mul3A_658 = arith.mulf %gather3A_656, %gather3A_657 : vector<16xf32>
        %add3A_659 = arith.addf %add3A_653, %mul3A_658 : vector<16xf32>
        %broadcast_in_dim3A_660 = arith.constant 76 : i32
        %broadcast_in_dim3A_661 = vector.broadcast %broadcast_in_dim3A_660 : i32 to vector<16xi32>
        %gather3A_662 = tpu.vector_load_idx %arg12[%add3A_165, %broadcast_in_dim3A_661] : memref<32x128xf32, #tpu.memory_space<vmem>>[vector<16xi32>, vector<16xi32>], vector<16xf32>,
        %gather3A_663 = tpu.vector_load_idx %arg13[%add3A_165, %broadcast_in_dim3A_661] : memref<32x128xf32, #tpu.memory_space<vmem>>[vector<16xi32>, vector<16xi32>], vector<16xf32>,
        %mul3A_664 = arith.mulf %gather3A_662, %gather3A_663 : vector<16xf32>
        %add3A_665 = arith.addf %broadcast_in_dim3A_1, %mul3A_664 : vector<16xf32>
        %broadcast_in_dim3A_666 = arith.constant 77 : i32
        %broadcast_in_dim3A_667 = vector.broadcast %broadcast_in_dim3A_666 : i32 to vector<16xi32>
        %gather3A_668 = tpu.vector_load_idx %arg12[%add3A_165, %broadcast_in_dim3A_667] : memref<32x128xf32, #tpu.memory_space<vmem>>[vector<16xi32>, vector<16xi32>], vector<16xf32>,
        %gather3A_669 = tpu.vector_load_idx %arg13[%add3A_165, %broadcast_in_dim3A_667] : memref<32x128xf32, #tpu.memory_space<vmem>>[vector<16xi32>, vector<16xi32>], vector<16xf32>,
        %mul3A_670 = arith.mulf %gather3A_668, %gather3A_669 : vector<16xf32>
        %add3A_671 = arith.addf %add3A_665, %mul3A_670 : vector<16xf32>
        %broadcast_in_dim3A_672 = arith.constant 78 : i32
        %broadcast_in_dim3A_673 = vector.broadcast %broadcast_in_dim3A_672 : i32 to vector<16xi32>
        %gather3A_674 = tpu.vector_load_idx %arg12[%add3A_165, %broadcast_in_dim3A_673] : memref<32x128xf32, #tpu.memory_space<vmem>>[vector<16xi32>, vector<16xi32>], vector<16xf32>,
        %gather3A_675 = tpu.vector_load_idx %arg13[%add3A_165, %broadcast_in_dim3A_673] : memref<32x128xf32, #tpu.memory_space<vmem>>[vector<16xi32>, vector<16xi32>], vector<16xf32>,
        %mul3A_676 = arith.mulf %gather3A_674, %gather3A_675 : vector<16xf32>
        %add3A_677 = arith.addf %add3A_671, %mul3A_676 : vector<16xf32>
        %broadcast_in_dim3A_678 = arith.constant 79 : i32
        %broadcast_in_dim3A_679 = vector.broadcast %broadcast_in_dim3A_678 : i32 to vector<16xi32>
        %gather3A_680 = tpu.vector_load_idx %arg12[%add3A_165, %broadcast_in_dim3A_679] : memref<32x128xf32, #tpu.memory_space<vmem>>[vector<16xi32>, vector<16xi32>], vector<16xf32>,
        %gather3A_681 = tpu.vector_load_idx %arg13[%add3A_165, %broadcast_in_dim3A_679] : memref<32x128xf32, #tpu.memory_space<vmem>>[vector<16xi32>, vector<16xi32>], vector<16xf32>,
        %mul3A_682 = arith.mulf %gather3A_680, %gather3A_681 : vector<16xf32>
        %add3A_683 = arith.addf %add3A_677, %mul3A_682 : vector<16xf32>
        %add3A_684 = arith.addf %add3A_611, %add3A_635 : vector<16xf32>
        %add3A_685 = arith.addf %add3A_659, %add3A_683 : vector<16xf32>
        %add3A_686 = arith.addf %add3A_684, %add3A_685 : vector<16xf32>
        %exp3A_687 = math.exp %add3A_686 : vector<16xf32>
        %mul3A_688 = arith.constant 16 : i32
        %mul3A_689 = vector.broadcast %mul3A_688 : i32 to vector<16xi32>
        %mul3A_690 = arith.muli %add3A_165, %mul3A_689 : vector<16xi32>
        %add3A_691 = arith.constant 4 : i32
        %add3A_692 = vector.broadcast %add3A_691 : i32 to vector<16xi32>
        %add3A_693 = arith.addi %mul3A_690, %add3A_692 : vector<16xi32>
        tpu.vector_store_idx %arg15[%add3A_693], %exp3A_687 : memref<512xf32, #tpu.memory_space<vmem>>[vector<16xi32>], vector<16xf32>,
        %broadcast_in_dim3A_694 = arith.constant 80 : i32
        %broadcast_in_dim3A_695 = vector.broadcast %broadcast_in_dim3A_694 : i32 to vector<16xi32>
        %gather3A_696 = tpu.vector_load_idx %arg12[%add3A_165, %broadcast_in_dim3A_695] : memref<32x128xf32, #tpu.memory_space<vmem>>[vector<16xi32>, vector<16xi32>], vector<16xf32>,
        %gather3A_697 = tpu.vector_load_idx %arg13[%add3A_165, %broadcast_in_dim3A_695] : memref<32x128xf32, #tpu.memory_space<vmem>>[vector<16xi32>, vector<16xi32>], vector<16xf32>,
        %mul3A_698 = arith.mulf %gather3A_696, %gather3A_697 : vector<16xf32>
        %add3A_699 = arith.addf %broadcast_in_dim3A_1, %mul3A_698 : vector<16xf32>
        %broadcast_in_dim3A_700 = arith.constant 81 : i32
        %broadcast_in_dim3A_701 = vector.broadcast %broadcast_in_dim3A_700 : i32 to vector<16xi32>
        %gather3A_702 = tpu.vector_load_idx %arg12[%add3A_165, %broadcast_in_dim3A_701] : memref<32x128xf32, #tpu.memory_space<vmem>>[vector<16xi32>, vector<16xi32>], vector<16xf32>,
        %gather3A_703 = tpu.vector_load_idx %arg13[%add3A_165, %broadcast_in_dim3A_701] : memref<32x128xf32, #tpu.memory_space<vmem>>[vector<16xi32>, vector<16xi32>], vector<16xf32>,
        %mul3A_704 = arith.mulf %gather3A_702, %gather3A_703 : vector<16xf32>
        %add3A_705 = arith.addf %add3A_699, %mul3A_704 : vector<16xf32>
        %broadcast_in_dim3A_706 = arith.constant 82 : i32
        %broadcast_in_dim3A_707 = vector.broadcast %broadcast_in_dim3A_706 : i32 to vector<16xi32>
        %gather3A_708 = tpu.vector_load_idx %arg12[%add3A_165, %broadcast_in_dim3A_707] : memref<32x128xf32, #tpu.memory_space<vmem>>[vector<16xi32>, vector<16xi32>], vector<16xf32>,
        %gather3A_709 = tpu.vector_load_idx %arg13[%add3A_165, %broadcast_in_dim3A_707] : memref<32x128xf32, #tpu.memory_space<vmem>>[vector<16xi32>, vector<16xi32>], vector<16xf32>,
        %mul3A_710 = arith.mulf %gather3A_708, %gather3A_709 : vector<16xf32>
        %add3A_711 = arith.addf %add3A_705, %mul3A_710 : vector<16xf32>
        %broadcast_in_dim3A_712 = arith.constant 83 : i32
        %broadcast_in_dim3A_713 = vector.broadcast %broadcast_in_dim3A_712 : i32 to vector<16xi32>
        %gather3A_714 = tpu.vector_load_idx %arg12[%add3A_165, %broadcast_in_dim3A_713] : memref<32x128xf32, #tpu.memory_space<vmem>>[vector<16xi32>, vector<16xi32>], vector<16xf32>,
        %gather3A_715 = tpu.vector_load_idx %arg13[%add3A_165, %broadcast_in_dim3A_713] : memref<32x128xf32, #tpu.memory_space<vmem>>[vector<16xi32>, vector<16xi32>], vector<16xf32>,
        %mul3A_716 = arith.mulf %gather3A_714, %gather3A_715 : vector<16xf32>
        %add3A_717 = arith.addf %add3A_711, %mul3A_716 : vector<16xf32>
        %broadcast_in_dim3A_718 = arith.constant 84 : i32
        %broadcast_in_dim3A_719 = vector.broadcast %broadcast_in_dim3A_718 : i32 to vector<16xi32>
        %gather3A_720 = tpu.vector_load_idx %arg12[%add3A_165, %broadcast_in_dim3A_719] : memref<32x128xf32, #tpu.memory_space<vmem>>[vector<16xi32>, vector<16xi32>], vector<16xf32>,
        %gather3A_721 = tpu.vector_load_idx %arg13[%add3A_165, %broadcast_in_dim3A_719] : memref<32x128xf32, #tpu.memory_space<vmem>>[vector<16xi32>, vector<16xi32>], vector<16xf32>,
        %mul3A_722 = arith.mulf %gather3A_720, %gather3A_721 : vector<16xf32>
        %add3A_723 = arith.addf %broadcast_in_dim3A_1, %mul3A_722 : vector<16xf32>
        %broadcast_in_dim3A_724 = arith.constant 85 : i32
        %broadcast_in_dim3A_725 = vector.broadcast %broadcast_in_dim3A_724 : i32 to vector<16xi32>
        %gather3A_726 = tpu.vector_load_idx %arg12[%add3A_165, %broadcast_in_dim3A_725] : memref<32x128xf32, #tpu.memory_space<vmem>>[vector<16xi32>, vector<16xi32>], vector<16xf32>,
        %gather3A_727 = tpu.vector_load_idx %arg13[%add3A_165, %broadcast_in_dim3A_725] : memref<32x128xf32, #tpu.memory_space<vmem>>[vector<16xi32>, vector<16xi32>], vector<16xf32>,
        %mul3A_728 = arith.mulf %gather3A_726, %gather3A_727 : vector<16xf32>
        %add3A_729 = arith.addf %add3A_723, %mul3A_728 : vector<16xf32>
        %broadcast_in_dim3A_730 = arith.constant 86 : i32
        %broadcast_in_dim3A_731 = vector.broadcast %broadcast_in_dim3A_730 : i32 to vector<16xi32>
        %gather3A_732 = tpu.vector_load_idx %arg12[%add3A_165, %broadcast_in_dim3A_731] : memref<32x128xf32, #tpu.memory_space<vmem>>[vector<16xi32>, vector<16xi32>], vector<16xf32>,
        %gather3A_733 = tpu.vector_load_idx %arg13[%add3A_165, %broadcast_in_dim3A_731] : memref<32x128xf32, #tpu.memory_space<vmem>>[vector<16xi32>, vector<16xi32>], vector<16xf32>,
        %mul3A_734 = arith.mulf %gather3A_732, %gather3A_733 : vector<16xf32>
        %add3A_735 = arith.addf %add3A_729, %mul3A_734 : vector<16xf32>
        %broadcast_in_dim3A_736 = arith.constant 87 : i32
        %broadcast_in_dim3A_737 = vector.broadcast %broadcast_in_dim3A_736 : i32 to vector<16xi32>
        %gather3A_738 = tpu.vector_load_idx %arg12[%add3A_165, %broadcast_in_dim3A_737] : memref<32x128xf32, #tpu.memory_space<vmem>>[vector<16xi32>, vector<16xi32>], vector<16xf32>,
        %gather3A_739 = tpu.vector_load_idx %arg13[%add3A_165, %broadcast_in_dim3A_737] : memref<32x128xf32, #tpu.memory_space<vmem>>[vector<16xi32>, vector<16xi32>], vector<16xf32>,
        %mul3A_740 = arith.mulf %gather3A_738, %gather3A_739 : vector<16xf32>
        %add3A_741 = arith.addf %add3A_735, %mul3A_740 : vector<16xf32>
        %broadcast_in_dim3A_742 = arith.constant 88 : i32
        %broadcast_in_dim3A_743 = vector.broadcast %broadcast_in_dim3A_742 : i32 to vector<16xi32>
        %gather3A_744 = tpu.vector_load_idx %arg12[%add3A_165, %broadcast_in_dim3A_743] : memref<32x128xf32, #tpu.memory_space<vmem>>[vector<16xi32>, vector<16xi32>], vector<16xf32>,
        %gather3A_745 = tpu.vector_load_idx %arg13[%add3A_165, %broadcast_in_dim3A_743] : memref<32x128xf32, #tpu.memory_space<vmem>>[vector<16xi32>, vector<16xi32>], vector<16xf32>,
        %mul3A_746 = arith.mulf %gather3A_744, %gather3A_745 : vector<16xf32>
        %add3A_747 = arith.addf %broadcast_in_dim3A_1, %mul3A_746 : vector<16xf32>
        %broadcast_in_dim3A_748 = arith.constant 89 : i32
        %broadcast_in_dim3A_749 = vector.broadcast %broadcast_in_dim3A_748 : i32 to vector<16xi32>
        %gather3A_750 = tpu.vector_load_idx %arg12[%add3A_165, %broadcast_in_dim3A_749] : memref<32x128xf32, #tpu.memory_space<vmem>>[vector<16xi32>, vector<16xi32>], vector<16xf32>,
        %gather3A_751 = tpu.vector_load_idx %arg13[%add3A_165, %broadcast_in_dim3A_749] : memref<32x128xf32, #tpu.memory_space<vmem>>[vector<16xi32>, vector<16xi32>], vector<16xf32>,
        %mul3A_752 = arith.mulf %gather3A_750, %gather3A_751 : vector<16xf32>
        %add3A_753 = arith.addf %add3A_747, %mul3A_752 : vector<16xf32>
        %broadcast_in_dim3A_754 = arith.constant 90 : i32
        %broadcast_in_dim3A_755 = vector.broadcast %broadcast_in_dim3A_754 : i32 to vector<16xi32>
        %gather3A_756 = tpu.vector_load_idx %arg12[%add3A_165, %broadcast_in_dim3A_755] : memref<32x128xf32, #tpu.memory_space<vmem>>[vector<16xi32>, vector<16xi32>], vector<16xf32>,
        %gather3A_757 = tpu.vector_load_idx %arg13[%add3A_165, %broadcast_in_dim3A_755] : memref<32x128xf32, #tpu.memory_space<vmem>>[vector<16xi32>, vector<16xi32>], vector<16xf32>,
        %mul3A_758 = arith.mulf %gather3A_756, %gather3A_757 : vector<16xf32>
        %add3A_759 = arith.addf %add3A_753, %mul3A_758 : vector<16xf32>
        %broadcast_in_dim3A_760 = arith.constant 91 : i32
        %broadcast_in_dim3A_761 = vector.broadcast %broadcast_in_dim3A_760 : i32 to vector<16xi32>
        %gather3A_762 = tpu.vector_load_idx %arg12[%add3A_165, %broadcast_in_dim3A_761] : memref<32x128xf32, #tpu.memory_space<vmem>>[vector<16xi32>, vector<16xi32>], vector<16xf32>,
        %gather3A_763 = tpu.vector_load_idx %arg13[%add3A_165, %broadcast_in_dim3A_761] : memref<32x128xf32, #tpu.memory_space<vmem>>[vector<16xi32>, vector<16xi32>], vector<16xf32>,
        %mul3A_764 = arith.mulf %gather3A_762, %gather3A_763 : vector<16xf32>
        %add3A_765 = arith.addf %add3A_759, %mul3A_764 : vector<16xf32>
        %broadcast_in_dim3A_766 = arith.constant 92 : i32
        %broadcast_in_dim3A_767 = vector.broadcast %broadcast_in_dim3A_766 : i32 to vector<16xi32>
        %gather3A_768 = tpu.vector_load_idx %arg12[%add3A_165, %broadcast_in_dim3A_767] : memref<32x128xf32, #tpu.memory_space<vmem>>[vector<16xi32>, vector<16xi32>], vector<16xf32>,
        %gather3A_769 = tpu.vector_load_idx %arg13[%add3A_165, %broadcast_in_dim3A_767] : memref<32x128xf32, #tpu.memory_space<vmem>>[vector<16xi32>, vector<16xi32>], vector<16xf32>,
        %mul3A_770 = arith.mulf %gather3A_768, %gather3A_769 : vector<16xf32>
        %add3A_771 = arith.addf %broadcast_in_dim3A_1, %mul3A_770 : vector<16xf32>
        %broadcast_in_dim3A_772 = arith.constant 93 : i32
        %broadcast_in_dim3A_773 = vector.broadcast %broadcast_in_dim3A_772 : i32 to vector<16xi32>
        %gather3A_774 = tpu.vector_load_idx %arg12[%add3A_165, %broadcast_in_dim3A_773] : memref<32x128xf32, #tpu.memory_space<vmem>>[vector<16xi32>, vector<16xi32>], vector<16xf32>,
        %gather3A_775 = tpu.vector_load_idx %arg13[%add3A_165, %broadcast_in_dim3A_773] : memref<32x128xf32, #tpu.memory_space<vmem>>[vector<16xi32>, vector<16xi32>], vector<16xf32>,
        %mul3A_776 = arith.mulf %gather3A_774, %gather3A_775 : vector<16xf32>
        %add3A_777 = arith.addf %add3A_771, %mul3A_776 : vector<16xf32>
        %broadcast_in_dim3A_778 = arith.constant 94 : i32
        %broadcast_in_dim3A_779 = vector.broadcast %broadcast_in_dim3A_778 : i32 to vector<16xi32>
        %gather3A_780 = tpu.vector_load_idx %arg12[%add3A_165, %broadcast_in_dim3A_779] : memref<32x128xf32, #tpu.memory_space<vmem>>[vector<16xi32>, vector<16xi32>], vector<16xf32>,
        %gather3A_781 = tpu.vector_load_idx %arg13[%add3A_165, %broadcast_in_dim3A_779] : memref<32x128xf32, #tpu.memory_space<vmem>>[vector<16xi32>, vector<16xi32>], vector<16xf32>,
        %mul3A_782 = arith.mulf %gather3A_780, %gather3A_781 : vector<16xf32>
        %add3A_783 = arith.addf %add3A_777, %mul3A_782 : vector<16xf32>
        %broadcast_in_dim3A_784 = arith.constant 95 : i32
        %broadcast_in_dim3A_785 = vector.broadcast %broadcast_in_dim3A_784 : i32 to vector<16xi32>
        %gather3A_786 = tpu.vector_load_idx %arg12[%add3A_165, %broadcast_in_dim3A_785] : memref<32x128xf32, #tpu.memory_space<vmem>>[vector<16xi32>, vector<16xi32>], vector<16xf32>,
        %gather3A_787 = tpu.vector_load_idx %arg13[%add3A_165, %broadcast_in_dim3A_785] : memref<32x128xf32, #tpu.memory_space<vmem>>[vector<16xi32>, vector<16xi32>], vector<16xf32>,
        %mul3A_788 = arith.mulf %gather3A_786, %gather3A_787 : vector<16xf32>
        %add3A_789 = arith.addf %add3A_783, %mul3A_788 : vector<16xf32>
        %add3A_790 = arith.addf %add3A_717, %add3A_741 : vector<16xf32>
        %add3A_791 = arith.addf %add3A_765, %add3A_789 : vector<16xf32>
        %add3A_792 = arith.addf %add3A_790, %add3A_791 : vector<16xf32>
        %exp3A_793 = math.exp %add3A_792 : vector<16xf32>
        %mul3A_794 = arith.constant 16 : i32
        %mul3A_795 = vector.broadcast %mul3A_794 : i32 to vector<16xi32>
        %mul3A_796 = arith.muli %add3A_165, %mul3A_795 : vector<16xi32>
        %add3A_797 = arith.constant 5 : i32
        %add3A_798 = vector.broadcast %add3A_797 : i32 to vector<16xi32>
        %add3A_799 = arith.addi %mul3A_796, %add3A_798 : vector<16xi32>
        tpu.vector_store_idx %arg15[%add3A_799], %exp3A_793 : memref<512xf32, #tpu.memory_space<vmem>>[vector<16xi32>], vector<16xf32>,
        %broadcast_in_dim3A_800 = arith.constant 96 : i32
        %broadcast_in_dim3A_801 = vector.broadcast %broadcast_in_dim3A_800 : i32 to vector<16xi32>
        %gather3A_802 = tpu.vector_load_idx %arg12[%add3A_165, %broadcast_in_dim3A_801] : memref<32x128xf32, #tpu.memory_space<vmem>>[vector<16xi32>, vector<16xi32>], vector<16xf32>,
        %gather3A_803 = tpu.vector_load_idx %arg13[%add3A_165, %broadcast_in_dim3A_801] : memref<32x128xf32, #tpu.memory_space<vmem>>[vector<16xi32>, vector<16xi32>], vector<16xf32>,
        %mul3A_804 = arith.mulf %gather3A_802, %gather3A_803 : vector<16xf32>
        %add3A_805 = arith.addf %broadcast_in_dim3A_1, %mul3A_804 : vector<16xf32>
        %broadcast_in_dim3A_806 = arith.constant 97 : i32
        %broadcast_in_dim3A_807 = vector.broadcast %broadcast_in_dim3A_806 : i32 to vector<16xi32>
        %gather3A_808 = tpu.vector_load_idx %arg12[%add3A_165, %broadcast_in_dim3A_807] : memref<32x128xf32, #tpu.memory_space<vmem>>[vector<16xi32>, vector<16xi32>], vector<16xf32>,
        %gather3A_809 = tpu.vector_load_idx %arg13[%add3A_165, %broadcast_in_dim3A_807] : memref<32x128xf32, #tpu.memory_space<vmem>>[vector<16xi32>, vector<16xi32>], vector<16xf32>,
        %mul3A_810 = arith.mulf %gather3A_808, %gather3A_809 : vector<16xf32>
        %add3A_811 = arith.addf %add3A_805, %mul3A_810 : vector<16xf32>
        %broadcast_in_dim3A_812 = arith.constant 98 : i32
        %broadcast_in_dim3A_813 = vector.broadcast %broadcast_in_dim3A_812 : i32 to vector<16xi32>
        %gather3A_814 = tpu.vector_load_idx %arg12[%add3A_165, %broadcast_in_dim3A_813] : memref<32x128xf32, #tpu.memory_space<vmem>>[vector<16xi32>, vector<16xi32>], vector<16xf32>,
        %gather3A_815 = tpu.vector_load_idx %arg13[%add3A_165, %broadcast_in_dim3A_813] : memref<32x128xf32, #tpu.memory_space<vmem>>[vector<16xi32>, vector<16xi32>], vector<16xf32>,
        %mul3A_816 = arith.mulf %gather3A_814, %gather3A_815 : vector<16xf32>
        %add3A_817 = arith.addf %add3A_811, %mul3A_816 : vector<16xf32>
        %broadcast_in_dim3A_818 = arith.constant 99 : i32
        %broadcast_in_dim3A_819 = vector.broadcast %broadcast_in_dim3A_818 : i32 to vector<16xi32>
        %gather3A_820 = tpu.vector_load_idx %arg12[%add3A_165, %broadcast_in_dim3A_819] : memref<32x128xf32, #tpu.memory_space<vmem>>[vector<16xi32>, vector<16xi32>], vector<16xf32>,
        %gather3A_821 = tpu.vector_load_idx %arg13[%add3A_165, %broadcast_in_dim3A_819] : memref<32x128xf32, #tpu.memory_space<vmem>>[vector<16xi32>, vector<16xi32>], vector<16xf32>,
        %mul3A_822 = arith.mulf %gather3A_820, %gather3A_821 : vector<16xf32>
        %add3A_823 = arith.addf %add3A_817, %mul3A_822 : vector<16xf32>
        %broadcast_in_dim3A_824 = arith.constant 100 : i32
        %broadcast_in_dim3A_825 = vector.broadcast %broadcast_in_dim3A_824 : i32 to vector<16xi32>
        %gather3A_826 = tpu.vector_load_idx %arg12[%add3A_165, %broadcast_in_dim3A_825] : memref<32x128xf32, #tpu.memory_space<vmem>>[vector<16xi32>, vector<16xi32>], vector<16xf32>,
        %gather3A_827 = tpu.vector_load_idx %arg13[%add3A_165, %broadcast_in_dim3A_825] : memref<32x128xf32, #tpu.memory_space<vmem>>[vector<16xi32>, vector<16xi32>], vector<16xf32>,
        %mul3A_828 = arith.mulf %gather3A_826, %gather3A_827 : vector<16xf32>
        %add3A_829 = arith.addf %broadcast_in_dim3A_1, %mul3A_828 : vector<16xf32>
        %broadcast_in_dim3A_830 = arith.constant 101 : i32
        %broadcast_in_dim3A_831 = vector.broadcast %broadcast_in_dim3A_830 : i32 to vector<16xi32>
        %gather3A_832 = tpu.vector_load_idx %arg12[%add3A_165, %broadcast_in_dim3A_831] : memref<32x128xf32, #tpu.memory_space<vmem>>[vector<16xi32>, vector<16xi32>], vector<16xf32>,
        %gather3A_833 = tpu.vector_load_idx %arg13[%add3A_165, %broadcast_in_dim3A_831] : memref<32x128xf32, #tpu.memory_space<vmem>>[vector<16xi32>, vector<16xi32>], vector<16xf32>,
        %mul3A_834 = arith.mulf %gather3A_832, %gather3A_833 : vector<16xf32>
        %add3A_835 = arith.addf %add3A_829, %mul3A_834 : vector<16xf32>
        %broadcast_in_dim3A_836 = arith.constant 102 : i32
        %broadcast_in_dim3A_837 = vector.broadcast %broadcast_in_dim3A_836 : i32 to vector<16xi32>
        %gather3A_838 = tpu.vector_load_idx %arg12[%add3A_165, %broadcast_in_dim3A_837] : memref<32x128xf32, #tpu.memory_space<vmem>>[vector<16xi32>, vector<16xi32>], vector<16xf32>,
        %gather3A_839 = tpu.vector_load_idx %arg13[%add3A_165, %broadcast_in_dim3A_837] : memref<32x128xf32, #tpu.memory_space<vmem>>[vector<16xi32>, vector<16xi32>], vector<16xf32>,
        %mul3A_840 = arith.mulf %gather3A_838, %gather3A_839 : vector<16xf32>
        %add3A_841 = arith.addf %add3A_835, %mul3A_840 : vector<16xf32>
        %broadcast_in_dim3A_842 = arith.constant 103 : i32
        %broadcast_in_dim3A_843 = vector.broadcast %broadcast_in_dim3A_842 : i32 to vector<16xi32>
        %gather3A_844 = tpu.vector_load_idx %arg12[%add3A_165, %broadcast_in_dim3A_843] : memref<32x128xf32, #tpu.memory_space<vmem>>[vector<16xi32>, vector<16xi32>], vector<16xf32>,
        %gather3A_845 = tpu.vector_load_idx %arg13[%add3A_165, %broadcast_in_dim3A_843] : memref<32x128xf32, #tpu.memory_space<vmem>>[vector<16xi32>, vector<16xi32>], vector<16xf32>,
        %mul3A_846 = arith.mulf %gather3A_844, %gather3A_845 : vector<16xf32>
        %add3A_847 = arith.addf %add3A_841, %mul3A_846 : vector<16xf32>
        %broadcast_in_dim3A_848 = arith.constant 104 : i32
        %broadcast_in_dim3A_849 = vector.broadcast %broadcast_in_dim3A_848 : i32 to vector<16xi32>
        %gather3A_850 = tpu.vector_load_idx %arg12[%add3A_165, %broadcast_in_dim3A_849] : memref<32x128xf32, #tpu.memory_space<vmem>>[vector<16xi32>, vector<16xi32>], vector<16xf32>,
        %gather3A_851 = tpu.vector_load_idx %arg13[%add3A_165, %broadcast_in_dim3A_849] : memref<32x128xf32, #tpu.memory_space<vmem>>[vector<16xi32>, vector<16xi32>], vector<16xf32>,
        %mul3A_852 = arith.mulf %gather3A_850, %gather3A_851 : vector<16xf32>
        %add3A_853 = arith.addf %broadcast_in_dim3A_1, %mul3A_852 : vector<16xf32>
        %broadcast_in_dim3A_854 = arith.constant 105 : i32
        %broadcast_in_dim3A_855 = vector.broadcast %broadcast_in_dim3A_854 : i32 to vector<16xi32>
        %gather3A_856 = tpu.vector_load_idx %arg12[%add3A_165, %broadcast_in_dim3A_855] : memref<32x128xf32, #tpu.memory_space<vmem>>[vector<16xi32>, vector<16xi32>], vector<16xf32>,
        %gather3A_857 = tpu.vector_load_idx %arg13[%add3A_165, %broadcast_in_dim3A_855] : memref<32x128xf32, #tpu.memory_space<vmem>>[vector<16xi32>, vector<16xi32>], vector<16xf32>,
        %mul3A_858 = arith.mulf %gather3A_856, %gather3A_857 : vector<16xf32>
        %add3A_859 = arith.addf %add3A_853, %mul3A_858 : vector<16xf32>
        %broadcast_in_dim3A_860 = arith.constant 106 : i32
        %broadcast_in_dim3A_861 = vector.broadcast %broadcast_in_dim3A_860 : i32 to vector<16xi32>
        %gather3A_862 = tpu.vector_load_idx %arg12[%add3A_165, %broadcast_in_dim3A_861] : memref<32x128xf32, #tpu.memory_space<vmem>>[vector<16xi32>, vector<16xi32>], vector<16xf32>,
        %gather3A_863 = tpu.vector_load_idx %arg13[%add3A_165, %broadcast_in_dim3A_861] : memref<32x128xf32, #tpu.memory_space<vmem>>[vector<16xi32>, vector<16xi32>], vector<16xf32>,
        %mul3A_864 = arith.mulf %gather3A_862, %gather3A_863 : vector<16xf32>
        %add3A_865 = arith.addf %add3A_859, %mul3A_864 : vector<16xf32>
        %broadcast_in_dim3A_866 = arith.constant 107 : i32
        %broadcast_in_dim3A_867 = vector.broadcast %broadcast_in_dim3A_866 : i32 to vector<16xi32>
        %gather3A_868 = tpu.vector_load_idx %arg12[%add3A_165, %broadcast_in_dim3A_867] : memref<32x128xf32, #tpu.memory_space<vmem>>[vector<16xi32>, vector<16xi32>], vector<16xf32>,
        %gather3A_869 = tpu.vector_load_idx %arg13[%add3A_165, %broadcast_in_dim3A_867] : memref<32x128xf32, #tpu.memory_space<vmem>>[vector<16xi32>, vector<16xi32>], vector<16xf32>,
        %mul3A_870 = arith.mulf %gather3A_868, %gather3A_869 : vector<16xf32>
        %add3A_871 = arith.addf %add3A_865, %mul3A_870 : vector<16xf32>
        %broadcast_in_dim3A_872 = arith.constant 108 : i32
        %broadcast_in_dim3A_873 = vector.broadcast %broadcast_in_dim3A_872 : i32 to vector<16xi32>
        %gather3A_874 = tpu.vector_load_idx %arg12[%add3A_165, %broadcast_in_dim3A_873] : memref<32x128xf32, #tpu.memory_space<vmem>>[vector<16xi32>, vector<16xi32>], vector<16xf32>,
        %gather3A_875 = tpu.vector_load_idx %arg13[%add3A_165, %broadcast_in_dim3A_873] : memref<32x128xf32, #tpu.memory_space<vmem>>[vector<16xi32>, vector<16xi32>], vector<16xf32>,
        %mul3A_876 = arith.mulf %gather3A_874, %gather3A_875 : vector<16xf32>
        %add3A_877 = arith.addf %broadcast_in_dim3A_1, %mul3A_876 : vector<16xf32>
        %broadcast_in_dim3A_878 = arith.constant 109 : i32
        %broadcast_in_dim3A_879 = vector.broadcast %broadcast_in_dim3A_878 : i32 to vector<16xi32>
        %gather3A_880 = tpu.vector_load_idx %arg12[%add3A_165, %broadcast_in_dim3A_879] : memref<32x128xf32, #tpu.memory_space<vmem>>[vector<16xi32>, vector<16xi32>], vector<16xf32>,
        %gather3A_881 = tpu.vector_load_idx %arg13[%add3A_165, %broadcast_in_dim3A_879] : memref<32x128xf32, #tpu.memory_space<vmem>>[vector<16xi32>, vector<16xi32>], vector<16xf32>,
        %mul3A_882 = arith.mulf %gather3A_880, %gather3A_881 : vector<16xf32>
        %add3A_883 = arith.addf %add3A_877, %mul3A_882 : vector<16xf32>
        %broadcast_in_dim3A_884 = arith.constant 110 : i32
        %broadcast_in_dim3A_885 = vector.broadcast %broadcast_in_dim3A_884 : i32 to vector<16xi32>
        %gather3A_886 = tpu.vector_load_idx %arg12[%add3A_165, %broadcast_in_dim3A_885] : memref<32x128xf32, #tpu.memory_space<vmem>>[vector<16xi32>, vector<16xi32>], vector<16xf32>,
        %gather3A_887 = tpu.vector_load_idx %arg13[%add3A_165, %broadcast_in_dim3A_885] : memref<32x128xf32, #tpu.memory_space<vmem>>[vector<16xi32>, vector<16xi32>], vector<16xf32>,
        %mul3A_888 = arith.mulf %gather3A_886, %gather3A_887 : vector<16xf32>
        %add3A_889 = arith.addf %add3A_883, %mul3A_888 : vector<16xf32>
        %broadcast_in_dim3A_890 = arith.constant 111 : i32
        %broadcast_in_dim3A_891 = vector.broadcast %broadcast_in_dim3A_890 : i32 to vector<16xi32>
        %gather3A_892 = tpu.vector_load_idx %arg12[%add3A_165, %broadcast_in_dim3A_891] : memref<32x128xf32, #tpu.memory_space<vmem>>[vector<16xi32>, vector<16xi32>], vector<16xf32>,
        %gather3A_893 = tpu.vector_load_idx %arg13[%add3A_165, %broadcast_in_dim3A_891] : memref<32x128xf32, #tpu.memory_space<vmem>>[vector<16xi32>, vector<16xi32>], vector<16xf32>,
        %mul3A_894 = arith.mulf %gather3A_892, %gather3A_893 : vector<16xf32>
        %add3A_895 = arith.addf %add3A_889, %mul3A_894 : vector<16xf32>
        %add3A_896 = arith.addf %add3A_823, %add3A_847 : vector<16xf32>
        %add3A_897 = arith.addf %add3A_871, %add3A_895 : vector<16xf32>
        %add3A_898 = arith.addf %add3A_896, %add3A_897 : vector<16xf32>
        %exp3A_899 = math.exp %add3A_898 : vector<16xf32>
        %mul3A_900 = arith.constant 16 : i32
        %mul3A_901 = vector.broadcast %mul3A_900 : i32 to vector<16xi32>
        %mul3A_902 = arith.muli %add3A_165, %mul3A_901 : vector<16xi32>
        %add3A_903 = arith.constant 6 : i32
        %add3A_904 = vector.broadcast %add3A_903 : i32 to vector<16xi32>
        %add3A_905 = arith.addi %mul3A_902, %add3A_904 : vector<16xi32>
        tpu.vector_store_idx %arg15[%add3A_905], %exp3A_899 : memref<512xf32, #tpu.memory_space<vmem>>[vector<16xi32>], vector<16xf32>,
        %broadcast_in_dim3A_906 = arith.constant 112 : i32
        %broadcast_in_dim3A_907 = vector.broadcast %broadcast_in_dim3A_906 : i32 to vector<16xi32>
        %gather3A_908 = tpu.vector_load_idx %arg12[%add3A_165, %broadcast_in_dim3A_907] : memref<32x128xf32, #tpu.memory_space<vmem>>[vector<16xi32>, vector<16xi32>], vector<16xf32>,
        %gather3A_909 = tpu.vector_load_idx %arg13[%add3A_165, %broadcast_in_dim3A_907] : memref<32x128xf32, #tpu.memory_space<vmem>>[vector<16xi32>, vector<16xi32>], vector<16xf32>,
        %mul3A_910 = arith.mulf %gather3A_908, %gather3A_909 : vector<16xf32>
        %add3A_911 = arith.addf %broadcast_in_dim3A_1, %mul3A_910 : vector<16xf32>
        %broadcast_in_dim3A_912 = arith.constant 113 : i32
        %broadcast_in_dim3A_913 = vector.broadcast %broadcast_in_dim3A_912 : i32 to vector<16xi32>
        %gather3A_914 = tpu.vector_load_idx %arg12[%add3A_165, %broadcast_in_dim3A_913] : memref<32x128xf32, #tpu.memory_space<vmem>>[vector<16xi32>, vector<16xi32>], vector<16xf32>,
        %gather3A_915 = tpu.vector_load_idx %arg13[%add3A_165, %broadcast_in_dim3A_913] : memref<32x128xf32, #tpu.memory_space<vmem>>[vector<16xi32>, vector<16xi32>], vector<16xf32>,
        %mul3A_916 = arith.mulf %gather3A_914, %gather3A_915 : vector<16xf32>
        %add3A_917 = arith.addf %add3A_911, %mul3A_916 : vector<16xf32>
        %broadcast_in_dim3A_918 = arith.constant 114 : i32
        %broadcast_in_dim3A_919 = vector.broadcast %broadcast_in_dim3A_918 : i32 to vector<16xi32>
        %gather3A_920 = tpu.vector_load_idx %arg12[%add3A_165, %broadcast_in_dim3A_919] : memref<32x128xf32, #tpu.memory_space<vmem>>[vector<16xi32>, vector<16xi32>], vector<16xf32>,
        %gather3A_921 = tpu.vector_load_idx %arg13[%add3A_165, %broadcast_in_dim3A_919] : memref<32x128xf32, #tpu.memory_space<vmem>>[vector<16xi32>, vector<16xi32>], vector<16xf32>,
        %mul3A_922 = arith.mulf %gather3A_920, %gather3A_921 : vector<16xf32>
        %add3A_923 = arith.addf %add3A_917, %mul3A_922 : vector<16xf32>
        %broadcast_in_dim3A_924 = arith.constant 115 : i32
        %broadcast_in_dim3A_925 = vector.broadcast %broadcast_in_dim3A_924 : i32 to vector<16xi32>
        %gather3A_926 = tpu.vector_load_idx %arg12[%add3A_165, %broadcast_in_dim3A_925] : memref<32x128xf32, #tpu.memory_space<vmem>>[vector<16xi32>, vector<16xi32>], vector<16xf32>,
        %gather3A_927 = tpu.vector_load_idx %arg13[%add3A_165, %broadcast_in_dim3A_925] : memref<32x128xf32, #tpu.memory_space<vmem>>[vector<16xi32>, vector<16xi32>], vector<16xf32>,
        %mul3A_928 = arith.mulf %gather3A_926, %gather3A_927 : vector<16xf32>
        %add3A_929 = arith.addf %add3A_923, %mul3A_928 : vector<16xf32>
        %broadcast_in_dim3A_930 = arith.constant 116 : i32
        %broadcast_in_dim3A_931 = vector.broadcast %broadcast_in_dim3A_930 : i32 to vector<16xi32>
        %gather3A_932 = tpu.vector_load_idx %arg12[%add3A_165, %broadcast_in_dim3A_931] : memref<32x128xf32, #tpu.memory_space<vmem>>[vector<16xi32>, vector<16xi32>], vector<16xf32>,
        %gather3A_933 = tpu.vector_load_idx %arg13[%add3A_165, %broadcast_in_dim3A_931] : memref<32x128xf32, #tpu.memory_space<vmem>>[vector<16xi32>, vector<16xi32>], vector<16xf32>,
        %mul3A_934 = arith.mulf %gather3A_932, %gather3A_933 : vector<16xf32>
        %add3A_935 = arith.addf %broadcast_in_dim3A_1, %mul3A_934 : vector<16xf32>
        %broadcast_in_dim3A_936 = arith.constant 117 : i32
        %broadcast_in_dim3A_937 = vector.broadcast %broadcast_in_dim3A_936 : i32 to vector<16xi32>
        %gather3A_938 = tpu.vector_load_idx %arg12[%add3A_165, %broadcast_in_dim3A_937] : memref<32x128xf32, #tpu.memory_space<vmem>>[vector<16xi32>, vector<16xi32>], vector<16xf32>,
        %gather3A_939 = tpu.vector_load_idx %arg13[%add3A_165, %broadcast_in_dim3A_937] : memref<32x128xf32, #tpu.memory_space<vmem>>[vector<16xi32>, vector<16xi32>], vector<16xf32>,
        %mul3A_940 = arith.mulf %gather3A_938, %gather3A_939 : vector<16xf32>
        %add3A_941 = arith.addf %add3A_935, %mul3A_940 : vector<16xf32>
        %broadcast_in_dim3A_942 = arith.constant 118 : i32
        %broadcast_in_dim3A_943 = vector.broadcast %broadcast_in_dim3A_942 : i32 to vector<16xi32>
        %gather3A_944 = tpu.vector_load_idx %arg12[%add3A_165, %broadcast_in_dim3A_943] : memref<32x128xf32, #tpu.memory_space<vmem>>[vector<16xi32>, vector<16xi32>], vector<16xf32>,
        %gather3A_945 = tpu.vector_load_idx %arg13[%add3A_165, %broadcast_in_dim3A_943] : memref<32x128xf32, #tpu.memory_space<vmem>>[vector<16xi32>, vector<16xi32>], vector<16xf32>,
        %mul3A_946 = arith.mulf %gather3A_944, %gather3A_945 : vector<16xf32>
        %add3A_947 = arith.addf %add3A_941, %mul3A_946 : vector<16xf32>
        %broadcast_in_dim3A_948 = arith.constant 119 : i32
        %broadcast_in_dim3A_949 = vector.broadcast %broadcast_in_dim3A_948 : i32 to vector<16xi32>
        %gather3A_950 = tpu.vector_load_idx %arg12[%add3A_165, %broadcast_in_dim3A_949] : memref<32x128xf32, #tpu.memory_space<vmem>>[vector<16xi32>, vector<16xi32>], vector<16xf32>,
        %gather3A_951 = tpu.vector_load_idx %arg13[%add3A_165, %broadcast_in_dim3A_949] : memref<32x128xf32, #tpu.memory_space<vmem>>[vector<16xi32>, vector<16xi32>], vector<16xf32>,
        %mul3A_952 = arith.mulf %gather3A_950, %gather3A_951 : vector<16xf32>
        %add3A_953 = arith.addf %add3A_947, %mul3A_952 : vector<16xf32>
        %broadcast_in_dim3A_954 = arith.constant 120 : i32
        %broadcast_in_dim3A_955 = vector.broadcast %broadcast_in_dim3A_954 : i32 to vector<16xi32>
        %gather3A_956 = tpu.vector_load_idx %arg12[%add3A_165, %broadcast_in_dim3A_955] : memref<32x128xf32, #tpu.memory_space<vmem>>[vector<16xi32>, vector<16xi32>], vector<16xf32>,
        %gather3A_957 = tpu.vector_load_idx %arg13[%add3A_165, %broadcast_in_dim3A_955] : memref<32x128xf32, #tpu.memory_space<vmem>>[vector<16xi32>, vector<16xi32>], vector<16xf32>,
        %mul3A_958 = arith.mulf %gather3A_956, %gather3A_957 : vector<16xf32>
        %add3A_959 = arith.addf %broadcast_in_dim3A_1, %mul3A_958 : vector<16xf32>
        %broadcast_in_dim3A_960 = arith.constant 121 : i32
        %broadcast_in_dim3A_961 = vector.broadcast %broadcast_in_dim3A_960 : i32 to vector<16xi32>
        %gather3A_962 = tpu.vector_load_idx %arg12[%add3A_165, %broadcast_in_dim3A_961] : memref<32x128xf32, #tpu.memory_space<vmem>>[vector<16xi32>, vector<16xi32>], vector<16xf32>,
        %gather3A_963 = tpu.vector_load_idx %arg13[%add3A_165, %broadcast_in_dim3A_961] : memref<32x128xf32, #tpu.memory_space<vmem>>[vector<16xi32>, vector<16xi32>], vector<16xf32>,
        %mul3A_964 = arith.mulf %gather3A_962, %gather3A_963 : vector<16xf32>
        %add3A_965 = arith.addf %add3A_959, %mul3A_964 : vector<16xf32>
        %broadcast_in_dim3A_966 = arith.constant 122 : i32
        %broadcast_in_dim3A_967 = vector.broadcast %broadcast_in_dim3A_966 : i32 to vector<16xi32>
        %gather3A_968 = tpu.vector_load_idx %arg12[%add3A_165, %broadcast_in_dim3A_967] : memref<32x128xf32, #tpu.memory_space<vmem>>[vector<16xi32>, vector<16xi32>], vector<16xf32>,
        %gather3A_969 = tpu.vector_load_idx %arg13[%add3A_165, %broadcast_in_dim3A_967] : memref<32x128xf32, #tpu.memory_space<vmem>>[vector<16xi32>, vector<16xi32>], vector<16xf32>,
        %mul3A_970 = arith.mulf %gather3A_968, %gather3A_969 : vector<16xf32>
        %add3A_971 = arith.addf %add3A_965, %mul3A_970 : vector<16xf32>
        %broadcast_in_dim3A_972 = arith.constant 123 : i32
        %broadcast_in_dim3A_973 = vector.broadcast %broadcast_in_dim3A_972 : i32 to vector<16xi32>
        %gather3A_974 = tpu.vector_load_idx %arg12[%add3A_165, %broadcast_in_dim3A_973] : memref<32x128xf32, #tpu.memory_space<vmem>>[vector<16xi32>, vector<16xi32>], vector<16xf32>,
        %gather3A_975 = tpu.vector_load_idx %arg13[%add3A_165, %broadcast_in_dim3A_973] : memref<32x128xf32, #tpu.memory_space<vmem>>[vector<16xi32>, vector<16xi32>], vector<16xf32>,
        %mul3A_976 = arith.mulf %gather3A_974, %gather3A_975 : vector<16xf32>
        %add3A_977 = arith.addf %add3A_971, %mul3A_976 : vector<16xf32>
        %broadcast_in_dim3A_978 = arith.constant 124 : i32
        %broadcast_in_dim3A_979 = vector.broadcast %broadcast_in_dim3A_978 : i32 to vector<16xi32>
        %gather3A_980 = tpu.vector_load_idx %arg12[%add3A_165, %broadcast_in_dim3A_979] : memref<32x128xf32, #tpu.memory_space<vmem>>[vector<16xi32>, vector<16xi32>], vector<16xf32>,
        %gather3A_981 = tpu.vector_load_idx %arg13[%add3A_165, %broadcast_in_dim3A_979] : memref<32x128xf32, #tpu.memory_space<vmem>>[vector<16xi32>, vector<16xi32>], vector<16xf32>,
        %mul3A_982 = arith.mulf %gather3A_980, %gather3A_981 : vector<16xf32>
        %add3A_983 = arith.addf %broadcast_in_dim3A_1, %mul3A_982 : vector<16xf32>
        %broadcast_in_dim3A_984 = arith.constant 125 : i32
        %broadcast_in_dim3A_985 = vector.broadcast %broadcast_in_dim3A_984 : i32 to vector<16xi32>
        %gather3A_986 = tpu.vector_load_idx %arg12[%add3A_165, %broadcast_in_dim3A_985] : memref<32x128xf32, #tpu.memory_space<vmem>>[vector<16xi32>, vector<16xi32>], vector<16xf32>,
        %gather3A_987 = tpu.vector_load_idx %arg13[%add3A_165, %broadcast_in_dim3A_985] : memref<32x128xf32, #tpu.memory_space<vmem>>[vector<16xi32>, vector<16xi32>], vector<16xf32>,
        %mul3A_988 = arith.mulf %gather3A_986, %gather3A_987 : vector<16xf32>
        %add3A_989 = arith.addf %add3A_983, %mul3A_988 : vector<16xf32>
        %broadcast_in_dim3A_990 = arith.constant 126 : i32
        %broadcast_in_dim3A_991 = vector.broadcast %broadcast_in_dim3A_990 : i32 to vector<16xi32>
        %gather3A_992 = tpu.vector_load_idx %arg12[%add3A_165, %broadcast_in_dim3A_991] : memref<32x128xf32, #tpu.memory_space<vmem>>[vector<16xi32>, vector<16xi32>], vector<16xf32>,
        %gather3A_993 = tpu.vector_load_idx %arg13[%add3A_165, %broadcast_in_dim3A_991] : memref<32x128xf32, #tpu.memory_space<vmem>>[vector<16xi32>, vector<16xi32>], vector<16xf32>,
        %mul3A_994 = arith.mulf %gather3A_992, %gather3A_993 : vector<16xf32>
        %add3A_995 = arith.addf %add3A_989, %mul3A_994 : vector<16xf32>
        %broadcast_in_dim3A_996 = arith.constant 127 : i32
        %broadcast_in_dim3A_997 = vector.broadcast %broadcast_in_dim3A_996 : i32 to vector<16xi32>
        %gather3A_998 = tpu.vector_load_idx %arg12[%add3A_165, %broadcast_in_dim3A_997] : memref<32x128xf32, #tpu.memory_space<vmem>>[vector<16xi32>, vector<16xi32>], vector<16xf32>,
        %gather3A_999 = tpu.vector_load_idx %arg13[%add3A_165, %broadcast_in_dim3A_997] : memref<32x128xf32, #tpu.memory_space<vmem>>[vector<16xi32>, vector<16xi32>], vector<16xf32>,
        %mul3A_1000 = arith.mulf %gather3A_998, %gather3A_999 : vector<16xf32>
        %add3A_1001 = arith.addf %add3A_995, %mul3A_1000 : vector<16xf32>
        %add3A_1002 = arith.addf %add3A_929, %add3A_953 : vector<16xf32>
        %add3A_1003 = arith.addf %add3A_977, %add3A_1001 : vector<16xf32>
        %add3A_1004 = arith.addf %add3A_1002, %add3A_1003 : vector<16xf32>
        %exp3A_1005 = math.exp %add3A_1004 : vector<16xf32>
        %mul3A_1006 = arith.constant 16 : i32
        %mul3A_1007 = vector.broadcast %mul3A_1006 : i32 to vector<16xi32>
        %mul3A_1008 = arith.muli %add3A_165, %mul3A_1007 : vector<16xi32>
        %add3A_1009 = arith.constant 7 : i32
        %add3A_1010 = vector.broadcast %add3A_1009 : i32 to vector<16xi32>
        %add3A_1011 = arith.addi %mul3A_1008, %add3A_1010 : vector<16xi32>
        tpu.vector_store_idx %arg15[%add3A_1011], %exp3A_1005 : memref<512xf32, #tpu.memory_space<vmem>>[vector<16xi32>], vector<16xf32>,
        %scan3A_1012 = arith.constant 0 : i32
        scf.yield %scan3A_1012 : i32
      }
      %scan3A_123 = arith.constant 2 : i32
      "tpu.region"() ({
        %run_scoped3A = tpu.sem_alloc : memref<!tpu.dma_semaphore, #tpu.memory_space<semaphore_mem>>
        tpu.enqueue_dma source(%arg7 : memref<32x128xf32, #tpu.memory_space<hbm>>) target(%arg12 : memref<32x128xf32, #tpu.memory_space<vmem>>) target_semaphore(%run_scoped3A : memref<!tpu.dma_semaphore, #tpu.memory_space<semaphore_mem>>)
        tpu.wait_dma2 semaphore(%run_scoped3A : memref<!tpu.dma_semaphore, #tpu.memory_space<semaphore_mem>>) src(%arg7 : memref<32x128xf32, #tpu.memory_space<hbm>>) dst(%arg12 : memref<32x128xf32, #tpu.memory_space<vmem>>)
        tpu.yield
      }) : () -> ()
      %scan3A_124 = arith.constant 0 : i32
      %scan3A_125 = arith.constant 0 : i32
      %scan3A_126 = arith.constant 2 : i32
      %scan3A_127 = arith.addi %scan3A_125, %scan3A_126 : i32
      %scan3A_128 = arith.constant 1 : i32
      %scan3A_129 = scf.for %scan3A_160 = %scan3A_125 to %scan3A_127 step %scan3A_128 iter_args(%scan3A_161 = %scan3A_124) -> (i32)  : i32 {
        %mul3A_162 = arith.constant 16 : i32
        %mul3A_163 = arith.muli %scan3A_160, %mul3A_162 : i32
        %add3A_164 = vector.broadcast %mul3A_163 : i32 to vector<16xi32>
        %add3A_165 = arith.addi %add3A_164, %iota3A : vector<16xi32>
        %mul3A_166 = arith.constant 16 : i32
        %mul3A_167 = arith.muli %scan3A_160, %mul3A_166 : i32
        %get3A = arith.index_cast %mul3A_167 : i32 to index
        %get3A_168 = tpu.vector_load %arg19[%get3A] {strides = array<i32>} : memref<32xi32, #tpu.memory_space<vmem>>, vector<16xi32>,
        %shift_right_arithmetic3A = arith.constant 3 : i32
        %shift_right_arithmetic3A_169 = vector.broadcast %shift_right_arithmetic3A : i32 to vector<16xi32>
        %shift_right_arithmetic3A_170 = arith.shrsi %get3A_168, %shift_right_arithmetic3A_169 : vector<16xi32>
        %add3A_171 = arith.constant 10080 : i32
        %add3A_172 = vector.broadcast %add3A_171 : i32 to vector<16xi32>
        %add3A_173 = arith.addi %add3A_172, %shift_right_arithmetic3A_170 : vector<16xi32>
        %mul3A_174 = arith.constant 16 : i32
        %mul3A_175 = arith.muli %scan3A_160, %mul3A_174 : i32
        %swap3A = arith.index_cast %mul3A_175 : i32 to index
        %swap3A_176 = tpu.vector_load %arg21[%swap3A] {strides = array<i32>} : memref<32xi32, #tpu.memory_space<vmem>>, vector<16xi32>,
        tpu.vector_store %arg21[%swap3A], %add3A_173 {strides = array<i32>} : memref<32xi32, #tpu.memory_space<vmem>>, vector<16xi32>,
        %and3A = arith.constant 7 : i32
        %and3A_177 = vector.broadcast %and3A : i32 to vector<16xi32>
        %and3A_178 = arith.andi %get3A_168, %and3A_177 : vector<16xi32>
        %mul3A_179 = arith.constant 16 : i32
        %mul3A_180 = vector.broadcast %mul3A_179 : i32 to vector<16xi32>
        %mul3A_181 = arith.muli %and3A_178, %mul3A_180 : vector<16xi32>
        %mul3A_182 = arith.constant 16 : i32
        %mul3A_183 = vector.broadcast %mul3A_182 : i32 to vector<16xi32>
        %mul3A_184 = arith.muli %add3A_165, %mul3A_183 : vector<16xi32>
        %add3A_185 = arith.constant 0 : i32
        %add3A_186 = vector.broadcast %add3A_185 : i32 to vector<16xi32>
        %add3A_187 = arith.addi %mul3A_184, %add3A_186 : vector<16xi32>
        %gather3A = tpu.vector_load_idx %arg15[%add3A_187] : memref<512xf32, #tpu.memory_space<vmem>>[vector<16xi32>], vector<16xf32>,
        %add3A_188 = arith.constant 0 : i32
        %add3A_189 = vector.broadcast %add3A_188 : i32 to vector<16xi32>
        %add3A_190 = arith.addi %mul3A_181, %add3A_189 : vector<16xi32>
        tpu.vector_store_idx %arg12[%add3A_165, %add3A_190], %gather3A : memref<32x128xf32, #tpu.memory_space<vmem>>[vector<16xi32>, vector<16xi32>], vector<16xf32>,
        %mul3A_191 = arith.constant 16 : i32
        %mul3A_192 = vector.broadcast %mul3A_191 : i32 to vector<16xi32>
        %mul3A_193 = arith.muli %add3A_165, %mul3A_192 : vector<16xi32>
        %add3A_194 = arith.constant 1 : i32
        %add3A_195 = vector.broadcast %add3A_194 : i32 to vector<16xi32>
        %add3A_196 = arith.addi %mul3A_193, %add3A_195 : vector<16xi32>
        %gather3A_197 = tpu.vector_load_idx %arg15[%add3A_196] : memref<512xf32, #tpu.memory_space<vmem>>[vector<16xi32>], vector<16xf32>,
        %add3A_198 = arith.constant 1 : i32
        %add3A_199 = vector.broadcast %add3A_198 : i32 to vector<16xi32>
        %add3A_200 = arith.addi %mul3A_181, %add3A_199 : vector<16xi32>
        tpu.vector_store_idx %arg12[%add3A_165, %add3A_200], %gather3A_197 : memref<32x128xf32, #tpu.memory_space<vmem>>[vector<16xi32>, vector<16xi32>], vector<16xf32>,
        %mul3A_201 = arith.constant 16 : i32
        %mul3A_202 = vector.broadcast %mul3A_201 : i32 to vector<16xi32>
        %mul3A_203 = arith.muli %add3A_165, %mul3A_202 : vector<16xi32>
        %add3A_204 = arith.constant 2 : i32
        %add3A_205 = vector.broadcast %add3A_204 : i32 to vector<16xi32>
        %add3A_206 = arith.addi %mul3A_203, %add3A_205 : vector<16xi32>
        %gather3A_207 = tpu.vector_load_idx %arg15[%add3A_206] : memref<512xf32, #tpu.memory_space<vmem>>[vector<16xi32>], vector<16xf32>,
        %add3A_208 = arith.constant 2 : i32
        %add3A_209 = vector.broadcast %add3A_208 : i32 to vector<16xi32>
        %add3A_210 = arith.addi %mul3A_181, %add3A_209 : vector<16xi32>
        tpu.vector_store_idx %arg12[%add3A_165, %add3A_210], %gather3A_207 : memref<32x128xf32, #tpu.memory_space<vmem>>[vector<16xi32>, vector<16xi32>], vector<16xf32>,
        %mul3A_211 = arith.constant 16 : i32
        %mul3A_212 = vector.broadcast %mul3A_211 : i32 to vector<16xi32>
        %mul3A_213 = arith.muli %add3A_165, %mul3A_212 : vector<16xi32>
        %add3A_214 = arith.constant 3 : i32
        %add3A_215 = vector.broadcast %add3A_214 : i32 to vector<16xi32>
        %add3A_216 = arith.addi %mul3A_213, %add3A_215 : vector<16xi32>
        %gather3A_217 = tpu.vector_load_idx %arg15[%add3A_216] : memref<512xf32, #tpu.memory_space<vmem>>[vector<16xi32>], vector<16xf32>,
        %add3A_218 = arith.constant 3 : i32
        %add3A_219 = vector.broadcast %add3A_218 : i32 to vector<16xi32>
        %add3A_220 = arith.addi %mul3A_181, %add3A_219 : vector<16xi32>
        tpu.vector_store_idx %arg12[%add3A_165, %add3A_220], %gather3A_217 : memref<32x128xf32, #tpu.memory_space<vmem>>[vector<16xi32>, vector<16xi32>], vector<16xf32>,
        %mul3A_221 = arith.constant 16 : i32
        %mul3A_222 = vector.broadcast %mul3A_221 : i32 to vector<16xi32>
        %mul3A_223 = arith.muli %add3A_165, %mul3A_222 : vector<16xi32>
        %add3A_224 = arith.constant 4 : i32
        %add3A_225 = vector.broadcast %add3A_224 : i32 to vector<16xi32>
        %add3A_226 = arith.addi %mul3A_223, %add3A_225 : vector<16xi32>
        %gather3A_227 = tpu.vector_load_idx %arg15[%add3A_226] : memref<512xf32, #tpu.memory_space<vmem>>[vector<16xi32>], vector<16xf32>,
        %add3A_228 = arith.constant 4 : i32
        %add3A_229 = vector.broadcast %add3A_228 : i32 to vector<16xi32>
        %add3A_230 = arith.addi %mul3A_181, %add3A_229 : vector<16xi32>
        tpu.vector_store_idx %arg12[%add3A_165, %add3A_230], %gather3A_227 : memref<32x128xf32, #tpu.memory_space<vmem>>[vector<16xi32>, vector<16xi32>], vector<16xf32>,
        %mul3A_231 = arith.constant 16 : i32
        %mul3A_232 = vector.broadcast %mul3A_231 : i32 to vector<16xi32>
        %mul3A_233 = arith.muli %add3A_165, %mul3A_232 : vector<16xi32>
        %add3A_234 = arith.constant 5 : i32
        %add3A_235 = vector.broadcast %add3A_234 : i32 to vector<16xi32>
        %add3A_236 = arith.addi %mul3A_233, %add3A_235 : vector<16xi32>
        %gather3A_237 = tpu.vector_load_idx %arg15[%add3A_236] : memref<512xf32, #tpu.memory_space<vmem>>[vector<16xi32>], vector<16xf32>,
        %add3A_238 = arith.constant 5 : i32
        %add3A_239 = vector.broadcast %add3A_238 : i32 to vector<16xi32>
        %add3A_240 = arith.addi %mul3A_181, %add3A_239 : vector<16xi32>
        tpu.vector_store_idx %arg12[%add3A_165, %add3A_240], %gather3A_237 : memref<32x128xf32, #tpu.memory_space<vmem>>[vector<16xi32>, vector<16xi32>], vector<16xf32>,
        %mul3A_241 = arith.constant 16 : i32
        %mul3A_242 = vector.broadcast %mul3A_241 : i32 to vector<16xi32>
        %mul3A_243 = arith.muli %add3A_165, %mul3A_242 : vector<16xi32>
        %add3A_244 = arith.constant 6 : i32
        %add3A_245 = vector.broadcast %add3A_244 : i32 to vector<16xi32>
        %add3A_246 = arith.addi %mul3A_243, %add3A_245 : vector<16xi32>
        %gather3A_247 = tpu.vector_load_idx %arg15[%add3A_246] : memref<512xf32, #tpu.memory_space<vmem>>[vector<16xi32>], vector<16xf32>,
        %add3A_248 = arith.constant 6 : i32
        %add3A_249 = vector.broadcast %add3A_248 : i32 to vector<16xi32>
        %add3A_250 = arith.addi %mul3A_181, %add3A_249 : vector<16xi32>
        tpu.vector_store_idx %arg12[%add3A_165, %add3A_250], %gather3A_247 : memref<32x128xf32, #tpu.memory_space<vmem>>[vector<16xi32>, vector<16xi32>], vector<16xf32>,
        %mul3A_251 = arith.constant 16 : i32
        %mul3A_252 = vector.broadcast %mul3A_251 : i32 to vector<16xi32>
        %mul3A_253 = arith.muli %add3A_165, %mul3A_252 : vector<16xi32>
        %add3A_254 = arith.constant 7 : i32
        %add3A_255 = vector.broadcast %add3A_254 : i32 to vector<16xi32>
        %add3A_256 = arith.addi %mul3A_253, %add3A_255 : vector<16xi32>
        %gather3A_257 = tpu.vector_load_idx %arg15[%add3A_256] : memref<512xf32, #tpu.memory_space<vmem>>[vector<16xi32>], vector<16xf32>,
        %add3A_258 = arith.constant 7 : i32
        %add3A_259 = vector.broadcast %add3A_258 : i32 to vector<16xi32>
        %add3A_260 = arith.addi %mul3A_181, %add3A_259 : vector<16xi32>
        tpu.vector_store_idx %arg12[%add3A_165, %add3A_260], %gather3A_257 : memref<32x128xf32, #tpu.memory_space<vmem>>[vector<16xi32>, vector<16xi32>], vector<16xf32>,
        %scan3A_261 = arith.constant 0 : i32
        scf.yield %scan3A_261 : i32
      }
      %scan3A_130 = arith.constant 2 : i32
      %dma_wait3A_131 = arith.constant 0 : i32
      %dma_wait3A_132 = arith.constant 0 : i32
      %dma_wait3A_133 = tpu.memref_slice %arg4[%dma_wait3A_131, %dma_wait3A_132] : memref<20000x128xf32, #tpu.memory_space<hbm>> -> memref<20000x128xf32, #tpu.memory_space<hbm>>
      tpu.wait_indirect_dma semaphore(%arg30 : memref<!tpu.dma_semaphore, #tpu.memory_space<semaphore_mem>>) src(%dma_wait3A_133 : memref<20000x128xf32, #tpu.memory_space<hbm>>) dst(%arg14 : memref<32x128xf32, #tpu.memory_space<vmem>>)
      %scan3A_134 = arith.constant 0 : i32
      %scan3A_135 = arith.constant 0 : i32
      %scan3A_136 = arith.constant 16 : i32
      %scan3A_137 = arith.addi %scan3A_135, %scan3A_136 : i32
      %scan3A_138 = arith.constant 1 : i32
      %scan3A_139 = scf.for %scan3A_160 = %scan3A_135 to %scan3A_137 step %scan3A_138 iter_args(%scan3A_161 = %scan3A_134) -> (i32)  : i32 {
        %mul3A_162 = arith.constant 2 : i32
        %mul3A_163 = arith.muli %scan3A_160, %mul3A_162 : i32
        %add3A_164 = arith.constant 0 : i32
        %add3A_165 = arith.addi %mul3A_163, %add3A_164 : i32
        %mul3A_166 = arith.constant 16 : i32
        %mul3A_167 = arith.muli %add3A_165, %mul3A_166 : i32
        %add3A_168 = arith.constant 0 : i32
        %add3A_169 = arith.addi %mul3A_167, %add3A_168 : i32
        %broadcast_in_dim3A_170 = vector.broadcast %add3A_169 : i32 to vector<16xi32>
        %gather3A = tpu.vector_load_idx %arg15[%broadcast_in_dim3A_170] : memref<512xf32, #tpu.memory_space<vmem>>[vector<16xi32>], vector<16xf32>,
        %get3A = arith.index_cast %add3A_165 : i32 to index
        %get3A_171 = arith.constant 0 : index
        %get3A_172 = tpu.vector_load %arg14[%get3A, %get3A_171] {strides = array<i32>} : memref<32x128xf32, #tpu.memory_space<vmem>>, vector<16xf32>,
        %mul3A_173 = arith.mulf %get3A_172, %gather3A : vector<16xf32>
        %swap3A = arith.index_cast %add3A_165 : i32 to index
        %swap3A_174 = arith.constant 0 : index
        %swap3A_175 = tpu.vector_load %arg14[%swap3A, %swap3A_174] {strides = array<i32>} : memref<32x128xf32, #tpu.memory_space<vmem>>, vector<16xf32>,
        tpu.vector_store %arg14[%swap3A, %swap3A_174], %mul3A_173 {strides = array<i32>} : memref<32x128xf32, #tpu.memory_space<vmem>>, vector<16xf32>,
        %mul3A_176 = arith.constant 16 : i32
        %mul3A_177 = arith.muli %add3A_165, %mul3A_176 : i32
        %add3A_178 = arith.constant 1 : i32
        %add3A_179 = arith.addi %mul3A_177, %add3A_178 : i32
        %broadcast_in_dim3A_180 = vector.broadcast %add3A_179 : i32 to vector<16xi32>
        %gather3A_181 = tpu.vector_load_idx %arg15[%broadcast_in_dim3A_180] : memref<512xf32, #tpu.memory_space<vmem>>[vector<16xi32>], vector<16xf32>,
        %get3A_182 = arith.index_cast %add3A_165 : i32 to index
        %get3A_183 = arith.constant 16 : index
        %get3A_184 = tpu.vector_load %arg14[%get3A_182, %get3A_183] {strides = array<i32>} : memref<32x128xf32, #tpu.memory_space<vmem>>, vector<16xf32>,
        %mul3A_185 = arith.mulf %get3A_184, %gather3A_181 : vector<16xf32>
        %swap3A_186 = arith.index_cast %add3A_165 : i32 to index
        %swap3A_187 = arith.constant 16 : index
        %swap3A_188 = tpu.vector_load %arg14[%swap3A_186, %swap3A_187] {strides = array<i32>} : memref<32x128xf32, #tpu.memory_space<vmem>>, vector<16xf32>,
        tpu.vector_store %arg14[%swap3A_186, %swap3A_187], %mul3A_185 {strides = array<i32>} : memref<32x128xf32, #tpu.memory_space<vmem>>, vector<16xf32>,
        %mul3A_189 = arith.constant 16 : i32
        %mul3A_190 = arith.muli %add3A_165, %mul3A_189 : i32
        %add3A_191 = arith.constant 2 : i32
        %add3A_192 = arith.addi %mul3A_190, %add3A_191 : i32
        %broadcast_in_dim3A_193 = vector.broadcast %add3A_192 : i32 to vector<16xi32>
        %gather3A_194 = tpu.vector_load_idx %arg15[%broadcast_in_dim3A_193] : memref<512xf32, #tpu.memory_space<vmem>>[vector<16xi32>], vector<16xf32>,
        %get3A_195 = arith.index_cast %add3A_165 : i32 to index
        %get3A_196 = arith.constant 32 : index
        %get3A_197 = tpu.vector_load %arg14[%get3A_195, %get3A_196] {strides = array<i32>} : memref<32x128xf32, #tpu.memory_space<vmem>>, vector<16xf32>,
        %mul3A_198 = arith.mulf %get3A_197, %gather3A_194 : vector<16xf32>
        %swap3A_199 = arith.index_cast %add3A_165 : i32 to index
        %swap3A_200 = arith.constant 32 : index
        %swap3A_201 = tpu.vector_load %arg14[%swap3A_199, %swap3A_200] {strides = array<i32>} : memref<32x128xf32, #tpu.memory_space<vmem>>, vector<16xf32>,
        tpu.vector_store %arg14[%swap3A_199, %swap3A_200], %mul3A_198 {strides = array<i32>} : memref<32x128xf32, #tpu.memory_space<vmem>>, vector<16xf32>,
        %mul3A_202 = arith.constant 16 : i32
        %mul3A_203 = arith.muli %add3A_165, %mul3A_202 : i32
        %add3A_204 = arith.constant 3 : i32
        %add3A_205 = arith.addi %mul3A_203, %add3A_204 : i32
        %broadcast_in_dim3A_206 = vector.broadcast %add3A_205 : i32 to vector<16xi32>
        %gather3A_207 = tpu.vector_load_idx %arg15[%broadcast_in_dim3A_206] : memref<512xf32, #tpu.memory_space<vmem>>[vector<16xi32>], vector<16xf32>,
        %get3A_208 = arith.index_cast %add3A_165 : i32 to index
        %get3A_209 = arith.constant 48 : index
        %get3A_210 = tpu.vector_load %arg14[%get3A_208, %get3A_209] {strides = array<i32>} : memref<32x128xf32, #tpu.memory_space<vmem>>, vector<16xf32>,
        %mul3A_211 = arith.mulf %get3A_210, %gather3A_207 : vector<16xf32>
        %swap3A_212 = arith.index_cast %add3A_165 : i32 to index
        %swap3A_213 = arith.constant 48 : index
        %swap3A_214 = tpu.vector_load %arg14[%swap3A_212, %swap3A_213] {strides = array<i32>} : memref<32x128xf32, #tpu.memory_space<vmem>>, vector<16xf32>,
        tpu.vector_store %arg14[%swap3A_212, %swap3A_213], %mul3A_211 {strides = array<i32>} : memref<32x128xf32, #tpu.memory_space<vmem>>, vector<16xf32>,
        %mul3A_215 = arith.constant 16 : i32
        %mul3A_216 = arith.muli %add3A_165, %mul3A_215 : i32
        %add3A_217 = arith.constant 4 : i32
        %add3A_218 = arith.addi %mul3A_216, %add3A_217 : i32
        %broadcast_in_dim3A_219 = vector.broadcast %add3A_218 : i32 to vector<16xi32>
        %gather3A_220 = tpu.vector_load_idx %arg15[%broadcast_in_dim3A_219] : memref<512xf32, #tpu.memory_space<vmem>>[vector<16xi32>], vector<16xf32>,
        %get3A_221 = arith.index_cast %add3A_165 : i32 to index
        %get3A_222 = arith.constant 64 : index
        %get3A_223 = tpu.vector_load %arg14[%get3A_221, %get3A_222] {strides = array<i32>} : memref<32x128xf32, #tpu.memory_space<vmem>>, vector<16xf32>,
        %mul3A_224 = arith.mulf %get3A_223, %gather3A_220 : vector<16xf32>
        %swap3A_225 = arith.index_cast %add3A_165 : i32 to index
        %swap3A_226 = arith.constant 64 : index
        %swap3A_227 = tpu.vector_load %arg14[%swap3A_225, %swap3A_226] {strides = array<i32>} : memref<32x128xf32, #tpu.memory_space<vmem>>, vector<16xf32>,
        tpu.vector_store %arg14[%swap3A_225, %swap3A_226], %mul3A_224 {strides = array<i32>} : memref<32x128xf32, #tpu.memory_space<vmem>>, vector<16xf32>,
        %mul3A_228 = arith.constant 16 : i32
        %mul3A_229 = arith.muli %add3A_165, %mul3A_228 : i32
        %add3A_230 = arith.constant 5 : i32
        %add3A_231 = arith.addi %mul3A_229, %add3A_230 : i32
        %broadcast_in_dim3A_232 = vector.broadcast %add3A_231 : i32 to vector<16xi32>
        %gather3A_233 = tpu.vector_load_idx %arg15[%broadcast_in_dim3A_232] : memref<512xf32, #tpu.memory_space<vmem>>[vector<16xi32>], vector<16xf32>,
        %get3A_234 = arith.index_cast %add3A_165 : i32 to index
        %get3A_235 = arith.constant 80 : index
        %get3A_236 = tpu.vector_load %arg14[%get3A_234, %get3A_235] {strides = array<i32>} : memref<32x128xf32, #tpu.memory_space<vmem>>, vector<16xf32>,
        %mul3A_237 = arith.mulf %get3A_236, %gather3A_233 : vector<16xf32>
        %swap3A_238 = arith.index_cast %add3A_165 : i32 to index
        %swap3A_239 = arith.constant 80 : index
        %swap3A_240 = tpu.vector_load %arg14[%swap3A_238, %swap3A_239] {strides = array<i32>} : memref<32x128xf32, #tpu.memory_space<vmem>>, vector<16xf32>,
        tpu.vector_store %arg14[%swap3A_238, %swap3A_239], %mul3A_237 {strides = array<i32>} : memref<32x128xf32, #tpu.memory_space<vmem>>, vector<16xf32>,
        %mul3A_241 = arith.constant 16 : i32
        %mul3A_242 = arith.muli %add3A_165, %mul3A_241 : i32
        %add3A_243 = arith.constant 6 : i32
        %add3A_244 = arith.addi %mul3A_242, %add3A_243 : i32
        %broadcast_in_dim3A_245 = vector.broadcast %add3A_244 : i32 to vector<16xi32>
        %gather3A_246 = tpu.vector_load_idx %arg15[%broadcast_in_dim3A_245] : memref<512xf32, #tpu.memory_space<vmem>>[vector<16xi32>], vector<16xf32>,
        %get3A_247 = arith.index_cast %add3A_165 : i32 to index
        %get3A_248 = arith.constant 96 : index
        %get3A_249 = tpu.vector_load %arg14[%get3A_247, %get3A_248] {strides = array<i32>} : memref<32x128xf32, #tpu.memory_space<vmem>>, vector<16xf32>,
        %mul3A_250 = arith.mulf %get3A_249, %gather3A_246 : vector<16xf32>
        %swap3A_251 = arith.index_cast %add3A_165 : i32 to index
        %swap3A_252 = arith.constant 96 : index
        %swap3A_253 = tpu.vector_load %arg14[%swap3A_251, %swap3A_252] {strides = array<i32>} : memref<32x128xf32, #tpu.memory_space<vmem>>, vector<16xf32>,
        tpu.vector_store %arg14[%swap3A_251, %swap3A_252], %mul3A_250 {strides = array<i32>} : memref<32x128xf32, #tpu.memory_space<vmem>>, vector<16xf32>,
        %mul3A_254 = arith.constant 16 : i32
        %mul3A_255 = arith.muli %add3A_165, %mul3A_254 : i32
        %add3A_256 = arith.constant 7 : i32
        %add3A_257 = arith.addi %mul3A_255, %add3A_256 : i32
        %broadcast_in_dim3A_258 = vector.broadcast %add3A_257 : i32 to vector<16xi32>
        %gather3A_259 = tpu.vector_load_idx %arg15[%broadcast_in_dim3A_258] : memref<512xf32, #tpu.memory_space<vmem>>[vector<16xi32>], vector<16xf32>,
        %get3A_260 = arith.index_cast %add3A_165 : i32 to index
        %get3A_261 = arith.constant 112 : index
        %get3A_262 = tpu.vector_load %arg14[%get3A_260, %get3A_261] {strides = array<i32>} : memref<32x128xf32, #tpu.memory_space<vmem>>, vector<16xf32>,
        %mul3A_263 = arith.mulf %get3A_262, %gather3A_259 : vector<16xf32>
        %swap3A_264 = arith.index_cast %add3A_165 : i32 to index
        %swap3A_265 = arith.constant 112 : index
        %swap3A_266 = tpu.vector_load %arg14[%swap3A_264, %swap3A_265] {strides = array<i32>} : memref<32x128xf32, #tpu.memory_space<vmem>>, vector<16xf32>,
        tpu.vector_store %arg14[%swap3A_264, %swap3A_265], %mul3A_263 {strides = array<i32>} : memref<32x128xf32, #tpu.memory_space<vmem>>, vector<16xf32>,
        %mul3A_267 = arith.constant 2 : i32
        %mul3A_268 = arith.muli %scan3A_160, %mul3A_267 : i32
        %add3A_269 = arith.constant 1 : i32
        %add3A_270 = arith.addi %mul3A_268, %add3A_269 : i32
        %mul3A_271 = arith.constant 16 : i32
        %mul3A_272 = arith.muli %add3A_270, %mul3A_271 : i32
        %add3A_273 = arith.constant 0 : i32
        %add3A_274 = arith.addi %mul3A_272, %add3A_273 : i32
        %broadcast_in_dim3A_275 = vector.broadcast %add3A_274 : i32 to vector<16xi32>
        %gather3A_276 = tpu.vector_load_idx %arg15[%broadcast_in_dim3A_275] : memref<512xf32, #tpu.memory_space<vmem>>[vector<16xi32>], vector<16xf32>,
        %get3A_277 = arith.index_cast %add3A_270 : i32 to index
        %get3A_278 = arith.constant 0 : index
        %get3A_279 = tpu.vector_load %arg14[%get3A_277, %get3A_278] {strides = array<i32>} : memref<32x128xf32, #tpu.memory_space<vmem>>, vector<16xf32>,
        %mul3A_280 = arith.mulf %get3A_279, %gather3A_276 : vector<16xf32>
        %swap3A_281 = arith.index_cast %add3A_270 : i32 to index
        %swap3A_282 = arith.constant 0 : index
        %swap3A_283 = tpu.vector_load %arg14[%swap3A_281, %swap3A_282] {strides = array<i32>} : memref<32x128xf32, #tpu.memory_space<vmem>>, vector<16xf32>,
        tpu.vector_store %arg14[%swap3A_281, %swap3A_282], %mul3A_280 {strides = array<i32>} : memref<32x128xf32, #tpu.memory_space<vmem>>, vector<16xf32>,
        %mul3A_284 = arith.constant 16 : i32
        %mul3A_285 = arith.muli %add3A_270, %mul3A_284 : i32
        %add3A_286 = arith.constant 1 : i32
        %add3A_287 = arith.addi %mul3A_285, %add3A_286 : i32
        %broadcast_in_dim3A_288 = vector.broadcast %add3A_287 : i32 to vector<16xi32>
        %gather3A_289 = tpu.vector_load_idx %arg15[%broadcast_in_dim3A_288] : memref<512xf32, #tpu.memory_space<vmem>>[vector<16xi32>], vector<16xf32>,
        %get3A_290 = arith.index_cast %add3A_270 : i32 to index
        %get3A_291 = arith.constant 16 : index
        %get3A_292 = tpu.vector_load %arg14[%get3A_290, %get3A_291] {strides = array<i32>} : memref<32x128xf32, #tpu.memory_space<vmem>>, vector<16xf32>,
        %mul3A_293 = arith.mulf %get3A_292, %gather3A_289 : vector<16xf32>
        %swap3A_294 = arith.index_cast %add3A_270 : i32 to index
        %swap3A_295 = arith.constant 16 : index
        %swap3A_296 = tpu.vector_load %arg14[%swap3A_294, %swap3A_295] {strides = array<i32>} : memref<32x128xf32, #tpu.memory_space<vmem>>, vector<16xf32>,
        tpu.vector_store %arg14[%swap3A_294, %swap3A_295], %mul3A_293 {strides = array<i32>} : memref<32x128xf32, #tpu.memory_space<vmem>>, vector<16xf32>,
        %mul3A_297 = arith.constant 16 : i32
        %mul3A_298 = arith.muli %add3A_270, %mul3A_297 : i32
        %add3A_299 = arith.constant 2 : i32
        %add3A_300 = arith.addi %mul3A_298, %add3A_299 : i32
        %broadcast_in_dim3A_301 = vector.broadcast %add3A_300 : i32 to vector<16xi32>
        %gather3A_302 = tpu.vector_load_idx %arg15[%broadcast_in_dim3A_301] : memref<512xf32, #tpu.memory_space<vmem>>[vector<16xi32>], vector<16xf32>,
        %get3A_303 = arith.index_cast %add3A_270 : i32 to index
        %get3A_304 = arith.constant 32 : index
        %get3A_305 = tpu.vector_load %arg14[%get3A_303, %get3A_304] {strides = array<i32>} : memref<32x128xf32, #tpu.memory_space<vmem>>, vector<16xf32>,
        %mul3A_306 = arith.mulf %get3A_305, %gather3A_302 : vector<16xf32>
        %swap3A_307 = arith.index_cast %add3A_270 : i32 to index
        %swap3A_308 = arith.constant 32 : index
        %swap3A_309 = tpu.vector_load %arg14[%swap3A_307, %swap3A_308] {strides = array<i32>} : memref<32x128xf32, #tpu.memory_space<vmem>>, vector<16xf32>,
        tpu.vector_store %arg14[%swap3A_307, %swap3A_308], %mul3A_306 {strides = array<i32>} : memref<32x128xf32, #tpu.memory_space<vmem>>, vector<16xf32>,
        %mul3A_310 = arith.constant 16 : i32
        %mul3A_311 = arith.muli %add3A_270, %mul3A_310 : i32
        %add3A_312 = arith.constant 3 : i32
        %add3A_313 = arith.addi %mul3A_311, %add3A_312 : i32
        %broadcast_in_dim3A_314 = vector.broadcast %add3A_313 : i32 to vector<16xi32>
        %gather3A_315 = tpu.vector_load_idx %arg15[%broadcast_in_dim3A_314] : memref<512xf32, #tpu.memory_space<vmem>>[vector<16xi32>], vector<16xf32>,
        %get3A_316 = arith.index_cast %add3A_270 : i32 to index
        %get3A_317 = arith.constant 48 : index
        %get3A_318 = tpu.vector_load %arg14[%get3A_316, %get3A_317] {strides = array<i32>} : memref<32x128xf32, #tpu.memory_space<vmem>>, vector<16xf32>,
        %mul3A_319 = arith.mulf %get3A_318, %gather3A_315 : vector<16xf32>
        %swap3A_320 = arith.index_cast %add3A_270 : i32 to index
        %swap3A_321 = arith.constant 48 : index
        %swap3A_322 = tpu.vector_load %arg14[%swap3A_320, %swap3A_321] {strides = array<i32>} : memref<32x128xf32, #tpu.memory_space<vmem>>, vector<16xf32>,
        tpu.vector_store %arg14[%swap3A_320, %swap3A_321], %mul3A_319 {strides = array<i32>} : memref<32x128xf32, #tpu.memory_space<vmem>>, vector<16xf32>,
        %mul3A_323 = arith.constant 16 : i32
        %mul3A_324 = arith.muli %add3A_270, %mul3A_323 : i32
        %add3A_325 = arith.constant 4 : i32
        %add3A_326 = arith.addi %mul3A_324, %add3A_325 : i32
        %broadcast_in_dim3A_327 = vector.broadcast %add3A_326 : i32 to vector<16xi32>
        %gather3A_328 = tpu.vector_load_idx %arg15[%broadcast_in_dim3A_327] : memref<512xf32, #tpu.memory_space<vmem>>[vector<16xi32>], vector<16xf32>,
        %get3A_329 = arith.index_cast %add3A_270 : i32 to index
        %get3A_330 = arith.constant 64 : index
        %get3A_331 = tpu.vector_load %arg14[%get3A_329, %get3A_330] {strides = array<i32>} : memref<32x128xf32, #tpu.memory_space<vmem>>, vector<16xf32>,
        %mul3A_332 = arith.mulf %get3A_331, %gather3A_328 : vector<16xf32>
        %swap3A_333 = arith.index_cast %add3A_270 : i32 to index
        %swap3A_334 = arith.constant 64 : index
        %swap3A_335 = tpu.vector_load %arg14[%swap3A_333, %swap3A_334] {strides = array<i32>} : memref<32x128xf32, #tpu.memory_space<vmem>>, vector<16xf32>,
        tpu.vector_store %arg14[%swap3A_333, %swap3A_334], %mul3A_332 {strides = array<i32>} : memref<32x128xf32, #tpu.memory_space<vmem>>, vector<16xf32>,
        %mul3A_336 = arith.constant 16 : i32
        %mul3A_337 = arith.muli %add3A_270, %mul3A_336 : i32
        %add3A_338 = arith.constant 5 : i32
        %add3A_339 = arith.addi %mul3A_337, %add3A_338 : i32
        %broadcast_in_dim3A_340 = vector.broadcast %add3A_339 : i32 to vector<16xi32>
        %gather3A_341 = tpu.vector_load_idx %arg15[%broadcast_in_dim3A_340] : memref<512xf32, #tpu.memory_space<vmem>>[vector<16xi32>], vector<16xf32>,
        %get3A_342 = arith.index_cast %add3A_270 : i32 to index
        %get3A_343 = arith.constant 80 : index
        %get3A_344 = tpu.vector_load %arg14[%get3A_342, %get3A_343] {strides = array<i32>} : memref<32x128xf32, #tpu.memory_space<vmem>>, vector<16xf32>,
        %mul3A_345 = arith.mulf %get3A_344, %gather3A_341 : vector<16xf32>
        %swap3A_346 = arith.index_cast %add3A_270 : i32 to index
        %swap3A_347 = arith.constant 80 : index
        %swap3A_348 = tpu.vector_load %arg14[%swap3A_346, %swap3A_347] {strides = array<i32>} : memref<32x128xf32, #tpu.memory_space<vmem>>, vector<16xf32>,
        tpu.vector_store %arg14[%swap3A_346, %swap3A_347], %mul3A_345 {strides = array<i32>} : memref<32x128xf32, #tpu.memory_space<vmem>>, vector<16xf32>,
        %mul3A_349 = arith.constant 16 : i32
        %mul3A_350 = arith.muli %add3A_270, %mul3A_349 : i32
        %add3A_351 = arith.constant 6 : i32
        %add3A_352 = arith.addi %mul3A_350, %add3A_351 : i32
        %broadcast_in_dim3A_353 = vector.broadcast %add3A_352 : i32 to vector<16xi32>
        %gather3A_354 = tpu.vector_load_idx %arg15[%broadcast_in_dim3A_353] : memref<512xf32, #tpu.memory_space<vmem>>[vector<16xi32>], vector<16xf32>,
        %get3A_355 = arith.index_cast %add3A_270 : i32 to index
        %get3A_356 = arith.constant 96 : index
        %get3A_357 = tpu.vector_load %arg14[%get3A_355, %get3A_356] {strides = array<i32>} : memref<32x128xf32, #tpu.memory_space<vmem>>, vector<16xf32>,
        %mul3A_358 = arith.mulf %get3A_357, %gather3A_354 : vector<16xf32>
        %swap3A_359 = arith.index_cast %add3A_270 : i32 to index
        %swap3A_360 = arith.constant 96 : index
        %swap3A_361 = tpu.vector_load %arg14[%swap3A_359, %swap3A_360] {strides = array<i32>} : memref<32x128xf32, #tpu.memory_space<vmem>>, vector<16xf32>,
        tpu.vector_store %arg14[%swap3A_359, %swap3A_360], %mul3A_358 {strides = array<i32>} : memref<32x128xf32, #tpu.memory_space<vmem>>, vector<16xf32>,
        %mul3A_362 = arith.constant 16 : i32
        %mul3A_363 = arith.muli %add3A_270, %mul3A_362 : i32
        %add3A_364 = arith.constant 7 : i32
        %add3A_365 = arith.addi %mul3A_363, %add3A_364 : i32
        %broadcast_in_dim3A_366 = vector.broadcast %add3A_365 : i32 to vector<16xi32>
        %gather3A_367 = tpu.vector_load_idx %arg15[%broadcast_in_dim3A_366] : memref<512xf32, #tpu.memory_space<vmem>>[vector<16xi32>], vector<16xf32>,
        %get3A_368 = arith.index_cast %add3A_270 : i32 to index
        %get3A_369 = arith.constant 112 : index
        %get3A_370 = tpu.vector_load %arg14[%get3A_368, %get3A_369] {strides = array<i32>} : memref<32x128xf32, #tpu.memory_space<vmem>>, vector<16xf32>,
        %mul3A_371 = arith.mulf %get3A_370, %gather3A_367 : vector<16xf32>
        %swap3A_372 = arith.index_cast %add3A_270 : i32 to index
        %swap3A_373 = arith.constant 112 : index
        %swap3A_374 = tpu.vector_load %arg14[%swap3A_372, %swap3A_373] {strides = array<i32>} : memref<32x128xf32, #tpu.memory_space<vmem>>, vector<16xf32>,
        tpu.vector_store %arg14[%swap3A_372, %swap3A_373], %mul3A_371 {strides = array<i32>} : memref<32x128xf32, #tpu.memory_space<vmem>>, vector<16xf32>,
        %scan3A_375 = arith.constant 0 : i32
        scf.yield %scan3A_375 : i32
      }
      %scan3A_140 = arith.constant 16 : i32
      %dma_wait3A_141 = arith.constant 0 : i32
      %dma_wait3A_142 = arith.constant 0 : i32
      %dma_wait3A_143 = tpu.memref_slice %arg22[%dma_wait3A_141, %dma_wait3A_142] : memref<11360x128xf32, #tpu.memory_space<vmem_shared>> -> memref<11360x128xf32, #tpu.memory_space<vmem_shared>>
      tpu.wait_indirect_dma semaphore(%arg26 : memref<!tpu.dma_semaphore, #tpu.memory_space<semaphore_mem>>) src(%arg11 : memref<32x128xf32, #tpu.memory_space<vmem>>) dst(%dma_wait3A_143 : memref<11360x128xf32, #tpu.memory_space<vmem_shared>>)
      %dma_wait3A_144 = arith.constant 0 : i32
      %dma_wait3A_145 = arith.constant 0 : i32
      %dma_wait3A_146 = tpu.memref_slice %arg22[%dma_wait3A_144, %dma_wait3A_145] : memref<11360x128xf32, #tpu.memory_space<vmem_shared>> -> memref<11360x128xf32, #tpu.memory_space<vmem_shared>>
      tpu.wait_indirect_dma semaphore(%arg27 : memref<!tpu.dma_semaphore, #tpu.memory_space<semaphore_mem>>) src(%arg9 : memref<32x128xf32, #tpu.memory_space<vmem>>) dst(%dma_wait3A_146 : memref<11360x128xf32, #tpu.memory_space<vmem_shared>>)
      %dma_start3A_147 = arith.constant 0 : i32
      %dma_start3A_148 = arith.constant 0 : i32
      %dma_start3A_149 = tpu.memref_slice %arg22[%dma_start3A_147, %dma_start3A_148] : memref<11360x128xf32, #tpu.memory_space<vmem_shared>> -> memref<11360x128xf32, #tpu.memory_space<vmem_shared>>
      tpu.enqueue_indirect_dma source(%arg14 : memref<32x128xf32, #tpu.memory_space<vmem>>) target(%dma_start3A_149 : memref<11360x128xf32, #tpu.memory_space<vmem_shared>>) offsets(%arg19 : memref<32xi32, #tpu.memory_space<vmem>>) semaphore(%arg31 : memref<!tpu.dma_semaphore, #tpu.memory_space<semaphore_mem>>) {add = true}
      %dma_start3A_150 = arith.constant 0 : i32
      %dma_start3A_151 = arith.constant 0 : i32
      %dma_start3A_152 = tpu.memref_slice %arg22[%dma_start3A_150, %dma_start3A_151] : memref<11360x128xf32, #tpu.memory_space<vmem_shared>> -> memref<11360x128xf32, #tpu.memory_space<vmem_shared>>
      tpu.enqueue_indirect_dma source(%arg12 : memref<32x128xf32, #tpu.memory_space<vmem>>) target(%dma_start3A_152 : memref<11360x128xf32, #tpu.memory_space<vmem_shared>>) offsets(%arg21 : memref<32xi32, #tpu.memory_space<vmem>>) semaphore(%arg32 : memref<!tpu.dma_semaphore, #tpu.memory_space<semaphore_mem>>) {add = true}
      %dma_wait3A_153 = arith.constant 0 : i32
      %dma_wait3A_154 = arith.constant 0 : i32
      %dma_wait3A_155 = tpu.memref_slice %arg22[%dma_wait3A_153, %dma_wait3A_154] : memref<11360x128xf32, #tpu.memory_space<vmem_shared>> -> memref<11360x128xf32, #tpu.memory_space<vmem_shared>>
      tpu.wait_indirect_dma semaphore(%arg31 : memref<!tpu.dma_semaphore, #tpu.memory_space<semaphore_mem>>) src(%arg14 : memref<32x128xf32, #tpu.memory_space<vmem>>) dst(%dma_wait3A_155 : memref<11360x128xf32, #tpu.memory_space<vmem_shared>>)
      %dma_wait3A_156 = arith.constant 0 : i32
      %dma_wait3A_157 = arith.constant 0 : i32
      %dma_wait3A_158 = tpu.memref_slice %arg22[%dma_wait3A_156, %dma_wait3A_157] : memref<11360x128xf32, #tpu.memory_space<vmem_shared>> -> memref<11360x128xf32, #tpu.memory_space<vmem_shared>>
      tpu.wait_indirect_dma semaphore(%arg32 : memref<!tpu.dma_semaphore, #tpu.memory_space<semaphore_mem>>) src(%arg12 : memref<32x128xf32, #tpu.memory_space<vmem>>) dst(%dma_wait3A_158 : memref<11360x128xf32, #tpu.memory_space<vmem_shared>>)
      %scan3A_159 = arith.constant 0 : i32
      scf.yield %scan3A_159 : i32
    }
    %scan3A_27 = arith.constant 157 : i32
    %barrier3A_28 = arith.constant 0 : index
    tpu.barrier barrier_id(%barrier3A_28)
    %while3A_29 = arith.constant 0 : i32
    %while3A_30 = arith.constant 0 : i32
    %while3A_31 = arith.subi %select_n3A, %while3A_29 : i32
    %while3A_32 = arith.addi %while3A_29, %while3A_31 : i32
    %while3A_33 = arith.constant 1 : i32
    %while3A_34 = arith.divsi %while3A_31, %while3A_33 : i32
    %while3A_35 = arith.muli %while3A_34, %while3A_33 : i32
    %while3A_36 = arith.addi %while3A_29, %while3A_35 : i32
    %while3A_37 = arith.constant 1 : i32
    %while3A_38 = scf.for %while3A_41 = %while3A_29 to %while3A_36 step %while3A_37 iter_args(%while3A_42 = %while3A_30) -> (i32)  : i32 {
      %mul3A_43 = arith.constant 16 : i32
      %mul3A_44 = arith.muli %while3A_41, %mul3A_43 : i32
      %add3A_45 = arith.addi %arg1, %mul3A_44 : i32
      %mul3A_46 = arith.constant 40 : i32
      %mul3A_47 = arith.muli %add3A_45, %mul3A_46 : i32
      "tpu.region"() ({
        %run_scoped3A = tpu.sem_alloc : memref<!tpu.dma_semaphore, #tpu.memory_space<semaphore_mem>>
        %dma_start3A = arith.constant 0 : i32
        %dma_start3A_49 = tpu.memref_slice %arg8[%arg0, %mul3A_47, %dma_start3A] : memref<2x11360x128xf32, #tpu.memory_space<hbm>> -> memref<1x40x128xf32, #tpu.memory_space<hbm>>
        %dma_start3A_50 = tpu.memref_squeeze %dma_start3A_49 : memref<1x40x128xf32, #tpu.memory_space<hbm>> -> memref<40x128xf32, #tpu.memory_space<hbm>>
        %dma_start3A_51 = arith.constant 0 : i32
        %dma_start3A_52 = tpu.memref_slice %arg22[%mul3A_47, %dma_start3A_51] : memref<11360x128xf32, #tpu.memory_space<vmem_shared>> -> memref<40x128xf32, #tpu.memory_space<vmem_shared>>
        tpu.enqueue_dma source(%dma_start3A_52 : memref<40x128xf32, #tpu.memory_space<vmem_shared>>) target(%dma_start3A_50 : memref<40x128xf32, #tpu.memory_space<hbm>>) target_semaphore(%run_scoped3A : memref<!tpu.dma_semaphore, #tpu.memory_space<semaphore_mem>>)
        %dma_wait3A = arith.constant 0 : i32
        %dma_wait3A_53 = tpu.memref_slice %arg8[%arg0, %mul3A_47, %dma_wait3A] : memref<2x11360x128xf32, #tpu.memory_space<hbm>> -> memref<1x40x128xf32, #tpu.memory_space<hbm>>
        %dma_wait3A_54 = tpu.memref_squeeze %dma_wait3A_53 : memref<1x40x128xf32, #tpu.memory_space<hbm>> -> memref<40x128xf32, #tpu.memory_space<hbm>>
        %dma_wait3A_55 = arith.constant 0 : i32
        %dma_wait3A_56 = tpu.memref_slice %arg22[%mul3A_47, %dma_wait3A_55] : memref<11360x128xf32, #tpu.memory_space<vmem_shared>> -> memref<40x128xf32, #tpu.memory_space<vmem_shared>>
        tpu.wait_dma2 semaphore(%run_scoped3A : memref<!tpu.dma_semaphore, #tpu.memory_space<semaphore_mem>>) src(%dma_wait3A_56 : memref<40x128xf32, #tpu.memory_space<vmem_shared>>) dst(%dma_wait3A_54 : memref<40x128xf32, #tpu.memory_space<hbm>>)
        tpu.yield
      }) : () -> ()
      %while3A_48 = arith.constant 0 : i32
      scf.yield %while3A_48 : i32
    }
    %while3A_39 = arith.constant 1 : i32
    %while3A_40 = scf.for %while3A_41 = %while3A_36 to %while3A_32 step %while3A_39 iter_args(%while3A_42 = %while3A_38) -> (i32)  : i32 {
      %mul3A_43 = arith.constant 16 : i32
      %mul3A_44 = arith.muli %while3A_41, %mul3A_43 : i32
      %add3A_45 = arith.addi %arg1, %mul3A_44 : i32
      %mul3A_46 = arith.constant 40 : i32
      %mul3A_47 = arith.muli %add3A_45, %mul3A_46 : i32
      "tpu.region"() ({
        %run_scoped3A = tpu.sem_alloc : memref<!tpu.dma_semaphore, #tpu.memory_space<semaphore_mem>>
        %dma_start3A = arith.constant 0 : i32
        %dma_start3A_49 = tpu.memref_slice %arg8[%arg0, %mul3A_47, %dma_start3A] : memref<2x11360x128xf32, #tpu.memory_space<hbm>> -> memref<1x40x128xf32, #tpu.memory_space<hbm>>
        %dma_start3A_50 = tpu.memref_squeeze %dma_start3A_49 : memref<1x40x128xf32, #tpu.memory_space<hbm>> -> memref<40x128xf32, #tpu.memory_space<hbm>>
        %dma_start3A_51 = arith.constant 0 : i32
        %dma_start3A_52 = tpu.memref_slice %arg22[%mul3A_47, %dma_start3A_51] : memref<11360x128xf32, #tpu.memory_space<vmem_shared>> -> memref<40x128xf32, #tpu.memory_space<vmem_shared>>
        tpu.enqueue_dma source(%dma_start3A_52 : memref<40x128xf32, #tpu.memory_space<vmem_shared>>) target(%dma_start3A_50 : memref<40x128xf32, #tpu.memory_space<hbm>>) target_semaphore(%run_scoped3A : memref<!tpu.dma_semaphore, #tpu.memory_space<semaphore_mem>>)
        %dma_wait3A = arith.constant 0 : i32
        %dma_wait3A_53 = tpu.memref_slice %arg8[%arg0, %mul3A_47, %dma_wait3A] : memref<2x11360x128xf32, #tpu.memory_space<hbm>> -> memref<1x40x128xf32, #tpu.memory_space<hbm>>
        %dma_wait3A_54 = tpu.memref_squeeze %dma_wait3A_53 : memref<1x40x128xf32, #tpu.memory_space<hbm>> -> memref<40x128xf32, #tpu.memory_space<hbm>>
        %dma_wait3A_55 = arith.constant 0 : i32
        %dma_wait3A_56 = tpu.memref_slice %arg22[%mul3A_47, %dma_wait3A_55] : memref<11360x128xf32, #tpu.memory_space<vmem_shared>> -> memref<40x128xf32, #tpu.memory_space<vmem_shared>>
        tpu.wait_dma2 semaphore(%run_scoped3A : memref<!tpu.dma_semaphore, #tpu.memory_space<semaphore_mem>>) src(%dma_wait3A_56 : memref<40x128xf32, #tpu.memory_space<vmem_shared>>) dst(%dma_wait3A_54 : memref<40x128xf32, #tpu.memory_space<hbm>>)
        tpu.yield
      }) : () -> ()
      %while3A_48 = arith.constant 0 : i32
      scf.yield %while3A_48 : i32
    }
    return
  }
}

module attributes {stable_mosaic.version = 14 : i64} {
  func.func @_front_body(%arg0: i32, %arg1: memref<1000x128xf32, #tpu.memory_space<vmem>>, %arg2: memref<128x128xf32, #tpu.memory_space<vmem>>, %arg3: memref<1x128xf32, #tpu.memory_space<vmem>>, %arg4: memref<2x128x128xf32, #tpu.memory_space<vmem>>, %arg5: memref<2x1x128xf32, #tpu.memory_space<vmem>>, %arg6: memref<2x128x128xf32, #tpu.memory_space<vmem>>, %arg7: memref<2x1x128xf32, #tpu.memory_space<vmem>>, %arg8: memref<1x1x32000xi32, #tpu.memory_space<vmem>>, %arg9: memref<1x1x32000xi32, #tpu.memory_space<vmem>>, %arg10: memref<1000x128xf32, #tpu.memory_space<vmem>>, %arg11: memref<2x1000x128xf32, #tpu.memory_space<vmem>>, %arg12: memref<2x1000x128xf32, #tpu.memory_space<vmem>>, %arg13: memref<1x1x32000xi32, #tpu.memory_space<vmem>>) attributes {dimension_semantics = [#tpu.dimension_semantics<arbitrary>], iteration_bounds = array<i64: 10>, scalar_prefetch = 0 : i64, scratch_operands = 0 : i64, tpu.core_type = #tpu.core_type<tc>, window_params = [{transform_indices = @transform_0, window_bounds = array<i64: 1000, 128>}, {pipeline_mode = #tpu.pipeline_mode<synchronous>, transform_indices = @transform_1, window_bounds = array<i64: 128, 128>}, {pipeline_mode = #tpu.pipeline_mode<synchronous>, transform_indices = @transform_2, window_bounds = array<i64: 1, 128>}, {pipeline_mode = #tpu.pipeline_mode<synchronous>, transform_indices = @transform_3, window_bounds = array<i64: 2, 128, 128>}, {pipeline_mode = #tpu.pipeline_mode<synchronous>, transform_indices = @transform_4, window_bounds = array<i64: 2, 1, 128>}, {pipeline_mode = #tpu.pipeline_mode<synchronous>, transform_indices = @transform_5, window_bounds = array<i64: 2, 128, 128>}, {pipeline_mode = #tpu.pipeline_mode<synchronous>, transform_indices = @transform_6, window_bounds = array<i64: 2, 1, 128>}, {transform_indices = @transform_7, window_bounds = array<i64: 1, 1, 32000>}, {transform_indices = @transform_8, window_bounds = array<i64: 1, 1, 32000>}, {transform_indices = @transform_9, window_bounds = array<i64: 1000, 128>}, {transform_indices = @transform_10, window_bounds = array<i64: 2, 1000, 128>}, {transform_indices = @transform_11, window_bounds = array<i64: 2, 1000, 128>}, {transform_indices = @transform_12, window_bounds = array<i64: 1, 1, 32000>}]} {
    %get3A = arith.constant 0 : index
    %get3A_0 = arith.constant 0 : index
    %get3A_1 = vector.load %arg1[%get3A, %get3A_0] : memref<1000x128xf32, #tpu.memory_space<vmem>>, vector<1000x128xf32>
    %get3A_2 = arith.constant 0 : index
    %get3A_3 = arith.constant 0 : index
    %get3A_4 = vector.load %arg2[%get3A_2, %get3A_3] : memref<128x128xf32, #tpu.memory_space<vmem>>, vector<128x128xf32>
    %dot_general3A = arith.constant dense<0.000000e+00> : vector<1000x128xf32>
    %dot_general3A_5 = tpu.matmul %get3A_1, %get3A_4, %dot_general3A {dimension_numbers = #tpu.dot_dimension_numbers<[1], [0], [0], [1], [0, 0, 1, 1], [], []>, precision = #tpu.contract_precision<fp32>, transpose_lhs_hint = false} : vector<1000x128xf32>, vector<128x128xf32>, vector<1000x128xf32> -> vector<1000x128xf32>
    %get3A_6 = arith.constant 0 : index
    %get3A_7 = arith.constant 0 : index
    %get3A_8 = vector.load %arg3[%get3A_6, %get3A_7] : memref<1x128xf32, #tpu.memory_space<vmem>>, vector<1x128xf32>
    %add3A = vector.broadcast %get3A_8 : vector<1x128xf32> to vector<1000x128xf32>
    %add3A_9 = arith.addf %dot_general3A_5, %add3A : vector<1000x128xf32>
    %swap3A = arith.constant 0 : index
    %swap3A_10 = arith.constant 0 : index
    %swap3A_11 = vector.load %arg10[%swap3A, %swap3A_10] : memref<1000x128xf32, #tpu.memory_space<vmem>>, vector<1000x128xf32>
    tpu.vector_store %arg10[%swap3A, %swap3A_10], %add3A_9 {strides = array<i32>} : memref<1000x128xf32, #tpu.memory_space<vmem>>, vector<1000x128xf32>,
    %get3A_12 = arith.constant 0 : index
    %get3A_13 = arith.constant 0 : index
    %get3A_14 = arith.constant 0 : index
    %get3A_15 = vector.load %arg4[%get3A_12, %get3A_13, %get3A_14] : memref<2x128x128xf32, #tpu.memory_space<vmem>>, vector<1x128x128xf32>
    %get3A_16 = vector.shape_cast %get3A_15 : vector<1x128x128xf32> to vector<128x128xf32>
    %dot_general3A_17 = arith.constant dense<0.000000e+00> : vector<1000x128xf32>
    %dot_general3A_18 = tpu.matmul %get3A_1, %get3A_16, %dot_general3A_17 {dimension_numbers = #tpu.dot_dimension_numbers<[1], [0], [0], [1], [0, 0, 1, 1], [], []>, precision = #tpu.contract_precision<fp32>, transpose_lhs_hint = false} : vector<1000x128xf32>, vector<128x128xf32>, vector<1000x128xf32> -> vector<1000x128xf32>
    %get3A_19 = arith.constant 0 : index
    %get3A_20 = arith.constant 0 : index
    %get3A_21 = arith.constant 0 : index
    %get3A_22 = vector.load %arg5[%get3A_19, %get3A_20, %get3A_21] : memref<2x1x128xf32, #tpu.memory_space<vmem>>, vector<1x1x128xf32>
    %get3A_23 = vector.shape_cast %get3A_22 : vector<1x1x128xf32> to vector<1x128xf32>
    %add3A_24 = vector.broadcast %get3A_23 : vector<1x128xf32> to vector<1000x128xf32>
    %add3A_25 = arith.addf %dot_general3A_18, %add3A_24 : vector<1000x128xf32>
    %swap3A_26 = arith.constant 0 : index
    %swap3A_27 = arith.constant 0 : index
    %swap3A_28 = arith.constant 0 : index
    %swap3A_29 = vector.load %arg11[%swap3A_26, %swap3A_27, %swap3A_28] : memref<2x1000x128xf32, #tpu.memory_space<vmem>>, vector<1x1000x128xf32>
    %swap3A_30 = vector.shape_cast %swap3A_29 : vector<1x1000x128xf32> to vector<1000x128xf32>
    %swap3A_31 = vector.shape_cast %add3A_25 : vector<1000x128xf32> to vector<1x1000x128xf32>
    tpu.vector_store %arg11[%swap3A_26, %swap3A_27, %swap3A_28], %swap3A_31 {strides = array<i32>} : memref<2x1000x128xf32, #tpu.memory_space<vmem>>, vector<1x1000x128xf32>,
    %get3A_32 = arith.constant 0 : index
    %get3A_33 = arith.constant 0 : index
    %get3A_34 = arith.constant 0 : index
    %get3A_35 = vector.load %arg6[%get3A_32, %get3A_33, %get3A_34] : memref<2x128x128xf32, #tpu.memory_space<vmem>>, vector<1x128x128xf32>
    %get3A_36 = vector.shape_cast %get3A_35 : vector<1x128x128xf32> to vector<128x128xf32>
    %dot_general3A_37 = arith.constant dense<0.000000e+00> : vector<1000x128xf32>
    %dot_general3A_38 = tpu.matmul %get3A_1, %get3A_36, %dot_general3A_37 {dimension_numbers = #tpu.dot_dimension_numbers<[1], [0], [0], [1], [0, 0, 1, 1], [], []>, precision = #tpu.contract_precision<fp32>, transpose_lhs_hint = false} : vector<1000x128xf32>, vector<128x128xf32>, vector<1000x128xf32> -> vector<1000x128xf32>
    %get3A_39 = arith.constant 0 : index
    %get3A_40 = arith.constant 0 : index
    %get3A_41 = arith.constant 0 : index
    %get3A_42 = vector.load %arg7[%get3A_39, %get3A_40, %get3A_41] : memref<2x1x128xf32, #tpu.memory_space<vmem>>, vector<1x1x128xf32>
    %get3A_43 = vector.shape_cast %get3A_42 : vector<1x1x128xf32> to vector<1x128xf32>
    %add3A_44 = vector.broadcast %get3A_43 : vector<1x128xf32> to vector<1000x128xf32>
    %add3A_45 = arith.addf %dot_general3A_38, %add3A_44 : vector<1000x128xf32>
    %swap3A_46 = arith.constant 0 : index
    %swap3A_47 = arith.constant 0 : index
    %swap3A_48 = arith.constant 0 : index
    %swap3A_49 = vector.load %arg12[%swap3A_46, %swap3A_47, %swap3A_48] : memref<2x1000x128xf32, #tpu.memory_space<vmem>>, vector<1x1000x128xf32>
    %swap3A_50 = vector.shape_cast %swap3A_49 : vector<1x1000x128xf32> to vector<1000x128xf32>
    %swap3A_51 = vector.shape_cast %add3A_45 : vector<1000x128xf32> to vector<1x1000x128xf32>
    tpu.vector_store %arg12[%swap3A_46, %swap3A_47, %swap3A_48], %swap3A_51 {strides = array<i32>} : memref<2x1000x128xf32, #tpu.memory_space<vmem>>, vector<1x1000x128xf32>,
    %get3A_52 = arith.constant 1 : index
    %get3A_53 = arith.constant 0 : index
    %get3A_54 = arith.constant 0 : index
    %get3A_55 = vector.load %arg4[%get3A_52, %get3A_53, %get3A_54] : memref<2x128x128xf32, #tpu.memory_space<vmem>>, vector<1x128x128xf32>
    %get3A_56 = vector.shape_cast %get3A_55 : vector<1x128x128xf32> to vector<128x128xf32>
    %dot_general3A_57 = arith.constant dense<0.000000e+00> : vector<1000x128xf32>
    %dot_general3A_58 = tpu.matmul %get3A_1, %get3A_56, %dot_general3A_57 {dimension_numbers = #tpu.dot_dimension_numbers<[1], [0], [0], [1], [0, 0, 1, 1], [], []>, precision = #tpu.contract_precision<fp32>, transpose_lhs_hint = false} : vector<1000x128xf32>, vector<128x128xf32>, vector<1000x128xf32> -> vector<1000x128xf32>
    %get3A_59 = arith.constant 1 : index
    %get3A_60 = arith.constant 0 : index
    %get3A_61 = arith.constant 0 : index
    %get3A_62 = vector.load %arg5[%get3A_59, %get3A_60, %get3A_61] : memref<2x1x128xf32, #tpu.memory_space<vmem>>, vector<1x1x128xf32>
    %get3A_63 = vector.shape_cast %get3A_62 : vector<1x1x128xf32> to vector<1x128xf32>
    %add3A_64 = vector.broadcast %get3A_63 : vector<1x128xf32> to vector<1000x128xf32>
    %add3A_65 = arith.addf %dot_general3A_58, %add3A_64 : vector<1000x128xf32>
    %swap3A_66 = arith.constant 1 : index
    %swap3A_67 = arith.constant 0 : index
    %swap3A_68 = arith.constant 0 : index
    %swap3A_69 = vector.load %arg11[%swap3A_66, %swap3A_67, %swap3A_68] : memref<2x1000x128xf32, #tpu.memory_space<vmem>>, vector<1x1000x128xf32>
    %swap3A_70 = vector.shape_cast %swap3A_69 : vector<1x1000x128xf32> to vector<1000x128xf32>
    %swap3A_71 = vector.shape_cast %add3A_65 : vector<1000x128xf32> to vector<1x1000x128xf32>
    tpu.vector_store %arg11[%swap3A_66, %swap3A_67, %swap3A_68], %swap3A_71 {strides = array<i32>} : memref<2x1000x128xf32, #tpu.memory_space<vmem>>, vector<1x1000x128xf32>,
    %get3A_72 = arith.constant 1 : index
    %get3A_73 = arith.constant 0 : index
    %get3A_74 = arith.constant 0 : index
    %get3A_75 = vector.load %arg6[%get3A_72, %get3A_73, %get3A_74] : memref<2x128x128xf32, #tpu.memory_space<vmem>>, vector<1x128x128xf32>
    %get3A_76 = vector.shape_cast %get3A_75 : vector<1x128x128xf32> to vector<128x128xf32>
    %dot_general3A_77 = arith.constant dense<0.000000e+00> : vector<1000x128xf32>
    %dot_general3A_78 = tpu.matmul %get3A_1, %get3A_76, %dot_general3A_77 {dimension_numbers = #tpu.dot_dimension_numbers<[1], [0], [0], [1], [0, 0, 1, 1], [], []>, precision = #tpu.contract_precision<fp32>, transpose_lhs_hint = false} : vector<1000x128xf32>, vector<128x128xf32>, vector<1000x128xf32> -> vector<1000x128xf32>
    %get3A_79 = arith.constant 1 : index
    %get3A_80 = arith.constant 0 : index
    %get3A_81 = arith.constant 0 : index
    %get3A_82 = vector.load %arg7[%get3A_79, %get3A_80, %get3A_81] : memref<2x1x128xf32, #tpu.memory_space<vmem>>, vector<1x1x128xf32>
    %get3A_83 = vector.shape_cast %get3A_82 : vector<1x1x128xf32> to vector<1x128xf32>
    %add3A_84 = vector.broadcast %get3A_83 : vector<1x128xf32> to vector<1000x128xf32>
    %add3A_85 = arith.addf %dot_general3A_78, %add3A_84 : vector<1000x128xf32>
    %swap3A_86 = arith.constant 1 : index
    %swap3A_87 = arith.constant 0 : index
    %swap3A_88 = arith.constant 0 : index
    %swap3A_89 = vector.load %arg12[%swap3A_86, %swap3A_87, %swap3A_88] : memref<2x1000x128xf32, #tpu.memory_space<vmem>>, vector<1x1000x128xf32>
    %swap3A_90 = vector.shape_cast %swap3A_89 : vector<1x1000x128xf32> to vector<1000x128xf32>
    %swap3A_91 = vector.shape_cast %add3A_85 : vector<1000x128xf32> to vector<1x1000x128xf32>
    tpu.vector_store %arg12[%swap3A_86, %swap3A_87, %swap3A_88], %swap3A_91 {strides = array<i32>} : memref<2x1000x128xf32, #tpu.memory_space<vmem>>, vector<1x1000x128xf32>,
    %get3A_92 = arith.constant 0 : index
    %get3A_93 = arith.constant 0 : index
    %get3A_94 = arith.constant 0 : index
    %get3A_95 = vector.load %arg8[%get3A_92, %get3A_93, %get3A_94] : memref<1x1x32000xi32, #tpu.memory_space<vmem>>, vector<1x1x32000xi32>
    %get3A_96 = arith.constant 0 : index
    %get3A_97 = arith.constant 0 : index
    %get3A_98 = arith.constant 0 : index
    %get3A_99 = vector.load %arg9[%get3A_96, %get3A_97, %get3A_98] : memref<1x1x32000xi32, #tpu.memory_space<vmem>>, vector<1x1x32000xi32>
    %eq3A = arith.constant 1 : i32
    %eq3A_100 = vector.broadcast %eq3A : i32 to vector<1x1x32000xi32>
    %eq3A_101 = arith.cmpi eq, %get3A_99, %eq3A_100 : vector<1x1x32000xi32>
    %add3A_102 = arith.constant 10000 : i32
    %add3A_103 = vector.broadcast %add3A_102 : i32 to vector<1x1x32000xi32>
    %add3A_104 = arith.addi %get3A_95, %add3A_103 : vector<1x1x32000xi32>
    %select_n3A = arith.select %eq3A_101, %get3A_95, %add3A_104 : vector<1x1x32000xi1>, vector<1x1x32000xi32>
    %swap3A_105 = arith.constant 0 : index
    %swap3A_106 = arith.constant 0 : index
    %swap3A_107 = arith.constant 0 : index
    %swap3A_108 = vector.load %arg13[%swap3A_105, %swap3A_106, %swap3A_107] : memref<1x1x32000xi32, #tpu.memory_space<vmem>>, vector<1x1x32000xi32>
    tpu.vector_store %arg13[%swap3A_105, %swap3A_106, %swap3A_107], %select_n3A {strides = array<i32>} : memref<1x1x32000xi32, #tpu.memory_space<vmem>>, vector<1x1x32000xi32>,
    return
  }
  func.func @transform_0(%arg0: i32) -> (i32, i32) {
    %c0_i32 = arith.constant 0 : i32
    %c0_i32_0 = arith.constant 0 : i32
    return %arg0, %c0_i32 : i32, i32
  }
  func.func @transform_1(%arg0: i32) -> (i32, i32) {
    %c0_i32 = arith.constant 0 : i32
    %c0_i32_0 = arith.constant 0 : i32
    %c0_i32_1 = arith.constant 0 : i32
    return %c0_i32, %c0_i32_0 : i32, i32
  }
  func.func @transform_2(%arg0: i32) -> (i32, i32) {
    %c0_i32 = arith.constant 0 : i32
    %c0_i32_0 = arith.constant 0 : i32
    %c0_i32_1 = arith.constant 0 : i32
    return %c0_i32, %c0_i32_0 : i32, i32
  }
  func.func @transform_3(%arg0: i32) -> (i32, i32, i32) {
    %c0_i32 = arith.constant 0 : i32
    %c0_i32_0 = arith.constant 0 : i32
    %c0_i32_1 = arith.constant 0 : i32
    %c0_i32_2 = arith.constant 0 : i32
    return %c0_i32, %c0_i32_0, %c0_i32_1 : i32, i32, i32
  }
  func.func @transform_4(%arg0: i32) -> (i32, i32, i32) {
    %c0_i32 = arith.constant 0 : i32
    %c0_i32_0 = arith.constant 0 : i32
    %c0_i32_1 = arith.constant 0 : i32
    %c0_i32_2 = arith.constant 0 : i32
    return %c0_i32, %c0_i32_0, %c0_i32_1 : i32, i32, i32
  }
  func.func @transform_5(%arg0: i32) -> (i32, i32, i32) {
    %c0_i32 = arith.constant 0 : i32
    %c0_i32_0 = arith.constant 0 : i32
    %c0_i32_1 = arith.constant 0 : i32
    %c0_i32_2 = arith.constant 0 : i32
    return %c0_i32, %c0_i32_0, %c0_i32_1 : i32, i32, i32
  }
  func.func @transform_6(%arg0: i32) -> (i32, i32, i32) {
    %c0_i32 = arith.constant 0 : i32
    %c0_i32_0 = arith.constant 0 : i32
    %c0_i32_1 = arith.constant 0 : i32
    %c0_i32_2 = arith.constant 0 : i32
    return %c0_i32, %c0_i32_0, %c0_i32_1 : i32, i32, i32
  }
  func.func @transform_7(%arg0: i32) -> (i32, i32, i32) {
    %c0_i32 = arith.constant 0 : i32
    %c0_i32_0 = arith.constant 0 : i32
    %c0_i32_1 = arith.constant 0 : i32
    return %arg0, %c0_i32, %c0_i32_0 : i32, i32, i32
  }
  func.func @transform_8(%arg0: i32) -> (i32, i32, i32) {
    %c0_i32 = arith.constant 0 : i32
    %c0_i32_0 = arith.constant 0 : i32
    %c0_i32_1 = arith.constant 0 : i32
    return %arg0, %c0_i32, %c0_i32_0 : i32, i32, i32
  }
  func.func @transform_9(%arg0: i32) -> (i32, i32) {
    %c0_i32 = arith.constant 0 : i32
    %c0_i32_0 = arith.constant 0 : i32
    return %arg0, %c0_i32 : i32, i32
  }
  func.func @transform_10(%arg0: i32) -> (i32, i32, i32) {
    %c0_i32 = arith.constant 0 : i32
    %c0_i32_0 = arith.constant 0 : i32
    %c0_i32_1 = arith.constant 0 : i32
    return %c0_i32, %arg0, %c0_i32_0 : i32, i32, i32
  }
  func.func @transform_11(%arg0: i32) -> (i32, i32, i32) {
    %c0_i32 = arith.constant 0 : i32
    %c0_i32_0 = arith.constant 0 : i32
    %c0_i32_1 = arith.constant 0 : i32
    return %c0_i32, %arg0, %c0_i32_0 : i32, i32, i32
  }
  func.func @transform_12(%arg0: i32) -> (i32, i32, i32) {
    %c0_i32 = arith.constant 0 : i32
    %c0_i32_0 = arith.constant 0 : i32
    %c0_i32_1 = arith.constant 0 : i32
    return %arg0, %c0_i32, %c0_i32_0 : i32, i32, i32
  }
}

module attributes {stable_mosaic.version = 14 : i64} {
  func.func @_back_body(%arg0: i32, %arg1: memref<2x1000x128xf32, #tpu.memory_space<vmem>>, %arg2: memref<2x1000x16xf32, #tpu.memory_space<vmem>>, %arg3: memref<1000x128xf32, #tpu.memory_space<vmem>>, %arg4: memref<128x128xf32, #tpu.memory_space<vmem>>, %arg5: memref<1x128xf32, #tpu.memory_space<vmem>>, %arg6: memref<1x1xf32, #tpu.memory_space<vmem>>, %arg7: memref<1000x128xf32, #tpu.memory_space<vmem>>) attributes {dimension_semantics = [#tpu.dimension_semantics<arbitrary>], iteration_bounds = array<i64: 10>, scalar_prefetch = 0 : i64, scratch_operands = 0 : i64, tpu.core_type = #tpu.core_type<tc>, window_params = [{transform_indices = @transform_0, window_bounds = array<i64: 2, 1000, 128>}, {transform_indices = @transform_1, window_bounds = array<i64: 2, 1000, 16>}, {transform_indices = @transform_2, window_bounds = array<i64: 1000, 128>}, {pipeline_mode = #tpu.pipeline_mode<synchronous>, transform_indices = @transform_3, window_bounds = array<i64: 128, 128>}, {pipeline_mode = #tpu.pipeline_mode<synchronous>, transform_indices = @transform_4, window_bounds = array<i64: 1, 128>}, {pipeline_mode = #tpu.pipeline_mode<synchronous>, transform_indices = @transform_5, window_bounds = array<i64: 1, 1>}, {transform_indices = @transform_6, window_bounds = array<i64: 1000, 128>}]} {
    %get3A = arith.constant 0 : index
    %get3A_0 = arith.constant 0 : index
    %get3A_1 = arith.constant 0 : index
    %get3A_2 = vector.load %arg1[%get3A, %get3A_0, %get3A_1] : memref<2x1000x128xf32, #tpu.memory_space<vmem>>, vector<1x1000x128xf32>
    %get3A_3 = vector.shape_cast %get3A_2 : vector<1x1000x128xf32> to vector<1000x128xf32>
    %get3A_4 = arith.constant 1 : index
    %get3A_5 = arith.constant 0 : index
    %get3A_6 = arith.constant 0 : index
    %get3A_7 = vector.load %arg1[%get3A_4, %get3A_5, %get3A_6] : memref<2x1000x128xf32, #tpu.memory_space<vmem>>, vector<1x1000x128xf32>
    %get3A_8 = vector.shape_cast %get3A_7 : vector<1x1000x128xf32> to vector<1000x128xf32>
    %add3A = arith.addf %get3A_3, %get3A_8 : vector<1000x128xf32>
    %get3A_9 = arith.constant 0 : index
    %get3A_10 = arith.constant 0 : index
    %get3A_11 = arith.constant 0 : index
    %get3A_12 = vector.load %arg2[%get3A_9, %get3A_10, %get3A_11] : memref<2x1000x16xf32, #tpu.memory_space<vmem>>, vector<1x1000x16xf32>
    %get3A_13 = vector.shape_cast %get3A_12 : vector<1x1000x16xf32> to vector<1000x16xf32>
    %get3A_14 = arith.constant 1 : index
    %get3A_15 = arith.constant 0 : index
    %get3A_16 = arith.constant 0 : index
    %get3A_17 = vector.load %arg2[%get3A_14, %get3A_15, %get3A_16] : memref<2x1000x16xf32, #tpu.memory_space<vmem>>, vector<1x1000x16xf32>
    %get3A_18 = vector.shape_cast %get3A_17 : vector<1x1000x16xf32> to vector<1000x16xf32>
    %add3A_19 = arith.addf %get3A_13, %get3A_18 : vector<1000x16xf32>
    %iota3A = tpu.iota {dimensions = array<i32: 0>} : vector<16x128xi32>
    %iota3A_20 = tpu.iota {dimensions = array<i32: 1>} : vector<16x128xi32>
    %jit3A = arith.constant 16 : i32
    %div3A = vector.broadcast %jit3A : i32 to vector<16x128xi32>
    %div3A_21 = arith.divsi %iota3A_20, %div3A : vector<16x128xi32>
    %sign3A = arith.constant 0 : i32
    %sign3A_22 = vector.broadcast %sign3A : i32 to vector<16x128xi32>
    %sign3A_23 = arith.cmpi sgt, %iota3A_20, %sign3A_22 : vector<16x128xi32>
    %sign3A_24 = arith.extui %sign3A_23 : vector<16x128xi1> to vector<16x128xi32>
    %sign3A_25 = arith.constant 0 : i32
    %sign3A_26 = vector.broadcast %sign3A_25 : i32 to vector<16x128xi32>
    %sign3A_27 = arith.cmpi slt, %iota3A_20, %sign3A_26 : vector<16x128xi32>
    %sign3A_28 = arith.extui %sign3A_27 : vector<16x128xi1> to vector<16x128xi32>
    %sign3A_29 = arith.subi %sign3A_24, %sign3A_28 : vector<16x128xi32>
    %sign3A_30 = arith.constant 0 : i32
    %sign3A_31 = arith.cmpi sgt, %jit3A, %sign3A_30 : i32
    %sign3A_32 = arith.extui %sign3A_31 : i1 to i32
    %sign3A_33 = arith.constant 0 : i32
    %sign3A_34 = arith.cmpi slt, %jit3A, %sign3A_33 : i32
    %sign3A_35 = arith.extui %sign3A_34 : i1 to i32
    %sign3A_36 = arith.subi %sign3A_32, %sign3A_35 : i32
    %ne3A = vector.broadcast %sign3A_36 : i32 to vector<16x128xi32>
    %ne3A_37 = arith.cmpi ne, %sign3A_29, %ne3A : vector<16x128xi32>
    %rem3A = vector.broadcast %jit3A : i32 to vector<16x128xi32>
    %rem3A_38 = arith.remsi %iota3A_20, %rem3A : vector<16x128xi32>
    %ne3A_39 = arith.constant 0 : i32
    %ne3A_40 = vector.broadcast %ne3A_39 : i32 to vector<16x128xi32>
    %ne3A_41 = arith.cmpi ne, %rem3A_38, %ne3A_40 : vector<16x128xi32>
    %and3A = arith.andi %ne3A_37, %ne3A_41 : vector<16x128xi1>
    %sub3A = arith.constant 1 : i32
    %sub3A_42 = vector.broadcast %sub3A : i32 to vector<16x128xi32>
    %sub3A_43 = arith.subi %div3A_21, %sub3A_42 : vector<16x128xi32>
    %select_n3A = arith.select %and3A, %sub3A_43, %div3A_21 : vector<16x128xi1>, vector<16x128xi32>
    %eq3A = arith.cmpi eq, %select_n3A, %iota3A : vector<16x128xi32>
    %convert_element_type3A = arith.extui %eq3A : vector<16x128xi1> to vector<16x128xi32>
    %convert_element_type3A_44 = arith.sitofp %convert_element_type3A : vector<16x128xi32> to vector<16x128xf32>
    %dot_general3A = arith.constant dense<0.000000e+00> : vector<1000x128xf32>
    %dot_general3A_45 = tpu.matmul %add3A_19, %convert_element_type3A_44, %dot_general3A {dimension_numbers = #tpu.dot_dimension_numbers<[1], [0], [0], [1], [0, 0, 1, 1], [], []>, precision = #tpu.contract_precision<fp32>, transpose_lhs_hint = false} : vector<1000x16xf32>, vector<16x128xf32>, vector<1000x128xf32> -> vector<1000x128xf32>
    %add3A_46 = arith.constant 1.000000e-16 : f32
    %add3A_47 = vector.broadcast %add3A_46 : f32 to vector<1000x128xf32>
    %add3A_48 = arith.addf %dot_general3A_45, %add3A_47 : vector<1000x128xf32>
    %div3A_49 = arith.divf %add3A, %add3A_48 : vector<1000x128xf32>
    %integer_pow3A = arith.mulf %div3A_49, %div3A_49 : vector<1000x128xf32>
    %integer_pow3A_50 = arith.mulf %div3A_49, %integer_pow3A : vector<1000x128xf32>
    %mul3A = arith.constant 4.471500e-02 : f32
    %mul3A_51 = vector.broadcast %mul3A : f32 to vector<1000x128xf32>
    %mul3A_52 = arith.mulf %mul3A_51, %integer_pow3A_50 : vector<1000x128xf32>
    %add3A_53 = arith.addf %div3A_49, %mul3A_52 : vector<1000x128xf32>
    %mul3A_54 = arith.constant 0.797884583 : f32
    %mul3A_55 = vector.broadcast %mul3A_54 : f32 to vector<1000x128xf32>
    %mul3A_56 = arith.mulf %mul3A_55, %add3A_53 : vector<1000x128xf32>
    %tanh3A = math.tanh %mul3A_56 : vector<1000x128xf32>
    %add3A_57 = arith.constant 1.000000e+00 : f32
    %add3A_58 = vector.broadcast %add3A_57 : f32 to vector<1000x128xf32>
    %add3A_59 = arith.addf %add3A_58, %tanh3A : vector<1000x128xf32>
    %mul3A_60 = arith.constant 5.000000e-01 : f32
    %mul3A_61 = vector.broadcast %mul3A_60 : f32 to vector<1000x128xf32>
    %mul3A_62 = arith.mulf %mul3A_61, %add3A_59 : vector<1000x128xf32>
    %mul3A_63 = arith.mulf %div3A_49, %mul3A_62 : vector<1000x128xf32>
    %get3A_64 = arith.constant 0 : index
    %get3A_65 = arith.constant 0 : index
    %get3A_66 = vector.load %arg4[%get3A_64, %get3A_65] : memref<128x128xf32, #tpu.memory_space<vmem>>, vector<128x128xf32>
    %dot_general3A_67 = arith.constant dense<0.000000e+00> : vector<1000x128xf32>
    %dot_general3A_68 = tpu.matmul %mul3A_63, %get3A_66, %dot_general3A_67 {dimension_numbers = #tpu.dot_dimension_numbers<[1], [0], [0], [1], [0, 0, 1, 1], [], []>, precision = #tpu.contract_precision<fp32>, transpose_lhs_hint = false} : vector<1000x128xf32>, vector<128x128xf32>, vector<1000x128xf32> -> vector<1000x128xf32>
    %get3A_69 = arith.constant 0 : index
    %get3A_70 = arith.constant 0 : index
    %get3A_71 = vector.load %arg5[%get3A_69, %get3A_70] : memref<1x128xf32, #tpu.memory_space<vmem>>, vector<1x128xf32>
    %add3A_72 = vector.broadcast %get3A_71 : vector<1x128xf32> to vector<1000x128xf32>
    %add3A_73 = arith.addf %dot_general3A_68, %add3A_72 : vector<1000x128xf32>
    %get3A_74 = arith.constant 0 : index
    %get3A_75 = arith.constant 0 : index
    %get3A_76 = vector.load %arg6[%get3A_74, %get3A_75] : memref<1x1xf32, #tpu.memory_space<vmem>>, vector<1x1xf32>
    %get3A_77 = vector.extract %get3A_76[0, 0] : f32 from vector<1x1xf32>
    %logistic3A = arith.negf %get3A_77 : f32
    %logistic3A_78 = math.exp %logistic3A : f32
    %logistic3A_79 = arith.constant 1.000000e+00 : f32
    %logistic3A_80 = arith.addf %logistic3A_79, %logistic3A_78 : f32
    %logistic3A_81 = arith.divf %logistic3A_79, %logistic3A_80 : f32
    %mul3A_82 = vector.broadcast %logistic3A_81 : f32 to vector<1000x128xf32>
    %mul3A_83 = arith.mulf %mul3A_82, %add3A_73 : vector<1000x128xf32>
    %sub3A_84 = arith.constant 1.000000e+00 : f32
    %sub3A_85 = arith.subf %sub3A_84, %logistic3A_81 : f32
    %get3A_86 = arith.constant 0 : index
    %get3A_87 = arith.constant 0 : index
    %get3A_88 = vector.load %arg3[%get3A_86, %get3A_87] : memref<1000x128xf32, #tpu.memory_space<vmem>>, vector<1000x128xf32>
    %mul3A_89 = vector.broadcast %sub3A_85 : f32 to vector<1000x128xf32>
    %mul3A_90 = arith.mulf %mul3A_89, %get3A_88 : vector<1000x128xf32>
    %add3A_91 = arith.addf %mul3A_83, %mul3A_90 : vector<1000x128xf32>
    %swap3A = arith.constant 0 : index
    %swap3A_92 = arith.constant 0 : index
    %swap3A_93 = vector.load %arg7[%swap3A, %swap3A_92] : memref<1000x128xf32, #tpu.memory_space<vmem>>, vector<1000x128xf32>
    tpu.vector_store %arg7[%swap3A, %swap3A_92], %add3A_91 {strides = array<i32>} : memref<1000x128xf32, #tpu.memory_space<vmem>>, vector<1000x128xf32>,
    return
  }
  func.func @transform_0(%arg0: i32) -> (i32, i32, i32) {
    %c0_i32 = arith.constant 0 : i32
    %c0_i32_0 = arith.constant 0 : i32
    %c0_i32_1 = arith.constant 0 : i32
    return %c0_i32, %arg0, %c0_i32_0 : i32, i32, i32
  }
  func.func @transform_1(%arg0: i32) -> (i32, i32, i32) {
    %c0_i32 = arith.constant 0 : i32
    %c0_i32_0 = arith.constant 0 : i32
    %c0_i32_1 = arith.constant 0 : i32
    return %c0_i32, %arg0, %c0_i32_0 : i32, i32, i32
  }
  func.func @transform_2(%arg0: i32) -> (i32, i32) {
    %c0_i32 = arith.constant 0 : i32
    %c0_i32_0 = arith.constant 0 : i32
    return %arg0, %c0_i32 : i32, i32
  }
  func.func @transform_3(%arg0: i32) -> (i32, i32) {
    %c0_i32 = arith.constant 0 : i32
    %c0_i32_0 = arith.constant 0 : i32
    %c0_i32_1 = arith.constant 0 : i32
    return %c0_i32, %c0_i32_0 : i32, i32
  }
  func.func @transform_4(%arg0: i32) -> (i32, i32) {
    %c0_i32 = arith.constant 0 : i32
    %c0_i32_0 = arith.constant 0 : i32
    %c0_i32_1 = arith.constant 0 : i32
    return %c0_i32, %c0_i32_0 : i32, i32
  }
  func.func @transform_5(%arg0: i32) -> (i32, i32) {
    %c0_i32 = arith.constant 0 : i32
    %c0_i32_0 = arith.constant 0 : i32
    %c0_i32_1 = arith.constant 0 : i32
    return %c0_i32, %c0_i32_0 : i32, i32
  }
  func.func @transform_6(%arg0: i32) -> (i32, i32) {
    %c0_i32 = arith.constant 0 : i32
    %c0_i32_0 = arith.constant 0 : i32
    return %arg0, %c0_i32 : i32, i32
  }
}

</mosaic_0001>

<sc_bundles>
// kernel: kernel.5.cloned.1.call-start
scs
__scs_entry_jumppad:
0x0: {  	(pc) =	sbr.rel $0x88, $3  }
0x1: {  	(tag) =	ssettag $0x0;
	lr =	simm.s32 $0x1  }
0x2: {  	[smem:$0x3F92] =	sst lr;
	_ =	strace $0xD0000000  }
0x3: {  	_ = 	snop  }
0x4: {  	_ = 	snop  }
0x5: {  	_ = 	snop  }
0x6: {  	_ = 	snop  }
0x7: {  	_ = 	snop  }
__scs_overlays_trampoline_lowered:
0x8: {  	[smem:$0x3FA1] =	sst s0  }
0x9: {  	[smem:$0x3FA2] =	sst s1  }
0xa: {  	[smem:$0x3FA3] =	sst s2  }
0xb: {  	[smem:$0x3FA4] =	sst s3  }
0xc: {  	[smem:$0x3FA5] =	sst s4  }
0xd: {  	[smem:$0x3FA6] =	sst s5  }
0xe: {  	[smem:$0x3FA7] =	sst s6  }
0xf: {  	[smem:$0x3FA8] =	sst s7  }
0x10: {  	[smem:$0x3FA9] =	sst s8  }
0x11: {  	[smem:$0x3FAA] =	sst s9;
	s0 =	simm.s32 @!p0 $0x0  }
0x12: {  	s1 =	sld [smem:$0x3F90];
	s0 =	simm.s32 @p0 $0x1  }
0x13: {  	[smem:$0x3FAB] =	sst s0;
	s0 =	simm.s32 @!p1 $0x0  }
0x14: {  	s2 =	sld [smem:$0x3F8F];
	s0 =	simm.s32 @p1 $0x1  }
0x15: {  	[smem:$0x3FAC] =	sst s0;
	s0 =	simm.s32 @!p2 $0x0  }
0x16: {  	s3 =	sld [smem:$0x3FDB];
	s0 =	simm.s32 @p2 $0x1  }
0x17: {  	s4 =	simm.s32 $0x1BF5;
	[smem:$0x3FAE] =	sst s0  }
0x18: {  	s0 =	sld [smem:$0x3F91];
	_ =	swait.ge [sflag:s4], $0x0  }
0x19: {  	s7 =	sld [smem:$0x3F92]  }
0x1a: {  	s8 =	sadd.s32 $0xFFFFE003, lr  }
0x1b: {  	s9 =	sadd.s32 $0xFFFFFEF7, lr;
	s5 =	simm.s32 $0xFFFFFFFF;
	p2 =	slt.u32 s8, $0xFFFFF086  }
0x1c: {  	p1 =	slt.u32 s9, $0xF7A;
	s5 =	simm.s32 @!p2 $0x0  }
0x1d: {  	s5 =	simm.s32 @p1 $0x1;
	p0 =	seq.s32 s7, s2  }
0x1e: {  	s7 =	smul.u32 @!p0 $0xF7A, s2;
	p2 =	seq.s32 @!p0 s5, $0x0  }
0x1f: {  	s9 =	smul.u32 $0xF7A, s1;
	s8 =	simm.s32 @!p0 $0x1BF5;
	p2 =	por !p2, p0  }
0x20: {  	[sflag:s8] =	ssyncset.s32 @!p0 $0xFFFFF086;
	s6 =	sadd.s32 @!p0 s3, s7;
	s7 =	simm.s32 @!p0 $0x108  }
0x21: {  	s3 =	sadd.s32 s3, s9;
	s6 =	sadd.s32 @!p0 $0x88, s6;
	s7 =	simm.s32 @p2 $0x1082  }
0x22: {  	[simem:s7], [sflag:s8] =	dma.local @!p0 [hbm:s6], $0xF7A  }
0x23: {  	s9 =	sor.u32 $0xD0000000, s2;
	s6 =	simm.s32 $0x108;
	_ =	swait.ge @!p0 [sflag:s8], $0x0  }
0x24: {  	s3 =	sadd.s32 $0x88, s3;
	s6 =	simm.s32 @!p1 $0x1082;
	[sflag:s4] =	ssyncset.s32 $0xFFFFF086  }
0x25: {  	[simem:s6], [sflag:s4] =	dma.local [hbm:s3], $0xF7A  }
0x26: {  	[smem:$0x3F92] =	sst s1;
	(tag) =	ssettag s2;
	_ =	strace s9  }
0x27: {  	s1 =	sld [smem:$0x3FA2]  }
0x28: {  	s2 =	sld [smem:$0x3FA3]  }
0x29: {  	s4 =	sld [smem:$0x3FA5]  }
0x2a: {  	p0 =	seq.s32 s5, $0x0;
	s5 =	sld [smem:$0x3FA6]  }
0x2b: {  	s6 =	sld [smem:$0x3FA7]  }
0x2c: {  	s7 =	sld [smem:$0x3FA8]  }
0x2d: {  	s3 =	simm.s32 $0x108;
	s8 =	sld [smem:$0x3FA9]  }
0x2e: {  	s3 =	simm.s32 @!p0 $0x1082;
	s9 =	sld [smem:$0x3FAA]  }
0x2f: {  	lr =	sadd.s32 s0, s3;
	s0 =	sld [smem:$0x3FA1]  }
0x30: {  	s3 =	sld [smem:$0x3FA4]  }
0x31: {  	[smem:$0x3FAD] =	sst s10  }
0x32: {  	s10 =	sld [smem:$0x3FAB];
	_ =	sdelay $0x3  }
0x33: {  	p0 =	seq.s32 s10, $0x1;
	s10 =	sld [smem:$0x3FAD];
	_ =	sdelay $0x3  }
0x34: {  	[smem:$0x3FAD] =	sst s10  }
0x35: {  	s10 =	sld [smem:$0x3FAC];
	_ =	sdelay $0x3  }
0x36: {  	p1 =	seq.s32 s10, $0x1;
	s10 =	sld [smem:$0x3FAD];
	_ =	sdelay $0x3  }
0x37: {  	[smem:$0x3FAD] =	sst s10  }
0x38: {  	s10 =	sld [smem:$0x3FAE]  }
0x39: {  	_ = 	snop;
	(pc) =	sbr.ind lr, $3  }
0x3a: {  	_ = 	snop  }
0x3b: {  	_ = 	snop  }
0x3c: {  	p2 =	seq.s32 s10, $0x1;
	s10 =	sld [smem:$0x3FAD]  }
0x3d: {  	_ =	shalt  }
0x3e: {  	_ =	shalt  }
0x3f: {  	_ =	shalt  }
0x40: {  	_ =	shalt  }
0x41: {  	_ =	shalt  }
0x42: {  	_ =	shalt  }
0x43: {  	_ =	shalt  }
0x44: {  	_ =	shalt  }
0x45: {  	_ =	shalt  }
0x46: {  	_ =	shalt  }
0x47: {  	_ =	shalt  }
0x48: {  	_ =	shalt  }
0x49: {  	_ =	shalt  }
0x4a: {  	_ =	shalt  }
0x4b: {  	_ =	shalt  }
0x4c: {  	_ =	shalt  }
0x4d: {  	_ =	shalt  }
0x4e: {  	_ =	shalt  }
0x4f: {  	_ =	shalt  }
0x50: {  	_ =	shalt  }
0x51: {  	_ =	shalt  }
0x52: {  	_ =	shalt  }
0x53: {  	_ =	shalt  }
0x54: {  	_ =	shalt  }
0x55: {  	_ =	shalt  }
0x56: {  	_ =	shalt  }
0x57: {  	_ =	shalt  }
0x58: {  	_ =	shalt  }
0x59: {  	_ =	shalt  }
0x5a: {  	_ =	shalt  }
0x5b: {  	_ =	shalt  }
0x5c: {  	_ =	shalt  }
0x5d: {  	_ =	shalt  }
0x5e: {  	_ =	shalt  }
0x5f: {  	_ =	shalt  }
0x60: {  	_ =	shalt  }
0x61: {  	_ =	shalt  }
0x62: {  	_ =	shalt  }
0x63: {  	_ =	shalt  }
0x64: {  	_ =	shalt  }
0x65: {  	_ =	shalt  }
0x66: {  	_ =	shalt  }
0x67: {  	_ =	shalt  }
0x68: {  	_ =	shalt  }
0x69: {  	_ =	shalt  }
0x6a: {  	_ =	shalt  }
0x6b: {  	_ =	shalt  }
0x6c: {  	_ =	shalt  }
0x6d: {  	_ =	shalt  }
0x6e: {  	_ =	shalt  }
0x6f: {  	_ =	shalt  }
0x70: {  	_ =	shalt  }
0x71: {  	_ =	shalt  }
0x72: {  	_ =	shalt  }
0x73: {  	_ =	shalt  }
0x74: {  	_ =	shalt  }
0x75: {  	_ =	shalt  }
0x76: {  	_ =	shalt  }
0x77: {  	_ =	shalt  }
0x78: {  	_ =	shalt  }
0x79: {  	_ =	shalt  }
0x7a: {  	_ =	shalt  }
0x7b: {  	_ =	shalt  }
0x7c: {  	_ =	shalt  }
0x7d: {  	_ =	shalt  }
0x7e: {  	_ =	shalt  }
0x7f: {  	_ =	shalt  }
0x80: {  	_ =	shalt  }
0x81: {  	_ =	shalt  }
0x82: {  	_ =	shalt  }
0x83: {  	_ =	shalt  }
0x84: {  	_ =	shalt  }
0x85: {  	_ =	shalt  }
0x86: {  	_ =	shalt  }
0x87: {  	_ =	shalt  }
.Lfunc_end0:
.L_simem_size_0:
called_computation_lowered:
.L_overlay_start_0:
0x88: {  	s2 =	sld [smem:$0x3FD9]  }
0x89: {  	s3 =	sld [smem:$0x3FFE];
	_ =	sdelay $0x1  }
0x8a: {  	s1 =	srdreg.scid  }
0x8b: {  	s0 =	sand.u32 $0x1, s1  }
0x8c: {  	s17 =	sshll.u32 s0, $0xA;
	s2 =	sadd.s32 s3, s2  }
0x8d: {  	s2 =	sadd.s32 s2, s17  }
0x8e: {  	[smem:$0x3FB9] =	sst s2  }
0x8f: {  	_ = 	snop  }
0x90: {  	s2 =	sld [smem:$0x3FD0];
	(tm) =	ssettm $0x1  }
0x91: {  	s18 =	sld [smem:$0x3FFB];
	_ =	sdelay $0x3  }
0x92: {  	_ =	strace s18  }
0x93: {  	s3 =	sld [smem:$0x3FFC];
	_ =	sdelay $0x3  }
0x94: {  	_ =	strace s3  }
0x95: {  	s3 =	sld [smem:$0x3FFD];
	_ =	sdelay $0x3  }
0x96: {  	_ =	strace s3  }
0x97: {  	_ =	strace $0x8FFFFFFF  }
0x98: {  	s19 =	sld [smem:$0x3FDB];
	_ =	sdelay $0x1  }
0x99: {  	s4 =	simm.s32 $_scs_section_size  }
0x9a: {  	s5 =	simm.s32 $_size__tile_overlayer_lowered;
	s6 =	simm.s32 $_tile_overlayer_lowered  }
0x9b: {  	s22 =	simm.s32 $0x1BFF;
	s21 =	sshll.u32 s6, $0x1;
	s3 =	sadd.s32 s4, s19  }
0x9c: {  	s7 =	simm.s32 $0x0;
	s20 =	sshll.u32 s5, $0x1;
	s5 =	sadd.s32 s21, s3  }
0x9d: {  	[timem:s7], [sflag:s22] =	dma.local [hbm:s5], s20  }
0x9e: {  	_ =	swait.ge [sflag:s22], s20  }
0x9f: {  	s4 =	ssub.s32 $0x0, s20;
	[sflag:s22] =	ssyncset.done $0x0  }
0xa0: {  	[sflag:s22] =	ssyncadd.s32 s4;
	_ =	sdelay $0x1  }
0xa1: {  	s23 =	simm.s32 $0x1B8B  }
0xa2: {  	_ =	swait.ge [sflag:s23], $0x1  }
0xa3: {  	[sflag:s23] =	ssyncset.done $0x0  }
0xa4: {  	s25 =	simm.s32 $0x1B8E;
	s24 =	sld [smem:$0x3FFE];
	[sflag:s23] =	ssyncadd.s32 $0xFFFFFFFF  }
0xa5: {  	s26 =	simm.s32 $execute0_lowered;
	[smem:$0x3FD2] =	sst s25  }
0xa6: {  	s5 =	sshll.u32 s26, $0x1;
	_ =	strace $0x80000046;
	[dreg:$0x1] =	wrdreg $0xFFFFFFFF  }
0xa7: {  	s28 =	simm.s32 $_size_execute0_lowered;
	s3 =	sadd.s32 s3, s5;
	[dreg:$0x0] =	wrdreg $0x0  }
0xa8: {  	s5 =	sshll.u32 s28, $0x1;
	[dreg:$0x2] =	wrdreg s3  }
0xa9: {  	[dreg:$0x3] =	wrdreg s5  }
0xaa: {  	[dreg:$0x4] =	wrdreg $0xC0  }
0xab: {  	_ =	task [dreg:s7], $0x5FFFF  }
0xac: {  	[dreg:$0x1] =	wrdreg $0xFFFFFFFF  }
0xad: {  	[dreg:$0x0] =	wrdreg $0x60  }
0xae: {  	[dreg:$0x2] =	wrdreg s24  }
0xaf: {  	[dreg:$0x3] =	wrdreg s2  }
0xb0: {  	[dreg:$0x4] =	wrdreg $0x65000  }
0xb1: {  	[dreg:$0x5] =	wrdreg $0x9  }
0xb2: {  	_ =	task.clear_ibuf [dreg:s7], $0x6FFFF;
	_ =	strace $0x90000046  }
0xb3: {  	s29 =	simm.s32 $0x9;
	_ =	strace $0x80000048  }
0xb4: {  	_ =	swait.ge [sflag:s29], $0x1  }
0xb5: {  	[sflag:s29] =	ssyncadd.s32 $0xFFFFFFFF  }
0xb6: {  	_ =	strace $0x90000048  }
0xb7: {  	_ =	sfence  }
0xb8: {  	s30 =	sld [smem:$0x0];
	_ =	sdelay $0x2  }
0xb9: {  	s31 =	sshll.u32 s1, $0xD;
	s1 =	sshrl.u32 s1, $0x2  }
0xba: {  	s3 =	sand.u32 $0x4000, s31;
	s1 =	sadd.s32 s1, s30  }
0xbb: {  	s0 =	sor.u32 s3, s0;
	s1 =	sshll.u32 s1, $0x11  }
0xbc: {  	s0 =	sor.u32 s1, s0  }
0xbd: {  	s0 =	sadd.s32 $0x8F2B, s0  }
0xbe: {  	[sflag:s0] =	ssyncadd.remote.s32 $0x1  }
0xbf: {  	_ =	sfence.sel $0xFFFF  }
0xc0: {  	[dreg:$0x0] =	wrdreg $0xFFFFFFFF;
	(pc) =	sbr.abs _section_cstart, $3  }
0xc1: {  	[dreg:$0x1] =	wrdreg $0xFFFFFFFF  }
0xc2: {  	_ =	task.clear_ibuf [dreg:s7], $0x2FFFF;
	_ =	strace $0x9FFFFFFF  }
0xc3: {  	(tm) =	ssettm $0x7FFFFFFF  }
tec
execute0_lowered:
.L_overlay_start_1:
0x0: {  	(tag) =	ssettag $0x1  }
0x1: {  	s0 =	rddreg [dreg:$0x0]  }
0x2: {  	s2 =	rddreg [dreg:$0x2];
	s1 =	srdreg.scid  }
0x3: {  	s4 =	simm.s32 $0x0;
	s11 =	stileid.u32;
	s12 =	simm.s32 $0x12  }
0x4: {  	s17 =	simm.s32 $0x2000;
	s18 =	simm.s32 $0xB;
	s21 =	simm.s32 $0x20  }
0x5: {  	s22 =	simm.s32 $0x1000;
	s31 =	simm.s32 $0x6000;
	s16 =	simm.s32 $0x7  }
0x6: {  	s14 =	simm.s32 $0x8;
	s15 =	simm.s32 $0x5;
	s29 =	simm.s32 $0x6200  }
0x7: {  	s1 =	sand.u32 $0x1, s1;
	[smem:$0x7FF] =	sst s4;
	s8 =	smul.u32 $0x1400, s11  }
0x8: {  	s5 =	sadd.s32 $0xA8000, s0;
	s6 =	sadd.s32 $0x1E00, s0;
	s7 =	sadd.s32 $0x50000, s0  }
0x9: {  	s9 =	sadd.s32 $0xCF600, s0;
	p0 =	slt.u32 s11, $0xC;
	s26 =	smul.u32 $0x5000, s11  }
0xa: {  	s11 =	sshll.u32 s11, $0x2;
	s3 =	smul.u32 $0x163000, s1;
	_ =	strace $0x80000047  }
0xb: {  	s10 =	ssub.s32 $0x2, s1;
	s1 =	sshll.u32 s1, $0x6;
	s12 =	simm.s32 @!p0 $0x11  }
0xc: {  	s25 =	sshrl.u32 s10, $0x1;
	[dreg:$0x4] =	wrdreg s12;
	s11 =	sor.u32 s11, s1  }
0xd: {  	s28 =	sshrl.u32 s26, $0x2;
	s26 =	simm.s32 $0x4000;
	s12 =	simm.s32 $0x6  }
0xe: {  	s3 =	sadd.s32 s8, s3;
	[dreg:$0x5] =	wrdreg s11;
	s30 =	sor.u32 $0x80, s11  }
0xf: {  	s8 =	sadd.s32 $0x9E200, s0;
	s1 =	sadd.s32 s28, s2;
	[dreg:$0x7] =	wrdreg s30  }
0x10: {  	s3 =	sshrl.u32 s3, $0x3;
	[dreg:$0x8] =	wrdreg s1;
	s23 =	sadd.s32 $0x1000, s1  }
0x11: {  	s1 =	simm.s32 $0xA;
	s0 =	sadd.s32 s3, s0;
	s3 =	ssub.s32 s10, s25  }
0x12: {  	s25 =	simm.s32 $0x3000;
	[dreg:$0x9] =	wrdreg s23;
	s3 =	smax.u32 s3, $0x1  }
0x13: {  	s10 =	simm.s32 $0x4;
	s0 =	sadd.s32 $0xCF800, s0;
	[dreg:$0x6] =	wrdreg s3  }
0x14: {  	v0 =	vimm.f32 $0.0e+00;
	v1 =	vlaneseq.u32;
	[dreg:$0xa] =	wrdreg s0;
	s3 =	simm.s32 $0x9;
	s0 =	simm.s32 $0x0  }
.LBB2_1:
0x15: {  	s11 =	simm.s32 $0x0;
	s13 =	simm.s32 $0x200  }
.LBB2_2:
0x16: {  	p0 =	sne.s32 s13, $0x3E00;
	[tilespmem:s11+$0x2070] =	vst v0  }
0x17: {  	[tilespmem:s11+$0x2000] =	vst v0  }
0x18: {  	[tilespmem:s11+$0x2010] =	vst v0  }
.Ltmp0:
0x19: {  	[tilespmem:s11+$0x2020] =	vst v0;
	(pc) =	sbr.rel @p0 .LBB2_2-.Ltmp0, $4  }
0x1a: {  	[tilespmem:s11+$0x2030] =	vst v0  }
0x1b: {  	[tilespmem:s11+$0x2040] =	vst v0  }
0x1c: {  	[tilespmem:s11+$0x2050] =	vst v0  }
0x1d: {  	[tilespmem:s11+$0x2060] =	vst v0;
	s11 =	sshra.s32 s13, $0x2;
	s13 =	sadd.s32 $0x200, s13  }
0x1e: {  	[tilespmem:s11+$0x2070] =	vst v0  }
0x1f: {  	[tilespmem:s11+$0x2000] =	vst v0;
	s13 =	rddreg [dreg:$0x4]  }
0x20: {  	[tilespmem:s11+$0x2010] =	vst v0;
	p0 =	sne.s32 s13, $0x1  }
.Ltmp1:
0x21: {  	[tilespmem:s11+$0x2020] =	vst v0;
	(pc) =	sbr.rel @!p0 .LBB2_6-.Ltmp1, $4  }
0x22: {  	[tilespmem:s11+$0x2030] =	vst v0  }
0x23: {  	[tilespmem:s11+$0x2040] =	vst v0  }
0x24: {  	[dreg:$0xb] =	wrdreg s0;
	[tilespmem:s11+$0x2050] =	vst v0  }
0x25: {  	[tilespmem:s11+$0x2060] =	vst v0;
	p1 =	por $0x0, $0x0;
	s11 =	sadd.s32 $0xFFFFFFFF, s13;
	s13 =	smov.u32 s23  }
0x26: {  	s13 =	sadd.s32 $0xFFFFF000, s23  }
0x27: {  	[spmem:s13] =	stream.linear.scatter [tilespmem:s17], [sflag:$0xB], $0x1000, $0x38;
	[tilespmem:$0x1C800] =	vst v63  }
0x28: {  	p2 =	sne.s32 s11, $0x1;
	_ =	swait.ge [sflag:s18], $0x1000  }
.Ltmp2:
0x29: {  	[sflag:s18] =	ssyncset.done $0x0;
	(pc) =	sbr.rel @!p2 .LBB2_6-.Ltmp2, $4  }
0x2a: {  	[sflag:s18] =	ssyncadd.s32 $0xFFFFF000  }
0x2b: {  	[spmem:s23] =	stream.linear.scatter [tilespmem:s17], [sflag:$0xB], $0x400, $0x38;
	[tilespmem:$0x1C800] =	vst v63  }
0x2c: {  	s19 =	sadd.s32 $0xFFFFFFFF, s11;
	_ =	swait.ge [sflag:s18], $0x400  }
0x2d: {  	p1 =	por $0x1, $0x1;
	s13 =	sadd.s32 $0x14000, s23;
	[sflag:s18] =	ssyncset.done $0x0  }
.LBB2_5:
0x2e: {  	p2 =	sne.s32 s19, $0x1;
	s20 =	sadd.s32 $0xFFFFF000, s13;
	[sflag:s18] =	ssyncadd.s32 $0xFFFFFC00  }
0x2f: {  	[spmem:s20] =	stream.linear.scatter [tilespmem:s17], [sflag:$0xB], $0x1000, $0x38;
	[tilespmem:$0x1C800] =	vst v63  }
0x30: {  	s19 =	sadd.s32 $0xFFFFFFFF, s19;
	_ =	swait.ge [sflag:s18], $0x1000  }
.Ltmp3:
0x31: {  	[sflag:s18] =	ssyncset.done $0x0;
	(pc) =	sbr.rel @p2 .LBB2_5-.Ltmp3, $4  }
0x32: {  	[sflag:s18] =	ssyncadd.s32 $0xFFFFF000  }
0x33: {  	[spmem:s13] =	stream.linear.scatter [tilespmem:s17], [sflag:$0xB], $0x400, $0x38;
	[tilespmem:$0x1C800] =	vst v63  }
0x34: {  	_ =	swait.ge [sflag:s18], $0x400  }
0x35: {  	s13 =	sadd.s32 $0x14000, s13;
	[sflag:s18] =	ssyncset.done $0x0  }
.LBB2_6:
0x36: {  	s19 =	sadd.s32 $0xFFFFF000, s13;
	[sflag:s18] =	ssyncadd.s32 @p1 $0xFFFFFC00  }
0x37: {  	[spmem:s19] =	stream.linear.scatter [tilespmem:s17], [sflag:$0xB], $0x1000, $0x38;
	[tilespmem:$0x1C800] =	vst v63  }
0x38: {  	_ =	swait.ge [sflag:s18], $0x1000  }
0x39: {  	[sflag:s18] =	ssyncset.done $0x0  }
0x3a: {  	[sflag:s18] =	ssyncadd.s32 $0xFFFFF000  }
0x3b: {  	[spmem:s13] =	stream.linear.scatter [tilespmem:s17], [sflag:$0xB], $0x400, $0x38;
	[tilespmem:$0x1C800] =	vst v63  }
0x3c: {  	_ =	swait.ge [sflag:s18], $0x400  }
0x3d: {  	[sflag:s18] =	ssyncset.done $0x0  }
0x3e: {  	[sflag:s18] =	ssyncadd.s32 $0xFFFFFC00  }
0x3f: {  	s28 =	simm.s32 $0x0;
	s13 =	simm.s32 $0x0;
	[bflag:$0x0] =	sbarrier.arrive $0xFFFF  }
.LBB2_7:
0x40: {  	s19 =	sshll.u32 s28, $0x8;
	s20 =	rddreg [dreg:$0x5]  }
0x41: {  	s24 =	rddreg [dreg:$0x1];
	s20 =	sor.u32 s20, s19  }
0x42: {  	s30 =	simm.s32 $0x6200;
	s23 =	sadd.s32 s24, s20  }
0x43: {  	[tilespmem:s30], [sflag:$0xB] =	stream.linear.gather [hbm4b:s23+s13], $0x20, $0x38;
	[tilespmem:$0x1C800] =	vst v63  }
0x44: {  	_ =	swait.ge [sflag:s18], $0x20  }
0x45: {  	[sflag:s18] =	ssyncset.done $0x0  }
0x46: {  	s20 =	sadd.s32 s8, s20;
	s23 =	simm.s32 $0x6280;
	[sflag:s18] =	ssyncadd.s32 $0xFFFFFFE0  }
0x47: {  	[tilespmem:s23], [sflag:$0xB] =	stream.linear.gather [hbm4b:s20+s13], $0x20, $0x38;
	[tilespmem:$0x1C800] =	vst v63  }
0x48: {  	_ =	swait.ge [sflag:s18], $0x20  }
0x49: {  	[sflag:s18] =	ssyncset.done $0x0  }
0x4a: {  	[sflag:s18] =	ssyncadd.s32 $0xFFFFFFE0  }
0x4b: {  	[tilespmem:s13], [sflag:$0x1] =	stream.indirect.gather [hbm4b:s5+s21], $0x80, s30, s21, $0xb8;
	[tilespmem:$0x1C800] =	vst v63  }
0x4c: {  	_ = 	snop  }
0x4d: {  	[tilespmem:s22], [sflag:$0x2] =	stream.indirect.gather [hbm4b:s6+s21], $0x80, s23, s21, $0xb8;
	[tilespmem:$0x1C800] =	vst v63  }
0x4e: {  	_ = 	snop  }
0x4f: {  	[tilespmem:s17], [sflag:$0x3] =	stream.indirect.gather [hbm4b:s7+s21], $0x80, s23, s21, $0xb8;
	[tilespmem:$0x1C800] =	vst v63  }
0x50: {  	s23 =	rddreg [dreg:$0x7]  }
0x51: {  	s19 =	sor.u32 s23, s19  }
0x52: {  	s30 =	simm.s32 $0x6380;
	s20 =	sadd.s32 s24, s19  }
0x53: {  	[tilespmem:s30], [sflag:$0xB] =	stream.linear.gather [hbm4b:s20+s13], $0x20, $0x38;
	[tilespmem:$0x1C800] =	vst v63  }
0x54: {  	_ =	swait.ge [sflag:s18], $0x20  }
0x55: {  	[sflag:s18] =	ssyncset.done $0x0  }
0x56: {  	s19 =	sadd.s32 s8, s19;
	s24 =	simm.s32 $0x6400;
	[sflag:s18] =	ssyncadd.s32 $0xFFFFFFE0  }
0x57: {  	[tilespmem:s24], [sflag:$0xB] =	stream.linear.gather [hbm4b:s19+s13], $0x20, $0x38;
	[tilespmem:$0x1C800] =	vst v63  }
0x58: {  	_ =	swait.ge [sflag:s18], $0x20  }
0x59: {  	[sflag:s18] =	ssyncset.done $0x0  }
0x5a: {  	[sflag:s18] =	ssyncadd.s32 $0xFFFFFFE0  }
0x5b: {  	[tilespmem:s25], [sflag:$0x6] =	stream.indirect.gather [hbm4b:s5+s21], $0x80, s30, s21, $0xb8;
	[tilespmem:$0x1C800] =	vst v63  }
0x5c: {  	_ = 	snop  }
0x5d: {  	[tilespmem:s26], [sflag:$0x7] =	stream.indirect.gather [hbm4b:s6+s21], $0x80, s24, s21, $0xb8;
	[tilespmem:$0x1C800] =	vst v63  }
0x5e: {  	s0 =	simm.s32 $0x5000;
	s23 =	simm.s32 $0x1  }
0x5f: {  	[tilespmem:s0], [sflag:$0x8] =	stream.indirect.gather [hbm4b:s7+s21], $0x80, s24, s21, $0xb8;
	[tilespmem:$0x1C800] =	vst v63  }
0x60: {  	_ =	swait.ge [sflag:s23], $0x1000  }
0x61: {  	[sflag:s23] =	ssyncset.done $0x0  }
0x62: {  	s24 =	simm.s32 $0x2;
	[sflag:s23] =	ssyncadd.s32 $0xFFFFF000  }
0x63: {  	_ =	swait.ge [sflag:s24], $0x1000  }
0x64: {  	[sflag:s24] =	ssyncset.done $0x0  }
0x65: {  	p1 =	por $0x1, $0x1;
	s19 =	simm.s32 $0x0;
	[sflag:s24] =	ssyncadd.s32 $0xFFFFF000  }
.LBB2_8:
0x66: {  	v3 =	vor.u32 s19, v1  }
0x67: {  	v2 =	vshll.u32 v3, $0x7;
	_ =	sdelay $0x1  }
0x68: {  	v4 =	vor.u32 $0x1, v2;
	_ =	sdelay $0x1  }
0x69: {  	v5 =	vor.u32 $0x2, v2  }
0x6a: {  	v6 =	vld.idx.msk [tilespmem:v2+s4+$0x0], $0xffff  }
0x6b: {  	v8 =	vor.u32 $0x3, v2;
	v7 =	vld.idx.msk [tilespmem:v2+s22+$0x0], $0xffff  }
0x6c: {  	v9 =	vld.idx.msk [tilespmem:v4+s4+$0x0], $0xffff  }
0x6d: {  	v10 =	vor.u32 $0x4, v2;
	v4 =	vld.idx.msk [tilespmem:v4+s22+$0x0], $0xffff  }
0x6e: {  	v11 =	vld.idx.msk [tilespmem:v5+s4+$0x0], $0xffff  }
0x6f: {  	v12 =	vor.u32 $0x5, v2;
	v5 =	vld.idx.msk [tilespmem:v5+s22+$0x0], $0xffff  }
0x70: {  	v13 =	vld.idx.msk [tilespmem:v8+s4+$0x0], $0xffff  }
0x71: {  	v14 =	vor.u32 $0x6, v2;
	v8 =	vld.idx.msk [tilespmem:v8+s22+$0x0], $0xffff  }
0x72: {  	v15 =	vld.idx.msk [tilespmem:v10+s4+$0x0], $0xffff  }
0x73: {  	v16 =	vor.u32 $0x7, v2;
	v10 =	vld.idx.msk [tilespmem:v10+s22+$0x0], $0xffff  }
0x74: {  	v17 =	vld.idx.msk [tilespmem:v12+s4+$0x0], $0xffff  }
0x75: {  	v18 =	vor.u32 $0x8, v2;
	v12 =	vld.idx.msk [tilespmem:v12+s22+$0x0], $0xffff  }
0x76: {  	v19 =	vld.idx.msk [tilespmem:v14+s4+$0x0], $0xffff  }
0x77: {  	v20 =	vor.u32 $0x9, v2;
	v14 =	vld.idx.msk [tilespmem:v14+s22+$0x0], $0xffff  }
0x78: {  	v21 =	vld.idx.msk [tilespmem:v16+s4+$0x0], $0xffff  }
0x79: {  	v22 =	vor.u32 $0xA, v2;
	v16 =	vld.idx.msk [tilespmem:v16+s22+$0x0], $0xffff  }
0x7a: {  	v23 =	vld.idx.msk [tilespmem:v18+s4+$0x0], $0xffff  }
0x7b: {  	v26 =	vor.u32 $0xC, v2;
	v18 =	vld.idx.msk [tilespmem:v18+s22+$0x0], $0xffff  }
0x7c: {  	v25 =	vld.idx.msk [tilespmem:v20+s4+$0x0], $0xffff  }
0x7d: {  	v28 =	vor.u32 $0xD, v2;
	v20 =	vld.idx.msk [tilespmem:v20+s22+$0x0], $0xffff  }
0x7e: {  	v27 =	vld.idx.msk [tilespmem:v22+s4+$0x0], $0xffff  }
0x7f: {  	v24 =	vor.u32 $0xB, v2;
	v22 =	vld.idx.msk [tilespmem:v22+s22+$0x0], $0xffff  }
0x80: {  	v31 =	vld.idx.msk [tilespmem:v26+s4+$0x0], $0xffff  }
0x81: {  	v30 =	vor.u32 $0xE, v2;
	v37 =	vld.idx.msk [tilespmem:v26+s22+$0x0], $0xffff  }
0x82: {  	v32 =	vld.idx.msk [tilespmem:v28+s4+$0x0], $0xffff  }
0x83: {  	v38 =	vor.u32 $0xF, v2;
	v39 =	vld.idx.msk [tilespmem:v28+s22+$0x0], $0xffff  }
0x84: {  	v29 =	vld.idx.msk [tilespmem:v24+s4+$0x0], $0xffff;
	v6 =	vmul.f32 v7, v6  }
0x85: {  	v24 =	vld.idx.msk [tilespmem:v24+s22+$0x0], $0xffff;
	v4 =	vmul.f32 v4, v9;
	v10 =	vmul.f32 v10, v15  }
0x86: {  	v40 =	vld.idx.msk [tilespmem:v30+s4+$0x0], $0xffff;
	v5 =	vmul.f32 v5, v11;
	v41 =	vmul.f32 v18, v23  }
0x87: {  	v42 =	vld.idx.msk [tilespmem:v30+s22+$0x0], $0xffff;
	v12 =	vmul.f32 v12, v17;
	v7 =	vmul.f32 v37, v31  }
0x88: {  	v43 =	vld.idx.msk [tilespmem:v38+s4+$0x0], $0xffff;
	v45 =	vmul.f32 v20, v25;
	v9 =	vmul.f32 v39, v32;
	v6 =	vadd.f32 $0.0e+00, v6  }
0x89: {  	v46 =	vld.idx.msk [tilespmem:v38+s22+$0x0], $0xffff;
	v47 =	vmul.f32 v14, v19;
	v10 =	vadd.f32 $0.0e+00, v10;
	v7 =	vadd.f32 $0.0e+00, v7  }
0x8a: {  	v48 =	vmul.f32 v22, v27;
	v44 =	vadd.f32 $0.0e+00, v41;
	v4 =	vadd.f32 v4, v6  }
0x8b: {  	v8 =	vmul.f32 v8, v13;
	v10 =	vadd.f32 v12, v10;
	v7 =	vadd.f32 v9, v7  }
0x8c: {  	v49 =	vmul.f32 v42, v40;
	v4 =	vadd.f32 v5, v4;
	v5 =	vadd.f32 v45, v44  }
0x8d: {  	v50 =	vmul.f32 v16, v21;
	v51 =	vmul.f32 v24, v29;
	v10 =	vadd.f32 v47, v10  }
0x8e: {  	v52 =	vmul.f32 v46, v43;
	v7 =	vadd.f32 v49, v7;
	v5 =	vadd.f32 v48, v5  }
0x8f: {  	v4 =	vadd.f32 v8, v4;
	v53 =	vadd.f32 v50, v10  }
0x90: {  	v54 =	vadd.f32 v52, v7;
	v5 =	vadd.f32 v51, v5;
	_ =	sdelay $0x1  }
0x91: {  	v4 =	vadd.f32 v53, v4;
	v5 =	vadd.f32 v54, v5;
	_ =	sdelay $0x1  }
0x92: {  	v4 =	vadd.f32 v5, v4;
	_ =	sdelay $0x1  }
0x93: {  	v4 =	vmul.f32 $1.442695020e+00, v4;
	_ =	sdelay $0x1  }
0x94: {  	(erf) = vpow2.f32 v4;
	_ =	sdelay $0x4  }
0x95: {  	v3 =	vshll.u32 v3, $0x4  }
0x96: {  	v55 =	vor.u32 $0x10, v2;
	_ =	sdelay $0x1  }
0x97: {  	v56 =	vor.u32 $0x11, v2  }
0x98: {  	v57 =	vpop (erf)  }
0x99: {  	v58 =	vor.u32 $0x12, v2;
	[tilespmem:v3+s31+$0x0] =	vst.idx.msk $0xffff, v57  }
0x9a: {  	v59 =	vld.idx.msk [tilespmem:v55+s4+$0x0], $0xffff  }
0x9b: {  	v60 =	vor.u32 $0x13, v2;
	v4 =	vld.idx.msk [tilespmem:v55+s22+$0x0], $0xffff  }
0x9c: {  	v61 =	vld.idx.msk [tilespmem:v56+s4+$0x0], $0xffff  }
0x9d: {  	v62 =	vor.u32 $0x14, v2;
	v5 =	vld.idx.msk [tilespmem:v56+s22+$0x0], $0xffff  }
0x9e: {  	v63 =	vld.idx.msk [tilespmem:v58+s4+$0x0], $0xffff  }
0x9f: {  	v35 =	vor.u32 $0x15, v2;
	v6 =	vld.idx.msk [tilespmem:v58+s22+$0x0], $0xffff  }
0xa0: {  	v13 =	vld.idx.msk [tilespmem:v60+s4+$0x0], $0xffff  }
0xa1: {  	v36 =	vor.u32 $0x16, v2;
	v8 =	vld.idx.msk [tilespmem:v60+s22+$0x0], $0xffff  }
0xa2: {  	v37 =	vld.idx.msk [tilespmem:v62+s4+$0x0], $0xffff  }
0xa3: {  	v38 =	vor.u32 $0x17, v2;
	v10 =	vld.idx.msk [tilespmem:v62+s22+$0x0], $0xffff  }
0xa4: {  	v39 =	vld.idx.msk [tilespmem:v35+s4+$0x0], $0xffff  }
0xa5: {  	v40 =	vor.u32 $0x18, v2;
	v12 =	vld.idx.msk [tilespmem:v35+s22+$0x0], $0xffff  }
0xa6: {  	v41 =	vld.idx.msk [tilespmem:v36+s4+$0x0], $0xffff  }
0xa7: {  	v42 =	vor.u32 $0x19, v2;
	v14 =	vld.idx.msk [tilespmem:v36+s22+$0x0], $0xffff  }
0xa8: {  	v43 =	vld.idx.msk [tilespmem:v38+s4+$0x0], $0xffff  }
0xa9: {  	v44 =	vor.u32 $0x1A, v2;
	v16 =	vld.idx.msk [tilespmem:v38+s22+$0x0], $0xffff  }
0xaa: {  	v45 =	vld.idx.msk [tilespmem:v40+s4+$0x0], $0xffff  }
0xab: {  	v48 =	vor.u32 $0x1C, v2;
	v18 =	vld.idx.msk [tilespmem:v40+s22+$0x0], $0xffff  }
0xac: {  	v47 =	vld.idx.msk [tilespmem:v42+s4+$0x0], $0xffff  }
0xad: {  	v50 =	vor.u32 $0x1D, v2;
	v20 =	vld.idx.msk [tilespmem:v42+s22+$0x0], $0xffff  }
0xae: {  	v49 =	vld.idx.msk [tilespmem:v44+s4+$0x0], $0xffff  }
0xaf: {  	v46 =	vor.u32 $0x1B, v2;
	v22 =	vld.idx.msk [tilespmem:v44+s22+$0x0], $0xffff  }
0xb0: {  	v53 =	vld.idx.msk [tilespmem:v48+s4+$0x0], $0xffff  }
0xb1: {  	v52 =	vor.u32 $0x1E, v2;
	v54 =	vld.idx.msk [tilespmem:v48+s22+$0x0], $0xffff  }
0xb2: {  	v56 =	vld.idx.msk [tilespmem:v50+s4+$0x0], $0xffff  }
0xb3: {  	v55 =	vor.u32 $0x1F, v2;
	v57 =	vld.idx.msk [tilespmem:v50+s22+$0x0], $0xffff  }
0xb4: {  	v51 =	vld.idx.msk [tilespmem:v46+s4+$0x0], $0xffff;
	v4 =	vmul.f32 v4, v59;
	v5 =	vmul.f32 v5, v61  }
0xb5: {  	v24 =	vld.idx.msk [tilespmem:v46+s22+$0x0], $0xffff;
	v10 =	vmul.f32 v10, v37;
	v59 =	vmul.f32 v6, v63  }
0xb6: {  	v58 =	vld.idx.msk [tilespmem:v52+s4+$0x0], $0xffff;
	v60 =	vmul.f32 v18, v45;
	v12 =	vmul.f32 v12, v39  }
0xb7: {  	v61 =	vld.idx.msk [tilespmem:v52+s22+$0x0], $0xffff;
	v7 =	vmul.f32 v54, v53;
	v23 =	vmul.f32 v20, v47  }
0xb8: {  	v62 =	vld.idx.msk [tilespmem:v55+s4+$0x0], $0xffff;
	v9 =	vmul.f32 v57, v56;
	v26 =	vmul.f32 v14, v41  }
0xb9: {  	v25 =	vld.idx.msk [tilespmem:v55+s22+$0x0], $0xffff;
	v28 =	vmul.f32 v22, v49;
	v4 =	vadd.f32 $0.0e+00, v4;
	v10 =	vadd.f32 $0.0e+00, v10  }
0xba: {  	v8 =	vmul.f32 v8, v13;
	v63 =	vadd.f32 $0.0e+00, v60;
	v7 =	vadd.f32 $0.0e+00, v7  }
0xbb: {  	v31 =	vmul.f32 v16, v43;
	v4 =	vadd.f32 v5, v4;
	v10 =	vadd.f32 v12, v10  }
0xbc: {  	v5 =	vadd.f32 v23, v63;
	v7 =	vadd.f32 v9, v7;
	v30 =	vmul.f32 v61, v58  }
0xbd: {  	v32 =	vmul.f32 v24, v51;
	v4 =	vadd.f32 v59, v4;
	v10 =	vadd.f32 v26, v10  }
0xbe: {  	v33 =	vmul.f32 v25, v62;
	v5 =	vadd.f32 v28, v5;
	v7 =	vadd.f32 v30, v7  }
0xbf: {  	v4 =	vadd.f32 v8, v4;
	v34 =	vadd.f32 v31, v10  }
0xc0: {  	v5 =	vadd.f32 v32, v5;
	v35 =	vadd.f32 v33, v7;
	_ =	sdelay $0x1  }
0xc1: {  	v4 =	vadd.f32 v34, v4;
	v5 =	vadd.f32 v35, v5;
	_ =	sdelay $0x1  }
0xc2: {  	v4 =	vadd.f32 v5, v4;
	_ =	sdelay $0x1  }
0xc3: {  	v4 =	vmul.f32 $1.442695020e+00, v4;
	_ =	sdelay $0x1  }
0xc4: {  	(erf) = vpow2.f32 v4;
	_ =	sdelay $0x4  }
0xc5: {  	v36 =	vor.u32 $0x1, v3  }
0xc6: {  	v37 =	vor.u32 $0x20, v2;
	_ =	sdelay $0x1  }
0xc7: {  	v38 =	vor.u32 $0x21, v2  }
0xc8: {  	v39 =	vpop (erf)  }
0xc9: {  	v40 =	vor.u32 $0x22, v2;
	[tilespmem:v36+s31+$0x0] =	vst.idx.msk $0xffff, v39  }
0xca: {  	v7 =	vld.idx.msk [tilespmem:v37+s4+$0x0], $0xffff  }
0xcb: {  	v41 =	vor.u32 $0x23, v2;
	v5 =	vld.idx.msk [tilespmem:v37+s22+$0x0], $0xffff  }
0xcc: {  	v42 =	vld.idx.msk [tilespmem:v38+s4+$0x0], $0xffff  }
0xcd: {  	v43 =	vor.u32 $0x24, v2;
	v6 =	vld.idx.msk [tilespmem:v38+s22+$0x0], $0xffff  }
0xce: {  	v44 =	vld.idx.msk [tilespmem:v40+s4+$0x0], $0xffff  }
0xcf: {  	v45 =	vor.u32 $0x25, v2;
	v4 =	vld.idx.msk [tilespmem:v40+s22+$0x0], $0xffff  }
0xd0: {  	v13 =	vld.idx.msk [tilespmem:v41+s4+$0x0], $0xffff  }
0xd1: {  	v46 =	vor.u32 $0x26, v2;
	v8 =	vld.idx.msk [tilespmem:v41+s22+$0x0], $0xffff  }
0xd2: {  	v47 =	vld.idx.msk [tilespmem:v43+s4+$0x0], $0xffff  }
0xd3: {  	v48 =	vor.u32 $0x27, v2;
	v10 =	vld.idx.msk [tilespmem:v43+s22+$0x0], $0xffff  }
0xd4: {  	v49 =	vld.idx.msk [tilespmem:v45+s4+$0x0], $0xffff  }
0xd5: {  	v50 =	vor.u32 $0x28, v2;
	v12 =	vld.idx.msk [tilespmem:v45+s22+$0x0], $0xffff  }
0xd6: {  	v51 =	vld.idx.msk [tilespmem:v46+s4+$0x0], $0xffff  }
0xd7: {  	v52 =	vor.u32 $0x29, v2;
	v14 =	vld.idx.msk [tilespmem:v46+s22+$0x0], $0xffff  }
0xd8: {  	v53 =	vld.idx.msk [tilespmem:v48+s4+$0x0], $0xffff  }
0xd9: {  	v54 =	vor.u32 $0x2A, v2;
	v16 =	vld.idx.msk [tilespmem:v48+s22+$0x0], $0xffff  }
0xda: {  	v55 =	vld.idx.msk [tilespmem:v50+s4+$0x0], $0xffff  }
0xdb: {  	v58 =	vor.u32 $0x2C, v2;
	v18 =	vld.idx.msk [tilespmem:v50+s22+$0x0], $0xffff  }
0xdc: {  	v57 =	vld.idx.msk [tilespmem:v52+s4+$0x0], $0xffff  }
0xdd: {  	v60 =	vor.u32 $0x2D, v2;
	v20 =	vld.idx.msk [tilespmem:v52+s22+$0x0], $0xffff  }
0xde: {  	v59 =	vld.idx.msk [tilespmem:v54+s4+$0x0], $0xffff  }
0xdf: {  	v56 =	vor.u32 $0x2B, v2;
	v22 =	vld.idx.msk [tilespmem:v54+s22+$0x0], $0xffff  }
0xe0: {  	v63 =	vld.idx.msk [tilespmem:v58+s4+$0x0], $0xffff  }
0xe1: {  	v62 =	vor.u32 $0x2E, v2;
	v36 =	vld.idx.msk [tilespmem:v58+s22+$0x0], $0xffff  }
0xe2: {  	v38 =	vld.idx.msk [tilespmem:v60+s4+$0x0], $0xffff  }
0xe3: {  	v37 =	vor.u32 $0x2F, v2;
	v39 =	vld.idx.msk [tilespmem:v60+s22+$0x0], $0xffff  }
0xe4: {  	v61 =	vld.idx.msk [tilespmem:v56+s4+$0x0], $0xffff;
	v5 =	vmul.f32 v5, v7  }
0xe5: {  	v24 =	vld.idx.msk [tilespmem:v56+s22+$0x0], $0xffff;
	v6 =	vmul.f32 v6, v42;
	v10 =	vmul.f32 v10, v47  }
0xe6: {  	v40 =	vld.idx.msk [tilespmem:v62+s4+$0x0], $0xffff;
	v4 =	vmul.f32 v4, v44;
	v41 =	vmul.f32 v18, v55  }
0xe7: {  	v42 =	vld.idx.msk [tilespmem:v62+s22+$0x0], $0xffff;
	v12 =	vmul.f32 v12, v49;
	v7 =	vmul.f32 v36, v63  }
0xe8: {  	v43 =	vld.idx.msk [tilespmem:v37+s4+$0x0], $0xffff;
	v45 =	vmul.f32 v20, v57;
	v9 =	vmul.f32 v39, v38;
	v5 =	vadd.f32 $0.0e+00, v5  }
0xe9: {  	v46 =	vld.idx.msk [tilespmem:v37+s22+$0x0], $0xffff;
	v47 =	vmul.f32 v14, v51;
	v10 =	vadd.f32 $0.0e+00, v10;
	v7 =	vadd.f32 $0.0e+00, v7  }
0xea: {  	v48 =	vmul.f32 v22, v59;
	v44 =	vadd.f32 $0.0e+00, v41;
	v5 =	vadd.f32 v6, v5  }
0xeb: {  	v8 =	vmul.f32 v8, v13;
	v10 =	vadd.f32 v12, v10;
	v7 =	vadd.f32 v9, v7  }
0xec: {  	v49 =	vmul.f32 v42, v40;
	v4 =	vadd.f32 v4, v5;
	v5 =	vadd.f32 v45, v44  }
0xed: {  	v50 =	vmul.f32 v16, v53;
	v51 =	vmul.f32 v24, v61;
	v10 =	vadd.f32 v47, v10  }
0xee: {  	v52 =	vmul.f32 v46, v43;
	v7 =	vadd.f32 v49, v7;
	v5 =	vadd.f32 v48, v5  }
0xef: {  	v4 =	vadd.f32 v8, v4;
	v53 =	vadd.f32 v50, v10  }
0xf0: {  	v54 =	vadd.f32 v52, v7;
	v5 =	vadd.f32 v51, v5;
	_ =	sdelay $0x1  }
0xf1: {  	v4 =	vadd.f32 v53, v4;
	v5 =	vadd.f32 v54, v5;
	_ =	sdelay $0x1  }
0xf2: {  	v4 =	vadd.f32 v5, v4;
	_ =	sdelay $0x1  }
0xf3: {  	v4 =	vmul.f32 $1.442695020e+00, v4;
	_ =	sdelay $0x1  }
0xf4: {  	(erf) = vpow2.f32 v4;
	_ =	sdelay $0x4  }
0xf5: {  	v55 =	vor.u32 $0x2, v3  }
0xf6: {  	v56 =	vor.u32 $0x30, v2;
	_ =	sdelay $0x1  }
0xf7: {  	v57 =	vor.u32 $0x31, v2  }
0xf8: {  	v58 =	vpop (erf)  }
0xf9: {  	v59 =	vor.u32 $0x32, v2;
	[tilespmem:v55+s31+$0x0] =	vst.idx.msk $0xffff, v58  }
0xfa: {  	v7 =	vld.idx.msk [tilespmem:v56+s4+$0x0], $0xffff  }
0xfb: {  	v60 =	vor.u32 $0x33, v2;
	v5 =	vld.idx.msk [tilespmem:v56+s22+$0x0], $0xffff  }
0xfc: {  	v61 =	vld.idx.msk [tilespmem:v57+s4+$0x0], $0xffff  }
0xfd: {  	v62 =	vor.u32 $0x34, v2;
	v6 =	vld.idx.msk [tilespmem:v57+s22+$0x0], $0xffff  }
0xfe: {  	v63 =	vld.idx.msk [tilespmem:v59+s4+$0x0], $0xffff  }
0xff: {  	v35 =	vor.u32 $0x35, v2;
	v4 =	vld.idx.msk [tilespmem:v59+s22+$0x0], $0xffff  }
0x100: {  	v36 =	vld.idx.msk [tilespmem:v60+s4+$0x0], $0xffff  }
0x101: {  	v37 =	vor.u32 $0x36, v2;
	v8 =	vld.idx.msk [tilespmem:v60+s22+$0x0], $0xffff  }
0x102: {  	v38 =	vld.idx.msk [tilespmem:v62+s4+$0x0], $0xffff  }
0x103: {  	v39 =	vor.u32 $0x37, v2;
	v10 =	vld.idx.msk [tilespmem:v62+s22+$0x0], $0xffff  }
0x104: {  	v40 =	vld.idx.msk [tilespmem:v35+s4+$0x0], $0xffff  }
0x105: {  	v41 =	vor.u32 $0x38, v2;
	v12 =	vld.idx.msk [tilespmem:v35+s22+$0x0], $0xffff  }
0x106: {  	v42 =	vld.idx.msk [tilespmem:v37+s4+$0x0], $0xffff  }
0x107: {  	v43 =	vor.u32 $0x39, v2;
	v14 =	vld.idx.msk [tilespmem:v37+s22+$0x0], $0xffff  }
0x108: {  	v44 =	vld.idx.msk [tilespmem:v39+s4+$0x0], $0xffff  }
0x109: {  	v45 =	vor.u32 $0x3A, v2;
	v16 =	vld.idx.msk [tilespmem:v39+s22+$0x0], $0xffff  }
0x10a: {  	v46 =	vld.idx.msk [tilespmem:v41+s4+$0x0], $0xffff  }
0x10b: {  	v49 =	vor.u32 $0x3C, v2;
	v18 =	vld.idx.msk [tilespmem:v41+s22+$0x0], $0xffff  }
0x10c: {  	v48 =	vld.idx.msk [tilespmem:v43+s4+$0x0], $0xffff  }
0x10d: {  	v51 =	vor.u32 $0x3D, v2;
	v20 =	vld.idx.msk [tilespmem:v43+s22+$0x0], $0xffff  }
0x10e: {  	v50 =	vld.idx.msk [tilespmem:v45+s4+$0x0], $0xffff  }
0x10f: {  	v47 =	vor.u32 $0x3B, v2;
	v22 =	vld.idx.msk [tilespmem:v45+s22+$0x0], $0xffff  }
0x110: {  	v54 =	vld.idx.msk [tilespmem:v49+s4+$0x0], $0xffff  }
0x111: {  	v53 =	vor.u32 $0x3E, v2;
	v55 =	vld.idx.msk [tilespmem:v49+s22+$0x0], $0xffff  }
0x112: {  	v57 =	vld.idx.msk [tilespmem:v51+s4+$0x0], $0xffff  }
0x113: {  	v56 =	vor.u32 $0x3F, v2;
	v58 =	vld.idx.msk [tilespmem:v51+s22+$0x0], $0xffff  }
0x114: {  	v52 =	vld.idx.msk [tilespmem:v47+s4+$0x0], $0xffff;
	v5 =	vmul.f32 v5, v7  }
0x115: {  	v24 =	vld.idx.msk [tilespmem:v47+s22+$0x0], $0xffff;
	v6 =	vmul.f32 v6, v61;
	v10 =	vmul.f32 v10, v38  }
0x116: {  	v59 =	vld.idx.msk [tilespmem:v53+s4+$0x0], $0xffff;
	v4 =	vmul.f32 v4, v63;
	v60 =	vmul.f32 v18, v46  }
0x117: {  	v61 =	vld.idx.msk [tilespmem:v53+s22+$0x0], $0xffff;
	v12 =	vmul.f32 v12, v40;
	v7 =	vmul.f32 v55, v54  }
0x118: {  	v62 =	vld.idx.msk [tilespmem:v56+s4+$0x0], $0xffff;
	v23 =	vmul.f32 v20, v48;
	v9 =	vmul.f32 v58, v57;
	v5 =	vadd.f32 $0.0e+00, v5  }
0x119: {  	v25 =	vld.idx.msk [tilespmem:v56+s22+$0x0], $0xffff;
	v26 =	vmul.f32 v14, v42;
	v10 =	vadd.f32 $0.0e+00, v10;
	v7 =	vadd.f32 $0.0e+00, v7  }
0x11a: {  	v28 =	vmul.f32 v22, v50;
	v63 =	vadd.f32 $0.0e+00, v60;
	v5 =	vadd.f32 v6, v5  }
0x11b: {  	v8 =	vmul.f32 v8, v36;
	v10 =	vadd.f32 v12, v10;
	v7 =	vadd.f32 v9, v7  }
0x11c: {  	v30 =	vmul.f32 v61, v59;
	v4 =	vadd.f32 v4, v5;
	v5 =	vadd.f32 v23, v63  }
0x11d: {  	v31 =	vmul.f32 v16, v44;
	v32 =	vmul.f32 v24, v52;
	v10 =	vadd.f32 v26, v10  }
0x11e: {  	v33 =	vmul.f32 v25, v62;
	v7 =	vadd.f32 v30, v7;
	v5 =	vadd.f32 v28, v5  }
0x11f: {  	v4 =	vadd.f32 v8, v4;
	v34 =	vadd.f32 v31, v10  }
0x120: {  	v35 =	vadd.f32 v33, v7;
	v5 =	vadd.f32 v32, v5;
	_ =	sdelay $0x1  }
0x121: {  	v4 =	vadd.f32 v34, v4;
	v5 =	vadd.f32 v35, v5;
	_ =	sdelay $0x1  }
0x122: {  	v4 =	vadd.f32 v5, v4;
	_ =	sdelay $0x1  }
0x123: {  	v4 =	vmul.f32 $1.442695020e+00, v4;
	_ =	sdelay $0x1  }
0x124: {  	(erf) = vpow2.f32 v4;
	_ =	sdelay $0x4  }
0x125: {  	v36 =	vor.u32 $0x3, v3  }
0x126: {  	v37 =	vor.u32 $0x40, v2;
	_ =	sdelay $0x1  }
0x127: {  	v38 =	vor.u32 $0x41, v2  }
0x128: {  	v39 =	vpop (erf)  }
0x129: {  	v40 =	vor.u32 $0x42, v2;
	[tilespmem:v36+s31+$0x0] =	vst.idx.msk $0xffff, v39  }
0x12a: {  	v7 =	vld.idx.msk [tilespmem:v37+s4+$0x0], $0xffff  }
0x12b: {  	v41 =	vor.u32 $0x43, v2;
	v5 =	vld.idx.msk [tilespmem:v37+s22+$0x0], $0xffff  }
0x12c: {  	v42 =	vld.idx.msk [tilespmem:v38+s4+$0x0], $0xffff  }
0x12d: {  	v43 =	vor.u32 $0x44, v2;
	v6 =	vld.idx.msk [tilespmem:v38+s22+$0x0], $0xffff  }
0x12e: {  	v44 =	vld.idx.msk [tilespmem:v40+s4+$0x0], $0xffff  }
0x12f: {  	v45 =	vor.u32 $0x45, v2;
	v4 =	vld.idx.msk [tilespmem:v40+s22+$0x0], $0xffff  }
0x130: {  	v13 =	vld.idx.msk [tilespmem:v41+s4+$0x0], $0xffff  }
0x131: {  	v46 =	vor.u32 $0x46, v2;
	v8 =	vld.idx.msk [tilespmem:v41+s22+$0x0], $0xffff  }
0x132: {  	v47 =	vld.idx.msk [tilespmem:v43+s4+$0x0], $0xffff  }
0x133: {  	v48 =	vor.u32 $0x47, v2;
	v10 =	vld.idx.msk [tilespmem:v43+s22+$0x0], $0xffff  }
0x134: {  	v49 =	vld.idx.msk [tilespmem:v45+s4+$0x0], $0xffff  }
0x135: {  	v50 =	vor.u32 $0x48, v2;
	v12 =	vld.idx.msk [tilespmem:v45+s22+$0x0], $0xffff  }
0x136: {  	v51 =	vld.idx.msk [tilespmem:v46+s4+$0x0], $0xffff  }
0x137: {  	v52 =	vor.u32 $0x49, v2;
	v14 =	vld.idx.msk [tilespmem:v46+s22+$0x0], $0xffff  }
0x138: {  	v53 =	vld.idx.msk [tilespmem:v48+s4+$0x0], $0xffff  }
0x139: {  	v54 =	vor.u32 $0x4A, v2;
	v16 =	vld.idx.msk [tilespmem:v48+s22+$0x0], $0xffff  }
0x13a: {  	v55 =	vld.idx.msk [tilespmem:v50+s4+$0x0], $0xffff  }
0x13b: {  	v58 =	vor.u32 $0x4C, v2;
	v18 =	vld.idx.msk [tilespmem:v50+s22+$0x0], $0xffff  }
0x13c: {  	v57 =	vld.idx.msk [tilespmem:v52+s4+$0x0], $0xffff  }
0x13d: {  	v60 =	vor.u32 $0x4D, v2;
	v20 =	vld.idx.msk [tilespmem:v52+s22+$0x0], $0xffff  }
0x13e: {  	v59 =	vld.idx.msk [tilespmem:v54+s4+$0x0], $0xffff  }
0x13f: {  	v56 =	vor.u32 $0x4B, v2;
	v22 =	vld.idx.msk [tilespmem:v54+s22+$0x0], $0xffff  }
0x140: {  	v63 =	vld.idx.msk [tilespmem:v58+s4+$0x0], $0xffff  }
0x141: {  	v62 =	vor.u32 $0x4E, v2;
	v36 =	vld.idx.msk [tilespmem:v58+s22+$0x0], $0xffff  }
0x142: {  	v38 =	vld.idx.msk [tilespmem:v60+s4+$0x0], $0xffff  }
0x143: {  	v37 =	vor.u32 $0x4F, v2;
	v39 =	vld.idx.msk [tilespmem:v60+s22+$0x0], $0xffff  }
0x144: {  	v61 =	vld.idx.msk [tilespmem:v56+s4+$0x0], $0xffff;
	v5 =	vmul.f32 v5, v7  }
0x145: {  	v24 =	vld.idx.msk [tilespmem:v56+s22+$0x0], $0xffff;
	v6 =	vmul.f32 v6, v42;
	v10 =	vmul.f32 v10, v47  }
0x146: {  	v40 =	vld.idx.msk [tilespmem:v62+s4+$0x0], $0xffff;
	v4 =	vmul.f32 v4, v44;
	v41 =	vmul.f32 v18, v55  }
0x147: {  	v42 =	vld.idx.msk [tilespmem:v62+s22+$0x0], $0xffff;
	v12 =	vmul.f32 v12, v49;
	v7 =	vmul.f32 v36, v63  }
0x148: {  	v43 =	vld.idx.msk [tilespmem:v37+s4+$0x0], $0xffff;
	v45 =	vmul.f32 v20, v57;
	v9 =	vmul.f32 v39, v38;
	v5 =	vadd.f32 $0.0e+00, v5  }
0x149: {  	v46 =	vld.idx.msk [tilespmem:v37+s22+$0x0], $0xffff;
	v47 =	vmul.f32 v14, v51;
	v10 =	vadd.f32 $0.0e+00, v10;
	v7 =	vadd.f32 $0.0e+00, v7  }
0x14a: {  	v48 =	vmul.f32 v22, v59;
	v44 =	vadd.f32 $0.0e+00, v41;
	v5 =	vadd.f32 v6, v5  }
0x14b: {  	v8 =	vmul.f32 v8, v13;
	v10 =	vadd.f32 v12, v10;
	v7 =	vadd.f32 v9, v7  }
0x14c: {  	v49 =	vmul.f32 v42, v40;
	v4 =	vadd.f32 v4, v5;
	v5 =	vadd.f32 v45, v44  }
0x14d: {  	v50 =	vmul.f32 v16, v53;
	v51 =	vmul.f32 v24, v61;
	v10 =	vadd.f32 v47, v10  }
0x14e: {  	v52 =	vmul.f32 v46, v43;
	v7 =	vadd.f32 v49, v7;
	v5 =	vadd.f32 v48, v5  }
0x14f: {  	v4 =	vadd.f32 v8, v4;
	v53 =	vadd.f32 v50, v10  }
0x150: {  	v54 =	vadd.f32 v52, v7;
	v5 =	vadd.f32 v51, v5;
	_ =	sdelay $0x1  }
0x151: {  	v4 =	vadd.f32 v53, v4;
	v5 =	vadd.f32 v54, v5;
	_ =	sdelay $0x1  }
0x152: {  	v4 =	vadd.f32 v5, v4;
	_ =	sdelay $0x1  }
0x153: {  	v4 =	vmul.f32 $1.442695020e+00, v4;
	_ =	sdelay $0x1  }
0x154: {  	(erf) = vpow2.f32 v4;
	_ =	sdelay $0x4  }
0x155: {  	v55 =	vor.u32 $0x4, v3  }
0x156: {  	v56 =	vor.u32 $0x50, v2;
	_ =	sdelay $0x1  }
0x157: {  	v57 =	vor.u32 $0x51, v2  }
0x158: {  	v58 =	vpop (erf)  }
0x159: {  	v59 =	vor.u32 $0x52, v2;
	[tilespmem:v55+s31+$0x0] =	vst.idx.msk $0xffff, v58  }
0x15a: {  	v7 =	vld.idx.msk [tilespmem:v56+s4+$0x0], $0xffff  }
0x15b: {  	v60 =	vor.u32 $0x53, v2;
	v5 =	vld.idx.msk [tilespmem:v56+s22+$0x0], $0xffff  }
0x15c: {  	v61 =	vld.idx.msk [tilespmem:v57+s4+$0x0], $0xffff  }
0x15d: {  	v62 =	vor.u32 $0x54, v2;
	v6 =	vld.idx.msk [tilespmem:v57+s22+$0x0], $0xffff  }
0x15e: {  	v63 =	vld.idx.msk [tilespmem:v59+s4+$0x0], $0xffff  }
0x15f: {  	v35 =	vor.u32 $0x55, v2;
	v4 =	vld.idx.msk [tilespmem:v59+s22+$0x0], $0xffff  }
0x160: {  	v13 =	vld.idx.msk [tilespmem:v60+s4+$0x0], $0xffff  }
0x161: {  	v36 =	vor.u32 $0x56, v2;
	v8 =	vld.idx.msk [tilespmem:v60+s22+$0x0], $0xffff  }
0x162: {  	v37 =	vld.idx.msk [tilespmem:v62+s4+$0x0], $0xffff  }
0x163: {  	v38 =	vor.u32 $0x57, v2;
	v10 =	vld.idx.msk [tilespmem:v62+s22+$0x0], $0xffff  }
0x164: {  	v39 =	vld.idx.msk [tilespmem:v35+s4+$0x0], $0xffff  }
0x165: {  	v40 =	vor.u32 $0x58, v2;
	v12 =	vld.idx.msk [tilespmem:v35+s22+$0x0], $0xffff  }
0x166: {  	v41 =	vld.idx.msk [tilespmem:v36+s4+$0x0], $0xffff  }
0x167: {  	v42 =	vor.u32 $0x59, v2;
	v14 =	vld.idx.msk [tilespmem:v36+s22+$0x0], $0xffff  }
0x168: {  	v43 =	vld.idx.msk [tilespmem:v38+s4+$0x0], $0xffff  }
0x169: {  	v44 =	vor.u32 $0x5A, v2;
	v16 =	vld.idx.msk [tilespmem:v38+s22+$0x0], $0xffff  }
0x16a: {  	v45 =	vld.idx.msk [tilespmem:v40+s4+$0x0], $0xffff  }
0x16b: {  	v48 =	vor.u32 $0x5C, v2;
	v18 =	vld.idx.msk [tilespmem:v40+s22+$0x0], $0xffff  }
0x16c: {  	v47 =	vld.idx.msk [tilespmem:v42+s4+$0x0], $0xffff  }
0x16d: {  	v50 =	vor.u32 $0x5D, v2;
	v20 =	vld.idx.msk [tilespmem:v42+s22+$0x0], $0xffff  }
0x16e: {  	v49 =	vld.idx.msk [tilespmem:v44+s4+$0x0], $0xffff  }
0x16f: {  	v46 =	vor.u32 $0x5B, v2;
	v22 =	vld.idx.msk [tilespmem:v44+s22+$0x0], $0xffff  }
0x170: {  	v53 =	vld.idx.msk [tilespmem:v48+s4+$0x0], $0xffff  }
0x171: {  	v52 =	vor.u32 $0x5E, v2;
	v54 =	vld.idx.msk [tilespmem:v48+s22+$0x0], $0xffff  }
0x172: {  	v56 =	vld.idx.msk [tilespmem:v50+s4+$0x0], $0xffff  }
0x173: {  	v55 =	vor.u32 $0x5F, v2;
	v57 =	vld.idx.msk [tilespmem:v50+s22+$0x0], $0xffff  }
0x174: {  	v51 =	vld.idx.msk [tilespmem:v46+s4+$0x0], $0xffff;
	v5 =	vmul.f32 v5, v7  }
0x175: {  	v24 =	vld.idx.msk [tilespmem:v46+s22+$0x0], $0xffff;
	v6 =	vmul.f32 v6, v61;
	v10 =	vmul.f32 v10, v37  }
0x176: {  	v58 =	vld.idx.msk [tilespmem:v52+s4+$0x0], $0xffff;
	v4 =	vmul.f32 v4, v63;
	v59 =	vmul.f32 v18, v45  }
0x177: {  	v60 =	vld.idx.msk [tilespmem:v52+s22+$0x0], $0xffff;
	v12 =	vmul.f32 v12, v39;
	v7 =	vmul.f32 v54, v53  }
0x178: {  	v23 =	vld.idx.msk [tilespmem:v55+s22+$0x0], $0xffff;
	v63 =	vmul.f32 v20, v47;
	v9 =	vmul.f32 v57, v56;
	v5 =	vadd.f32 $0.0e+00, v5  }
0x179: {  	v61 =	vld.idx.msk [tilespmem:v55+s4+$0x0], $0xffff;
	v25 =	vmul.f32 v14, v41;
	v10 =	vadd.f32 $0.0e+00, v10;
	v7 =	vadd.f32 $0.0e+00, v7  }
0x17a: {  	v26 =	vmul.f32 v22, v49;
	v62 =	vadd.f32 $0.0e+00, v59;
	v5 =	vadd.f32 v6, v5  }
0x17b: {  	v8 =	vmul.f32 v8, v13;
	v10 =	vadd.f32 v12, v10;
	v7 =	vadd.f32 v9, v7  }
0x17c: {  	v27 =	vmul.f32 v60, v58;
	v4 =	vadd.f32 v4, v5;
	v5 =	vadd.f32 v63, v62  }
0x17d: {  	v28 =	vmul.f32 v16, v43;
	v30 =	vmul.f32 v24, v51;
	v10 =	vadd.f32 v25, v10  }
0x17e: {  	v31 =	vmul.f32 v23, v61;
	v7 =	vadd.f32 v27, v7;
	v5 =	vadd.f32 v26, v5  }
0x17f: {  	v4 =	vadd.f32 v8, v4;
	v32 =	vadd.f32 v28, v10  }
0x180: {  	v33 =	vadd.f32 v31, v7;
	v5 =	vadd.f32 v30, v5;
	_ =	sdelay $0x1  }
0x181: {  	v4 =	vadd.f32 v32, v4;
	v5 =	vadd.f32 v33, v5;
	_ =	sdelay $0x1  }
0x182: {  	v4 =	vadd.f32 v5, v4;
	_ =	sdelay $0x1  }
0x183: {  	v4 =	vmul.f32 $1.442695020e+00, v4;
	_ =	sdelay $0x1  }
0x184: {  	(erf) = vpow2.f32 v4;
	_ =	sdelay $0x4  }
0x185: {  	v34 =	vor.u32 $0x5, v3  }
0x186: {  	v35 =	vor.u32 $0x60, v2;
	_ =	sdelay $0x1  }
0x187: {  	v36 =	vor.u32 $0x61, v2  }
0x188: {  	v37 =	vpop (erf)  }
0x189: {  	v38 =	vor.u32 $0x62, v2;
	[tilespmem:v34+s31+$0x0] =	vst.idx.msk $0xffff, v37  }
0x18a: {  	v7 =	vld.idx.msk [tilespmem:v35+s4+$0x0], $0xffff  }
0x18b: {  	v39 =	vor.u32 $0x63, v2;
	v5 =	vld.idx.msk [tilespmem:v35+s22+$0x0], $0xffff  }
0x18c: {  	v40 =	vld.idx.msk [tilespmem:v36+s4+$0x0], $0xffff  }
0x18d: {  	v41 =	vor.u32 $0x64, v2;
	v6 =	vld.idx.msk [tilespmem:v36+s22+$0x0], $0xffff  }
0x18e: {  	v42 =	vld.idx.msk [tilespmem:v38+s4+$0x0], $0xffff  }
0x18f: {  	v43 =	vor.u32 $0x65, v2;
	v4 =	vld.idx.msk [tilespmem:v38+s22+$0x0], $0xffff  }
0x190: {  	v13 =	vld.idx.msk [tilespmem:v39+s4+$0x0], $0xffff  }
0x191: {  	v44 =	vor.u32 $0x66, v2;
	v8 =	vld.idx.msk [tilespmem:v39+s22+$0x0], $0xffff  }
0x192: {  	v45 =	vld.idx.msk [tilespmem:v41+s4+$0x0], $0xffff  }
0x193: {  	v46 =	vor.u32 $0x67, v2;
	v10 =	vld.idx.msk [tilespmem:v41+s22+$0x0], $0xffff  }
0x194: {  	v47 =	vld.idx.msk [tilespmem:v43+s4+$0x0], $0xffff  }
0x195: {  	v48 =	vor.u32 $0x68, v2;
	v12 =	vld.idx.msk [tilespmem:v43+s22+$0x0], $0xffff  }
0x196: {  	v49 =	vld.idx.msk [tilespmem:v44+s4+$0x0], $0xffff  }
0x197: {  	v50 =	vor.u32 $0x69, v2;
	v14 =	vld.idx.msk [tilespmem:v44+s22+$0x0], $0xffff  }
0x198: {  	v51 =	vld.idx.msk [tilespmem:v46+s4+$0x0], $0xffff  }
0x199: {  	v52 =	vor.u32 $0x6A, v2;
	v16 =	vld.idx.msk [tilespmem:v46+s22+$0x0], $0xffff  }
0x19a: {  	v53 =	vld.idx.msk [tilespmem:v48+s4+$0x0], $0xffff  }
0x19b: {  	v56 =	vor.u32 $0x6C, v2;
	v18 =	vld.idx.msk [tilespmem:v48+s22+$0x0], $0xffff  }
0x19c: {  	v55 =	vld.idx.msk [tilespmem:v50+s4+$0x0], $0xffff  }
0x19d: {  	v58 =	vor.u32 $0x6D, v2;
	v20 =	vld.idx.msk [tilespmem:v50+s22+$0x0], $0xffff  }
0x19e: {  	v57 =	vld.idx.msk [tilespmem:v52+s4+$0x0], $0xffff  }
0x19f: {  	v54 =	vor.u32 $0x6B, v2;
	v22 =	vld.idx.msk [tilespmem:v52+s22+$0x0], $0xffff  }
0x1a0: {  	v61 =	vld.idx.msk [tilespmem:v56+s4+$0x0], $0xffff  }
0x1a1: {  	v60 =	vor.u32 $0x6E, v2;
	v62 =	vld.idx.msk [tilespmem:v56+s22+$0x0], $0xffff  }
0x1a2: {  	v36 =	vld.idx.msk [tilespmem:v58+s4+$0x0], $0xffff  }
0x1a3: {  	v63 =	vor.u32 $0x6F, v2;
	v37 =	vld.idx.msk [tilespmem:v58+s22+$0x0], $0xffff  }
0x1a4: {  	v59 =	vld.idx.msk [tilespmem:v54+s4+$0x0], $0xffff;
	v5 =	vmul.f32 v5, v7  }
0x1a5: {  	v24 =	vld.idx.msk [tilespmem:v54+s22+$0x0], $0xffff;
	v6 =	vmul.f32 v6, v40;
	v10 =	vmul.f32 v10, v45  }
0x1a6: {  	v38 =	vld.idx.msk [tilespmem:v60+s4+$0x0], $0xffff;
	v4 =	vmul.f32 v4, v42;
	v39 =	vmul.f32 v18, v53  }
0x1a7: {  	v40 =	vld.idx.msk [tilespmem:v60+s22+$0x0], $0xffff;
	v12 =	vmul.f32 v12, v47;
	v7 =	vmul.f32 v62, v61  }
0x1a8: {  	v41 =	vld.idx.msk [tilespmem:v63+s4+$0x0], $0xffff;
	v43 =	vmul.f32 v20, v55;
	v9 =	vmul.f32 v37, v36;
	v5 =	vadd.f32 $0.0e+00, v5  }
0x1a9: {  	v44 =	vld.idx.msk [tilespmem:v63+s22+$0x0], $0xffff;
	v45 =	vmul.f32 v14, v49;
	v10 =	vadd.f32 $0.0e+00, v10;
	v7 =	vadd.f32 $0.0e+00, v7  }
0x1aa: {  	v46 =	vmul.f32 v22, v57;
	v42 =	vadd.f32 $0.0e+00, v39;
	v5 =	vadd.f32 v6, v5  }
0x1ab: {  	v8 =	vmul.f32 v8, v13;
	v10 =	vadd.f32 v12, v10;
	v7 =	vadd.f32 v9, v7  }
0x1ac: {  	v47 =	vmul.f32 v40, v38;
	v4 =	vadd.f32 v4, v5;
	v5 =	vadd.f32 v43, v42  }
0x1ad: {  	v48 =	vmul.f32 v16, v51;
	v49 =	vmul.f32 v24, v59;
	v10 =	vadd.f32 v45, v10  }
0x1ae: {  	v50 =	vmul.f32 v44, v41;
	v7 =	vadd.f32 v47, v7;
	v5 =	vadd.f32 v46, v5  }
0x1af: {  	v4 =	vadd.f32 v8, v4;
	v51 =	vadd.f32 v48, v10  }
0x1b0: {  	v52 =	vadd.f32 v50, v7;
	v5 =	vadd.f32 v49, v5;
	_ =	sdelay $0x1  }
0x1b1: {  	v4 =	vadd.f32 v51, v4;
	v5 =	vadd.f32 v52, v5;
	_ =	sdelay $0x1  }
0x1b2: {  	v4 =	vadd.f32 v5, v4;
	_ =	sdelay $0x1  }
0x1b3: {  	v4 =	vmul.f32 $1.442695020e+00, v4;
	_ =	sdelay $0x1  }
0x1b4: {  	(erf) = vpow2.f32 v4;
	_ =	sdelay $0x4  }
0x1b5: {  	v53 =	vor.u32 $0x6, v3  }
0x1b6: {  	v54 =	vor.u32 $0x70, v2;
	_ =	sdelay $0x1  }
0x1b7: {  	v55 =	vor.u32 $0x71, v2  }
0x1b8: {  	v56 =	vpop (erf)  }
0x1b9: {  	v57 =	vor.u32 $0x72, v2;
	[tilespmem:v53+s31+$0x0] =	vst.idx.msk $0xffff, v56  }
0x1ba: {  	v7 =	vld.idx.msk [tilespmem:v54+s4+$0x0], $0xffff  }
0x1bb: {  	v58 =	vor.u32 $0x73, v2;
	v5 =	vld.idx.msk [tilespmem:v54+s22+$0x0], $0xffff  }
0x1bc: {  	v59 =	vld.idx.msk [tilespmem:v55+s4+$0x0], $0xffff  }
0x1bd: {  	v60 =	vor.u32 $0x74, v2;
	v6 =	vld.idx.msk [tilespmem:v55+s22+$0x0], $0xffff  }
0x1be: {  	v61 =	vld.idx.msk [tilespmem:v57+s4+$0x0], $0xffff  }
0x1bf: {  	v62 =	vor.u32 $0x75, v2;
	v4 =	vld.idx.msk [tilespmem:v57+s22+$0x0], $0xffff  }
0x1c0: {  	v63 =	vld.idx.msk [tilespmem:v58+s4+$0x0], $0xffff  }
0x1c1: {  	v32 =	vor.u32 $0x76, v2;
	v8 =	vld.idx.msk [tilespmem:v58+s22+$0x0], $0xffff  }
0x1c2: {  	v33 =	vld.idx.msk [tilespmem:v60+s4+$0x0], $0xffff  }
0x1c3: {  	v34 =	vor.u32 $0x77, v2;
	v10 =	vld.idx.msk [tilespmem:v60+s22+$0x0], $0xffff  }
0x1c4: {  	v35 =	vld.idx.msk [tilespmem:v62+s4+$0x0], $0xffff  }
0x1c5: {  	v36 =	vor.u32 $0x78, v2;
	v12 =	vld.idx.msk [tilespmem:v62+s22+$0x0], $0xffff  }
0x1c6: {  	v37 =	vld.idx.msk [tilespmem:v32+s4+$0x0], $0xffff  }
0x1c7: {  	v38 =	vor.u32 $0x79, v2;
	v14 =	vld.idx.msk [tilespmem:v32+s22+$0x0], $0xffff  }
0x1c8: {  	v39 =	vld.idx.msk [tilespmem:v34+s4+$0x0], $0xffff  }
0x1c9: {  	v40 =	vor.u32 $0x7A, v2;
	v16 =	vld.idx.msk [tilespmem:v34+s22+$0x0], $0xffff  }
0x1ca: {  	v41 =	vld.idx.msk [tilespmem:v36+s4+$0x0], $0xffff  }
0x1cb: {  	v44 =	vor.u32 $0x7C, v2;
	v18 =	vld.idx.msk [tilespmem:v36+s22+$0x0], $0xffff  }
0x1cc: {  	v43 =	vld.idx.msk [tilespmem:v38+s4+$0x0], $0xffff  }
0x1cd: {  	v46 =	vor.u32 $0x7D, v2;
	v20 =	vld.idx.msk [tilespmem:v38+s22+$0x0], $0xffff  }
0x1ce: {  	v45 =	vld.idx.msk [tilespmem:v40+s4+$0x0], $0xffff  }
0x1cf: {  	v42 =	vor.u32 $0x7B, v2;
	v22 =	vld.idx.msk [tilespmem:v40+s22+$0x0], $0xffff  }
0x1d0: {  	v49 =	vld.idx.msk [tilespmem:v44+s4+$0x0], $0xffff  }
0x1d1: {  	v48 =	vor.u32 $0x7E, v2;
	v50 =	vld.idx.msk [tilespmem:v44+s22+$0x0], $0xffff  }
0x1d2: {  	v51 =	vld.idx.msk [tilespmem:v46+s4+$0x0], $0xffff  }
0x1d3: {  	v2 =	vor.u32 $0x7F, v2;
	v52 =	vld.idx.msk [tilespmem:v46+s22+$0x0], $0xffff  }
0x1d4: {  	v47 =	vld.idx.msk [tilespmem:v42+s4+$0x0], $0xffff;
	v5 =	vmul.f32 v5, v7  }
0x1d5: {  	v24 =	vld.idx.msk [tilespmem:v42+s22+$0x0], $0xffff;
	v6 =	vmul.f32 v6, v59;
	v10 =	vmul.f32 v10, v33  }
0x1d6: {  	v53 =	vld.idx.msk [tilespmem:v48+s4+$0x0], $0xffff;
	v4 =	vmul.f32 v4, v61;
	v54 =	vmul.f32 v18, v41  }
0x1d7: {  	v55 =	vld.idx.msk [tilespmem:v48+s22+$0x0], $0xffff;
	v12 =	vmul.f32 v12, v35;
	v7 =	vmul.f32 v50, v49  }
0x1d8: {  	v56 =	vld.idx.msk [tilespmem:v2+s4+$0x0], $0xffff;
	v57 =	vmul.f32 v20, v43;
	v9 =	vmul.f32 v52, v51;
	v5 =	vadd.f32 $0.0e+00, v5  }
0x1d9: {  	v2 =	vld.idx.msk [tilespmem:v2+s22+$0x0], $0xffff;
	v58 =	vmul.f32 v14, v37;
	v10 =	vadd.f32 $0.0e+00, v10;
	v7 =	vadd.f32 $0.0e+00, v7  }
0x1da: {  	v59 =	vmul.f32 v22, v45;
	v5 =	vadd.f32 v6, v5;
	v6 =	vadd.f32 $0.0e+00, v54  }
0x1db: {  	v8 =	vmul.f32 v8, v63;
	v10 =	vadd.f32 v12, v10;
	v7 =	vadd.f32 v9, v7  }
0x1dc: {  	v60 =	vmul.f32 v55, v53;
	v4 =	vadd.f32 v4, v5;
	v5 =	vadd.f32 v57, v6  }
0x1dd: {  	v61 =	vmul.f32 v16, v39;
	v62 =	vmul.f32 v24, v47;
	v10 =	vadd.f32 v58, v10  }
0x1de: {  	v2 =	vmul.f32 v2, v56;
	v7 =	vadd.f32 v60, v7;
	v5 =	vadd.f32 v59, v5  }
0x1df: {  	v4 =	vadd.f32 v8, v4;
	v63 =	vadd.f32 v61, v10  }
0x1e0: {  	v2 =	vadd.f32 v2, v7;
	v5 =	vadd.f32 v62, v5;
	_ =	sdelay $0x1  }
0x1e1: {  	v4 =	vadd.f32 v63, v4;
	v2 =	vadd.f32 v2, v5;
	_ =	sdelay $0x1  }
0x1e2: {  	v2 =	vadd.f32 v2, v4;
	_ =	sdelay $0x1  }
0x1e3: {  	v2 =	vmul.f32 $1.442695020e+00, v2;
	_ =	sdelay $0x1  }
0x1e4: {  	(erf) = vpow2.f32 v2;
	_ =	sdelay $0x4  }
0x1e5: {  	p2 =	por p1, p1;
	v2 =	vor.u32 $0x7, v3  }
.Ltmp4:
0x1e6: {  	_ = 	snop;
	(pc) =	sbr.rel @p2 .LBB2_8-.Ltmp4, $3  }
0x1e7: {  	_ =	sdelay $0x1  }
0x1e8: {  	v3 =	vpop (erf)  }
0x1e9: {  	s19 =	simm.s32 $0x10;
	p1 =	por $0x0, $0x0;
	[tilespmem:v2+s31+$0x0] =	vst.idx.msk $0xffff, v3  }
0x1ea: {  	s19 =	simm.s32 $0x0  }
0x1eb: {  	[tilespmem:s19], [sflag:$0xB] =	stream.linear.gather [hbm4b:s9+s19], $0x1000, $0x38;
	[tilespmem:$0x1C800] =	vst v63  }
0x1ec: {  	_ =	swait.ge [sflag:s18], $0x1000  }
0x1ed: {  	[sflag:s18] =	ssyncset.done $0x0  }
0x1ee: {  	[sflag:s18] =	ssyncadd.s32 $0xFFFFF000  }
0x1ef: {  	v3 =	vld [tilespmem:$0x6200];
	_ =	sdelay $0x1  }
0x1f0: {  	v2 =	vmul.u32 $0x10, v1;
	_ =	sdelay $0x2  }
0x1f1: {  	v4 =	vshra.s32 v3, $0x3  }
0x1f2: {  	v5 =	vshll.u32 v3, $0x4;
	v3 =	vmul.u32 $0x80, v1;
	v4 =	vadd.s32 $0x2760, v4  }
0x1f3: {  	v15 =	vand.u32 $0x70, v5;
	[tilespmem:$0x6300] =	vst v4  }
0x1f4: {  	v6 =	vor.u32 v3, v15;
	v5 =	vld.idx.msk [tilespmem:v2+s31+$0x0], $0xffff  }
0x1f5: {  	v4 =	vor.u32 $0x1, v2;
	_ =	sdelay $0x3  }
0x1f6: {  	[tilespmem:v6+s19+$0x0] =	vst.idx.msk $0xffff, v5;
	v5 =	vor.u32 $0x1, v3  }
0x1f7: {  	v7 =	vld.idx.msk [tilespmem:v4+s31+$0x0], $0xffff;
	v8 =	vor.u32 v5, v15  }
0x1f8: {  	v6 =	vor.u32 $0x2, v2;
	_ =	sdelay $0x3  }
0x1f9: {  	[tilespmem:v8+s19+$0x0] =	vst.idx.msk $0xffff, v7;
	v7 =	vor.u32 $0x2, v3  }
0x1fa: {  	v9 =	vld.idx.msk [tilespmem:v6+s31+$0x0], $0xffff;
	v10 =	vor.u32 v7, v15  }
0x1fb: {  	v8 =	vor.u32 $0x3, v2;
	_ =	sdelay $0x3  }
0x1fc: {  	[tilespmem:v10+s19+$0x0] =	vst.idx.msk $0xffff, v9;
	v9 =	vor.u32 $0x3, v3  }
0x1fd: {  	v11 =	vld.idx.msk [tilespmem:v8+s31+$0x0], $0xffff;
	v12 =	vor.u32 v9, v15  }
0x1fe: {  	v10 =	vor.u32 $0x4, v2;
	_ =	sdelay $0x3  }
0x1ff: {  	[tilespmem:v12+s19+$0x0] =	vst.idx.msk $0xffff, v11;
	v11 =	vor.u32 $0x4, v3  }
0x200: {  	v13 =	vld.idx.msk [tilespmem:v10+s31+$0x0], $0xffff;
	v14 =	vor.u32 v11, v15  }
0x201: {  	v12 =	vor.u32 $0x5, v2;
	_ =	sdelay $0x3  }
0x202: {  	[tilespmem:v14+s19+$0x0] =	vst.idx.msk $0xffff, v13;
	v13 =	vor.u32 $0x5, v3  }
0x203: {  	v16 =	vld.idx.msk [tilespmem:v12+s31+$0x0], $0xffff;
	v17 =	vor.u32 v13, v15  }
0x204: {  	v14 =	vor.u32 $0x6, v2;
	_ =	sdelay $0x3  }
0x205: {  	[tilespmem:v17+s19+$0x0] =	vst.idx.msk $0xffff, v16;
	v16 =	vor.u32 $0x6, v3  }
0x206: {  	v18 =	vld.idx.msk [tilespmem:v14+s31+$0x0], $0xffff;
	v19 =	vor.u32 v16, v15  }
0x207: {  	v17 =	vor.u32 $0x7, v2;
	_ =	sdelay $0x3  }
0x208: {  	[tilespmem:v19+s19+$0x0] =	vst.idx.msk $0xffff, v18;
	v18 =	vor.u32 $0x7, v3  }
0x209: {  	v19 =	vld.idx.msk [tilespmem:v17+s31+$0x0], $0xffff;
	v15 =	vor.u32 v18, v15;
	_ =	sdelay $0x4  }
0x20a: {  	[tilespmem:v15+s19+$0x0] =	vst.idx.msk $0xffff, v19  }
0x20b: {  	v19 =	vld [tilespmem:$0x6210];
	_ =	sdelay $0x2  }
0x20c: {  	v15 =	vor.u32 $0x100, v2;
	_ =	sdelay $0x1  }
0x20d: {  	v20 =	vshra.s32 v19, $0x3  }
0x20e: {  	v19 =	vshll.u32 v19, $0x4;
	v20 =	vadd.s32 $0x2760, v20  }
0x20f: {  	v34 =	vand.u32 $0x70, v19;
	v19 =	vor.u32 $0x800, v3;
	[tilespmem:$0x6310] =	vst v20  }
0x210: {  	v22 =	vor.u32 v19, v34;
	v21 =	vld.idx.msk [tilespmem:v15+s31+$0x0], $0xffff  }
0x211: {  	v20 =	vor.u32 $0x101, v2;
	_ =	sdelay $0x3  }
0x212: {  	[tilespmem:v22+s19+$0x0] =	vst.idx.msk $0xffff, v21;
	v21 =	vor.u32 $0x801, v3  }
0x213: {  	v23 =	vld.idx.msk [tilespmem:v20+s31+$0x0], $0xffff;
	v24 =	vor.u32 v21, v34  }
0x214: {  	v22 =	vor.u32 $0x102, v2;
	_ =	sdelay $0x3  }
0x215: {  	[tilespmem:v24+s19+$0x0] =	vst.idx.msk $0xffff, v23;
	v23 =	vor.u32 $0x802, v3  }
0x216: {  	v25 =	vld.idx.msk [tilespmem:v22+s31+$0x0], $0xffff;
	v26 =	vor.u32 v23, v34  }
0x217: {  	v24 =	vor.u32 $0x103, v2;
	_ =	sdelay $0x3  }
0x218: {  	[tilespmem:v26+s19+$0x0] =	vst.idx.msk $0xffff, v25;
	v25 =	vor.u32 $0x803, v3  }
0x219: {  	v27 =	vld.idx.msk [tilespmem:v24+s31+$0x0], $0xffff;
	v28 =	vor.u32 v25, v34  }
0x21a: {  	v26 =	vor.u32 $0x104, v2;
	_ =	sdelay $0x3  }
0x21b: {  	[tilespmem:v28+s19+$0x0] =	vst.idx.msk $0xffff, v27;
	v27 =	vor.u32 $0x804, v3  }
0x21c: {  	v29 =	vld.idx.msk [tilespmem:v26+s31+$0x0], $0xffff;
	v30 =	vor.u32 v27, v34  }
0x21d: {  	v28 =	vor.u32 $0x105, v2;
	_ =	sdelay $0x3  }
0x21e: {  	[tilespmem:v30+s19+$0x0] =	vst.idx.msk $0xffff, v29;
	v29 =	vor.u32 $0x805, v3  }
0x21f: {  	v31 =	vld.idx.msk [tilespmem:v28+s31+$0x0], $0xffff;
	v32 =	vor.u32 v29, v34  }
0x220: {  	v30 =	vor.u32 $0x106, v2;
	_ =	sdelay $0x3  }
0x221: {  	[tilespmem:v32+s19+$0x0] =	vst.idx.msk $0xffff, v31;
	v31 =	vor.u32 $0x806, v3  }
0x222: {  	v33 =	vld.idx.msk [tilespmem:v30+s31+$0x0], $0xffff;
	v35 =	vor.u32 v31, v34  }
0x223: {  	v32 =	vor.u32 $0x107, v2;
	_ =	sdelay $0x3  }
0x224: {  	[tilespmem:v35+s19+$0x0] =	vst.idx.msk $0xffff, v33;
	v33 =	vor.u32 $0x807, v3  }
0x225: {  	v35 =	vld.idx.msk [tilespmem:v32+s31+$0x0], $0xffff;
	v34 =	vor.u32 v33, v34  }
0x226: {  	v36 =	vmov s19  }
0x227: {  	v36 =	vand.u32 $0xFFFFFFE0, v36  }
0x228: {  	v36 =	vbroadcast v36, $0x0  }
0x229: {  	[tilespmem:$0x1FFF0] =	vst v4  }
0x22a: {  	s0 =	simm.s32 $0x3;
	[tilespmem:v34+s19+$0x0] =	vst.idx.msk $0xffff, v35  }
0x22b: {  	_ =	swait.ge [sflag:s0], $0x1000  }
0x22c: {  	[sflag:s0] =	ssyncset.done $0x0  }
0x22d: {  	[sflag:s0] =	ssyncadd.s32 $0xFFFFF000  }
0x22e: {  	s20 =	simm.s32 $0x1;
	s19 =	simm.s32 $0x2080;
	v57 =	vld.idx.msk [tilespmem:v36+s31+$0x0], $0xffff  }
0x22f: {  	v59 =	vmov s20;
	v58 =	vld [tilespmem:s19+$0xFFFFFF80]  }
0x230: {  	v36 =	vand.u32 $0xFFFFFFE1, v59  }
0x231: {  	v36 =	vbroadcast v36, $0x0;
	_ =	sdelay $0x2  }
0x232: {  	v34 =	vmul.f32 v58, v57;
	_ =	sdelay $0x1  }
0x233: {  	s23 =	simm.s32 $0x2;
	v60 =	vld [tilespmem:s19+$0xFFFFFF90];
	[tilespmem:s19+$0xFFFFFF80] =	vst v34  }
0x234: {  	v61 =	vmov s23;
	v34 =	vld.idx.msk [tilespmem:v36+s31+$0x0], $0xffff  }
0x235: {  	v36 =	vand.u32 $0xFFFFFFE2, v61  }
0x236: {  	v36 =	vbroadcast v36, $0x0;
	_ =	sdelay $0x2  }
0x237: {  	v34 =	vmul.f32 v60, v34;
	_ =	sdelay $0x1  }
0x238: {  	s24 =	simm.s32 $0x3;
	v62 =	vld [tilespmem:s19+$0xFFFFFFA0];
	[tilespmem:s19+$0xFFFFFF90] =	vst v34  }
0x239: {  	v63 =	vmov s24;
	v34 =	vld.idx.msk [tilespmem:v36+s31+$0x0], $0xffff  }
0x23a: {  	v36 =	vand.u32 $0xFFFFFFE3, v63  }
0x23b: {  	v36 =	vbroadcast v36, $0x0;
	_ =	sdelay $0x2  }
0x23c: {  	v34 =	vmul.f32 v62, v34;
	_ =	sdelay $0x1  }
0x23d: {  	s0 =	simm.s32 $0x4;
	v40 =	vld [tilespmem:s19+$0xFFFFFFB0];
	[tilespmem:s19+$0xFFFFFFA0] =	vst v34  }
0x23e: {  	v41 =	vmov s0;
	v34 =	vld.idx.msk [tilespmem:v36+s31+$0x0], $0xffff  }
0x23f: {  	v36 =	vand.u32 $0xFFFFFFE4, v41  }
0x240: {  	v36 =	vbroadcast v36, $0x0;
	_ =	sdelay $0x2  }
0x241: {  	v34 =	vmul.f32 v40, v34;
	_ =	sdelay $0x1  }
0x242: {  	s23 =	simm.s32 $0x5;
	v42 =	vld [tilespmem:s19+$0xFFFFFFC0];
	[tilespmem:s19+$0xFFFFFFB0] =	vst v34  }
0x243: {  	v43 =	vmov s23;
	v34 =	vld.idx.msk [tilespmem:v36+s31+$0x0], $0xffff  }
0x244: {  	v36 =	vand.u32 $0xFFFFFFE5, v43  }
0x245: {  	v36 =	vbroadcast v36, $0x0;
	_ =	sdelay $0x2  }
0x246: {  	v34 =	vmul.f32 v42, v34;
	_ =	sdelay $0x1  }
0x247: {  	s24 =	simm.s32 $0x6;
	v44 =	vld [tilespmem:s19+$0xFFFFFFD0];
	[tilespmem:s19+$0xFFFFFFC0] =	vst v34  }
0x248: {  	v45 =	vmov s24;
	v34 =	vld.idx.msk [tilespmem:v36+s31+$0x0], $0xffff  }
0x249: {  	v36 =	vand.u32 $0xFFFFFFE6, v45  }
0x24a: {  	v36 =	vbroadcast v36, $0x0;
	_ =	sdelay $0x2  }
0x24b: {  	v34 =	vmul.f32 v44, v34;
	_ =	sdelay $0x1  }
0x24c: {  	s0 =	simm.s32 $0x7;
	v46 =	vld [tilespmem:s19+$0xFFFFFFE0];
	[tilespmem:s19+$0xFFFFFFD0] =	vst v34  }
0x24d: {  	v47 =	vmov s0;
	v34 =	vld.idx.msk [tilespmem:v36+s31+$0x0], $0xffff  }
0x24e: {  	v36 =	vand.u32 $0xFFFFFFE7, v47  }
0x24f: {  	v36 =	vbroadcast v36, $0x0;
	_ =	sdelay $0x2  }
0x250: {  	v34 =	vmul.f32 v46, v34;
	_ =	sdelay $0x1  }
0x251: {  	s23 =	simm.s32 $0x10;
	v48 =	vld [tilespmem:s19+$0xFFFFFFF0];
	[tilespmem:s19+$0xFFFFFFE0] =	vst v34  }
0x252: {  	v49 =	vmov s23;
	v34 =	vld.idx.msk [tilespmem:v36+s31+$0x0], $0xffff  }
0x253: {  	v36 =	vand.u32 $0xFFFFFFF0, v49  }
0x254: {  	v36 =	vbroadcast v36, $0x0;
	_ =	sdelay $0x2  }
0x255: {  	v34 =	vmul.f32 v48, v34;
	_ =	sdelay $0x1  }
0x256: {  	s24 =	simm.s32 $0x11;
	v50 =	vld [tilespmem:s19+$0x0];
	[tilespmem:s19+$0xFFFFFFF0] =	vst v34  }
0x257: {  	v51 =	vmov s24;
	v34 =	vld.idx.msk [tilespmem:v36+s31+$0x0], $0xffff  }
0x258: {  	v36 =	vand.u32 $0xFFFFFFF1, v51  }
0x259: {  	v36 =	vbroadcast v36, $0x0;
	_ =	sdelay $0x2  }
0x25a: {  	v34 =	vmul.f32 v50, v34;
	_ =	sdelay $0x1  }
0x25b: {  	v52 =	vld [tilespmem:s19+$0x10];
	s0 =	simm.s32 $0x12;
	[tilespmem:s19+$0x0] =	vst v34  }
0x25c: {  	v53 =	vmov s0;
	v34 =	vld.idx.msk [tilespmem:v36+s31+$0x0], $0xffff  }
0x25d: {  	v36 =	vand.u32 $0xFFFFFFF2, v53  }
0x25e: {  	v36 =	vbroadcast v36, $0x0;
	_ =	sdelay $0x2  }
0x25f: {  	v34 =	vmul.f32 v52, v34;
	_ =	sdelay $0x1  }
0x260: {  	s23 =	simm.s32 $0x13;
	v54 =	vld [tilespmem:s19+$0x20];
	[tilespmem:s19+$0x10] =	vst v34  }
0x261: {  	v55 =	vmov s23;
	v34 =	vld.idx.msk [tilespmem:v36+s31+$0x0], $0xffff  }
0x262: {  	v36 =	vand.u32 $0xFFFFFFF3, v55  }
0x263: {  	v36 =	vbroadcast v36, $0x0;
	_ =	sdelay $0x2  }
0x264: {  	v34 =	vmul.f32 v54, v34;
	_ =	sdelay $0x1  }
0x265: {  	s24 =	simm.s32 $0x14;
	v56 =	vld [tilespmem:s19+$0x30];
	[tilespmem:s19+$0x20] =	vst v34  }
0x266: {  	v57 =	vmov s24;
	v34 =	vld.idx.msk [tilespmem:v36+s31+$0x0], $0xffff  }
0x267: {  	v36 =	vand.u32 $0xFFFFFFF4, v57  }
0x268: {  	v36 =	vbroadcast v36, $0x0;
	_ =	sdelay $0x2  }
0x269: {  	v34 =	vmul.f32 v56, v34;
	_ =	sdelay $0x1  }
0x26a: {  	s0 =	simm.s32 $0x15;
	v58 =	vld [tilespmem:s19+$0x40];
	[tilespmem:s19+$0x30] =	vst v34  }
0x26b: {  	v59 =	vmov s0;
	v34 =	vld.idx.msk [tilespmem:v36+s31+$0x0], $0xffff  }
0x26c: {  	v36 =	vand.u32 $0xFFFFFFF5, v59  }
0x26d: {  	v36 =	vbroadcast v36, $0x0;
	_ =	sdelay $0x2  }
0x26e: {  	v34 =	vmul.f32 v58, v34;
	_ =	sdelay $0x1  }
0x26f: {  	s23 =	simm.s32 $0x16;
	v60 =	vld [tilespmem:s19+$0x50];
	[tilespmem:s19+$0x40] =	vst v34  }
0x270: {  	v61 =	vmov s23;
	v34 =	vld.idx.msk [tilespmem:v36+s31+$0x0], $0xffff  }
0x271: {  	v36 =	vand.u32 $0xFFFFFFF6, v61  }
0x272: {  	v36 =	vbroadcast v36, $0x0;
	_ =	sdelay $0x2  }
0x273: {  	v34 =	vmul.f32 v60, v34;
	_ =	sdelay $0x1  }
0x274: {  	s24 =	simm.s32 $0x17;
	v62 =	vld [tilespmem:s19+$0x60];
	[tilespmem:s19+$0x50] =	vst v34  }
0x275: {  	v63 =	vmov s24;
	v34 =	vld.idx.msk [tilespmem:v36+s31+$0x0], $0xffff  }
0x276: {  	v36 =	vand.u32 $0xFFFFFFF7, v63  }
0x277: {  	v36 =	vbroadcast v36, $0x0;
	_ =	sdelay $0x2  }
0x278: {  	v34 =	vmul.f32 v62, v34;
	_ =	sdelay $0x1  }
0x279: {  	s20 =	simm.s32 $0x20;
	v35 =	vld [tilespmem:s19+$0x70];
	[tilespmem:s19+$0x60] =	vst v34  }
0x27a: {  	s23 =	simm.s32 $0x40;
	v34 =	vld.idx.msk [tilespmem:v36+s31+$0x0], $0xffff;
	v36 =	vmov s20  }
.LBB2_10:
0x27b: {  	p1 =	sne.s32 s23, $0x1E0;
	v36 =	vand.u32 $0xFFFFFFE0, v36  }
0x27c: {  	v36 =	vbroadcast v36, $0x0;
	_ =	sdelay $0x2  }
0x27d: {  	v34 =	vmul.f32 v35, v34;
	_ =	sdelay $0x1  }
0x27e: {  	[tilespmem:s19+$0x70] =	vst v34  }
0x27f: {  	s24 =	sadd.s32 $0x1, s20;
	s19 =	sadd.s32 $0x100, s19;
	v34 =	vld.idx.msk [tilespmem:v36+s31+$0x0], $0xffff  }
0x280: {  	v36 =	vmov s24;
	v35 =	vld [tilespmem:s19+$0xFFFFFF80]  }
0x281: {  	v36 =	vand.u32 $0xFFFFFFE1, v36  }
0x282: {  	v36 =	vbroadcast v36, $0x0;
	_ =	sdelay $0x2  }
0x283: {  	v34 =	vmul.f32 v35, v34;
	_ =	sdelay $0x1  }
0x284: {  	[tilespmem:s19+$0xFFFFFF80] =	vst v34  }
0x285: {  	s24 =	sadd.s32 $0x2, s20;
	v34 =	vld.idx.msk [tilespmem:v36+s31+$0x0], $0xffff  }
0x286: {  	v36 =	vmov s24;
	v35 =	vld [tilespmem:s19+$0xFFFFFF90]  }
0x287: {  	v36 =	vand.u32 $0xFFFFFFE2, v36  }
0x288: {  	v36 =	vbroadcast v36, $0x0;
	_ =	sdelay $0x2  }
0x289: {  	v34 =	vmul.f32 v35, v34;
	_ =	sdelay $0x1  }
0x28a: {  	[tilespmem:s19+$0xFFFFFF90] =	vst v34  }
0x28b: {  	s24 =	sadd.s32 $0x3, s20;
	v34 =	vld.idx.msk [tilespmem:v36+s31+$0x0], $0xffff  }
0x28c: {  	v36 =	vmov s24;
	v35 =	vld [tilespmem:s19+$0xFFFFFFA0]  }
0x28d: {  	v36 =	vand.u32 $0xFFFFFFE3, v36  }
0x28e: {  	v36 =	vbroadcast v36, $0x0;
	_ =	sdelay $0x2  }
0x28f: {  	v34 =	vmul.f32 v35, v34;
	_ =	sdelay $0x1  }
0x290: {  	[tilespmem:s19+$0xFFFFFFA0] =	vst v34  }
0x291: {  	s24 =	sadd.s32 $0x4, s20;
	v34 =	vld.idx.msk [tilespmem:v36+s31+$0x0], $0xffff  }
0x292: {  	v36 =	vmov s24;
	v35 =	vld [tilespmem:s19+$0xFFFFFFB0]  }
0x293: {  	v36 =	vand.u32 $0xFFFFFFE4, v36  }
0x294: {  	v36 =	vbroadcast v36, $0x0;
	_ =	sdelay $0x2  }
0x295: {  	v34 =	vmul.f32 v35, v34;
	_ =	sdelay $0x1  }
0x296: {  	[tilespmem:s19+$0xFFFFFFB0] =	vst v34  }
0x297: {  	s24 =	sadd.s32 $0x5, s20;
	v34 =	vld.idx.msk [tilespmem:v36+s31+$0x0], $0xffff  }
0x298: {  	v36 =	vmov s24;
	v35 =	vld [tilespmem:s19+$0xFFFFFFC0]  }
0x299: {  	v36 =	vand.u32 $0xFFFFFFE5, v36  }
0x29a: {  	v36 =	vbroadcast v36, $0x0;
	_ =	sdelay $0x2  }
0x29b: {  	v34 =	vmul.f32 v35, v34;
	_ =	sdelay $0x1  }
0x29c: {  	[tilespmem:s19+$0xFFFFFFC0] =	vst v34  }
0x29d: {  	s24 =	sadd.s32 $0x6, s20;
	v34 =	vld.idx.msk [tilespmem:v36+s31+$0x0], $0xffff  }
0x29e: {  	v36 =	vmov s24;
	v35 =	vld [tilespmem:s19+$0xFFFFFFD0]  }
0x29f: {  	v36 =	vand.u32 $0xFFFFFFE6, v36  }
0x2a0: {  	v36 =	vbroadcast v36, $0x0;
	_ =	sdelay $0x2  }
0x2a1: {  	v34 =	vmul.f32 v35, v34;
	_ =	sdelay $0x1  }
0x2a2: {  	[tilespmem:s19+$0xFFFFFFD0] =	vst v34  }
0x2a3: {  	s24 =	sadd.s32 $0x7, s20;
	v34 =	vld.idx.msk [tilespmem:v36+s31+$0x0], $0xffff  }
0x2a4: {  	v36 =	vmov s24;
	v35 =	vld [tilespmem:s19+$0xFFFFFFE0]  }
0x2a5: {  	v36 =	vand.u32 $0xFFFFFFE7, v36  }
0x2a6: {  	v36 =	vbroadcast v36, $0x0;
	_ =	sdelay $0x2  }
0x2a7: {  	v34 =	vmul.f32 v35, v34;
	_ =	sdelay $0x1  }
0x2a8: {  	[tilespmem:s19+$0xFFFFFFE0] =	vst v34  }
0x2a9: {  	s24 =	sadd.s32 $0x10, s20;
	v34 =	vld.idx.msk [tilespmem:v36+s31+$0x0], $0xffff  }
0x2aa: {  	v36 =	vmov s24;
	v35 =	vld [tilespmem:s19+$0xFFFFFFF0]  }
0x2ab: {  	v36 =	vand.u32 $0xFFFFFFF0, v36  }
0x2ac: {  	v36 =	vbroadcast v36, $0x0;
	_ =	sdelay $0x2  }
0x2ad: {  	v34 =	vmul.f32 v35, v34;
	_ =	sdelay $0x1  }
0x2ae: {  	[tilespmem:s19+$0xFFFFFFF0] =	vst v34  }
0x2af: {  	s24 =	sadd.s32 $0x11, s20;
	v34 =	vld.idx.msk [tilespmem:v36+s31+$0x0], $0xffff  }
0x2b0: {  	v36 =	vmov s24;
	v35 =	vld [tilespmem:s19+$0x0]  }
0x2b1: {  	v36 =	vand.u32 $0xFFFFFFF1, v36  }
0x2b2: {  	v36 =	vbroadcast v36, $0x0;
	_ =	sdelay $0x2  }
0x2b3: {  	v34 =	vmul.f32 v35, v34;
	_ =	sdelay $0x1  }
0x2b4: {  	[tilespmem:s19+$0x0] =	vst v34  }
0x2b5: {  	s24 =	sadd.s32 $0x12, s20;
	v34 =	vld.idx.msk [tilespmem:v36+s31+$0x0], $0xffff  }
0x2b6: {  	v36 =	vmov s24;
	v35 =	vld [tilespmem:s19+$0x10]  }
0x2b7: {  	v36 =	vand.u32 $0xFFFFFFF2, v36  }
0x2b8: {  	v36 =	vbroadcast v36, $0x0;
	_ =	sdelay $0x2  }
0x2b9: {  	v34 =	vmul.f32 v35, v34;
	_ =	sdelay $0x1  }
0x2ba: {  	[tilespmem:s19+$0x10] =	vst v34  }
0x2bb: {  	s24 =	sadd.s32 $0x13, s20;
	v34 =	vld.idx.msk [tilespmem:v36+s31+$0x0], $0xffff  }
0x2bc: {  	v36 =	vmov s24;
	v35 =	vld [tilespmem:s19+$0x20]  }
0x2bd: {  	v36 =	vand.u32 $0xFFFFFFF3, v36  }
0x2be: {  	v36 =	vbroadcast v36, $0x0;
	_ =	sdelay $0x2  }
0x2bf: {  	v34 =	vmul.f32 v35, v34;
	_ =	sdelay $0x1  }
0x2c0: {  	[tilespmem:s19+$0x20] =	vst v34  }
0x2c1: {  	s24 =	sadd.s32 $0x14, s20;
	v34 =	vld.idx.msk [tilespmem:v36+s31+$0x0], $0xffff  }
0x2c2: {  	v36 =	vmov s24;
	v35 =	vld [tilespmem:s19+$0x30]  }
0x2c3: {  	v36 =	vand.u32 $0xFFFFFFF4, v36  }
0x2c4: {  	v36 =	vbroadcast v36, $0x0;
	_ =	sdelay $0x2  }
0x2c5: {  	v34 =	vmul.f32 v35, v34;
	_ =	sdelay $0x1  }
0x2c6: {  	[tilespmem:s19+$0x30] =	vst v34  }
0x2c7: {  	s24 =	sadd.s32 $0x15, s20;
	v34 =	vld.idx.msk [tilespmem:v36+s31+$0x0], $0xffff  }
0x2c8: {  	v36 =	vmov s24;
	v35 =	vld [tilespmem:s19+$0x40]  }
0x2c9: {  	v36 =	vand.u32 $0xFFFFFFF5, v36  }
0x2ca: {  	v36 =	vbroadcast v36, $0x0;
	_ =	sdelay $0x2  }
0x2cb: {  	v34 =	vmul.f32 v35, v34;
	_ =	sdelay $0x1  }
0x2cc: {  	[tilespmem:s19+$0x40] =	vst v34  }
0x2cd: {  	s24 =	sadd.s32 $0x16, s20;
	v34 =	vld.idx.msk [tilespmem:v36+s31+$0x0], $0xffff  }
0x2ce: {  	v36 =	vmov s24;
	v35 =	vld [tilespmem:s19+$0x50]  }
0x2cf: {  	v36 =	vand.u32 $0xFFFFFFF6, v36  }
0x2d0: {  	v36 =	vbroadcast v36, $0x0;
	_ =	sdelay $0x2  }
0x2d1: {  	v34 =	vmul.f32 v35, v34;
	_ =	sdelay $0x1  }
0x2d2: {  	[tilespmem:s19+$0x50] =	vst v34  }
0x2d3: {  	s24 =	sadd.s32 $0x17, s20;
	s20 =	smov.u32 s23;
	v34 =	vld.idx.msk [tilespmem:v36+s31+$0x0], $0xffff  }
0x2d4: {  	v36 =	vmov s24;
	v35 =	vld [tilespmem:s19+$0x60]  }
0x2d5: {  	v36 =	vand.u32 $0xFFFFFFF7, v36  }
0x2d6: {  	v36 =	vbroadcast v36, $0x0;
	_ =	sdelay $0x2  }
.Ltmp5:
0x2d7: {  	v34 =	vmul.f32 v35, v34;
	(pc) =	sbr.rel @p1 .LBB2_10-.Ltmp5, $4  }
0x2d8: {  	_ = 	snop  }
0x2d9: {  	[tilespmem:s19+$0x60] =	vst v34  }
0x2da: {  	v34 =	vld.idx.msk [tilespmem:v36+s31+$0x0], $0xffff  }
0x2db: {  	s23 =	sadd.s32 $0x20, s23;
	v36 =	vmov s20;
	v35 =	vld [tilespmem:s19+$0x70]  }
0x2dc: {  	v36 =	vand.u32 $0xFFFFFFE0, v36  }
0x2dd: {  	v36 =	vbroadcast v36, $0x0;
	_ =	sdelay $0x2  }
0x2de: {  	v34 =	vmul.f32 v35, v34;
	_ =	sdelay $0x1  }
0x2df: {  	[tilespmem:s19+$0x70] =	vst v34  }
0x2e0: {  	s23 =	sadd.s32 $0x1, s20;
	s19 =	sadd.s32 $0x100, s19;
	v34 =	vld.idx.msk [tilespmem:v36+s31+$0x0], $0xffff  }
0x2e1: {  	v58 =	vmov s23;
	v57 =	vld [tilespmem:s19+$0xFFFFFF80]  }
0x2e2: {  	v36 =	vand.u32 $0xFFFFFFE1, v58  }
0x2e3: {  	v36 =	vbroadcast v36, $0x0;
	_ =	sdelay $0x2  }
0x2e4: {  	v34 =	vmul.f32 v57, v34;
	_ =	sdelay $0x1  }
0x2e5: {  	s0 =	sadd.s32 $0x2, s20;
	v59 =	vld [tilespmem:s19+$0xFFFFFF90];
	[tilespmem:s19+$0xFFFFFF80] =	vst v34  }
0x2e6: {  	v60 =	vmov s0;
	v34 =	vld.idx.msk [tilespmem:v36+s31+$0x0], $0xffff  }
0x2e7: {  	v36 =	vand.u32 $0xFFFFFFE2, v60  }
0x2e8: {  	v36 =	vbroadcast v36, $0x0;
	_ =	sdelay $0x2  }
0x2e9: {  	v34 =	vmul.f32 v59, v34;
	_ =	sdelay $0x1  }
0x2ea: {  	s24 =	sadd.s32 $0x3, s20;
	v61 =	vld [tilespmem:s19+$0xFFFFFFA0];
	[tilespmem:s19+$0xFFFFFF90] =	vst v34  }
0x2eb: {  	v62 =	vmov s24;
	v34 =	vld.idx.msk [tilespmem:v36+s31+$0x0], $0xffff  }
0x2ec: {  	v36 =	vand.u32 $0xFFFFFFE3, v62  }
0x2ed: {  	v36 =	vbroadcast v36, $0x0;
	_ =	sdelay $0x2  }
0x2ee: {  	v34 =	vmul.f32 v61, v34;
	_ =	sdelay $0x1  }
0x2ef: {  	s0 =	sadd.s32 $0x4, s20;
	v63 =	vld [tilespmem:s19+$0xFFFFFFB0];
	[tilespmem:s19+$0xFFFFFFA0] =	vst v34  }
0x2f0: {  	v40 =	vmov s0;
	v34 =	vld.idx.msk [tilespmem:v36+s31+$0x0], $0xffff  }
0x2f1: {  	v36 =	vand.u32 $0xFFFFFFE4, v40  }
0x2f2: {  	v36 =	vbroadcast v36, $0x0;
	_ =	sdelay $0x2  }
0x2f3: {  	v34 =	vmul.f32 v63, v34;
	_ =	sdelay $0x1  }
0x2f4: {  	s24 =	sadd.s32 $0x5, s20;
	v41 =	vld [tilespmem:s19+$0xFFFFFFC0];
	[tilespmem:s19+$0xFFFFFFB0] =	vst v34  }
0x2f5: {  	v42 =	vmov s24;
	v34 =	vld.idx.msk [tilespmem:v36+s31+$0x0], $0xffff  }
0x2f6: {  	v36 =	vand.u32 $0xFFFFFFE5, v42  }
0x2f7: {  	v36 =	vbroadcast v36, $0x0;
	_ =	sdelay $0x2  }
0x2f8: {  	v34 =	vmul.f32 v41, v34;
	_ =	sdelay $0x1  }
0x2f9: {  	s0 =	sadd.s32 $0x6, s20;
	v43 =	vld [tilespmem:s19+$0xFFFFFFD0];
	[tilespmem:s19+$0xFFFFFFC0] =	vst v34  }
0x2fa: {  	v44 =	vmov s0;
	v34 =	vld.idx.msk [tilespmem:v36+s31+$0x0], $0xffff  }
0x2fb: {  	v36 =	vand.u32 $0xFFFFFFE6, v44  }
0x2fc: {  	v36 =	vbroadcast v36, $0x0;
	_ =	sdelay $0x2  }
0x2fd: {  	v34 =	vmul.f32 v43, v34;
	_ =	sdelay $0x1  }
0x2fe: {  	s24 =	sadd.s32 $0x7, s20;
	v45 =	vld [tilespmem:s19+$0xFFFFFFE0];
	[tilespmem:s19+$0xFFFFFFD0] =	vst v34  }
0x2ff: {  	v46 =	vmov s24;
	v34 =	vld.idx.msk [tilespmem:v36+s31+$0x0], $0xffff  }
0x300: {  	v36 =	vand.u32 $0xFFFFFFE7, v46  }
0x301: {  	v36 =	vbroadcast v36, $0x0;
	_ =	sdelay $0x2  }
0x302: {  	v34 =	vmul.f32 v45, v34;
	_ =	sdelay $0x1  }
0x303: {  	s0 =	sadd.s32 $0x10, s20;
	v47 =	vld [tilespmem:s19+$0xFFFFFFF0];
	[tilespmem:s19+$0xFFFFFFE0] =	vst v34  }
0x304: {  	v48 =	vmov s0;
	v34 =	vld.idx.msk [tilespmem:v36+s31+$0x0], $0xffff  }
0x305: {  	v36 =	vand.u32 $0xFFFFFFF0, v48  }
0x306: {  	v36 =	vbroadcast v36, $0x0;
	_ =	sdelay $0x2  }
0x307: {  	v34 =	vmul.f32 v47, v34;
	_ =	sdelay $0x1  }
0x308: {  	s24 =	sadd.s32 $0x11, s20;
	v49 =	vld [tilespmem:s19+$0x0];
	[tilespmem:s19+$0xFFFFFFF0] =	vst v34  }
0x309: {  	v50 =	vmov s24;
	v34 =	vld.idx.msk [tilespmem:v36+s31+$0x0], $0xffff  }
0x30a: {  	v36 =	vand.u32 $0xFFFFFFF1, v50  }
0x30b: {  	v36 =	vbroadcast v36, $0x0;
	_ =	sdelay $0x2  }
0x30c: {  	v34 =	vmul.f32 v49, v34;
	_ =	sdelay $0x1  }
0x30d: {  	s0 =	sadd.s32 $0x12, s20;
	v51 =	vld [tilespmem:s19+$0x10];
	[tilespmem:s19+$0x0] =	vst v34  }
0x30e: {  	v52 =	vmov s0;
	v34 =	vld.idx.msk [tilespmem:v36+s31+$0x0], $0xffff  }
0x30f: {  	v36 =	vand.u32 $0xFFFFFFF2, v52  }
0x310: {  	v36 =	vbroadcast v36, $0x0;
	_ =	sdelay $0x2  }
0x311: {  	v34 =	vmul.f32 v51, v34;
	_ =	sdelay $0x1  }
0x312: {  	s24 =	sadd.s32 $0x13, s20;
	v53 =	vld [tilespmem:s19+$0x20];
	[tilespmem:s19+$0x10] =	vst v34  }
0x313: {  	v54 =	vmov s24;
	v34 =	vld.idx.msk [tilespmem:v36+s31+$0x0], $0xffff  }
0x314: {  	v36 =	vand.u32 $0xFFFFFFF3, v54  }
0x315: {  	v36 =	vbroadcast v36, $0x0;
	_ =	sdelay $0x2  }
0x316: {  	v34 =	vmul.f32 v53, v34;
	_ =	sdelay $0x1  }
0x317: {  	s0 =	sadd.s32 $0x14, s20;
	v55 =	vld [tilespmem:s19+$0x30];
	[tilespmem:s19+$0x20] =	vst v34  }
0x318: {  	v56 =	vmov s0;
	v34 =	vld.idx.msk [tilespmem:v36+s31+$0x0], $0xffff  }
0x319: {  	v36 =	vand.u32 $0xFFFFFFF4, v56  }
0x31a: {  	v36 =	vbroadcast v36, $0x0;
	_ =	sdelay $0x2  }
0x31b: {  	v34 =	vmul.f32 v55, v34;
	_ =	sdelay $0x1  }
0x31c: {  	s24 =	sadd.s32 $0x15, s20;
	v57 =	vld [tilespmem:s19+$0x40];
	[tilespmem:s19+$0x30] =	vst v34  }
0x31d: {  	v58 =	vmov s24;
	v34 =	vld.idx.msk [tilespmem:v36+s31+$0x0], $0xffff  }
0x31e: {  	v36 =	vand.u32 $0xFFFFFFF5, v58  }
0x31f: {  	v36 =	vbroadcast v36, $0x0;
	_ =	sdelay $0x2  }
0x320: {  	v34 =	vmul.f32 v57, v34;
	_ =	sdelay $0x1  }
0x321: {  	s0 =	sadd.s32 $0x16, s20;
	v59 =	vld [tilespmem:s19+$0x50];
	[tilespmem:s19+$0x40] =	vst v34  }
0x322: {  	v60 =	vmov s0;
	v34 =	vld.idx.msk [tilespmem:v36+s31+$0x0], $0xffff  }
0x323: {  	v36 =	vand.u32 $0xFFFFFFF6, v60  }
0x324: {  	v36 =	vbroadcast v36, $0x0;
	_ =	sdelay $0x2  }
0x325: {  	v34 =	vmul.f32 v59, v34;
	_ =	sdelay $0x1  }
0x326: {  	s24 =	sadd.s32 $0x17, s20;
	v61 =	vld [tilespmem:s19+$0x60];
	[tilespmem:s19+$0x50] =	vst v34  }
0x327: {  	v62 =	vmov s24;
	v34 =	vld.idx.msk [tilespmem:v36+s31+$0x0], $0xffff  }
0x328: {  	v36 =	vand.u32 $0xFFFFFFF7, v62  }
0x329: {  	v36 =	vbroadcast v36, $0x0;
	_ =	sdelay $0x2  }
0x32a: {  	v34 =	vmul.f32 v61, v34;
	_ =	sdelay $0x1  }
0x32b: {  	v63 =	vld [tilespmem:s19+$0x70];
	[tilespmem:s19+$0x60] =	vst v34  }
0x32c: {  	v34 =	vld.idx.msk [tilespmem:v36+s31+$0x0], $0xffff;
	_ =	sdelay $0x4  }
0x32d: {  	v34 =	vmul.f32 v63, v34;
	_ =	sdelay $0x1  }
0x32e: {  	[tilespmem:s19+$0x70] =	vst v34  }
0x32f: {  	[spmem:s2] =	stream.indirect.scatter.add.f32 [tilespmem:s17], [sflag:$0x4], $0x80, s29, s21, $0xb8;
	[tilespmem:$0x1C800] =	vst v63  }
0x330: {  	s0 =	simm.s32 $0x6300;
	s19 =	simm.s32 $0x0  }
0x331: {  	[spmem:s2] =	stream.indirect.scatter.add.f32 [tilespmem:s19], [sflag:$0x5], $0x80, s0, s21, $0xb8;
	[tilespmem:$0x1C800] =	vst v63  }
0x332: {  	_ =	swait.ge [sflag:s12], $0x1000  }
0x333: {  	[sflag:s12] =	ssyncset.done $0x0  }
0x334: {  	[sflag:s12] =	ssyncadd.s32 $0xFFFFF000  }
0x335: {  	_ =	swait.ge [sflag:s16], $0x1000  }
0x336: {  	[sflag:s16] =	ssyncset.done $0x0  }
0x337: {  	p1 =	por $0x1, $0x1;
	[sflag:s16] =	ssyncadd.s32 $0xFFFFF000  }
.LBB2_12:
0x338: {  	v35 =	vor.u32 s19, v1  }
0x339: {  	v34 =	vshll.u32 v35, $0x7;
	_ =	sdelay $0x1  }
0x33a: {  	v36 =	vor.u32 $0x1, v34;
	_ =	sdelay $0x1  }
0x33b: {  	v37 =	vor.u32 $0x2, v34  }
0x33c: {  	v38 =	vld.idx.msk [tilespmem:v34+s25+$0x0], $0xffff  }
0x33d: {  	v40 =	vor.u32 $0x3, v34;
	v39 =	vld.idx.msk [tilespmem:v34+s26+$0x0], $0xffff  }
0x33e: {  	v41 =	vld.idx.msk [tilespmem:v36+s25+$0x0], $0xffff  }
0x33f: {  	v42 =	vor.u32 $0x4, v34;
	v36 =	vld.idx.msk [tilespmem:v36+s26+$0x0], $0xffff  }
0x340: {  	v43 =	vld.idx.msk [tilespmem:v37+s25+$0x0], $0xffff  }
0x341: {  	v44 =	vor.u32 $0x5, v34;
	v37 =	vld.idx.msk [tilespmem:v37+s26+$0x0], $0xffff  }
0x342: {  	v45 =	vld.idx.msk [tilespmem:v40+s25+$0x0], $0xffff  }
0x343: {  	v46 =	vor.u32 $0x6, v34;
	v40 =	vld.idx.msk [tilespmem:v40+s26+$0x0], $0xffff  }
0x344: {  	v47 =	vld.idx.msk [tilespmem:v42+s25+$0x0], $0xffff  }
0x345: {  	v48 =	vor.u32 $0x7, v34;
	v42 =	vld.idx.msk [tilespmem:v42+s26+$0x0], $0xffff  }
0x346: {  	v49 =	vld.idx.msk [tilespmem:v44+s25+$0x0], $0xffff  }
0x347: {  	v50 =	vor.u32 $0x8, v34;
	v44 =	vld.idx.msk [tilespmem:v44+s26+$0x0], $0xffff  }
0x348: {  	v51 =	vld.idx.msk [tilespmem:v46+s25+$0x0], $0xffff  }
0x349: {  	v52 =	vor.u32 $0x9, v34;
	v46 =	vld.idx.msk [tilespmem:v46+s26+$0x0], $0xffff  }
0x34a: {  	v53 =	vld.idx.msk [tilespmem:v48+s25+$0x0], $0xffff  }
0x34b: {  	v54 =	vor.u32 $0xA, v34;
	v48 =	vld.idx.msk [tilespmem:v48+s26+$0x0], $0xffff  }
0x34c: {  	v55 =	vld.idx.msk [tilespmem:v50+s25+$0x0], $0xffff  }
0x34d: {  	v56 =	vor.u32 $0xB, v34;
	v50 =	vld.idx.msk [tilespmem:v50+s26+$0x0], $0xffff  }
0x34e: {  	v57 =	vld.idx.msk [tilespmem:v52+s25+$0x0], $0xffff  }
0x34f: {  	v58 =	vor.u32 $0xC, v34;
	v52 =	vld.idx.msk [tilespmem:v52+s26+$0x0], $0xffff  }
0x350: {  	v59 =	vld.idx.msk [tilespmem:v54+s25+$0x0], $0xffff  }
0x351: {  	v60 =	vor.u32 $0xD, v34;
	v54 =	vld.idx.msk [tilespmem:v54+s26+$0x0], $0xffff  }
0x352: {  	v61 =	vld.idx.msk [tilespmem:v56+s25+$0x0], $0xffff  }
0x353: {  	v62 =	vor.u32 $0xE, v34;
	v56 =	vld.idx.msk [tilespmem:v56+s26+$0x0], $0xffff  }
0x354: {  	v63 =	vld.idx.msk [tilespmem:v58+s25+$0x0], $0xffff  }
0x355: {  	v38 =	vmul.f32 v39, v38;
	v39 =	vld.idx.msk [tilespmem:v58+s26+$0x0], $0xffff;
	v58 =	vor.u32 $0xF, v34  }
0x356: {  	v4 =	vld.idx.msk [tilespmem:v60+s25+$0x0], $0xffff  }
0x357: {  	v36 =	vmul.f32 v36, v41;
	v41 =	vld.idx.msk [tilespmem:v60+s26+$0x0], $0xffff  }
0x358: {  	v42 =	vmul.f32 v42, v47;
	v47 =	vld.idx.msk [tilespmem:v62+s25+$0x0], $0xffff;
	v37 =	vmul.f32 v37, v43  }
0x359: {  	v60 =	vmul.f32 v50, v55;
	v43 =	vld.idx.msk [tilespmem:v62+s26+$0x0], $0xffff;
	v44 =	vmul.f32 v44, v49;
	v38 =	vadd.f32 $0.0e+00, v38  }
0x35a: {  	v57 =	vmul.f32 v52, v57;
	v42 =	vadd.f32 $0.0e+00, v42;
	v39 =	vmul.f32 v39, v63;
	v49 =	vld.idx.msk [tilespmem:v58+s25+$0x0], $0xffff  }
0x35b: {  	v62 =	vmul.f32 v46, v51;
	v55 =	vadd.f32 $0.0e+00, v60;
	v36 =	vadd.f32 v36, v38;
	v60 =	vld.idx.msk [tilespmem:v58+s26+$0x0], $0xffff  }
0x35c: {  	v40 =	vmul.f32 v40, v45;
	v4 =	vmul.f32 v41, v4;
	v39 =	vadd.f32 $0.0e+00, v39  }
0x35d: {  	v42 =	vadd.f32 v44, v42;
	v63 =	vmul.f32 v54, v59;
	v36 =	vadd.f32 v37, v36  }
0x35e: {  	v37 =	vadd.f32 v57, v55;
	v46 =	vmul.f32 v43, v47;
	v4 =	vadd.f32 v4, v39  }
0x35f: {  	v47 =	vmul.f32 v48, v53;
	v48 =	vmul.f32 v56, v61;
	v41 =	vadd.f32 v62, v42  }
0x360: {  	v37 =	vadd.f32 v63, v37;
	v51 =	vmul.f32 v60, v49;
	v4 =	vadd.f32 v46, v4  }
0x361: {  	v36 =	vadd.f32 v40, v36;
	v52 =	vadd.f32 v47, v41  }
0x362: {  	v37 =	vadd.f32 v48, v37;
	v4 =	vadd.f32 v51, v4;
	_ =	sdelay $0x1  }
0x363: {  	v36 =	vadd.f32 v52, v36;
	v4 =	vadd.f32 v4, v37;
	_ =	sdelay $0x1  }
0x364: {  	v4 =	vadd.f32 v4, v36;
	_ =	sdelay $0x1  }
0x365: {  	v4 =	vmul.f32 $1.442695020e+00, v4;
	_ =	sdelay $0x1  }
0x366: {  	(erf) = vpow2.f32 v4;
	_ =	sdelay $0x4  }
0x367: {  	v35 =	vshll.u32 v35, $0x4  }
0x368: {  	v4 =	vor.u32 $0x10, v34;
	_ =	sdelay $0x1  }
0x369: {  	v53 =	vor.u32 $0x11, v34  }
0x36a: {  	v54 =	vpop (erf)  }
0x36b: {  	v55 =	vor.u32 $0x12, v34;
	[tilespmem:v35+s31+$0x0] =	vst.idx.msk $0xffff, v54  }
0x36c: {  	v38 =	vld.idx.msk [tilespmem:v4+s25+$0x0], $0xffff  }
0x36d: {  	v56 =	vor.u32 $0x13, v34;
	v4 =	vld.idx.msk [tilespmem:v4+s26+$0x0], $0xffff  }
0x36e: {  	v40 =	vld.idx.msk [tilespmem:v53+s25+$0x0], $0xffff  }
0x36f: {  	v57 =	vor.u32 $0x14, v34;
	v36 =	vld.idx.msk [tilespmem:v53+s26+$0x0], $0xffff  }
0x370: {  	v42 =	vld.idx.msk [tilespmem:v55+s25+$0x0], $0xffff  }
0x371: {  	v58 =	vor.u32 $0x15, v34;
	v37 =	vld.idx.msk [tilespmem:v55+s26+$0x0], $0xffff  }
0x372: {  	v44 =	vld.idx.msk [tilespmem:v56+s25+$0x0], $0xffff  }
0x373: {  	v59 =	vor.u32 $0x16, v34;
	v39 =	vld.idx.msk [tilespmem:v56+s26+$0x0], $0xffff  }
0x374: {  	v46 =	vld.idx.msk [tilespmem:v57+s25+$0x0], $0xffff  }
0x375: {  	v60 =	vor.u32 $0x17, v34;
	v41 =	vld.idx.msk [tilespmem:v57+s26+$0x0], $0xffff  }
0x376: {  	v48 =	vld.idx.msk [tilespmem:v58+s25+$0x0], $0xffff  }
0x377: {  	v61 =	vor.u32 $0x18, v34;
	v43 =	vld.idx.msk [tilespmem:v58+s26+$0x0], $0xffff  }
0x378: {  	v50 =	vld.idx.msk [tilespmem:v59+s25+$0x0], $0xffff  }
0x379: {  	v62 =	vor.u32 $0x19, v34;
	v45 =	vld.idx.msk [tilespmem:v59+s26+$0x0], $0xffff  }
0x37a: {  	v52 =	vld.idx.msk [tilespmem:v60+s25+$0x0], $0xffff  }
0x37b: {  	v63 =	vor.u32 $0x1A, v34;
	v47 =	vld.idx.msk [tilespmem:v60+s26+$0x0], $0xffff  }
0x37c: {  	v54 =	vld.idx.msk [tilespmem:v61+s25+$0x0], $0xffff  }
0x37d: {  	v49 =	vld.idx.msk [tilespmem:v61+s26+$0x0], $0xffff;
	v55 =	vor.u32 $0x1B, v34  }
0x37e: {  	v56 =	vld.idx.msk [tilespmem:v62+s25+$0x0], $0xffff  }
0x37f: {  	v51 =	vld.idx.msk [tilespmem:v62+s26+$0x0], $0xffff;
	v57 =	vor.u32 $0x1C, v34  }
0x380: {  	v58 =	vld.idx.msk [tilespmem:v63+s25+$0x0], $0xffff  }
0x381: {  	v53 =	vld.idx.msk [tilespmem:v63+s26+$0x0], $0xffff;
	v59 =	vor.u32 $0x1D, v34  }
0x382: {  	v60 =	vld.idx.msk [tilespmem:v55+s25+$0x0], $0xffff  }
0x383: {  	v61 =	vor.u32 $0x1E, v34;
	v55 =	vld.idx.msk [tilespmem:v55+s26+$0x0], $0xffff  }
0x384: {  	v62 =	vld.idx.msk [tilespmem:v57+s25+$0x0], $0xffff  }
0x385: {  	v4 =	vmul.f32 v4, v38;
	v38 =	vld.idx.msk [tilespmem:v57+s26+$0x0], $0xffff;
	v57 =	vor.u32 $0x1F, v34  }
0x386: {  	v63 =	vld.idx.msk [tilespmem:v59+s25+$0x0], $0xffff  }
0x387: {  	v36 =	vmul.f32 v36, v40;
	v40 =	vld.idx.msk [tilespmem:v59+s26+$0x0], $0xffff;
	v41 =	vmul.f32 v41, v46;
	v4 =	vadd.f32 $0.0e+00, v4  }
0x388: {  	v46 =	vld.idx.msk [tilespmem:v61+s25+$0x0], $0xffff;
	v59 =	vmul.f32 v49, v54;
	v43 =	vmul.f32 v43, v48  }
0x389: {  	v41 =	vadd.f32 $0.0e+00, v41;
	v4 =	vadd.f32 v36, v4;
	v36 =	vmul.f32 v37, v42;
	v42 =	vld.idx.msk [tilespmem:v61+s26+$0x0], $0xffff  }
0x38a: {  	v38 =	vmul.f32 v38, v62;
	v48 =	vld.idx.msk [tilespmem:v57+s25+$0x0], $0xffff  }
0x38b: {  	v54 =	vadd.f32 $0.0e+00, v59;
	v59 =	vmul.f32 v51, v56;
	v41 =	vadd.f32 v43, v41;
	v61 =	vld.idx.msk [tilespmem:v57+s26+$0x0], $0xffff  }
0x38c: {  	v40 =	vmul.f32 v40, v63;
	v62 =	vmul.f32 v45, v50;
	v38 =	vadd.f32 $0.0e+00, v38  }
0x38d: {  	v63 =	vmul.f32 v53, v58;
	v4 =	vadd.f32 v36, v4;
	v36 =	vadd.f32 v59, v54  }
0x38e: {  	v39 =	vmul.f32 v39, v44;
	v38 =	vadd.f32 v40, v38;
	v45 =	vmul.f32 v42, v46  }
0x38f: {  	v41 =	vadd.f32 v62, v41;
	v36 =	vadd.f32 v63, v36;
	v46 =	vmul.f32 v47, v52  }
0x390: {  	v47 =	vmul.f32 v55, v60;
	v50 =	vmul.f32 v61, v48;
	v38 =	vadd.f32 v45, v38  }
0x391: {  	v4 =	vadd.f32 v39, v4;
	v51 =	vadd.f32 v46, v41  }
0x392: {  	v36 =	vadd.f32 v47, v36;
	v52 =	vadd.f32 v50, v38;
	_ =	sdelay $0x1  }
0x393: {  	v4 =	vadd.f32 v51, v4;
	v36 =	vadd.f32 v52, v36;
	_ =	sdelay $0x1  }
0x394: {  	v4 =	vadd.f32 v36, v4;
	_ =	sdelay $0x1  }
0x395: {  	v4 =	vmul.f32 $1.442695020e+00, v4;
	_ =	sdelay $0x1  }
0x396: {  	(erf) = vpow2.f32 v4;
	_ =	sdelay $0x4  }
0x397: {  	v4 =	vor.u32 $0x1, v35  }
0x398: {  	v53 =	vor.u32 $0x20, v34;
	_ =	sdelay $0x1  }
0x399: {  	v54 =	vor.u32 $0x21, v34  }
0x39a: {  	v55 =	vpop (erf)  }
0x39b: {  	v56 =	vor.u32 $0x23, v34;
	[tilespmem:v4+s31+$0x0] =	vst.idx.msk $0xffff, v55  }
0x39c: {  	v38 =	vld.idx.msk [tilespmem:v53+s25+$0x0], $0xffff  }
0x39d: {  	v57 =	vor.u32 $0x24, v34;
	v36 =	vld.idx.msk [tilespmem:v53+s26+$0x0], $0xffff  }
0x39e: {  	v40 =	vld.idx.msk [tilespmem:v54+s25+$0x0], $0xffff  }
0x39f: {  	v58 =	vor.u32 $0x25, v34;
	v37 =	vld.idx.msk [tilespmem:v54+s26+$0x0], $0xffff  }
0x3a0: {  	v44 =	vld.idx.msk [tilespmem:v56+s25+$0x0], $0xffff  }
0x3a1: {  	v59 =	vor.u32 $0x26, v34;
	v39 =	vld.idx.msk [tilespmem:v56+s26+$0x0], $0xffff  }
0x3a2: {  	v46 =	vld.idx.msk [tilespmem:v57+s25+$0x0], $0xffff  }
0x3a3: {  	v60 =	vor.u32 $0x27, v34;
	v41 =	vld.idx.msk [tilespmem:v57+s26+$0x0], $0xffff  }
0x3a4: {  	v48 =	vld.idx.msk [tilespmem:v58+s25+$0x0], $0xffff  }
0x3a5: {  	v61 =	vor.u32 $0x28, v34;
	v43 =	vld.idx.msk [tilespmem:v58+s26+$0x0], $0xffff  }
0x3a6: {  	v50 =	vld.idx.msk [tilespmem:v59+s25+$0x0], $0xffff  }
0x3a7: {  	v62 =	vor.u32 $0x29, v34;
	v45 =	vld.idx.msk [tilespmem:v59+s26+$0x0], $0xffff  }
0x3a8: {  	v52 =	vld.idx.msk [tilespmem:v60+s25+$0x0], $0xffff  }
0x3a9: {  	v63 =	vor.u32 $0x2A, v34;
	v47 =	vld.idx.msk [tilespmem:v60+s26+$0x0], $0xffff  }
0x3aa: {  	v54 =	vld.idx.msk [tilespmem:v61+s25+$0x0], $0xffff  }
0x3ab: {  	v4 =	vor.u32 $0x22, v34;
	v49 =	vld.idx.msk [tilespmem:v61+s26+$0x0], $0xffff  }
0x3ac: {  	v56 =	vld.idx.msk [tilespmem:v62+s25+$0x0], $0xffff  }
0x3ad: {  	v55 =	vor.u32 $0x2B, v34;
	v51 =	vld.idx.msk [tilespmem:v62+s26+$0x0], $0xffff  }
0x3ae: {  	v58 =	vld.idx.msk [tilespmem:v63+s25+$0x0], $0xffff  }
0x3af: {  	v57 =	vor.u32 $0x2C, v34;
	v53 =	vld.idx.msk [tilespmem:v63+s26+$0x0], $0xffff  }
0x3b0: {  	v42 =	vld.idx.msk [tilespmem:v4+s25+$0x0], $0xffff  }
0x3b1: {  	v59 =	vor.u32 $0x2D, v34;
	v4 =	vld.idx.msk [tilespmem:v4+s26+$0x0], $0xffff  }
0x3b2: {  	v60 =	vld.idx.msk [tilespmem:v55+s25+$0x0], $0xffff  }
0x3b3: {  	v61 =	vor.u32 $0x2E, v34;
	v55 =	vld.idx.msk [tilespmem:v55+s26+$0x0], $0xffff  }
0x3b4: {  	v62 =	vld.idx.msk [tilespmem:v57+s25+$0x0], $0xffff  }
0x3b5: {  	v36 =	vmul.f32 v36, v38;
	v38 =	vld.idx.msk [tilespmem:v57+s26+$0x0], $0xffff;
	v57 =	vor.u32 $0x2F, v34  }
0x3b6: {  	v63 =	vld.idx.msk [tilespmem:v59+s25+$0x0], $0xffff  }
0x3b7: {  	v37 =	vmul.f32 v37, v40;
	v40 =	vld.idx.msk [tilespmem:v59+s26+$0x0], $0xffff;
	v41 =	vmul.f32 v41, v46  }
0x3b8: {  	v46 =	vld.idx.msk [tilespmem:v61+s25+$0x0], $0xffff;
	v59 =	vmul.f32 v49, v54;
	v43 =	vmul.f32 v43, v48  }
0x3b9: {  	v36 =	vadd.f32 $0.0e+00, v36;
	v41 =	vadd.f32 $0.0e+00, v41;
	v4 =	vmul.f32 v4, v42;
	v42 =	vld.idx.msk [tilespmem:v61+s26+$0x0], $0xffff  }
0x3ba: {  	v54 =	vadd.f32 $0.0e+00, v59;
	v38 =	vmul.f32 v38, v62;
	v48 =	vld.idx.msk [tilespmem:v57+s25+$0x0], $0xffff  }
0x3bb: {  	v59 =	vmul.f32 v51, v56;
	v36 =	vadd.f32 v37, v36;
	v41 =	vadd.f32 v43, v41;
	v61 =	vld.idx.msk [tilespmem:v57+s26+$0x0], $0xffff  }
0x3bc: {  	v40 =	vmul.f32 v40, v63;
	v62 =	vmul.f32 v45, v50;
	v38 =	vadd.f32 $0.0e+00, v38  }
0x3bd: {  	v63 =	vmul.f32 v53, v58;
	v4 =	vadd.f32 v4, v36;
	v36 =	vadd.f32 v59, v54  }
0x3be: {  	v39 =	vmul.f32 v39, v44;
	v38 =	vadd.f32 v40, v38;
	v45 =	vmul.f32 v42, v46  }
0x3bf: {  	v41 =	vadd.f32 v62, v41;
	v36 =	vadd.f32 v63, v36;
	v46 =	vmul.f32 v47, v52  }
0x3c0: {  	v47 =	vmul.f32 v55, v60;
	v50 =	vmul.f32 v61, v48;
	v38 =	vadd.f32 v45, v38  }
0x3c1: {  	v4 =	vadd.f32 v39, v4;
	v51 =	vadd.f32 v46, v41  }
0x3c2: {  	v36 =	vadd.f32 v47, v36;
	v52 =	vadd.f32 v50, v38;
	_ =	sdelay $0x1  }
0x3c3: {  	v4 =	vadd.f32 v51, v4;
	v36 =	vadd.f32 v52, v36;
	_ =	sdelay $0x1  }
0x3c4: {  	v4 =	vadd.f32 v36, v4;
	_ =	sdelay $0x1  }
0x3c5: {  	v4 =	vmul.f32 $1.442695020e+00, v4;
	_ =	sdelay $0x1  }
0x3c6: {  	(erf) = vpow2.f32 v4;
	_ =	sdelay $0x4  }
0x3c7: {  	v4 =	vor.u32 $0x2, v35  }
0x3c8: {  	v53 =	vor.u32 $0x30, v34;
	_ =	sdelay $0x1  }
0x3c9: {  	v54 =	vor.u32 $0x31, v34  }
0x3ca: {  	v55 =	vpop (erf)  }
0x3cb: {  	v56 =	vor.u32 $0x33, v34;
	[tilespmem:v4+s31+$0x0] =	vst.idx.msk $0xffff, v55  }
0x3cc: {  	v38 =	vld.idx.msk [tilespmem:v53+s25+$0x0], $0xffff  }
0x3cd: {  	v57 =	vor.u32 $0x34, v34;
	v36 =	vld.idx.msk [tilespmem:v53+s26+$0x0], $0xffff  }
0x3ce: {  	v40 =	vld.idx.msk [tilespmem:v54+s25+$0x0], $0xffff  }
0x3cf: {  	v58 =	vor.u32 $0x35, v34;
	v37 =	vld.idx.msk [tilespmem:v54+s26+$0x0], $0xffff  }
0x3d0: {  	v44 =	vld.idx.msk [tilespmem:v56+s25+$0x0], $0xffff  }
0x3d1: {  	v59 =	vor.u32 $0x36, v34;
	v39 =	vld.idx.msk [tilespmem:v56+s26+$0x0], $0xffff  }
0x3d2: {  	v46 =	vld.idx.msk [tilespmem:v57+s25+$0x0], $0xffff  }
0x3d3: {  	v60 =	vor.u32 $0x37, v34;
	v41 =	vld.idx.msk [tilespmem:v57+s26+$0x0], $0xffff  }
0x3d4: {  	v48 =	vld.idx.msk [tilespmem:v58+s25+$0x0], $0xffff  }
0x3d5: {  	v61 =	vor.u32 $0x38, v34;
	v43 =	vld.idx.msk [tilespmem:v58+s26+$0x0], $0xffff  }
0x3d6: {  	v50 =	vld.idx.msk [tilespmem:v59+s25+$0x0], $0xffff  }
0x3d7: {  	v62 =	vor.u32 $0x39, v34;
	v45 =	vld.idx.msk [tilespmem:v59+s26+$0x0], $0xffff  }
0x3d8: {  	v52 =	vld.idx.msk [tilespmem:v60+s25+$0x0], $0xffff  }
0x3d9: {  	v63 =	vor.u32 $0x3A, v34;
	v47 =	vld.idx.msk [tilespmem:v60+s26+$0x0], $0xffff  }
0x3da: {  	v54 =	vld.idx.msk [tilespmem:v61+s25+$0x0], $0xffff  }
0x3db: {  	v4 =	vor.u32 $0x32, v34;
	v49 =	vld.idx.msk [tilespmem:v61+s26+$0x0], $0xffff  }
0x3dc: {  	v56 =	vld.idx.msk [tilespmem:v62+s25+$0x0], $0xffff  }
0x3dd: {  	v55 =	vor.u32 $0x3B, v34;
	v51 =	vld.idx.msk [tilespmem:v62+s26+$0x0], $0xffff  }
0x3de: {  	v58 =	vld.idx.msk [tilespmem:v63+s25+$0x0], $0xffff  }
0x3df: {  	v57 =	vor.u32 $0x3C, v34;
	v53 =	vld.idx.msk [tilespmem:v63+s26+$0x0], $0xffff  }
0x3e0: {  	v42 =	vld.idx.msk [tilespmem:v4+s25+$0x0], $0xffff  }
0x3e1: {  	v59 =	vor.u32 $0x3D, v34;
	v4 =	vld.idx.msk [tilespmem:v4+s26+$0x0], $0xffff  }
0x3e2: {  	v60 =	vld.idx.msk [tilespmem:v55+s25+$0x0], $0xffff  }
0x3e3: {  	v61 =	vor.u32 $0x3E, v34;
	v55 =	vld.idx.msk [tilespmem:v55+s26+$0x0], $0xffff  }
0x3e4: {  	v62 =	vld.idx.msk [tilespmem:v57+s25+$0x0], $0xffff  }
0x3e5: {  	v36 =	vmul.f32 v36, v38;
	v38 =	vld.idx.msk [tilespmem:v57+s26+$0x0], $0xffff;
	v57 =	vor.u32 $0x3F, v34  }
0x3e6: {  	v63 =	vld.idx.msk [tilespmem:v59+s25+$0x0], $0xffff  }
0x3e7: {  	v37 =	vmul.f32 v37, v40;
	v40 =	vld.idx.msk [tilespmem:v59+s26+$0x0], $0xffff;
	v41 =	vmul.f32 v41, v46  }
0x3e8: {  	v46 =	vld.idx.msk [tilespmem:v61+s25+$0x0], $0xffff;
	v59 =	vmul.f32 v49, v54;
	v43 =	vmul.f32 v43, v48  }
0x3e9: {  	v36 =	vadd.f32 $0.0e+00, v36;
	v41 =	vadd.f32 $0.0e+00, v41;
	v4 =	vmul.f32 v4, v42;
	v42 =	vld.idx.msk [tilespmem:v61+s26+$0x0], $0xffff  }
0x3ea: {  	v54 =	vadd.f32 $0.0e+00, v59;
	v38 =	vmul.f32 v38, v62;
	v48 =	vld.idx.msk [tilespmem:v57+s25+$0x0], $0xffff  }
0x3eb: {  	v59 =	vmul.f32 v51, v56;
	v36 =	vadd.f32 v37, v36;
	v41 =	vadd.f32 v43, v41;
	v61 =	vld.idx.msk [tilespmem:v57+s26+$0x0], $0xffff  }
0x3ec: {  	v40 =	vmul.f32 v40, v63;
	v62 =	vmul.f32 v45, v50;
	v38 =	vadd.f32 $0.0e+00, v38  }
0x3ed: {  	v63 =	vmul.f32 v53, v58;
	v4 =	vadd.f32 v4, v36;
	v36 =	vadd.f32 v59, v54  }
0x3ee: {  	v39 =	vmul.f32 v39, v44;
	v38 =	vadd.f32 v40, v38;
	v45 =	vmul.f32 v42, v46  }
0x3ef: {  	v41 =	vadd.f32 v62, v41;
	v36 =	vadd.f32 v63, v36;
	v46 =	vmul.f32 v47, v52  }
0x3f0: {  	v47 =	vmul.f32 v55, v60;
	v50 =	vmul.f32 v61, v48;
	v38 =	vadd.f32 v45, v38  }
0x3f1: {  	v4 =	vadd.f32 v39, v4;
	v51 =	vadd.f32 v46, v41  }
0x3f2: {  	v36 =	vadd.f32 v47, v36;
	v52 =	vadd.f32 v50, v38;
	_ =	sdelay $0x1  }
0x3f3: {  	v4 =	vadd.f32 v51, v4;
	v36 =	vadd.f32 v52, v36;
	_ =	sdelay $0x1  }
0x3f4: {  	v4 =	vadd.f32 v36, v4;
	_ =	sdelay $0x1  }
0x3f5: {  	v4 =	vmul.f32 $1.442695020e+00, v4;
	_ =	sdelay $0x1  }
0x3f6: {  	(erf) = vpow2.f32 v4;
	_ =	sdelay $0x4  }
0x3f7: {  	v4 =	vor.u32 $0x3, v35  }
0x3f8: {  	v53 =	vor.u32 $0x40, v34;
	_ =	sdelay $0x1  }
0x3f9: {  	v54 =	vor.u32 $0x41, v34  }
0x3fa: {  	v55 =	vpop (erf)  }
0x3fb: {  	v56 =	vor.u32 $0x43, v34;
	[tilespmem:v4+s31+$0x0] =	vst.idx.msk $0xffff, v55  }
0x3fc: {  	v38 =	vld.idx.msk [tilespmem:v53+s25+$0x0], $0xffff  }
0x3fd: {  	v57 =	vor.u32 $0x44, v34;
	v36 =	vld.idx.msk [tilespmem:v53+s26+$0x0], $0xffff  }
0x3fe: {  	v40 =	vld.idx.msk [tilespmem:v54+s25+$0x0], $0xffff  }
0x3ff: {  	v58 =	vor.u32 $0x45, v34;
	v37 =	vld.idx.msk [tilespmem:v54+s26+$0x0], $0xffff  }
0x400: {  	v44 =	vld.idx.msk [tilespmem:v56+s25+$0x0], $0xffff  }
0x401: {  	v59 =	vor.u32 $0x46, v34;
	v39 =	vld.idx.msk [tilespmem:v56+s26+$0x0], $0xffff  }
0x402: {  	v46 =	vld.idx.msk [tilespmem:v57+s25+$0x0], $0xffff  }
0x403: {  	v60 =	vor.u32 $0x47, v34;
	v41 =	vld.idx.msk [tilespmem:v57+s26+$0x0], $0xffff  }
0x404: {  	v48 =	vld.idx.msk [tilespmem:v58+s25+$0x0], $0xffff  }
0x405: {  	v61 =	vor.u32 $0x48, v34;
	v43 =	vld.idx.msk [tilespmem:v58+s26+$0x0], $0xffff  }
0x406: {  	v50 =	vld.idx.msk [tilespmem:v59+s25+$0x0], $0xffff  }
0x407: {  	v62 =	vor.u32 $0x49, v34;
	v45 =	vld.idx.msk [tilespmem:v59+s26+$0x0], $0xffff  }
0x408: {  	v52 =	vld.idx.msk [tilespmem:v60+s25+$0x0], $0xffff  }
0x409: {  	v63 =	vor.u32 $0x4A, v34;
	v47 =	vld.idx.msk [tilespmem:v60+s26+$0x0], $0xffff  }
0x40a: {  	v54 =	vld.idx.msk [tilespmem:v61+s25+$0x0], $0xffff  }
0x40b: {  	v4 =	vor.u32 $0x42, v34;
	v49 =	vld.idx.msk [tilespmem:v61+s26+$0x0], $0xffff  }
0x40c: {  	v56 =	vld.idx.msk [tilespmem:v62+s25+$0x0], $0xffff  }
0x40d: {  	v55 =	vor.u32 $0x4B, v34;
	v51 =	vld.idx.msk [tilespmem:v62+s26+$0x0], $0xffff  }
0x40e: {  	v58 =	vld.idx.msk [tilespmem:v63+s25+$0x0], $0xffff  }
0x40f: {  	v57 =	vor.u32 $0x4C, v34;
	v53 =	vld.idx.msk [tilespmem:v63+s26+$0x0], $0xffff  }
0x410: {  	v42 =	vld.idx.msk [tilespmem:v4+s25+$0x0], $0xffff  }
0x411: {  	v59 =	vor.u32 $0x4D, v34;
	v4 =	vld.idx.msk [tilespmem:v4+s26+$0x0], $0xffff  }
0x412: {  	v60 =	vld.idx.msk [tilespmem:v55+s25+$0x0], $0xffff  }
0x413: {  	v61 =	vor.u32 $0x4E, v34;
	v55 =	vld.idx.msk [tilespmem:v55+s26+$0x0], $0xffff  }
0x414: {  	v62 =	vld.idx.msk [tilespmem:v57+s25+$0x0], $0xffff  }
0x415: {  	v36 =	vmul.f32 v36, v38;
	v38 =	vld.idx.msk [tilespmem:v57+s26+$0x0], $0xffff;
	v57 =	vor.u32 $0x4F, v34  }
0x416: {  	v63 =	vld.idx.msk [tilespmem:v59+s25+$0x0], $0xffff  }
0x417: {  	v37 =	vmul.f32 v37, v40;
	v40 =	vld.idx.msk [tilespmem:v59+s26+$0x0], $0xffff;
	v41 =	vmul.f32 v41, v46  }
0x418: {  	v46 =	vld.idx.msk [tilespmem:v61+s25+$0x0], $0xffff;
	v59 =	vmul.f32 v49, v54;
	v43 =	vmul.f32 v43, v48  }
0x419: {  	v36 =	vadd.f32 $0.0e+00, v36;
	v41 =	vadd.f32 $0.0e+00, v41;
	v4 =	vmul.f32 v4, v42;
	v42 =	vld.idx.msk [tilespmem:v61+s26+$0x0], $0xffff  }
0x41a: {  	v54 =	vadd.f32 $0.0e+00, v59;
	v38 =	vmul.f32 v38, v62;
	v48 =	vld.idx.msk [tilespmem:v57+s25+$0x0], $0xffff  }
0x41b: {  	v59 =	vmul.f32 v51, v56;
	v36 =	vadd.f32 v37, v36;
	v41 =	vadd.f32 v43, v41;
	v61 =	vld.idx.msk [tilespmem:v57+s26+$0x0], $0xffff  }
0x41c: {  	v40 =	vmul.f32 v40, v63;
	v62 =	vmul.f32 v45, v50;
	v38 =	vadd.f32 $0.0e+00, v38  }
0x41d: {  	v63 =	vmul.f32 v53, v58;
	v4 =	vadd.f32 v4, v36;
	v36 =	vadd.f32 v59, v54  }
0x41e: {  	v39 =	vmul.f32 v39, v44;
	v38 =	vadd.f32 v40, v38;
	v45 =	vmul.f32 v42, v46  }
0x41f: {  	v41 =	vadd.f32 v62, v41;
	v36 =	vadd.f32 v63, v36;
	v46 =	vmul.f32 v47, v52  }
0x420: {  	v47 =	vmul.f32 v55, v60;
	v50 =	vmul.f32 v61, v48;
	v38 =	vadd.f32 v45, v38  }
0x421: {  	v4 =	vadd.f32 v39, v4;
	v51 =	vadd.f32 v46, v41  }
0x422: {  	v36 =	vadd.f32 v47, v36;
	v52 =	vadd.f32 v50, v38;
	_ =	sdelay $0x1  }
0x423: {  	v4 =	vadd.f32 v51, v4;
	v36 =	vadd.f32 v52, v36;
	_ =	sdelay $0x1  }
0x424: {  	v4 =	vadd.f32 v36, v4;
	_ =	sdelay $0x1  }
0x425: {  	v4 =	vmul.f32 $1.442695020e+00, v4;
	_ =	sdelay $0x1  }
0x426: {  	(erf) = vpow2.f32 v4;
	_ =	sdelay $0x4  }
0x427: {  	v4 =	vor.u32 $0x4, v35  }
0x428: {  	v53 =	vor.u32 $0x50, v34;
	_ =	sdelay $0x1  }
0x429: {  	v54 =	vor.u32 $0x51, v34  }
0x42a: {  	v55 =	vpop (erf)  }
0x42b: {  	v56 =	vor.u32 $0x53, v34;
	[tilespmem:v4+s31+$0x0] =	vst.idx.msk $0xffff, v55  }
0x42c: {  	v38 =	vld.idx.msk [tilespmem:v53+s25+$0x0], $0xffff  }
0x42d: {  	v57 =	vor.u32 $0x54, v34;
	v36 =	vld.idx.msk [tilespmem:v53+s26+$0x0], $0xffff  }
0x42e: {  	v40 =	vld.idx.msk [tilespmem:v54+s25+$0x0], $0xffff  }
0x42f: {  	v58 =	vor.u32 $0x55, v34;
	v37 =	vld.idx.msk [tilespmem:v54+s26+$0x0], $0xffff  }
0x430: {  	v44 =	vld.idx.msk [tilespmem:v56+s25+$0x0], $0xffff  }
0x431: {  	v59 =	vor.u32 $0x56, v34;
	v39 =	vld.idx.msk [tilespmem:v56+s26+$0x0], $0xffff  }
0x432: {  	v46 =	vld.idx.msk [tilespmem:v57+s25+$0x0], $0xffff  }
0x433: {  	v60 =	vor.u32 $0x57, v34;
	v41 =	vld.idx.msk [tilespmem:v57+s26+$0x0], $0xffff  }
0x434: {  	v48 =	vld.idx.msk [tilespmem:v58+s25+$0x0], $0xffff  }
0x435: {  	v61 =	vor.u32 $0x58, v34;
	v43 =	vld.idx.msk [tilespmem:v58+s26+$0x0], $0xffff  }
0x436: {  	v50 =	vld.idx.msk [tilespmem:v59+s25+$0x0], $0xffff  }
0x437: {  	v62 =	vor.u32 $0x59, v34;
	v45 =	vld.idx.msk [tilespmem:v59+s26+$0x0], $0xffff  }
0x438: {  	v52 =	vld.idx.msk [tilespmem:v60+s25+$0x0], $0xffff  }
0x439: {  	v63 =	vor.u32 $0x5A, v34;
	v47 =	vld.idx.msk [tilespmem:v60+s26+$0x0], $0xffff  }
0x43a: {  	v54 =	vld.idx.msk [tilespmem:v61+s25+$0x0], $0xffff  }
0x43b: {  	v4 =	vor.u32 $0x52, v34;
	v49 =	vld.idx.msk [tilespmem:v61+s26+$0x0], $0xffff  }
0x43c: {  	v56 =	vld.idx.msk [tilespmem:v62+s25+$0x0], $0xffff  }
0x43d: {  	v55 =	vor.u32 $0x5B, v34;
	v51 =	vld.idx.msk [tilespmem:v62+s26+$0x0], $0xffff  }
0x43e: {  	v58 =	vld.idx.msk [tilespmem:v63+s25+$0x0], $0xffff  }
0x43f: {  	v57 =	vor.u32 $0x5C, v34;
	v53 =	vld.idx.msk [tilespmem:v63+s26+$0x0], $0xffff  }
0x440: {  	v42 =	vld.idx.msk [tilespmem:v4+s25+$0x0], $0xffff  }
0x441: {  	v59 =	vor.u32 $0x5D, v34;
	v4 =	vld.idx.msk [tilespmem:v4+s26+$0x0], $0xffff  }
0x442: {  	v60 =	vld.idx.msk [tilespmem:v55+s25+$0x0], $0xffff  }
0x443: {  	v61 =	vor.u32 $0x5E, v34;
	v55 =	vld.idx.msk [tilespmem:v55+s26+$0x0], $0xffff  }
0x444: {  	v62 =	vld.idx.msk [tilespmem:v57+s25+$0x0], $0xffff  }
0x445: {  	v36 =	vmul.f32 v36, v38;
	v38 =	vld.idx.msk [tilespmem:v57+s26+$0x0], $0xffff;
	v57 =	vor.u32 $0x5F, v34  }
0x446: {  	v63 =	vld.idx.msk [tilespmem:v59+s25+$0x0], $0xffff  }
0x447: {  	v37 =	vmul.f32 v37, v40;
	v40 =	vld.idx.msk [tilespmem:v59+s26+$0x0], $0xffff;
	v41 =	vmul.f32 v41, v46  }
0x448: {  	v46 =	vld.idx.msk [tilespmem:v61+s25+$0x0], $0xffff;
	v59 =	vmul.f32 v49, v54;
	v43 =	vmul.f32 v43, v48  }
0x449: {  	v36 =	vadd.f32 $0.0e+00, v36;
	v41 =	vadd.f32 $0.0e+00, v41;
	v4 =	vmul.f32 v4, v42;
	v42 =	vld.idx.msk [tilespmem:v61+s26+$0x0], $0xffff  }
0x44a: {  	v54 =	vadd.f32 $0.0e+00, v59;
	v38 =	vmul.f32 v38, v62;
	v48 =	vld.idx.msk [tilespmem:v57+s25+$0x0], $0xffff  }
0x44b: {  	v59 =	vmul.f32 v51, v56;
	v36 =	vadd.f32 v37, v36;
	v41 =	vadd.f32 v43, v41;
	v61 =	vld.idx.msk [tilespmem:v57+s26+$0x0], $0xffff  }
0x44c: {  	v40 =	vmul.f32 v40, v63;
	v62 =	vmul.f32 v45, v50;
	v38 =	vadd.f32 $0.0e+00, v38  }
0x44d: {  	v63 =	vmul.f32 v53, v58;
	v4 =	vadd.f32 v4, v36;
	v36 =	vadd.f32 v59, v54  }
0x44e: {  	v39 =	vmul.f32 v39, v44;
	v38 =	vadd.f32 v40, v38;
	v45 =	vmul.f32 v42, v46  }
0x44f: {  	v41 =	vadd.f32 v62, v41;
	v36 =	vadd.f32 v63, v36;
	v46 =	vmul.f32 v47, v52  }
0x450: {  	v47 =	vmul.f32 v55, v60;
	v50 =	vmul.f32 v61, v48;
	v38 =	vadd.f32 v45, v38  }
0x451: {  	v4 =	vadd.f32 v39, v4;
	v51 =	vadd.f32 v46, v41  }
0x452: {  	v36 =	vadd.f32 v47, v36;
	v52 =	vadd.f32 v50, v38;
	_ =	sdelay $0x1  }
0x453: {  	v4 =	vadd.f32 v51, v4;
	v36 =	vadd.f32 v52, v36;
	_ =	sdelay $0x1  }
0x454: {  	v4 =	vadd.f32 v36, v4;
	_ =	sdelay $0x1  }
0x455: {  	v4 =	vmul.f32 $1.442695020e+00, v4;
	_ =	sdelay $0x1  }
0x456: {  	(erf) = vpow2.f32 v4;
	_ =	sdelay $0x4  }
0x457: {  	v4 =	vor.u32 $0x5, v35  }
0x458: {  	v53 =	vor.u32 $0x60, v34;
	_ =	sdelay $0x1  }
0x459: {  	v54 =	vor.u32 $0x61, v34  }
0x45a: {  	v55 =	vpop (erf)  }
0x45b: {  	v56 =	vor.u32 $0x63, v34;
	[tilespmem:v4+s31+$0x0] =	vst.idx.msk $0xffff, v55  }
0x45c: {  	v38 =	vld.idx.msk [tilespmem:v53+s25+$0x0], $0xffff  }
0x45d: {  	v57 =	vor.u32 $0x64, v34;
	v36 =	vld.idx.msk [tilespmem:v53+s26+$0x0], $0xffff  }
0x45e: {  	v40 =	vld.idx.msk [tilespmem:v54+s25+$0x0], $0xffff  }
0x45f: {  	v58 =	vor.u32 $0x65, v34;
	v37 =	vld.idx.msk [tilespmem:v54+s26+$0x0], $0xffff  }
0x460: {  	v44 =	vld.idx.msk [tilespmem:v56+s25+$0x0], $0xffff  }
0x461: {  	v59 =	vor.u32 $0x66, v34;
	v39 =	vld.idx.msk [tilespmem:v56+s26+$0x0], $0xffff  }
0x462: {  	v46 =	vld.idx.msk [tilespmem:v57+s25+$0x0], $0xffff  }
0x463: {  	v60 =	vor.u32 $0x67, v34;
	v41 =	vld.idx.msk [tilespmem:v57+s26+$0x0], $0xffff  }
0x464: {  	v48 =	vld.idx.msk [tilespmem:v58+s25+$0x0], $0xffff  }
0x465: {  	v61 =	vor.u32 $0x68, v34;
	v43 =	vld.idx.msk [tilespmem:v58+s26+$0x0], $0xffff  }
0x466: {  	v50 =	vld.idx.msk [tilespmem:v59+s25+$0x0], $0xffff  }
0x467: {  	v62 =	vor.u32 $0x69, v34;
	v45 =	vld.idx.msk [tilespmem:v59+s26+$0x0], $0xffff  }
0x468: {  	v52 =	vld.idx.msk [tilespmem:v60+s25+$0x0], $0xffff  }
0x469: {  	v63 =	vor.u32 $0x6A, v34;
	v47 =	vld.idx.msk [tilespmem:v60+s26+$0x0], $0xffff  }
0x46a: {  	v54 =	vld.idx.msk [tilespmem:v61+s25+$0x0], $0xffff  }
0x46b: {  	v4 =	vor.u32 $0x62, v34;
	v49 =	vld.idx.msk [tilespmem:v61+s26+$0x0], $0xffff  }
0x46c: {  	v56 =	vld.idx.msk [tilespmem:v62+s25+$0x0], $0xffff  }
0x46d: {  	v55 =	vor.u32 $0x6B, v34;
	v51 =	vld.idx.msk [tilespmem:v62+s26+$0x0], $0xffff  }
0x46e: {  	v58 =	vld.idx.msk [tilespmem:v63+s25+$0x0], $0xffff  }
0x46f: {  	v57 =	vor.u32 $0x6C, v34;
	v53 =	vld.idx.msk [tilespmem:v63+s26+$0x0], $0xffff  }
0x470: {  	v42 =	vld.idx.msk [tilespmem:v4+s25+$0x0], $0xffff  }
0x471: {  	v59 =	vor.u32 $0x6D, v34;
	v4 =	vld.idx.msk [tilespmem:v4+s26+$0x0], $0xffff  }
0x472: {  	v60 =	vld.idx.msk [tilespmem:v55+s25+$0x0], $0xffff  }
0x473: {  	v61 =	vor.u32 $0x6E, v34;
	v55 =	vld.idx.msk [tilespmem:v55+s26+$0x0], $0xffff  }
0x474: {  	v62 =	vld.idx.msk [tilespmem:v57+s25+$0x0], $0xffff  }
0x475: {  	v36 =	vmul.f32 v36, v38;
	v38 =	vld.idx.msk [tilespmem:v57+s26+$0x0], $0xffff;
	v57 =	vor.u32 $0x6F, v34  }
0x476: {  	v63 =	vld.idx.msk [tilespmem:v59+s25+$0x0], $0xffff  }
0x477: {  	v37 =	vmul.f32 v37, v40;
	v40 =	vld.idx.msk [tilespmem:v59+s26+$0x0], $0xffff;
	v41 =	vmul.f32 v41, v46  }
0x478: {  	v46 =	vld.idx.msk [tilespmem:v61+s25+$0x0], $0xffff;
	v59 =	vmul.f32 v49, v54;
	v43 =	vmul.f32 v43, v48  }
0x479: {  	v36 =	vadd.f32 $0.0e+00, v36;
	v41 =	vadd.f32 $0.0e+00, v41;
	v4 =	vmul.f32 v4, v42;
	v42 =	vld.idx.msk [tilespmem:v61+s26+$0x0], $0xffff  }
0x47a: {  	v54 =	vadd.f32 $0.0e+00, v59;
	v38 =	vmul.f32 v38, v62;
	v48 =	vld.idx.msk [tilespmem:v57+s25+$0x0], $0xffff  }
0x47b: {  	v59 =	vmul.f32 v51, v56;
	v36 =	vadd.f32 v37, v36;
	v41 =	vadd.f32 v43, v41;
	v61 =	vld.idx.msk [tilespmem:v57+s26+$0x0], $0xffff  }
0x47c: {  	v40 =	vmul.f32 v40, v63;
	v62 =	vmul.f32 v45, v50;
	v38 =	vadd.f32 $0.0e+00, v38  }
0x47d: {  	v63 =	vmul.f32 v53, v58;
	v4 =	vadd.f32 v4, v36;
	v36 =	vadd.f32 v59, v54  }
0x47e: {  	v39 =	vmul.f32 v39, v44;
	v38 =	vadd.f32 v40, v38;
	v45 =	vmul.f32 v42, v46  }
0x47f: {  	v41 =	vadd.f32 v62, v41;
	v36 =	vadd.f32 v63, v36;
	v46 =	vmul.f32 v47, v52  }
0x480: {  	v47 =	vmul.f32 v55, v60;
	v49 =	vmul.f32 v61, v48;
	v38 =	vadd.f32 v45, v38  }
0x481: {  	v4 =	vadd.f32 v39, v4;
	v50 =	vadd.f32 v46, v41  }
0x482: {  	v36 =	vadd.f32 v47, v36;
	v51 =	vadd.f32 v49, v38;
	_ =	sdelay $0x1  }
0x483: {  	v4 =	vadd.f32 v50, v4;
	v36 =	vadd.f32 v51, v36;
	_ =	sdelay $0x1  }
0x484: {  	v4 =	vadd.f32 v36, v4;
	_ =	sdelay $0x1  }
0x485: {  	v4 =	vmul.f32 $1.442695020e+00, v4;
	_ =	sdelay $0x1  }
0x486: {  	(erf) = vpow2.f32 v4;
	_ =	sdelay $0x4  }
0x487: {  	v4 =	vor.u32 $0x6, v35  }
0x488: {  	v52 =	vor.u32 $0x70, v34;
	_ =	sdelay $0x1  }
0x489: {  	v53 =	vor.u32 $0x71, v34  }
0x48a: {  	v54 =	vpop (erf)  }
0x48b: {  	v55 =	vor.u32 $0x73, v34;
	[tilespmem:v4+s31+$0x0] =	vst.idx.msk $0xffff, v54  }
0x48c: {  	v38 =	vld.idx.msk [tilespmem:v52+s25+$0x0], $0xffff  }
0x48d: {  	v56 =	vor.u32 $0x74, v34;
	v36 =	vld.idx.msk [tilespmem:v52+s26+$0x0], $0xffff  }
0x48e: {  	v40 =	vld.idx.msk [tilespmem:v53+s25+$0x0], $0xffff  }
0x48f: {  	v57 =	vor.u32 $0x75, v34;
	v37 =	vld.idx.msk [tilespmem:v53+s26+$0x0], $0xffff  }
0x490: {  	v44 =	vld.idx.msk [tilespmem:v55+s25+$0x0], $0xffff  }
0x491: {  	v58 =	vor.u32 $0x76, v34;
	v39 =	vld.idx.msk [tilespmem:v55+s26+$0x0], $0xffff  }
0x492: {  	v46 =	vld.idx.msk [tilespmem:v56+s25+$0x0], $0xffff  }
0x493: {  	v59 =	vor.u32 $0x77, v34;
	v41 =	vld.idx.msk [tilespmem:v56+s26+$0x0], $0xffff  }
0x494: {  	v48 =	vld.idx.msk [tilespmem:v57+s25+$0x0], $0xffff  }
0x495: {  	v60 =	vor.u32 $0x78, v34;
	v43 =	vld.idx.msk [tilespmem:v57+s26+$0x0], $0xffff  }
0x496: {  	v50 =	vld.idx.msk [tilespmem:v58+s25+$0x0], $0xffff  }
0x497: {  	v61 =	vor.u32 $0x79, v34;
	v45 =	vld.idx.msk [tilespmem:v58+s26+$0x0], $0xffff  }
0x498: {  	v52 =	vld.idx.msk [tilespmem:v59+s25+$0x0], $0xffff  }
0x499: {  	v62 =	vor.u32 $0x7A, v34;
	v47 =	vld.idx.msk [tilespmem:v59+s26+$0x0], $0xffff  }
0x49a: {  	v54 =	vld.idx.msk [tilespmem:v60+s25+$0x0], $0xffff  }
0x49b: {  	v4 =	vor.u32 $0x72, v34;
	v49 =	vld.idx.msk [tilespmem:v60+s26+$0x0], $0xffff  }
0x49c: {  	v56 =	vld.idx.msk [tilespmem:v61+s25+$0x0], $0xffff  }
0x49d: {  	v55 =	vor.u32 $0x7B, v34;
	v51 =	vld.idx.msk [tilespmem:v61+s26+$0x0], $0xffff  }
0x49e: {  	v58 =	vld.idx.msk [tilespmem:v62+s25+$0x0], $0xffff  }
0x49f: {  	v57 =	vor.u32 $0x7C, v34;
	v53 =	vld.idx.msk [tilespmem:v62+s26+$0x0], $0xffff  }
0x4a0: {  	v42 =	vld.idx.msk [tilespmem:v4+s25+$0x0], $0xffff  }
0x4a1: {  	v59 =	vor.u32 $0x7D, v34;
	v4 =	vld.idx.msk [tilespmem:v4+s26+$0x0], $0xffff  }
0x4a2: {  	v60 =	vld.idx.msk [tilespmem:v55+s25+$0x0], $0xffff  }
0x4a3: {  	v61 =	vor.u32 $0x7E, v34;
	v55 =	vld.idx.msk [tilespmem:v55+s26+$0x0], $0xffff  }
0x4a4: {  	v62 =	vld.idx.msk [tilespmem:v57+s25+$0x0], $0xffff  }
0x4a5: {  	v34 =	vor.u32 $0x7F, v34;
	v63 =	vld.idx.msk [tilespmem:v57+s26+$0x0], $0xffff  }
0x4a6: {  	v36 =	vmul.f32 v36, v38;
	v57 =	vld.idx.msk [tilespmem:v59+s25+$0x0], $0xffff  }
0x4a7: {  	v37 =	vmul.f32 v37, v40;
	v40 =	vld.idx.msk [tilespmem:v59+s26+$0x0], $0xffff;
	v41 =	vmul.f32 v41, v46  }
0x4a8: {  	v46 =	vld.idx.msk [tilespmem:v61+s25+$0x0], $0xffff;
	v59 =	vmul.f32 v49, v54;
	v43 =	vmul.f32 v43, v48  }
0x4a9: {  	v61 =	vld.idx.msk [tilespmem:v61+s26+$0x0], $0xffff;
	v54 =	vmul.f32 v51, v56;
	v56 =	vmul.f32 v45, v50;
	v36 =	vadd.f32 $0.0e+00, v36  }
0x4aa: {  	v39 =	vmul.f32 v39, v44;
	v38 =	vmul.f32 v63, v62;
	v63 =	vld.idx.msk [tilespmem:v34+s25+$0x0], $0xffff  }
0x4ab: {  	v41 =	vadd.f32 $0.0e+00, v41;
	v36 =	vadd.f32 v37, v36;
	v4 =	vmul.f32 v4, v42;
	v34 =	vld.idx.msk [tilespmem:v34+s26+$0x0], $0xffff  }
0x4ac: {  	v37 =	vadd.f32 $0.0e+00, v59;
	v40 =	vmul.f32 v40, v57;
	v38 =	vadd.f32 $0.0e+00, v38  }
0x4ad: {  	v41 =	vadd.f32 v43, v41;
	v57 =	vmul.f32 v53, v58;
	v4 =	vadd.f32 v4, v36  }
0x4ae: {  	v58 =	vmul.f32 v61, v46;
	v36 =	vadd.f32 v54, v37;
	v38 =	vadd.f32 v40, v38  }
0x4af: {  	v59 =	vmul.f32 v47, v52;
	v61 =	vmul.f32 v55, v60;
	v41 =	vadd.f32 v56, v41  }
0x4b0: {  	v36 =	vadd.f32 v57, v36;
	v34 =	vmul.f32 v34, v63;
	v38 =	vadd.f32 v58, v38  }
0x4b1: {  	v4 =	vadd.f32 v39, v4;
	v62 =	vadd.f32 v59, v41  }
0x4b2: {  	v36 =	vadd.f32 v61, v36;
	v34 =	vadd.f32 v34, v38;
	_ =	sdelay $0x1  }
0x4b3: {  	v4 =	vadd.f32 v62, v4;
	v34 =	vadd.f32 v34, v36;
	_ =	sdelay $0x1  }
0x4b4: {  	v4 =	vadd.f32 v34, v4;
	_ =	sdelay $0x1  }
0x4b5: {  	v4 =	vmul.f32 $1.442695020e+00, v4;
	_ =	sdelay $0x1  }
0x4b6: {  	(erf) = vpow2.f32 v4;
	_ =	sdelay $0x4  }
0x4b7: {  	p2 =	por p1, p1;
	v4 =	vor.u32 $0x7, v35  }
.Ltmp6:
0x4b8: {  	_ = 	snop;
	(pc) =	sbr.rel @p2 .LBB2_12-.Ltmp6, $3  }
0x4b9: {  	_ =	sdelay $0x1  }
0x4ba: {  	v63 =	vpop (erf)  }
0x4bb: {  	s19 =	simm.s32 $0x10;
	p1 =	por $0x0, $0x0;
	[tilespmem:v4+s31+$0x0] =	vst.idx.msk $0xffff, v63  }
0x4bc: {  	s19 =	simm.s32 $0x0  }
0x4bd: {  	[tilespmem:s25], [sflag:$0xB] =	stream.linear.gather [hbm4b:s9+s19], $0x1000, $0x38;
	[tilespmem:$0x1C800] =	vst v63  }
0x4be: {  	_ =	swait.ge [sflag:s18], $0x1000  }
0x4bf: {  	[sflag:s18] =	ssyncset.done $0x0  }
0x4c0: {  	[sflag:s18] =	ssyncadd.s32 $0xFFFFF000  }
0x4c1: {  	v4 =	vld [tilespmem:$0x6380];
	_ =	sdelay $0x4  }
0x4c2: {  	v34 =	vshra.s32 v4, $0x3  }
0x4c3: {  	v4 =	vshll.u32 v4, $0x4;
	v34 =	vadd.s32 $0x2760, v34  }
0x4c4: {  	v4 =	vand.u32 $0x70, v4;
	[tilespmem:$0x6480] =	vst v34  }
0x4c5: {  	v3 =	vor.u32 v3, v4;
	v2 =	vld.idx.msk [tilespmem:v2+s31+$0x0], $0xffff;
	_ =	sdelay $0x4  }
0x4c6: {  	[tilespmem:v3+s25+$0x0] =	vst.idx.msk $0xffff, v2;
	v2 =	vld [tilespmem:$0x1FFF0];
	_ =	sdelay $0x7  }
0x4c7: {  	v3 =	vor.u32 v5, v4;
	v2 =	vld.idx.msk [tilespmem:v2+s31+$0x0], $0xffff;
	_ =	sdelay $0x4  }
0x4c8: {  	[tilespmem:v3+s25+$0x0] =	vst.idx.msk $0xffff, v2  }
0x4c9: {  	v3 =	vor.u32 v7, v4;
	v2 =	vld.idx.msk [tilespmem:v6+s31+$0x0], $0xffff;
	_ =	sdelay $0x4  }
0x4ca: {  	[tilespmem:v3+s25+$0x0] =	vst.idx.msk $0xffff, v2  }
0x4cb: {  	v3 =	vor.u32 v9, v4;
	v2 =	vld.idx.msk [tilespmem:v8+s31+$0x0], $0xffff;
	_ =	sdelay $0x4  }
0x4cc: {  	[tilespmem:v3+s25+$0x0] =	vst.idx.msk $0xffff, v2  }
0x4cd: {  	v3 =	vor.u32 v11, v4;
	v2 =	vld.idx.msk [tilespmem:v10+s31+$0x0], $0xffff;
	_ =	sdelay $0x4  }
0x4ce: {  	[tilespmem:v3+s25+$0x0] =	vst.idx.msk $0xffff, v2  }
0x4cf: {  	v3 =	vor.u32 v13, v4;
	v2 =	vld.idx.msk [tilespmem:v12+s31+$0x0], $0xffff;
	_ =	sdelay $0x4  }
0x4d0: {  	[tilespmem:v3+s25+$0x0] =	vst.idx.msk $0xffff, v2  }
0x4d1: {  	v3 =	vor.u32 v16, v4;
	v2 =	vld.idx.msk [tilespmem:v14+s31+$0x0], $0xffff;
	_ =	sdelay $0x4  }
0x4d2: {  	[tilespmem:v3+s25+$0x0] =	vst.idx.msk $0xffff, v2  }
0x4d3: {  	v3 =	vor.u32 v18, v4;
	v2 =	vld.idx.msk [tilespmem:v17+s31+$0x0], $0xffff;
	_ =	sdelay $0x4  }
0x4d4: {  	[tilespmem:v3+s25+$0x0] =	vst.idx.msk $0xffff, v2  }
0x4d5: {  	v2 =	vld [tilespmem:$0x6390];
	_ =	sdelay $0x4  }
0x4d6: {  	v3 =	vshra.s32 v2, $0x3  }
0x4d7: {  	v2 =	vshll.u32 v2, $0x4;
	v3 =	vadd.s32 $0x2760, v3  }
0x4d8: {  	v2 =	vand.u32 $0x70, v2;
	[tilespmem:$0x6490] =	vst v3  }
0x4d9: {  	v4 =	vor.u32 v19, v2;
	v3 =	vld.idx.msk [tilespmem:v15+s31+$0x0], $0xffff;
	_ =	sdelay $0x4  }
0x4da: {  	[tilespmem:v4+s25+$0x0] =	vst.idx.msk $0xffff, v3  }
0x4db: {  	v4 =	vor.u32 v21, v2;
	v3 =	vld.idx.msk [tilespmem:v20+s31+$0x0], $0xffff;
	_ =	sdelay $0x4  }
0x4dc: {  	[tilespmem:v4+s25+$0x0] =	vst.idx.msk $0xffff, v3  }
0x4dd: {  	v4 =	vor.u32 v23, v2;
	v3 =	vld.idx.msk [tilespmem:v22+s31+$0x0], $0xffff;
	_ =	sdelay $0x4  }
0x4de: {  	[tilespmem:v4+s25+$0x0] =	vst.idx.msk $0xffff, v3  }
0x4df: {  	v4 =	vor.u32 v25, v2;
	v3 =	vld.idx.msk [tilespmem:v24+s31+$0x0], $0xffff;
	_ =	sdelay $0x4  }
0x4e0: {  	[tilespmem:v4+s25+$0x0] =	vst.idx.msk $0xffff, v3  }
0x4e1: {  	v4 =	vor.u32 v27, v2;
	v3 =	vld.idx.msk [tilespmem:v26+s31+$0x0], $0xffff;
	_ =	sdelay $0x4  }
0x4e2: {  	[tilespmem:v4+s25+$0x0] =	vst.idx.msk $0xffff, v3  }
0x4e3: {  	v4 =	vor.u32 v29, v2;
	v3 =	vld.idx.msk [tilespmem:v28+s31+$0x0], $0xffff;
	_ =	sdelay $0x4  }
0x4e4: {  	[tilespmem:v4+s25+$0x0] =	vst.idx.msk $0xffff, v3  }
0x4e5: {  	v4 =	vor.u32 v31, v2;
	v3 =	vld.idx.msk [tilespmem:v30+s31+$0x0], $0xffff;
	_ =	sdelay $0x4  }
0x4e6: {  	[tilespmem:v4+s25+$0x0] =	vst.idx.msk $0xffff, v3  }
0x4e7: {  	v2 =	vor.u32 v33, v2;
	v3 =	vld.idx.msk [tilespmem:v32+s31+$0x0], $0xffff  }
0x4e8: {  	v4 =	vmov s19  }
0x4e9: {  	v4 =	vand.u32 $0xFFFFFFE0, v4  }
0x4ea: {  	v4 =	vbroadcast v4, $0x0;
	_ =	sdelay $0x1  }
0x4eb: {  	[tilespmem:v2+s25+$0x0] =	vst.idx.msk $0xffff, v3  }
0x4ec: {  	_ =	swait.ge [sflag:s14], $0x1000  }
0x4ed: {  	[sflag:s14] =	ssyncset.done $0x0  }
0x4ee: {  	[sflag:s14] =	ssyncadd.s32 $0xFFFFF000  }
0x4ef: {  	s20 =	simm.s32 $0x1;
	s19 =	simm.s32 $0x5080;
	v2 =	vld.idx.msk [tilespmem:v4+s31+$0x0], $0xffff  }
0x4f0: {  	v3 =	vld [tilespmem:s19+$0xFFFFFF80];
	v4 =	vmov s20  }
0x4f1: {  	v4 =	vand.u32 $0xFFFFFFE1, v4  }
0x4f2: {  	v4 =	vbroadcast v4, $0x0;
	_ =	sdelay $0x2  }
0x4f3: {  	v2 =	vmul.f32 v3, v2;
	_ =	sdelay $0x1  }
0x4f4: {  	s23 =	simm.s32 $0x2;
	v3 =	vld [tilespmem:s19+$0xFFFFFF90];
	[tilespmem:s19+$0xFFFFFF80] =	vst v2  }
0x4f5: {  	v2 =	vld.idx.msk [tilespmem:v4+s31+$0x0], $0xffff;
	v4 =	vmov s23  }
0x4f6: {  	v4 =	vand.u32 $0xFFFFFFE2, v4  }
0x4f7: {  	v4 =	vbroadcast v4, $0x0;
	_ =	sdelay $0x2  }
0x4f8: {  	v2 =	vmul.f32 v3, v2;
	_ =	sdelay $0x1  }
0x4f9: {  	s24 =	simm.s32 $0x3;
	v3 =	vld [tilespmem:s19+$0xFFFFFFA0];
	[tilespmem:s19+$0xFFFFFF90] =	vst v2  }
0x4fa: {  	v2 =	vld.idx.msk [tilespmem:v4+s31+$0x0], $0xffff;
	v4 =	vmov s24  }
0x4fb: {  	v4 =	vand.u32 $0xFFFFFFE3, v4  }
0x4fc: {  	v4 =	vbroadcast v4, $0x0;
	_ =	sdelay $0x2  }
0x4fd: {  	v2 =	vmul.f32 v3, v2;
	_ =	sdelay $0x1  }
0x4fe: {  	s0 =	simm.s32 $0x4;
	v3 =	vld [tilespmem:s19+$0xFFFFFFB0];
	[tilespmem:s19+$0xFFFFFFA0] =	vst v2  }
0x4ff: {  	v2 =	vld.idx.msk [tilespmem:v4+s31+$0x0], $0xffff;
	v4 =	vmov s0  }
0x500: {  	v4 =	vand.u32 $0xFFFFFFE4, v4  }
0x501: {  	v4 =	vbroadcast v4, $0x0;
	_ =	sdelay $0x2  }
0x502: {  	v2 =	vmul.f32 v3, v2;
	_ =	sdelay $0x1  }
0x503: {  	s23 =	simm.s32 $0x5;
	v3 =	vld [tilespmem:s19+$0xFFFFFFC0];
	[tilespmem:s19+$0xFFFFFFB0] =	vst v2  }
0x504: {  	v2 =	vld.idx.msk [tilespmem:v4+s31+$0x0], $0xffff;
	v4 =	vmov s23  }
0x505: {  	v4 =	vand.u32 $0xFFFFFFE5, v4  }
0x506: {  	v4 =	vbroadcast v4, $0x0;
	_ =	sdelay $0x2  }
0x507: {  	v2 =	vmul.f32 v3, v2;
	_ =	sdelay $0x1  }
0x508: {  	s24 =	simm.s32 $0x6;
	v3 =	vld [tilespmem:s19+$0xFFFFFFD0];
	[tilespmem:s19+$0xFFFFFFC0] =	vst v2  }
0x509: {  	v2 =	vld.idx.msk [tilespmem:v4+s31+$0x0], $0xffff;
	v4 =	vmov s24  }
0x50a: {  	v4 =	vand.u32 $0xFFFFFFE6, v4  }
0x50b: {  	v4 =	vbroadcast v4, $0x0;
	_ =	sdelay $0x2  }
0x50c: {  	v2 =	vmul.f32 v3, v2;
	_ =	sdelay $0x1  }
0x50d: {  	s0 =	simm.s32 $0x7;
	v3 =	vld [tilespmem:s19+$0xFFFFFFE0];
	[tilespmem:s19+$0xFFFFFFD0] =	vst v2  }
0x50e: {  	v2 =	vld.idx.msk [tilespmem:v4+s31+$0x0], $0xffff;
	v4 =	vmov s0  }
0x50f: {  	v4 =	vand.u32 $0xFFFFFFE7, v4  }
0x510: {  	v4 =	vbroadcast v4, $0x0;
	_ =	sdelay $0x2  }
0x511: {  	v2 =	vmul.f32 v3, v2;
	_ =	sdelay $0x1  }
0x512: {  	s23 =	simm.s32 $0x10;
	v3 =	vld [tilespmem:s19+$0xFFFFFFF0];
	[tilespmem:s19+$0xFFFFFFE0] =	vst v2  }
0x513: {  	v2 =	vld.idx.msk [tilespmem:v4+s31+$0x0], $0xffff;
	v4 =	vmov s23  }
0x514: {  	v4 =	vand.u32 $0xFFFFFFF0, v4  }
0x515: {  	v4 =	vbroadcast v4, $0x0;
	_ =	sdelay $0x2  }
0x516: {  	v2 =	vmul.f32 v3, v2;
	_ =	sdelay $0x1  }
0x517: {  	s24 =	simm.s32 $0x11;
	v3 =	vld [tilespmem:s19+$0x0];
	[tilespmem:s19+$0xFFFFFFF0] =	vst v2  }
0x518: {  	v2 =	vld.idx.msk [tilespmem:v4+s31+$0x0], $0xffff;
	v4 =	vmov s24  }
0x519: {  	v4 =	vand.u32 $0xFFFFFFF1, v4  }
0x51a: {  	v4 =	vbroadcast v4, $0x0;
	_ =	sdelay $0x2  }
0x51b: {  	v2 =	vmul.f32 v3, v2;
	_ =	sdelay $0x1  }
0x51c: {  	s0 =	simm.s32 $0x12;
	v3 =	vld [tilespmem:s19+$0x10];
	[tilespmem:s19+$0x0] =	vst v2  }
0x51d: {  	v2 =	vld.idx.msk [tilespmem:v4+s31+$0x0], $0xffff;
	v4 =	vmov s0  }
0x51e: {  	v4 =	vand.u32 $0xFFFFFFF2, v4  }
0x51f: {  	v4 =	vbroadcast v4, $0x0;
	_ =	sdelay $0x2  }
0x520: {  	v2 =	vmul.f32 v3, v2;
	_ =	sdelay $0x1  }
0x521: {  	s23 =	simm.s32 $0x13;
	v3 =	vld [tilespmem:s19+$0x20];
	[tilespmem:s19+$0x10] =	vst v2  }
0x522: {  	v2 =	vld.idx.msk [tilespmem:v4+s31+$0x0], $0xffff;
	v4 =	vmov s23  }
0x523: {  	v4 =	vand.u32 $0xFFFFFFF3, v4  }
0x524: {  	v4 =	vbroadcast v4, $0x0;
	_ =	sdelay $0x2  }
0x525: {  	v2 =	vmul.f32 v3, v2;
	_ =	sdelay $0x1  }
0x526: {  	s24 =	simm.s32 $0x14;
	v3 =	vld [tilespmem:s19+$0x30];
	[tilespmem:s19+$0x20] =	vst v2  }
0x527: {  	v2 =	vld.idx.msk [tilespmem:v4+s31+$0x0], $0xffff;
	v4 =	vmov s24  }
0x528: {  	v4 =	vand.u32 $0xFFFFFFF4, v4  }
0x529: {  	v4 =	vbroadcast v4, $0x0;
	_ =	sdelay $0x2  }
0x52a: {  	v2 =	vmul.f32 v3, v2;
	_ =	sdelay $0x1  }
0x52b: {  	s0 =	simm.s32 $0x15;
	v3 =	vld [tilespmem:s19+$0x40];
	[tilespmem:s19+$0x30] =	vst v2  }
0x52c: {  	v2 =	vld.idx.msk [tilespmem:v4+s31+$0x0], $0xffff;
	v4 =	vmov s0  }
0x52d: {  	v4 =	vand.u32 $0xFFFFFFF5, v4  }
0x52e: {  	v4 =	vbroadcast v4, $0x0;
	_ =	sdelay $0x2  }
0x52f: {  	v2 =	vmul.f32 v3, v2;
	_ =	sdelay $0x1  }
0x530: {  	s23 =	simm.s32 $0x16;
	v3 =	vld [tilespmem:s19+$0x50];
	[tilespmem:s19+$0x40] =	vst v2  }
0x531: {  	v2 =	vld.idx.msk [tilespmem:v4+s31+$0x0], $0xffff;
	v4 =	vmov s23  }
0x532: {  	v4 =	vand.u32 $0xFFFFFFF6, v4  }
0x533: {  	v4 =	vbroadcast v4, $0x0;
	_ =	sdelay $0x2  }
0x534: {  	v2 =	vmul.f32 v3, v2;
	_ =	sdelay $0x1  }
0x535: {  	s24 =	simm.s32 $0x17;
	v3 =	vld [tilespmem:s19+$0x60];
	[tilespmem:s19+$0x50] =	vst v2  }
0x536: {  	v2 =	vld.idx.msk [tilespmem:v4+s31+$0x0], $0xffff;
	v4 =	vmov s24  }
0x537: {  	v4 =	vand.u32 $0xFFFFFFF7, v4  }
0x538: {  	v4 =	vbroadcast v4, $0x0;
	_ =	sdelay $0x2  }
0x539: {  	v2 =	vmul.f32 v3, v2;
	_ =	sdelay $0x1  }
0x53a: {  	s20 =	simm.s32 $0x20;
	v3 =	vld [tilespmem:s19+$0x70];
	[tilespmem:s19+$0x60] =	vst v2  }
0x53b: {  	s23 =	simm.s32 $0x40;
	v2 =	vld.idx.msk [tilespmem:v4+s31+$0x0], $0xffff;
	v4 =	vmov s20  }
.LBB2_14:
0x53c: {  	p1 =	sne.s32 s23, $0x1E0;
	v4 =	vand.u32 $0xFFFFFFE0, v4  }
0x53d: {  	v4 =	vbroadcast v4, $0x0;
	_ =	sdelay $0x2  }
0x53e: {  	v2 =	vmul.f32 v3, v2;
	_ =	sdelay $0x1  }
0x53f: {  	[tilespmem:s19+$0x70] =	vst v2  }
0x540: {  	s24 =	sadd.s32 $0x1, s20;
	s19 =	sadd.s32 $0x100, s19;
	v2 =	vld.idx.msk [tilespmem:v4+s31+$0x0], $0xffff  }
0x541: {  	v4 =	vmov s24;
	v3 =	vld [tilespmem:s19+$0xFFFFFF80]  }
0x542: {  	v4 =	vand.u32 $0xFFFFFFE1, v4  }
0x543: {  	v4 =	vbroadcast v4, $0x0;
	_ =	sdelay $0x2  }
0x544: {  	v2 =	vmul.f32 v3, v2;
	_ =	sdelay $0x1  }
0x545: {  	[tilespmem:s19+$0xFFFFFF80] =	vst v2  }
0x546: {  	s24 =	sadd.s32 $0x2, s20;
	v2 =	vld.idx.msk [tilespmem:v4+s31+$0x0], $0xffff  }
0x547: {  	v4 =	vmov s24;
	v3 =	vld [tilespmem:s19+$0xFFFFFF90]  }
0x548: {  	v4 =	vand.u32 $0xFFFFFFE2, v4  }
0x549: {  	v4 =	vbroadcast v4, $0x0;
	_ =	sdelay $0x2  }
0x54a: {  	v2 =	vmul.f32 v3, v2;
	_ =	sdelay $0x1  }
0x54b: {  	[tilespmem:s19+$0xFFFFFF90] =	vst v2  }
0x54c: {  	s24 =	sadd.s32 $0x3, s20;
	v2 =	vld.idx.msk [tilespmem:v4+s31+$0x0], $0xffff  }
0x54d: {  	v4 =	vmov s24;
	v3 =	vld [tilespmem:s19+$0xFFFFFFA0]  }
0x54e: {  	v4 =	vand.u32 $0xFFFFFFE3, v4  }
0x54f: {  	v4 =	vbroadcast v4, $0x0;
	_ =	sdelay $0x2  }
0x550: {  	v2 =	vmul.f32 v3, v2;
	_ =	sdelay $0x1  }
0x551: {  	[tilespmem:s19+$0xFFFFFFA0] =	vst v2  }
0x552: {  	s24 =	sadd.s32 $0x4, s20;
	v2 =	vld.idx.msk [tilespmem:v4+s31+$0x0], $0xffff  }
0x553: {  	v4 =	vmov s24;
	v3 =	vld [tilespmem:s19+$0xFFFFFFB0]  }
0x554: {  	v4 =	vand.u32 $0xFFFFFFE4, v4  }
0x555: {  	v4 =	vbroadcast v4, $0x0;
	_ =	sdelay $0x2  }
0x556: {  	v2 =	vmul.f32 v3, v2;
	_ =	sdelay $0x1  }
0x557: {  	[tilespmem:s19+$0xFFFFFFB0] =	vst v2  }
0x558: {  	s24 =	sadd.s32 $0x5, s20;
	v2 =	vld.idx.msk [tilespmem:v4+s31+$0x0], $0xffff  }
0x559: {  	v4 =	vmov s24;
	v3 =	vld [tilespmem:s19+$0xFFFFFFC0]  }
0x55a: {  	v4 =	vand.u32 $0xFFFFFFE5, v4  }
0x55b: {  	v4 =	vbroadcast v4, $0x0;
	_ =	sdelay $0x2  }
0x55c: {  	v2 =	vmul.f32 v3, v2;
	_ =	sdelay $0x1  }
0x55d: {  	[tilespmem:s19+$0xFFFFFFC0] =	vst v2  }
0x55e: {  	s24 =	sadd.s32 $0x6, s20;
	v2 =	vld.idx.msk [tilespmem:v4+s31+$0x0], $0xffff  }
0x55f: {  	v4 =	vmov s24;
	v3 =	vld [tilespmem:s19+$0xFFFFFFD0]  }
0x560: {  	v4 =	vand.u32 $0xFFFFFFE6, v4  }
0x561: {  	v4 =	vbroadcast v4, $0x0;
	_ =	sdelay $0x2  }
0x562: {  	v2 =	vmul.f32 v3, v2;
	_ =	sdelay $0x1  }
0x563: {  	[tilespmem:s19+$0xFFFFFFD0] =	vst v2  }
0x564: {  	s24 =	sadd.s32 $0x7, s20;
	v2 =	vld.idx.msk [tilespmem:v4+s31+$0x0], $0xffff  }
0x565: {  	v4 =	vmov s24;
	v3 =	vld [tilespmem:s19+$0xFFFFFFE0]  }
0x566: {  	v4 =	vand.u32 $0xFFFFFFE7, v4  }
0x567: {  	v4 =	vbroadcast v4, $0x0;
	_ =	sdelay $0x2  }
0x568: {  	v2 =	vmul.f32 v3, v2;
	_ =	sdelay $0x1  }
0x569: {  	[tilespmem:s19+$0xFFFFFFE0] =	vst v2  }
0x56a: {  	s24 =	sadd.s32 $0x10, s20;
	v2 =	vld.idx.msk [tilespmem:v4+s31+$0x0], $0xffff  }
0x56b: {  	v4 =	vmov s24;
	v3 =	vld [tilespmem:s19+$0xFFFFFFF0]  }
0x56c: {  	v4 =	vand.u32 $0xFFFFFFF0, v4  }
0x56d: {  	v4 =	vbroadcast v4, $0x0;
	_ =	sdelay $0x2  }
0x56e: {  	v2 =	vmul.f32 v3, v2;
	_ =	sdelay $0x1  }
0x56f: {  	[tilespmem:s19+$0xFFFFFFF0] =	vst v2  }
0x570: {  	s24 =	sadd.s32 $0x11, s20;
	v2 =	vld.idx.msk [tilespmem:v4+s31+$0x0], $0xffff  }
0x571: {  	v4 =	vmov s24;
	v3 =	vld [tilespmem:s19+$0x0]  }
0x572: {  	v4 =	vand.u32 $0xFFFFFFF1, v4  }
0x573: {  	v4 =	vbroadcast v4, $0x0;
	_ =	sdelay $0x2  }
0x574: {  	v2 =	vmul.f32 v3, v2;
	_ =	sdelay $0x1  }
0x575: {  	[tilespmem:s19+$0x0] =	vst v2  }
0x576: {  	s24 =	sadd.s32 $0x12, s20;
	v2 =	vld.idx.msk [tilespmem:v4+s31+$0x0], $0xffff  }
0x577: {  	v4 =	vmov s24;
	v3 =	vld [tilespmem:s19+$0x10]  }
0x578: {  	v4 =	vand.u32 $0xFFFFFFF2, v4  }
0x579: {  	v4 =	vbroadcast v4, $0x0;
	_ =	sdelay $0x2  }
0x57a: {  	v2 =	vmul.f32 v3, v2;
	_ =	sdelay $0x1  }
0x57b: {  	[tilespmem:s19+$0x10] =	vst v2  }
0x57c: {  	s24 =	sadd.s32 $0x13, s20;
	v2 =	vld.idx.msk [tilespmem:v4+s31+$0x0], $0xffff  }
0x57d: {  	v4 =	vmov s24;
	v3 =	vld [tilespmem:s19+$0x20]  }
0x57e: {  	v4 =	vand.u32 $0xFFFFFFF3, v4  }
0x57f: {  	v4 =	vbroadcast v4, $0x0;
	_ =	sdelay $0x2  }
0x580: {  	v2 =	vmul.f32 v3, v2;
	_ =	sdelay $0x1  }
0x581: {  	[tilespmem:s19+$0x20] =	vst v2  }
0x582: {  	s24 =	sadd.s32 $0x14, s20;
	v2 =	vld.idx.msk [tilespmem:v4+s31+$0x0], $0xffff  }
0x583: {  	v4 =	vmov s24;
	v3 =	vld [tilespmem:s19+$0x30]  }
0x584: {  	v4 =	vand.u32 $0xFFFFFFF4, v4  }
0x585: {  	v4 =	vbroadcast v4, $0x0;
	_ =	sdelay $0x2  }
0x586: {  	v2 =	vmul.f32 v3, v2;
	_ =	sdelay $0x1  }
0x587: {  	[tilespmem:s19+$0x30] =	vst v2  }
0x588: {  	s24 =	sadd.s32 $0x15, s20;
	v2 =	vld.idx.msk [tilespmem:v4+s31+$0x0], $0xffff  }
0x589: {  	v4 =	vmov s24;
	v3 =	vld [tilespmem:s19+$0x40]  }
0x58a: {  	v4 =	vand.u32 $0xFFFFFFF5, v4  }
0x58b: {  	v4 =	vbroadcast v4, $0x0;
	_ =	sdelay $0x2  }
0x58c: {  	v2 =	vmul.f32 v3, v2;
	_ =	sdelay $0x1  }
0x58d: {  	[tilespmem:s19+$0x40] =	vst v2  }
0x58e: {  	s24 =	sadd.s32 $0x16, s20;
	v2 =	vld.idx.msk [tilespmem:v4+s31+$0x0], $0xffff  }
0x58f: {  	v4 =	vmov s24;
	v3 =	vld [tilespmem:s19+$0x50]  }
0x590: {  	v4 =	vand.u32 $0xFFFFFFF6, v4  }
0x591: {  	v4 =	vbroadcast v4, $0x0;
	_ =	sdelay $0x2  }
0x592: {  	v2 =	vmul.f32 v3, v2;
	_ =	sdelay $0x1  }
0x593: {  	[tilespmem:s19+$0x50] =	vst v2  }
0x594: {  	s24 =	sadd.s32 $0x17, s20;
	s20 =	smov.u32 s23;
	v2 =	vld.idx.msk [tilespmem:v4+s31+$0x0], $0xffff  }
0x595: {  	v4 =	vmov s24;
	v3 =	vld [tilespmem:s19+$0x60]  }
0x596: {  	v4 =	vand.u32 $0xFFFFFFF7, v4  }
0x597: {  	v4 =	vbroadcast v4, $0x0;
	_ =	sdelay $0x2  }
.Ltmp7:
0x598: {  	v2 =	vmul.f32 v3, v2;
	(pc) =	sbr.rel @p1 .LBB2_14-.Ltmp7, $4  }
0x599: {  	_ = 	snop  }
0x59a: {  	[tilespmem:s19+$0x60] =	vst v2  }
0x59b: {  	v2 =	vld.idx.msk [tilespmem:v4+s31+$0x0], $0xffff  }
0x59c: {  	s23 =	sadd.s32 $0x20, s23;
	v4 =	vmov s20;
	v3 =	vld [tilespmem:s19+$0x70]  }
0x59d: {  	v4 =	vand.u32 $0xFFFFFFE0, v4  }
0x59e: {  	v4 =	vbroadcast v4, $0x0;
	_ =	sdelay $0x2  }
0x59f: {  	v2 =	vmul.f32 v3, v2;
	_ =	sdelay $0x1  }
0x5a0: {  	[tilespmem:s19+$0x70] =	vst v2  }
0x5a1: {  	s23 =	sadd.s32 $0x1, s20;
	s19 =	sadd.s32 $0x100, s19;
	v2 =	vld.idx.msk [tilespmem:v4+s31+$0x0], $0xffff  }
0x5a2: {  	v49 =	vmov s23;
	v3 =	vld [tilespmem:s19+$0xFFFFFF80]  }
0x5a3: {  	v4 =	vand.u32 $0xFFFFFFE1, v49  }
0x5a4: {  	v4 =	vbroadcast v4, $0x0;
	_ =	sdelay $0x2  }
0x5a5: {  	v2 =	vmul.f32 v3, v2;
	_ =	sdelay $0x1  }
0x5a6: {  	s0 =	sadd.s32 $0x2, s20;
	v3 =	vld [tilespmem:s19+$0xFFFFFF90];
	[tilespmem:s19+$0xFFFFFF80] =	vst v2  }
0x5a7: {  	v50 =	vmov s0;
	v2 =	vld.idx.msk [tilespmem:v4+s31+$0x0], $0xffff  }
0x5a8: {  	v4 =	vand.u32 $0xFFFFFFE2, v50  }
0x5a9: {  	v4 =	vbroadcast v4, $0x0;
	_ =	sdelay $0x2  }
0x5aa: {  	v2 =	vmul.f32 v3, v2;
	_ =	sdelay $0x1  }
0x5ab: {  	s24 =	sadd.s32 $0x3, s20;
	v3 =	vld [tilespmem:s19+$0xFFFFFFA0];
	[tilespmem:s19+$0xFFFFFF90] =	vst v2  }
0x5ac: {  	v51 =	vmov s24;
	v2 =	vld.idx.msk [tilespmem:v4+s31+$0x0], $0xffff  }
0x5ad: {  	v4 =	vand.u32 $0xFFFFFFE3, v51  }
0x5ae: {  	v4 =	vbroadcast v4, $0x0;
	_ =	sdelay $0x2  }
0x5af: {  	v2 =	vmul.f32 v3, v2;
	_ =	sdelay $0x1  }
0x5b0: {  	s0 =	sadd.s32 $0x4, s20;
	v3 =	vld [tilespmem:s19+$0xFFFFFFB0];
	[tilespmem:s19+$0xFFFFFFA0] =	vst v2  }
0x5b1: {  	v52 =	vmov s0;
	v2 =	vld.idx.msk [tilespmem:v4+s31+$0x0], $0xffff  }
0x5b2: {  	v4 =	vand.u32 $0xFFFFFFE4, v52  }
0x5b3: {  	v4 =	vbroadcast v4, $0x0;
	_ =	sdelay $0x2  }
0x5b4: {  	v2 =	vmul.f32 v3, v2;
	_ =	sdelay $0x1  }
0x5b5: {  	s24 =	sadd.s32 $0x5, s20;
	v3 =	vld [tilespmem:s19+$0xFFFFFFC0];
	[tilespmem:s19+$0xFFFFFFB0] =	vst v2  }
0x5b6: {  	v53 =	vmov s24;
	v2 =	vld.idx.msk [tilespmem:v4+s31+$0x0], $0xffff  }
0x5b7: {  	v4 =	vand.u32 $0xFFFFFFE5, v53  }
0x5b8: {  	v4 =	vbroadcast v4, $0x0;
	_ =	sdelay $0x2  }
0x5b9: {  	v2 =	vmul.f32 v3, v2;
	_ =	sdelay $0x1  }
0x5ba: {  	s0 =	sadd.s32 $0x6, s20;
	v3 =	vld [tilespmem:s19+$0xFFFFFFD0];
	[tilespmem:s19+$0xFFFFFFC0] =	vst v2  }
0x5bb: {  	v54 =	vmov s0;
	v2 =	vld.idx.msk [tilespmem:v4+s31+$0x0], $0xffff  }
0x5bc: {  	v4 =	vand.u32 $0xFFFFFFE6, v54  }
0x5bd: {  	v4 =	vbroadcast v4, $0x0;
	_ =	sdelay $0x2  }
0x5be: {  	v2 =	vmul.f32 v3, v2;
	_ =	sdelay $0x1  }
0x5bf: {  	s24 =	sadd.s32 $0x7, s20;
	v3 =	vld [tilespmem:s19+$0xFFFFFFE0];
	[tilespmem:s19+$0xFFFFFFD0] =	vst v2  }
0x5c0: {  	v55 =	vmov s24;
	v2 =	vld.idx.msk [tilespmem:v4+s31+$0x0], $0xffff  }
0x5c1: {  	v4 =	vand.u32 $0xFFFFFFE7, v55  }
0x5c2: {  	v4 =	vbroadcast v4, $0x0;
	_ =	sdelay $0x2  }
0x5c3: {  	v2 =	vmul.f32 v3, v2;
	_ =	sdelay $0x1  }
0x5c4: {  	s0 =	sadd.s32 $0x10, s20;
	v3 =	vld [tilespmem:s19+$0xFFFFFFF0];
	[tilespmem:s19+$0xFFFFFFE0] =	vst v2  }
0x5c5: {  	v56 =	vmov s0;
	v2 =	vld.idx.msk [tilespmem:v4+s31+$0x0], $0xffff  }
0x5c6: {  	v4 =	vand.u32 $0xFFFFFFF0, v56  }
0x5c7: {  	v4 =	vbroadcast v4, $0x0;
	_ =	sdelay $0x2  }
0x5c8: {  	v2 =	vmul.f32 v3, v2;
	_ =	sdelay $0x1  }
0x5c9: {  	s24 =	sadd.s32 $0x11, s20;
	v3 =	vld [tilespmem:s19+$0x0];
	[tilespmem:s19+$0xFFFFFFF0] =	vst v2  }
0x5ca: {  	v57 =	vmov s24;
	v2 =	vld.idx.msk [tilespmem:v4+s31+$0x0], $0xffff  }
0x5cb: {  	v4 =	vand.u32 $0xFFFFFFF1, v57  }
0x5cc: {  	v4 =	vbroadcast v4, $0x0;
	_ =	sdelay $0x2  }
0x5cd: {  	v2 =	vmul.f32 v3, v2;
	_ =	sdelay $0x1  }
0x5ce: {  	s0 =	sadd.s32 $0x12, s20;
	v3 =	vld [tilespmem:s19+$0x10];
	[tilespmem:s19+$0x0] =	vst v2  }
0x5cf: {  	v58 =	vmov s0;
	v2 =	vld.idx.msk [tilespmem:v4+s31+$0x0], $0xffff  }
0x5d0: {  	v4 =	vand.u32 $0xFFFFFFF2, v58  }
0x5d1: {  	v4 =	vbroadcast v4, $0x0;
	_ =	sdelay $0x2  }
0x5d2: {  	v2 =	vmul.f32 v3, v2;
	_ =	sdelay $0x1  }
0x5d3: {  	s24 =	sadd.s32 $0x13, s20;
	v3 =	vld [tilespmem:s19+$0x20];
	[tilespmem:s19+$0x10] =	vst v2  }
0x5d4: {  	v59 =	vmov s24;
	v2 =	vld.idx.msk [tilespmem:v4+s31+$0x0], $0xffff  }
0x5d5: {  	v4 =	vand.u32 $0xFFFFFFF3, v59  }
0x5d6: {  	v4 =	vbroadcast v4, $0x0;
	_ =	sdelay $0x2  }
0x5d7: {  	v2 =	vmul.f32 v3, v2;
	_ =	sdelay $0x1  }
0x5d8: {  	s0 =	sadd.s32 $0x14, s20;
	v3 =	vld [tilespmem:s19+$0x30];
	[tilespmem:s19+$0x20] =	vst v2  }
0x5d9: {  	v60 =	vmov s0;
	v2 =	vld.idx.msk [tilespmem:v4+s31+$0x0], $0xffff  }
0x5da: {  	v4 =	vand.u32 $0xFFFFFFF4, v60  }
0x5db: {  	v4 =	vbroadcast v4, $0x0;
	_ =	sdelay $0x2  }
0x5dc: {  	v2 =	vmul.f32 v3, v2;
	_ =	sdelay $0x1  }
0x5dd: {  	s24 =	sadd.s32 $0x15, s20;
	v3 =	vld [tilespmem:s19+$0x40];
	[tilespmem:s19+$0x30] =	vst v2  }
0x5de: {  	v61 =	vmov s24;
	v2 =	vld.idx.msk [tilespmem:v4+s31+$0x0], $0xffff  }
0x5df: {  	v4 =	vand.u32 $0xFFFFFFF5, v61  }
0x5e0: {  	v4 =	vbroadcast v4, $0x0;
	_ =	sdelay $0x2  }
0x5e1: {  	v2 =	vmul.f32 v3, v2;
	_ =	sdelay $0x1  }
0x5e2: {  	s0 =	sadd.s32 $0x16, s20;
	v3 =	vld [tilespmem:s19+$0x50];
	[tilespmem:s19+$0x40] =	vst v2  }
0x5e3: {  	v62 =	vmov s0;
	v2 =	vld.idx.msk [tilespmem:v4+s31+$0x0], $0xffff  }
0x5e4: {  	v4 =	vand.u32 $0xFFFFFFF6, v62  }
0x5e5: {  	v4 =	vbroadcast v4, $0x0;
	_ =	sdelay $0x2  }
0x5e6: {  	v2 =	vmul.f32 v3, v2;
	_ =	sdelay $0x1  }
0x5e7: {  	s24 =	sadd.s32 $0x17, s20;
	v3 =	vld [tilespmem:s19+$0x60];
	[tilespmem:s19+$0x50] =	vst v2  }
0x5e8: {  	v63 =	vmov s24;
	v2 =	vld.idx.msk [tilespmem:v4+s31+$0x0], $0xffff  }
0x5e9: {  	v4 =	vand.u32 $0xFFFFFFF7, v63  }
0x5ea: {  	v4 =	vbroadcast v4, $0x0;
	_ =	sdelay $0x2  }
0x5eb: {  	v2 =	vmul.f32 v3, v2;
	_ =	sdelay $0x1  }
0x5ec: {  	v3 =	vld [tilespmem:s19+$0x70];
	[tilespmem:s19+$0x60] =	vst v2  }
0x5ed: {  	v2 =	vld.idx.msk [tilespmem:v4+s31+$0x0], $0xffff;
	_ =	sdelay $0x4  }
0x5ee: {  	v2 =	vmul.f32 v3, v2;
	_ =	sdelay $0x1  }
0x5ef: {  	[tilespmem:s19+$0x70] =	vst v2  }
0x5f0: {  	_ =	swait.ge [sflag:s10], $0x1000  }
0x5f1: {  	[sflag:s10] =	ssyncset.done $0x0  }
0x5f2: {  	[sflag:s10] =	ssyncadd.s32 $0xFFFFF000  }
0x5f3: {  	_ =	swait.ge [sflag:s15], $0x1000  }
0x5f4: {  	[sflag:s15] =	ssyncset.done $0x0  }
0x5f5: {  	s0 =	simm.s32 $0x5000;
	[sflag:s15] =	ssyncadd.s32 $0xFFFFF000  }
0x5f6: {  	[spmem:s2] =	stream.indirect.scatter.add.f32 [tilespmem:s0], [sflag:$0x9], $0x80, s30, s21, $0xb8;
	[tilespmem:$0x1C800] =	vst v63  }
0x5f7: {  	s28 =	sadd.s32 $0x1, s28;
	s30 =	simm.s32 $0x6480  }
0x5f8: {  	[spmem:s2] =	stream.indirect.scatter.add.f32 [tilespmem:s25], [sflag:$0xA], $0x80, s30, s21, $0xb8;
	[tilespmem:$0x1C800] =	vst v63  }
0x5f9: {  	p1 =	sne.s32 s28, $0x9D;
	_ =	swait.ge [sflag:s3], $0x1000  }
.Ltmp8:
0x5fa: {  	[sflag:s3] =	ssyncset.done $0x0;
	(pc) =	sbr.rel @p1 .LBB2_7-.Ltmp8, $4  }
0x5fb: {  	[sflag:s3] =	ssyncadd.s32 $0xFFFFF000  }
0x5fc: {  	_ =	swait.ge [sflag:s1], $0x1000  }
0x5fd: {  	[sflag:s1] =	ssyncset.done $0x0  }
0x5fe: {  	[sflag:s1] =	ssyncadd.s32 $0xFFFFF000  }
.Ltmp9:
0x5ff: {  	s13 =	stileid.u32;
	[bflag:$0x0] =	sbarrier.arrive $0xFFFF;
	(pc) =	sbr.rel @!p0 .LBB2_18-.Ltmp9, $4  }
0x600: {  	s13 =	sshll.u32 s13, $0x6;
	s20 =	rddreg [dreg:$0x8]  }
0x601: {  	s23 =	rddreg [dreg:$0xa];
	s13 =	sor.u32 $0x1C0B, s13;
	s19 =	sshrl.u32 s20, $0x3  }
0x602: {  	[hbm:s23], [sflag:s13] =	dma.local [spmem:s19], $0x280  }
0x603: {  	s19 =	sadd.s32 $0x2800, s23;
	_ =	swait.ge [sflag:s18], $0x280  }
.LBB2_17:
0x604: {  	[sflag:s18] =	ssyncset.done $0x0;
	s20 =	sadd.s32 $0x14000, s20;
	p0 =	sne.s32 s11, $0x1  }
.Ltmp10:
0x605: {  	s23 =	sshrl.u32 s20, $0x3;
	[sflag:s18] =	ssyncadd.s32 $0xFFFFFD80;
	(pc) =	sbr.rel @p0 .LBB2_17-.Ltmp10, $3  }
0x606: {  	[hbm:s19], [sflag:s13] =	dma.local [spmem:s23], $0x280  }
0x607: {  	s11 =	sadd.s32 $0xFFFFFFFF, s11;
	_ =	sdelay $0x1  }
0x608: {  	s19 =	sadd.s32 $0x2800, s19;
	_ =	swait.ge [sflag:s18], $0x280  }
.LBB2_18:
0x609: {  	s0 =	rddreg [dreg:$0xb]  }
0x60a: {  	s11 =	rddreg [dreg:$0x6];
	s0 =	sadd.s32 $0x1, s0  }
0x60b: {  	p0 =	sne.s32 s0, s11  }
.Ltmp11:
0x60c: {  	_ = 	snop;
	(pc) =	sbr.rel @p0 .LBB2_1-.Ltmp11, $3  }
0x60d: {  	_ =	sdelay $0x1  }
0x60e: {  	[sflag:s18] =	ssyncset.done $0x0  }
0x60f: {  	s23 =	rddreg [dreg:$0x9];
	[sflag:s18] =	ssyncadd.s32 $0xFFFFFD80  }
0x610: {  	_ =	sfence.sel $0x180000  }
0x611: {  	[bflag:$0x0] =	sbarrier.arrive $0xFFFF  }
0x612: {  	_ =	strace $0x90000047  }
0x613: {  	s0 =	stileid.u32;
	[bflag:$0x2] =	sbarrier.arrive $0xFFFF  }
0x614: {  	p0 =	sne.s32 s0, $0x0;
	s0 =	rddreg [dreg:$0x3]  }
0x615: {  	s0 =	sadd.s32 @!p0 $0x100000, s0  }
0x616: {  	[sflag:s0] =	ssyncadd.tile.s32 @!p0 $0x1;
	_ =	shalt  }
.Lfunc_end2:
_tile_overlayer_lowered:
.L_overlay_start_2:
0x617: {  	(tag) =	ssettag $0x2  }
0x618: {  	s0 =	rddreg [dreg:$0x0];
	s2 =	stileid.u32  }
0x619: {  	s1 =	rddreg [dreg:$0x1];
	p0 =	sne.s32 s2, $0x0  }
0x61a: {  	s3 =	rddreg [dreg:$0x2];
	[bflag:$0x3] =	sbarrier.arrive $0xFFFF;
	s2 =	simm.s32 @!p0 $0x1C0B  }
0x61b: {  	[timem:s3], [sflag:s2] =	dma.local @!p0 [hbm:s0], s1  }
0x61c: {  	s0 =	simm.s32 @!p0 $0xB  }
0x61d: {  	_ =	swait.ge @!p0 [sflag:s0], s1  }
0x61e: {  	s1 =	ssub.s32 @!p0 $0x0, s1;
	[sflag:s0] =	ssyncset.done @!p0 $0x0  }
0x61f: {  	[sflag:s0] =	ssyncadd.s32 @!p0 s1  }
0x620: {  	[bflag:$0x3] =	sbarrier.arrive $0xFFFF  }
0x621: {  	_ =	shalt  }

</sc_bundles>
